<compile_context>
chip_gen: v7x
topology: tpu7x:2x2x1
jax: 0.10.2.dev20260603
libtpu: 0.0.44.dev20260713+nightly
codegen_flags: <defaults>
</compile_context>

<pallas_src>
import jax
import jax.numpy as jnp
from jax import lax
from jax.experimental import pallas as pl
from jax.experimental.pallas import tpu as pltpu
from jax.experimental.pallas import tpu_sc as plsc

NC = 2
NS = 16
NW = NC * NS
LANES = 16

N_NODES = 100000
N_EDGES = 3200000

CPT = ((N_NODES + NS - 1) // NS + LANES - 1) // LANES * LANES
NPAD = NS * CPT
W = 2048
ROUNDS = N_EDGES // (NW * W)
TA = 1664
TA_BASE = ROUNDS * NW * W
TB = 128
TB_BASE = TA_BASE + NW * TA
TAILW = TA + TB
NBUF = 2


def _sc_body(x_hbm, eij_hbm, a_hbm, out_hbm, *refs):
    eij_v = refs[0:2]
    a_v = refs[2:4]
    c_v = refs[4:6]
    rc_v = refs[6:8]
    x_v, acc_sh = refs[8], refs[9]
    in_sem = refs[10:12]
    out_sem = refs[12:14]

    cid = lax.axis_index("c")
    sid = lax.axis_index("s")
    wid = cid * NS + sid

    def fire_in(w, b):
        wc = jnp.minimum(w, ROUNDS - 1)
        eb = (wc * NW + wid) * W
        pltpu.async_copy(eij_hbm.at[pl.ds(eb // 128, W // 128)], eij_v[b],
                         in_sem[b])
        pltpu.async_copy(a_hbm.at[pl.ds(eb, W)], a_v[b], in_sem[b])

    def wait_in(b):
        pltpu.make_async_copy(eij_hbm.at[pl.ds(0, W // 128)], eij_v[b],
                              in_sem[b]).wait()
        pltpu.make_async_copy(a_hbm.at[pl.ds(0, W)], a_v[b], in_sem[b]).wait()

    def compute(b, ntiles):
        @plsc.parallel_loop(0, ntiles, unroll=4)
        def _(t):
            for l in range(128 // LANES):
                sl = pl.ds(l * LANES, LANES)
                s = pl.ds(pl.multiple_of(t * 128 + l * LANES, LANES), LANES)
                xg = plsc.load_gather(x_v, [eij_v[b][t, 1, sl]])
                c_v[b][s] = a_v[b][s] * xg
                rc_v[b][s] = eij_v[b][t, 0, sl]

    def fire_scatter(b):
        pltpu.async_copy(c_v[b], acc_sh.at[rc_v[b]], out_sem[b], add=True)

    def wait_scatter(b):
        pltpu.make_async_copy(c_v[b], acc_sh.at[rc_v[b]], out_sem[b]).wait()

    def zbody(i, _):
        c_v[0][pl.ds(pl.multiple_of(i * LANES, LANES), LANES)] = (
            jnp.zeros((LANES,), jnp.float32))
        return 0
    lax.fori_loop(0, W // LANES, zbody, 0)

    nbase = sid * CPT
    xcopy = pltpu.async_copy(x_hbm, x_v, out_sem[0])
    for b in range(NBUF):
        fire_in(b, b)
    for off in range(0, CPT, W):
        sz = min(W, CPT - off)
        pltpu.sync_copy(c_v[0].at[pl.ds(0, sz)],
                        acc_sh.at[pl.ds(nbase + off, sz)])
    xcopy.wait()
    plsc.subcore_barrier()

    for w in range(NBUF):
        wait_in(w)
        compute(w, W // 128)
        fire_scatter(w)
        fire_in(w + NBUF, w)

    def body(i, _):
        for b in range(NBUF):
            w = i * NBUF + b
            wait_in(b)
            wait_scatter(b)
            compute(b, W // 128)
            fire_scatter(b)
            fire_in(w + NBUF, b)
        return 0
    lax.fori_loop(1, ROUNDS // NBUF, body, 0)

    for b in range(NBUF):
        wait_in(b)
        wait_scatter(b)

    ta = TA_BASE + wid * TA
    tb = TB_BASE + jnp.where(wid < 8, wid, 0) * TB
    pltpu.sync_copy(eij_hbm.at[pl.ds(ta // 128, TA // 128)],
                    eij_v[0].at[pl.ds(0, TA // 128)])
    pltpu.sync_copy(a_hbm.at[pl.ds(ta, TA)], a_v[0].at[pl.ds(0, TA)])
    pltpu.sync_copy(eij_hbm.at[pl.ds(tb // 128, TB // 128)],
                    eij_v[0].at[pl.ds(TA // 128, TB // 128)])
    pltpu.sync_copy(a_hbm.at[pl.ds(tb, TB)], a_v[0].at[pl.ds(TA, TB)])
    compute(0, TAILW // 128)

    def czero(lo, nvec):
        def zb(j, _):
            c_v[0][pl.ds(pl.multiple_of(lo + j * LANES, LANES), LANES)] = (
                jnp.zeros((LANES,), jnp.float32))
            return 0
        lax.fori_loop(0, nvec, zb, 0)

    @pl.when(wid >= 8)
    def _():
        czero(TA, TB // LANES)
    czero(TAILW, (W - TAILW) // LANES)
    pltpu.sync_copy(c_v[0], acc_sh.at[rc_v[0]], add=True)

    plsc.subcore_barrier()
    for off in range(0, CPT, W):
        sz = min(W, CPT - off)
        pltpu.sync_copy(acc_sh.at[pl.ds(nbase + off, sz)],
                        c_v[0].at[pl.ds(0, sz)])
        pltpu.sync_copy(c_v[0].at[pl.ds(0, sz)],
                        out_hbm.at[pl.ds(cid * NPAD + nbase + off, sz)])


def _combine_body(p_ref, b_ref, o_ref):
    o_ref[...] = (b_ref[...] - p_ref[pl.ds(0, N_NODES)]
                  - p_ref[pl.ds(NPAD, N_NODES)])


@jax.jit
def kernel(vertex_attr, edgeij_pair, edge_attr):
    n = vertex_attr.shape[0]
    e = edgeij_pair.shape[1]
    assert n == N_NODES and e == N_EDGES, (n, e)
    eij = (edgeij_pair.astype(jnp.int32)
           .reshape(2, e // 128, 128).transpose(1, 0, 2))
    a = edge_attr.reshape(-1)
    b = vertex_attr[:, 0]
    x = vertex_attr[:, 1]

    mesh = plsc.VectorSubcoreMesh(core_axis_name="c", subcore_axis_name="s")
    partials = pl.kernel(
        _sc_body,
        out_type=jax.ShapeDtypeStruct((NC * NPAD,), jnp.float32),
        mesh=mesh,
        compiler_params=pltpu.CompilerParams(needs_layout_passes=False),
        scratch_types=(
            [pltpu.VMEM((W // 128, 2, 128), jnp.int32) for _ in range(2)]
            + [pltpu.VMEM((W,), jnp.float32) for _ in range(2)]
            + [pltpu.VMEM((W,), jnp.float32) for _ in range(2)]
            + [pltpu.VMEM((W,), jnp.int32) for _ in range(2)]
            + [
                pltpu.VMEM((N_NODES,), jnp.float32),
                pltpu.VMEM_SHARED((NPAD,), jnp.float32),
            ]
            + [pltpu.SemaphoreType.DMA for _ in range(4)]
        ),
    )(x, eij, a)

    r = pl.pallas_call(
        _combine_body,
        out_shape=jax.ShapeDtypeStruct((n,), jnp.float32),
    )(partials, b)
    return r.reshape(n, 1)

# --- scband reference (transcript-rebuilt; emitter-appended) ---
"""Pipeline reference for scband-gnnresidual-91096256348935 (READ-ONLY COPY).

The authoritative reference and input builder live on the scoring server;
editing this copy changes nothing except your own understanding.
"""

import jax, jax.numpy as jnp
import numpy as np

N_NODES = 100000
N_EDGES = 3200000


def setup_inputs(seed: int = 0) -> dict:
    key = jax.random.key(seed)
    k1, k2, k3 = jax.random.split(key, 3)
    vertex_attr = jax.random.normal(k1, (N_NODES, 2), dtype=jnp.float32)
    edgeij_pair = jax.random.randint(k2, (2, N_EDGES), 0, N_NODES, dtype=jnp.int64)
    edge_attr = jax.random.normal(k3, (N_EDGES, 1), dtype=jnp.float32)
    return {"vertex_attr": vertex_attr, "edgeij_pair": edgeij_pair, "edge_attr": edge_attr}


def reference(vertex_attr, edgeij_pair, edge_attr):
    # MetaLayer convention: row, col = edge_index; vattr_i = x[row], vattr_j = x[col]
    row = edgeij_pair[0]
    col = edgeij_pair[1]
    n_vertices = vertex_attr.shape[0]

    # EdgeUpdate: c_ij = A_ij * x_j  (x_j is channel 1 of the destination-gathered vertex attrs)
    x_j = jnp.take(vertex_attr[:, 1], col, axis=0).reshape(-1, 1)
    A_ij = edge_attr
    c_ij = A_ij * x_j
    new_edge_attr = jnp.concatenate([A_ij, c_ij], axis=1)  # [E, 2]

    # VertexUpdate: cbar_i = scatter_sum(c_ij by row), r_i = b_i - cbar_i
    c = new_edge_attr[:, 1].reshape(-1, 1)
    b_i = vertex_attr[:, 0].reshape(-1, 1)
    cbar_i = jnp.zeros((n_vertices, 1), dtype=vertex_attr.dtype).at[row].add(c)
    r_i = b_i - cbar_i
    return r_i

if __name__ == "__main__":
    import jax
    _d = setup_inputs()
    print(jax.jit(kernel)(*tuple(_d.values())))

</pallas_src>

<mosaic_0001>
#map = affine_map<(d0, d1) -> (0)>
#map1 = affine_map<(d0, d1) -> (0, 0, 0)>
module attributes {stable_mosaic.version = 14 : i64} {
  func.func @_sc_body(%arg0: i32, %arg1: i32, %arg2: memref<100000xf32, #tpu.memory_space<hbm>>, %arg3: memref<25000x2x128xi32, #tpu.memory_space<hbm>>, %arg4: memref<3200000xf32, #tpu.memory_space<hbm>>, %arg5: memref<200192xf32, #tpu.memory_space<hbm>>, %arg6: memref<16x2x128xi32, #tpu.memory_space<vmem>>, %arg7: memref<16x2x128xi32, #tpu.memory_space<vmem>>, %arg8: memref<2048xf32, #tpu.memory_space<vmem>>, %arg9: memref<2048xf32, #tpu.memory_space<vmem>>, %arg10: memref<2048xf32, #tpu.memory_space<vmem>>, %arg11: memref<2048xf32, #tpu.memory_space<vmem>>, %arg12: memref<2048xi32, #tpu.memory_space<vmem>>, %arg13: memref<2048xi32, #tpu.memory_space<vmem>>, %arg14: memref<100000xf32, #tpu.memory_space<vmem>>, %arg15: memref<100096xf32, #tpu.memory_space<vmem_shared>>, %arg16: memref<!tpu.dma_semaphore, #tpu.memory_space<semaphore_mem>>, %arg17: memref<!tpu.dma_semaphore, #tpu.memory_space<semaphore_mem>>, %arg18: memref<!tpu.dma_semaphore, #tpu.memory_space<semaphore_mem>>, %arg19: memref<!tpu.dma_semaphore, #tpu.memory_space<semaphore_mem>>) attributes {dimension_semantics = [#tpu.dimension_semantics<core_parallel>, #tpu.dimension_semantics<subcore_parallel>], iteration_bounds = array<i64: 2, 16>, scalar_prefetch = 0 : i64, scratch_operands = 14 : i64, tpu.core_type = #tpu.core_type<sc_vector_subcore>, window_params = [{transform_indices = #map}, {transform_indices = #map1}, {transform_indices = #map}, {transform_indices = #map}]} {
    %mul3A = arith.constant 16 : i32
    %mul3A_0 = arith.muli %arg0, %mul3A : i32
    %add3A = arith.addi %mul3A_0, %arg1 : i32
    %scan3A = arith.constant 0 : i32
    %scan3A_1 = arith.constant 0 : i32
    %scan3A_2 = arith.constant 128 : i32
    %scan3A_3 = arith.addi %scan3A_1, %scan3A_2 : i32
    %scan3A_4 = arith.constant 1 : i32
    %scan3A_5 = scf.for %scan3A_334 = %scan3A_1 to %scan3A_3 step %scan3A_4 iter_args(%scan3A_335 = %scan3A) -> (i32)  : i32 {
      %broadcast_in_dim3A = arith.constant 0.000000e+00 : f32
      %broadcast_in_dim3A_336 = vector.broadcast %broadcast_in_dim3A : f32 to vector<16xf32>
      %mul3A_337 = arith.constant 16 : i32
      %mul3A_338 = arith.muli %scan3A_334, %mul3A_337 : i32
      %multiple_of3A = tpu.assume_multiple %mul3A_338, 16 : i32
      %swap3A = arith.index_cast %multiple_of3A : i32 to index
      %swap3A_339 = tpu.vector_load %arg10[%swap3A] {strides = array<i32>} : memref<2048xf32, #tpu.memory_space<vmem>>, vector<16xf32>,
      tpu.vector_store %arg10[%swap3A], %broadcast_in_dim3A_336 {strides = array<i32>} : memref<2048xf32, #tpu.memory_space<vmem>>, vector<16xf32>,
      %scan3A_340 = arith.constant 0 : i32
      scf.yield %scan3A_340 : i32
    }
    %scan3A_6 = arith.constant 128 : i32
    %mul3A_7 = arith.constant 6256 : i32
    %mul3A_8 = arith.muli %arg1, %mul3A_7 : i32
    tpu.enqueue_dma source(%arg2 : memref<100000xf32, #tpu.memory_space<hbm>>) target(%arg14 : memref<100000xf32, #tpu.memory_space<vmem>>) target_semaphore(%arg18 : memref<!tpu.dma_semaphore, #tpu.memory_space<semaphore_mem>>)
    %min3A = arith.constant 0 : i32
    %min3A_9 = arith.constant 47 : i32
    %min3A_10 = arith.minsi %min3A, %min3A_9 : i32
    %mul3A_11 = arith.constant 32 : i32
    %mul3A_12 = arith.muli %min3A_10, %mul3A_11 : i32
    %add3A_13 = arith.addi %mul3A_12, %add3A : i32
    %mul3A_14 = arith.constant 2048 : i32
    %mul3A_15 = arith.muli %add3A_13, %mul3A_14 : i32
    %jit3A = arith.constant 128 : i32
    %div3A = arith.divsi %mul3A_15, %jit3A : i32
    %sign3A = arith.constant 0 : i32
    %sign3A_16 = arith.cmpi sgt, %mul3A_15, %sign3A : i32
    %sign3A_17 = arith.extui %sign3A_16 : i1 to i32
    %sign3A_18 = arith.constant 0 : i32
    %sign3A_19 = arith.cmpi slt, %mul3A_15, %sign3A_18 : i32
    %sign3A_20 = arith.extui %sign3A_19 : i1 to i32
    %sign3A_21 = arith.subi %sign3A_17, %sign3A_20 : i32
    %sign3A_22 = arith.constant 0 : i32
    %sign3A_23 = arith.cmpi sgt, %jit3A, %sign3A_22 : i32
    %sign3A_24 = arith.extui %sign3A_23 : i1 to i32
    %sign3A_25 = arith.constant 0 : i32
    %sign3A_26 = arith.cmpi slt, %jit3A, %sign3A_25 : i32
    %sign3A_27 = arith.extui %sign3A_26 : i1 to i32
    %sign3A_28 = arith.subi %sign3A_24, %sign3A_27 : i32
    %ne3A = arith.cmpi ne, %sign3A_21, %sign3A_28 : i32
    %rem3A = arith.remsi %mul3A_15, %jit3A : i32
    %ne3A_29 = arith.constant 0 : i32
    %ne3A_30 = arith.cmpi ne, %rem3A, %ne3A_29 : i32
    %and3A = arith.andi %ne3A, %ne3A_30 : i1
    %sub3A = arith.constant 1 : i32
    %sub3A_31 = arith.subi %div3A, %sub3A : i32
    %select_n3A = arith.select %and3A, %sub3A_31, %div3A : i32
    %dma_start3A = arith.constant 0 : i32
    %dma_start3A_32 = arith.constant 0 : i32
    %dma_start3A_33 = tpu.memref_slice %arg3[%select_n3A, %dma_start3A, %dma_start3A_32] : memref<25000x2x128xi32, #tpu.memory_space<hbm>> -> memref<16x2x128xi32, #tpu.memory_space<hbm>>
    %dma_start3A_34 = arith.constant 0 : i32
    %dma_start3A_35 = arith.constant 0 : i32
    %dma_start3A_36 = tpu.memref_slice %arg3[%select_n3A, %dma_start3A_34, %dma_start3A_35] : memref<25000x2x128xi32, #tpu.memory_space<hbm>> -> memref<16x2x128xi32, #tpu.memory_space<hbm>>
    tpu.enqueue_dma source(%dma_start3A_36 : memref<16x2x128xi32, #tpu.memory_space<hbm>>) target(%arg6 : memref<16x2x128xi32, #tpu.memory_space<vmem>>) target_semaphore(%arg16 : memref<!tpu.dma_semaphore, #tpu.memory_space<semaphore_mem>>)
    %dma_start3A_37 = tpu.memref_slice %arg4[%mul3A_15] : memref<3200000xf32, #tpu.memory_space<hbm>> -> memref<2048xf32, #tpu.memory_space<hbm>>
    %dma_start3A_38 = tpu.memref_slice %arg4[%mul3A_15] : memref<3200000xf32, #tpu.memory_space<hbm>> -> memref<2048xf32, #tpu.memory_space<hbm>>
    tpu.enqueue_dma source(%dma_start3A_38 : memref<2048xf32, #tpu.memory_space<hbm>>) target(%arg8 : memref<2048xf32, #tpu.memory_space<vmem>>) target_semaphore(%arg16 : memref<!tpu.dma_semaphore, #tpu.memory_space<semaphore_mem>>)
    %min3A_39 = arith.constant 1 : i32
    %min3A_40 = arith.constant 47 : i32
    %min3A_41 = arith.minsi %min3A_39, %min3A_40 : i32
    %mul3A_42 = arith.constant 32 : i32
    %mul3A_43 = arith.muli %min3A_41, %mul3A_42 : i32
    %add3A_44 = arith.addi %mul3A_43, %add3A : i32
    %mul3A_45 = arith.constant 2048 : i32
    %mul3A_46 = arith.muli %add3A_44, %mul3A_45 : i32
    %jit3A_47 = arith.constant 128 : i32
    %div3A_48 = arith.divsi %mul3A_46, %jit3A_47 : i32
    %sign3A_49 = arith.constant 0 : i32
    %sign3A_50 = arith.cmpi sgt, %mul3A_46, %sign3A_49 : i32
    %sign3A_51 = arith.extui %sign3A_50 : i1 to i32
    %sign3A_52 = arith.constant 0 : i32
    %sign3A_53 = arith.cmpi slt, %mul3A_46, %sign3A_52 : i32
    %sign3A_54 = arith.extui %sign3A_53 : i1 to i32
    %sign3A_55 = arith.subi %sign3A_51, %sign3A_54 : i32
    %sign3A_56 = arith.constant 0 : i32
    %sign3A_57 = arith.cmpi sgt, %jit3A_47, %sign3A_56 : i32
    %sign3A_58 = arith.extui %sign3A_57 : i1 to i32
    %sign3A_59 = arith.constant 0 : i32
    %sign3A_60 = arith.cmpi slt, %jit3A_47, %sign3A_59 : i32
    %sign3A_61 = arith.extui %sign3A_60 : i1 to i32
    %sign3A_62 = arith.subi %sign3A_58, %sign3A_61 : i32
    %ne3A_63 = arith.cmpi ne, %sign3A_55, %sign3A_62 : i32
    %rem3A_64 = arith.remsi %mul3A_46, %jit3A_47 : i32
    %ne3A_65 = arith.constant 0 : i32
    %ne3A_66 = arith.cmpi ne, %rem3A_64, %ne3A_65 : i32
    %and3A_67 = arith.andi %ne3A_63, %ne3A_66 : i1
    %sub3A_68 = arith.constant 1 : i32
    %sub3A_69 = arith.subi %div3A_48, %sub3A_68 : i32
    %select_n3A_70 = arith.select %and3A_67, %sub3A_69, %div3A_48 : i32
    %dma_start3A_71 = arith.constant 0 : i32
    %dma_start3A_72 = arith.constant 0 : i32
    %dma_start3A_73 = tpu.memref_slice %arg3[%select_n3A_70, %dma_start3A_71, %dma_start3A_72] : memref<25000x2x128xi32, #tpu.memory_space<hbm>> -> memref<16x2x128xi32, #tpu.memory_space<hbm>>
    %dma_start3A_74 = arith.constant 0 : i32
    %dma_start3A_75 = arith.constant 0 : i32
    %dma_start3A_76 = tpu.memref_slice %arg3[%select_n3A_70, %dma_start3A_74, %dma_start3A_75] : memref<25000x2x128xi32, #tpu.memory_space<hbm>> -> memref<16x2x128xi32, #tpu.memory_space<hbm>>
    tpu.enqueue_dma source(%dma_start3A_76 : memref<16x2x128xi32, #tpu.memory_space<hbm>>) target(%arg7 : memref<16x2x128xi32, #tpu.memory_space<vmem>>) target_semaphore(%arg17 : memref<!tpu.dma_semaphore, #tpu.memory_space<semaphore_mem>>)
    %dma_start3A_77 = tpu.memref_slice %arg4[%mul3A_46] : memref<3200000xf32, #tpu.memory_space<hbm>> -> memref<2048xf32, #tpu.memory_space<hbm>>
    %dma_start3A_78 = tpu.memref_slice %arg4[%mul3A_46] : memref<3200000xf32, #tpu.memory_space<hbm>> -> memref<2048xf32, #tpu.memory_space<hbm>>
    tpu.enqueue_dma source(%dma_start3A_78 : memref<2048xf32, #tpu.memory_space<hbm>>) target(%arg9 : memref<2048xf32, #tpu.memory_space<vmem>>) target_semaphore(%arg17 : memref<!tpu.dma_semaphore, #tpu.memory_space<semaphore_mem>>)
    %add3A_79 = arith.constant 0 : i32
    %add3A_80 = arith.addi %mul3A_8, %add3A_79 : i32
    "tpu.region"() ({
      %run_scoped3A = tpu.sem_alloc : memref<!tpu.dma_semaphore, #tpu.memory_space<semaphore_mem>>
      %dma_start3A_334 = arith.constant 0 : i32
      %dma_start3A_335 = tpu.memref_slice %arg10[%dma_start3A_334] : memref<2048xf32, #tpu.memory_space<vmem>> -> memref<2048xf32, #tpu.memory_space<vmem>>
      %dma_start3A_336 = tpu.memref_slice %arg15[%add3A_80] : memref<100096xf32, #tpu.memory_space<vmem_shared>> -> memref<2048xf32, #tpu.memory_space<vmem_shared>>
      %dma_start3A_337 = tpu.memref_slice %arg15[%add3A_80] : memref<100096xf32, #tpu.memory_space<vmem_shared>> -> memref<2048xf32, #tpu.memory_space<vmem_shared>>
      %dma_start3A_338 = arith.constant 0 : i32
      %dma_start3A_339 = tpu.memref_slice %arg10[%dma_start3A_338] : memref<2048xf32, #tpu.memory_space<vmem>> -> memref<2048xf32, #tpu.memory_space<vmem>>
      tpu.enqueue_dma source(%dma_start3A_339 : memref<2048xf32, #tpu.memory_space<vmem>>) target(%dma_start3A_337 : memref<2048xf32, #tpu.memory_space<vmem_shared>>) target_semaphore(%run_scoped3A : memref<!tpu.dma_semaphore, #tpu.memory_space<semaphore_mem>>)
      %dma_wait3A_340 = arith.constant 0 : i32
      %dma_wait3A_341 = tpu.memref_slice %arg10[%dma_wait3A_340] : memref<2048xf32, #tpu.memory_space<vmem>> -> memref<2048xf32, #tpu.memory_space<vmem>>
      %dma_wait3A_342 = tpu.memref_slice %arg15[%add3A_80] : memref<100096xf32, #tpu.memory_space<vmem_shared>> -> memref<2048xf32, #tpu.memory_space<vmem_shared>>
      %dma_wait3A_343 = tpu.memref_slice %arg15[%add3A_80] : memref<100096xf32, #tpu.memory_space<vmem_shared>> -> memref<2048xf32, #tpu.memory_space<vmem_shared>>
      %dma_wait3A_344 = arith.constant 0 : i32
      %dma_wait3A_345 = tpu.memref_slice %arg10[%dma_wait3A_344] : memref<2048xf32, #tpu.memory_space<vmem>> -> memref<2048xf32, #tpu.memory_space<vmem>>
      tpu.wait_dma2 semaphore(%run_scoped3A : memref<!tpu.dma_semaphore, #tpu.memory_space<semaphore_mem>>) src(%dma_wait3A_345 : memref<2048xf32, #tpu.memory_space<vmem>>) dst(%dma_wait3A_343 : memref<2048xf32, #tpu.memory_space<vmem_shared>>)
      tpu.yield
    }) : () -> ()
    %add3A_81 = arith.constant 2048 : i32
    %add3A_82 = arith.addi %mul3A_8, %add3A_81 : i32
    "tpu.region"() ({
      %run_scoped3A = tpu.sem_alloc : memref<!tpu.dma_semaphore, #tpu.memory_space<semaphore_mem>>
      %dma_start3A_334 = arith.constant 0 : i32
      %dma_start3A_335 = tpu.memref_slice %arg10[%dma_start3A_334] : memref<2048xf32, #tpu.memory_space<vmem>> -> memref<2048xf32, #tpu.memory_space<vmem>>
      %dma_start3A_336 = tpu.memref_slice %arg15[%add3A_82] : memref<100096xf32, #tpu.memory_space<vmem_shared>> -> memref<2048xf32, #tpu.memory_space<vmem_shared>>
      %dma_start3A_337 = tpu.memref_slice %arg15[%add3A_82] : memref<100096xf32, #tpu.memory_space<vmem_shared>> -> memref<2048xf32, #tpu.memory_space<vmem_shared>>
      %dma_start3A_338 = arith.constant 0 : i32
      %dma_start3A_339 = tpu.memref_slice %arg10[%dma_start3A_338] : memref<2048xf32, #tpu.memory_space<vmem>> -> memref<2048xf32, #tpu.memory_space<vmem>>
      tpu.enqueue_dma source(%dma_start3A_339 : memref<2048xf32, #tpu.memory_space<vmem>>) target(%dma_start3A_337 : memref<2048xf32, #tpu.memory_space<vmem_shared>>) target_semaphore(%run_scoped3A : memref<!tpu.dma_semaphore, #tpu.memory_space<semaphore_mem>>)
      %dma_wait3A_340 = arith.constant 0 : i32
      %dma_wait3A_341 = tpu.memref_slice %arg10[%dma_wait3A_340] : memref<2048xf32, #tpu.memory_space<vmem>> -> memref<2048xf32, #tpu.memory_space<vmem>>
      %dma_wait3A_342 = tpu.memref_slice %arg15[%add3A_82] : memref<100096xf32, #tpu.memory_space<vmem_shared>> -> memref<2048xf32, #tpu.memory_space<vmem_shared>>
      %dma_wait3A_343 = tpu.memref_slice %arg15[%add3A_82] : memref<100096xf32, #tpu.memory_space<vmem_shared>> -> memref<2048xf32, #tpu.memory_space<vmem_shared>>
      %dma_wait3A_344 = arith.constant 0 : i32
      %dma_wait3A_345 = tpu.memref_slice %arg10[%dma_wait3A_344] : memref<2048xf32, #tpu.memory_space<vmem>> -> memref<2048xf32, #tpu.memory_space<vmem>>
      tpu.wait_dma2 semaphore(%run_scoped3A : memref<!tpu.dma_semaphore, #tpu.memory_space<semaphore_mem>>) src(%dma_wait3A_345 : memref<2048xf32, #tpu.memory_space<vmem>>) dst(%dma_wait3A_343 : memref<2048xf32, #tpu.memory_space<vmem_shared>>)
      tpu.yield
    }) : () -> ()
    %add3A_83 = arith.constant 4096 : i32
    %add3A_84 = arith.addi %mul3A_8, %add3A_83 : i32
    "tpu.region"() ({
      %run_scoped3A = tpu.sem_alloc : memref<!tpu.dma_semaphore, #tpu.memory_space<semaphore_mem>>
      %dma_start3A_334 = arith.constant 0 : i32
      %dma_start3A_335 = tpu.memref_slice %arg10[%dma_start3A_334] : memref<2048xf32, #tpu.memory_space<vmem>> -> memref<2048xf32, #tpu.memory_space<vmem>>
      %dma_start3A_336 = tpu.memref_slice %arg15[%add3A_84] : memref<100096xf32, #tpu.memory_space<vmem_shared>> -> memref<2048xf32, #tpu.memory_space<vmem_shared>>
      %dma_start3A_337 = tpu.memref_slice %arg15[%add3A_84] : memref<100096xf32, #tpu.memory_space<vmem_shared>> -> memref<2048xf32, #tpu.memory_space<vmem_shared>>
      %dma_start3A_338 = arith.constant 0 : i32
      %dma_start3A_339 = tpu.memref_slice %arg10[%dma_start3A_338] : memref<2048xf32, #tpu.memory_space<vmem>> -> memref<2048xf32, #tpu.memory_space<vmem>>
      tpu.enqueue_dma source(%dma_start3A_339 : memref<2048xf32, #tpu.memory_space<vmem>>) target(%dma_start3A_337 : memref<2048xf32, #tpu.memory_space<vmem_shared>>) target_semaphore(%run_scoped3A : memref<!tpu.dma_semaphore, #tpu.memory_space<semaphore_mem>>)
      %dma_wait3A_340 = arith.constant 0 : i32
      %dma_wait3A_341 = tpu.memref_slice %arg10[%dma_wait3A_340] : memref<2048xf32, #tpu.memory_space<vmem>> -> memref<2048xf32, #tpu.memory_space<vmem>>
      %dma_wait3A_342 = tpu.memref_slice %arg15[%add3A_84] : memref<100096xf32, #tpu.memory_space<vmem_shared>> -> memref<2048xf32, #tpu.memory_space<vmem_shared>>
      %dma_wait3A_343 = tpu.memref_slice %arg15[%add3A_84] : memref<100096xf32, #tpu.memory_space<vmem_shared>> -> memref<2048xf32, #tpu.memory_space<vmem_shared>>
      %dma_wait3A_344 = arith.constant 0 : i32
      %dma_wait3A_345 = tpu.memref_slice %arg10[%dma_wait3A_344] : memref<2048xf32, #tpu.memory_space<vmem>> -> memref<2048xf32, #tpu.memory_space<vmem>>
      tpu.wait_dma2 semaphore(%run_scoped3A : memref<!tpu.dma_semaphore, #tpu.memory_space<semaphore_mem>>) src(%dma_wait3A_345 : memref<2048xf32, #tpu.memory_space<vmem>>) dst(%dma_wait3A_343 : memref<2048xf32, #tpu.memory_space<vmem_shared>>)
      tpu.yield
    }) : () -> ()
    %add3A_85 = arith.constant 6144 : i32
    %add3A_86 = arith.addi %mul3A_8, %add3A_85 : i32
    "tpu.region"() ({
      %run_scoped3A = tpu.sem_alloc : memref<!tpu.dma_semaphore, #tpu.memory_space<semaphore_mem>>
      %dma_start3A_334 = arith.constant 0 : i32
      %dma_start3A_335 = tpu.memref_slice %arg10[%dma_start3A_334] : memref<2048xf32, #tpu.memory_space<vmem>> -> memref<112xf32, #tpu.memory_space<vmem>>
      %dma_start3A_336 = tpu.memref_slice %arg15[%add3A_86] : memref<100096xf32, #tpu.memory_space<vmem_shared>> -> memref<112xf32, #tpu.memory_space<vmem_shared>>
      %dma_start3A_337 = tpu.memref_slice %arg15[%add3A_86] : memref<100096xf32, #tpu.memory_space<vmem_shared>> -> memref<112xf32, #tpu.memory_space<vmem_shared>>
      %dma_start3A_338 = arith.constant 0 : i32
      %dma_start3A_339 = tpu.memref_slice %arg10[%dma_start3A_338] : memref<2048xf32, #tpu.memory_space<vmem>> -> memref<112xf32, #tpu.memory_space<vmem>>
      tpu.enqueue_dma source(%dma_start3A_339 : memref<112xf32, #tpu.memory_space<vmem>>) target(%dma_start3A_337 : memref<112xf32, #tpu.memory_space<vmem_shared>>) target_semaphore(%run_scoped3A : memref<!tpu.dma_semaphore, #tpu.memory_space<semaphore_mem>>)
      %dma_wait3A_340 = arith.constant 0 : i32
      %dma_wait3A_341 = tpu.memref_slice %arg10[%dma_wait3A_340] : memref<2048xf32, #tpu.memory_space<vmem>> -> memref<112xf32, #tpu.memory_space<vmem>>
      %dma_wait3A_342 = tpu.memref_slice %arg15[%add3A_86] : memref<100096xf32, #tpu.memory_space<vmem_shared>> -> memref<112xf32, #tpu.memory_space<vmem_shared>>
      %dma_wait3A_343 = tpu.memref_slice %arg15[%add3A_86] : memref<100096xf32, #tpu.memory_space<vmem_shared>> -> memref<112xf32, #tpu.memory_space<vmem_shared>>
      %dma_wait3A_344 = arith.constant 0 : i32
      %dma_wait3A_345 = tpu.memref_slice %arg10[%dma_wait3A_344] : memref<2048xf32, #tpu.memory_space<vmem>> -> memref<112xf32, #tpu.memory_space<vmem>>
      tpu.wait_dma2 semaphore(%run_scoped3A : memref<!tpu.dma_semaphore, #tpu.memory_space<semaphore_mem>>) src(%dma_wait3A_345 : memref<112xf32, #tpu.memory_space<vmem>>) dst(%dma_wait3A_343 : memref<112xf32, #tpu.memory_space<vmem_shared>>)
      tpu.yield
    }) : () -> ()
    tpu.wait_dma2 semaphore(%arg18 : memref<!tpu.dma_semaphore, #tpu.memory_space<semaphore_mem>>) src(%arg2 : memref<100000xf32, #tpu.memory_space<hbm>>) dst(%arg14 : memref<100000xf32, #tpu.memory_space<vmem>>)
    %barrier3A = arith.constant 0 : index
    tpu.barrier barrier_id(%barrier3A)
    %dma_wait3A = arith.constant 0 : i32
    %dma_wait3A_87 = arith.constant 0 : i32
    %dma_wait3A_88 = arith.constant 0 : i32
    %dma_wait3A_89 = tpu.memref_slice %arg3[%dma_wait3A, %dma_wait3A_87, %dma_wait3A_88] : memref<25000x2x128xi32, #tpu.memory_space<hbm>> -> memref<16x2x128xi32, #tpu.memory_space<hbm>>
    %dma_wait3A_90 = arith.constant 0 : i32
    %dma_wait3A_91 = arith.constant 0 : i32
    %dma_wait3A_92 = arith.constant 0 : i32
    %dma_wait3A_93 = tpu.memref_slice %arg3[%dma_wait3A_90, %dma_wait3A_91, %dma_wait3A_92] : memref<25000x2x128xi32, #tpu.memory_space<hbm>> -> memref<16x2x128xi32, #tpu.memory_space<hbm>>
    tpu.wait_dma2 semaphore(%arg16 : memref<!tpu.dma_semaphore, #tpu.memory_space<semaphore_mem>>) src(%dma_wait3A_93 : memref<16x2x128xi32, #tpu.memory_space<hbm>>) dst(%arg6 : memref<16x2x128xi32, #tpu.memory_space<vmem>>)
    %dma_wait3A_94 = arith.constant 0 : i32
    %dma_wait3A_95 = tpu.memref_slice %arg4[%dma_wait3A_94] : memref<3200000xf32, #tpu.memory_space<hbm>> -> memref<2048xf32, #tpu.memory_space<hbm>>
    %dma_wait3A_96 = arith.constant 0 : i32
    %dma_wait3A_97 = tpu.memref_slice %arg4[%dma_wait3A_96] : memref<3200000xf32, #tpu.memory_space<hbm>> -> memref<2048xf32, #tpu.memory_space<hbm>>
    tpu.wait_dma2 semaphore(%arg16 : memref<!tpu.dma_semaphore, #tpu.memory_space<semaphore_mem>>) src(%dma_wait3A_97 : memref<2048xf32, #tpu.memory_space<hbm>>) dst(%arg8 : memref<2048xf32, #tpu.memory_space<vmem>>)
    %parallel_loop3A = arith.constant 0 : i32
    %parallel_loop3A_98 = arith.constant 16 : i32
    %parallel_loop3A_99 = arith.constant 1 : i32
    scf.for %parallel_loop3A_334 = %parallel_loop3A to %parallel_loop3A_98 step %parallel_loop3A_99  : i32 {
      %parallel_loop3A_335 = arith.constant 128 : i32
      %parallel_loop3A_336 = arith.muli %parallel_loop3A_334, %parallel_loop3A_335 : i32
      %parallel_loop3A_337 = arith.constant 0 : i32
      %parallel_loop3A_338 = arith.addi %parallel_loop3A_336, %parallel_loop3A_337 : i32
      %parallel_loop3A_339 = tpu.assume_multiple %parallel_loop3A_338, 16 : i32
      %parallel_loop3A_340 = arith.constant 1 : i32
      %parallel_loop3A_341 = arith.index_cast %parallel_loop3A_334 : i32 to index
      %parallel_loop3A_342 = arith.index_cast %parallel_loop3A_340 : i32 to index
      %parallel_loop3A_343 = arith.constant 0 : index
      %parallel_loop3A_344 = tpu.vector_load %arg6[%parallel_loop3A_341, %parallel_loop3A_342, %parallel_loop3A_343] {strides = array<i32>} : memref<16x2x128xi32, #tpu.memory_space<vmem>>, vector<16xi32>,
      %parallel_loop3A_345 = tpu.vector_load_idx %arg14[%parallel_loop3A_344] : memref<100000xf32, #tpu.memory_space<vmem>>[vector<16xi32>], vector<16xf32>,
      %parallel_loop3A_346 = arith.index_cast %parallel_loop3A_339 : i32 to index
      %parallel_loop3A_347 = tpu.vector_load %arg8[%parallel_loop3A_346] {strides = array<i32>} : memref<2048xf32, #tpu.memory_space<vmem>>, vector<16xf32>,
      %parallel_loop3A_348 = arith.mulf %parallel_loop3A_347, %parallel_loop3A_345 : vector<16xf32>
      %parallel_loop3A_349 = arith.index_cast %parallel_loop3A_339 : i32 to index
      %parallel_loop3A_350 = tpu.vector_load %arg10[%parallel_loop3A_349] {strides = array<i32>} : memref<2048xf32, #tpu.memory_space<vmem>>, vector<16xf32>,
      tpu.vector_store %arg10[%parallel_loop3A_349], %parallel_loop3A_348 {strides = array<i32>} : memref<2048xf32, #tpu.memory_space<vmem>>, vector<16xf32>,
      %parallel_loop3A_351 = arith.constant 0 : i32
      %parallel_loop3A_352 = arith.index_cast %parallel_loop3A_334 : i32 to index
      %parallel_loop3A_353 = arith.index_cast %parallel_loop3A_351 : i32 to index
      %parallel_loop3A_354 = arith.constant 0 : index
      %parallel_loop3A_355 = tpu.vector_load %arg6[%parallel_loop3A_352, %parallel_loop3A_353, %parallel_loop3A_354] {strides = array<i32>} : memref<16x2x128xi32, #tpu.memory_space<vmem>>, vector<16xi32>,
      %parallel_loop3A_356 = arith.index_cast %parallel_loop3A_339 : i32 to index
      %parallel_loop3A_357 = tpu.vector_load %arg12[%parallel_loop3A_356] {strides = array<i32>} : memref<2048xi32, #tpu.memory_space<vmem>>, vector<16xi32>,
      tpu.vector_store %arg12[%parallel_loop3A_356], %parallel_loop3A_355 {strides = array<i32>} : memref<2048xi32, #tpu.memory_space<vmem>>, vector<16xi32>,
      %parallel_loop3A_358 = arith.constant 128 : i32
      %parallel_loop3A_359 = arith.muli %parallel_loop3A_334, %parallel_loop3A_358 : i32
      %parallel_loop3A_360 = arith.constant 16 : i32
      %parallel_loop3A_361 = arith.addi %parallel_loop3A_359, %parallel_loop3A_360 : i32
      %parallel_loop3A_362 = tpu.assume_multiple %parallel_loop3A_361, 16 : i32
      %parallel_loop3A_363 = arith.constant 1 : i32
      %parallel_loop3A_364 = arith.index_cast %parallel_loop3A_334 : i32 to index
      %parallel_loop3A_365 = arith.index_cast %parallel_loop3A_363 : i32 to index
      %parallel_loop3A_366 = arith.constant 16 : index
      %parallel_loop3A_367 = tpu.vector_load %arg6[%parallel_loop3A_364, %parallel_loop3A_365, %parallel_loop3A_366] {strides = array<i32>} : memref<16x2x128xi32, #tpu.memory_space<vmem>>, vector<16xi32>,
      %parallel_loop3A_368 = tpu.vector_load_idx %arg14[%parallel_loop3A_367] : memref<100000xf32, #tpu.memory_space<vmem>>[vector<16xi32>], vector<16xf32>,
      %parallel_loop3A_369 = arith.index_cast %parallel_loop3A_362 : i32 to index
      %parallel_loop3A_370 = tpu.vector_load %arg8[%parallel_loop3A_369] {strides = array<i32>} : memref<2048xf32, #tpu.memory_space<vmem>>, vector<16xf32>,
      %parallel_loop3A_371 = arith.mulf %parallel_loop3A_370, %parallel_loop3A_368 : vector<16xf32>
      %parallel_loop3A_372 = arith.index_cast %parallel_loop3A_362 : i32 to index
      %parallel_loop3A_373 = tpu.vector_load %arg10[%parallel_loop3A_372] {strides = array<i32>} : memref<2048xf32, #tpu.memory_space<vmem>>, vector<16xf32>,
      tpu.vector_store %arg10[%parallel_loop3A_372], %parallel_loop3A_371 {strides = array<i32>} : memref<2048xf32, #tpu.memory_space<vmem>>, vector<16xf32>,
      %parallel_loop3A_374 = arith.constant 0 : i32
      %parallel_loop3A_375 = arith.index_cast %parallel_loop3A_334 : i32 to index
      %parallel_loop3A_376 = arith.index_cast %parallel_loop3A_374 : i32 to index
      %parallel_loop3A_377 = arith.constant 16 : index
      %parallel_loop3A_378 = tpu.vector_load %arg6[%parallel_loop3A_375, %parallel_loop3A_376, %parallel_loop3A_377] {strides = array<i32>} : memref<16x2x128xi32, #tpu.memory_space<vmem>>, vector<16xi32>,
      %parallel_loop3A_379 = arith.index_cast %parallel_loop3A_362 : i32 to index
      %parallel_loop3A_380 = tpu.vector_load %arg12[%parallel_loop3A_379] {strides = array<i32>} : memref<2048xi32, #tpu.memory_space<vmem>>, vector<16xi32>,
      tpu.vector_store %arg12[%parallel_loop3A_379], %parallel_loop3A_378 {strides = array<i32>} : memref<2048xi32, #tpu.memory_space<vmem>>, vector<16xi32>,
      %parallel_loop3A_381 = arith.constant 128 : i32
      %parallel_loop3A_382 = arith.muli %parallel_loop3A_334, %parallel_loop3A_381 : i32
      %parallel_loop3A_383 = arith.constant 32 : i32
      %parallel_loop3A_384 = arith.addi %parallel_loop3A_382, %parallel_loop3A_383 : i32
      %parallel_loop3A_385 = tpu.assume_multiple %parallel_loop3A_384, 16 : i32
      %parallel_loop3A_386 = arith.constant 1 : i32
      %parallel_loop3A_387 = arith.index_cast %parallel_loop3A_334 : i32 to index
      %parallel_loop3A_388 = arith.index_cast %parallel_loop3A_386 : i32 to index
      %parallel_loop3A_389 = arith.constant 32 : index
      %parallel_loop3A_390 = tpu.vector_load %arg6[%parallel_loop3A_387, %parallel_loop3A_388, %parallel_loop3A_389] {strides = array<i32>} : memref<16x2x128xi32, #tpu.memory_space<vmem>>, vector<16xi32>,
      %parallel_loop3A_391 = tpu.vector_load_idx %arg14[%parallel_loop3A_390] : memref<100000xf32, #tpu.memory_space<vmem>>[vector<16xi32>], vector<16xf32>,
      %parallel_loop3A_392 = arith.index_cast %parallel_loop3A_385 : i32 to index
      %parallel_loop3A_393 = tpu.vector_load %arg8[%parallel_loop3A_392] {strides = array<i32>} : memref<2048xf32, #tpu.memory_space<vmem>>, vector<16xf32>,
      %parallel_loop3A_394 = arith.mulf %parallel_loop3A_393, %parallel_loop3A_391 : vector<16xf32>
      %parallel_loop3A_395 = arith.index_cast %parallel_loop3A_385 : i32 to index
      %parallel_loop3A_396 = tpu.vector_load %arg10[%parallel_loop3A_395] {strides = array<i32>} : memref<2048xf32, #tpu.memory_space<vmem>>, vector<16xf32>,
      tpu.vector_store %arg10[%parallel_loop3A_395], %parallel_loop3A_394 {strides = array<i32>} : memref<2048xf32, #tpu.memory_space<vmem>>, vector<16xf32>,
      %parallel_loop3A_397 = arith.constant 0 : i32
      %parallel_loop3A_398 = arith.index_cast %parallel_loop3A_334 : i32 to index
      %parallel_loop3A_399 = arith.index_cast %parallel_loop3A_397 : i32 to index
      %parallel_loop3A_400 = arith.constant 32 : index
      %parallel_loop3A_401 = tpu.vector_load %arg6[%parallel_loop3A_398, %parallel_loop3A_399, %parallel_loop3A_400] {strides = array<i32>} : memref<16x2x128xi32, #tpu.memory_space<vmem>>, vector<16xi32>,
      %parallel_loop3A_402 = arith.index_cast %parallel_loop3A_385 : i32 to index
      %parallel_loop3A_403 = tpu.vector_load %arg12[%parallel_loop3A_402] {strides = array<i32>} : memref<2048xi32, #tpu.memory_space<vmem>>, vector<16xi32>,
      tpu.vector_store %arg12[%parallel_loop3A_402], %parallel_loop3A_401 {strides = array<i32>} : memref<2048xi32, #tpu.memory_space<vmem>>, vector<16xi32>,
      %parallel_loop3A_404 = arith.constant 128 : i32
      %parallel_loop3A_405 = arith.muli %parallel_loop3A_334, %parallel_loop3A_404 : i32
      %parallel_loop3A_406 = arith.constant 48 : i32
      %parallel_loop3A_407 = arith.addi %parallel_loop3A_405, %parallel_loop3A_406 : i32
      %parallel_loop3A_408 = tpu.assume_multiple %parallel_loop3A_407, 16 : i32
      %parallel_loop3A_409 = arith.constant 1 : i32
      %parallel_loop3A_410 = arith.index_cast %parallel_loop3A_334 : i32 to index
      %parallel_loop3A_411 = arith.index_cast %parallel_loop3A_409 : i32 to index
      %parallel_loop3A_412 = arith.constant 48 : index
      %parallel_loop3A_413 = tpu.vector_load %arg6[%parallel_loop3A_410, %parallel_loop3A_411, %parallel_loop3A_412] {strides = array<i32>} : memref<16x2x128xi32, #tpu.memory_space<vmem>>, vector<16xi32>,
      %parallel_loop3A_414 = tpu.vector_load_idx %arg14[%parallel_loop3A_413] : memref<100000xf32, #tpu.memory_space<vmem>>[vector<16xi32>], vector<16xf32>,
      %parallel_loop3A_415 = arith.index_cast %parallel_loop3A_408 : i32 to index
      %parallel_loop3A_416 = tpu.vector_load %arg8[%parallel_loop3A_415] {strides = array<i32>} : memref<2048xf32, #tpu.memory_space<vmem>>, vector<16xf32>,
      %parallel_loop3A_417 = arith.mulf %parallel_loop3A_416, %parallel_loop3A_414 : vector<16xf32>
      %parallel_loop3A_418 = arith.index_cast %parallel_loop3A_408 : i32 to index
      %parallel_loop3A_419 = tpu.vector_load %arg10[%parallel_loop3A_418] {strides = array<i32>} : memref<2048xf32, #tpu.memory_space<vmem>>, vector<16xf32>,
      tpu.vector_store %arg10[%parallel_loop3A_418], %parallel_loop3A_417 {strides = array<i32>} : memref<2048xf32, #tpu.memory_space<vmem>>, vector<16xf32>,
      %parallel_loop3A_420 = arith.constant 0 : i32
      %parallel_loop3A_421 = arith.index_cast %parallel_loop3A_334 : i32 to index
      %parallel_loop3A_422 = arith.index_cast %parallel_loop3A_420 : i32 to index
      %parallel_loop3A_423 = arith.constant 48 : index
      %parallel_loop3A_424 = tpu.vector_load %arg6[%parallel_loop3A_421, %parallel_loop3A_422, %parallel_loop3A_423] {strides = array<i32>} : memref<16x2x128xi32, #tpu.memory_space<vmem>>, vector<16xi32>,
      %parallel_loop3A_425 = arith.index_cast %parallel_loop3A_408 : i32 to index
      %parallel_loop3A_426 = tpu.vector_load %arg12[%parallel_loop3A_425] {strides = array<i32>} : memref<2048xi32, #tpu.memory_space<vmem>>, vector<16xi32>,
      tpu.vector_store %arg12[%parallel_loop3A_425], %parallel_loop3A_424 {strides = array<i32>} : memref<2048xi32, #tpu.memory_space<vmem>>, vector<16xi32>,
      %parallel_loop3A_427 = arith.constant 128 : i32
      %parallel_loop3A_428 = arith.muli %parallel_loop3A_334, %parallel_loop3A_427 : i32
      %parallel_loop3A_429 = arith.constant 64 : i32
      %parallel_loop3A_430 = arith.addi %parallel_loop3A_428, %parallel_loop3A_429 : i32
      %parallel_loop3A_431 = tpu.assume_multiple %parallel_loop3A_430, 16 : i32
      %parallel_loop3A_432 = arith.constant 1 : i32
      %parallel_loop3A_433 = arith.index_cast %parallel_loop3A_334 : i32 to index
      %parallel_loop3A_434 = arith.index_cast %parallel_loop3A_432 : i32 to index
      %parallel_loop3A_435 = arith.constant 64 : index
      %parallel_loop3A_436 = tpu.vector_load %arg6[%parallel_loop3A_433, %parallel_loop3A_434, %parallel_loop3A_435] {strides = array<i32>} : memref<16x2x128xi32, #tpu.memory_space<vmem>>, vector<16xi32>,
      %parallel_loop3A_437 = tpu.vector_load_idx %arg14[%parallel_loop3A_436] : memref<100000xf32, #tpu.memory_space<vmem>>[vector<16xi32>], vector<16xf32>,
      %parallel_loop3A_438 = arith.index_cast %parallel_loop3A_431 : i32 to index
      %parallel_loop3A_439 = tpu.vector_load %arg8[%parallel_loop3A_438] {strides = array<i32>} : memref<2048xf32, #tpu.memory_space<vmem>>, vector<16xf32>,
      %parallel_loop3A_440 = arith.mulf %parallel_loop3A_439, %parallel_loop3A_437 : vector<16xf32>
      %parallel_loop3A_441 = arith.index_cast %parallel_loop3A_431 : i32 to index
      %parallel_loop3A_442 = tpu.vector_load %arg10[%parallel_loop3A_441] {strides = array<i32>} : memref<2048xf32, #tpu.memory_space<vmem>>, vector<16xf32>,
      tpu.vector_store %arg10[%parallel_loop3A_441], %parallel_loop3A_440 {strides = array<i32>} : memref<2048xf32, #tpu.memory_space<vmem>>, vector<16xf32>,
      %parallel_loop3A_443 = arith.constant 0 : i32
      %parallel_loop3A_444 = arith.index_cast %parallel_loop3A_334 : i32 to index
      %parallel_loop3A_445 = arith.index_cast %parallel_loop3A_443 : i32 to index
      %parallel_loop3A_446 = arith.constant 64 : index
      %parallel_loop3A_447 = tpu.vector_load %arg6[%parallel_loop3A_444, %parallel_loop3A_445, %parallel_loop3A_446] {strides = array<i32>} : memref<16x2x128xi32, #tpu.memory_space<vmem>>, vector<16xi32>,
      %parallel_loop3A_448 = arith.index_cast %parallel_loop3A_431 : i32 to index
      %parallel_loop3A_449 = tpu.vector_load %arg12[%parallel_loop3A_448] {strides = array<i32>} : memref<2048xi32, #tpu.memory_space<vmem>>, vector<16xi32>,
      tpu.vector_store %arg12[%parallel_loop3A_448], %parallel_loop3A_447 {strides = array<i32>} : memref<2048xi32, #tpu.memory_space<vmem>>, vector<16xi32>,
      %parallel_loop3A_450 = arith.constant 128 : i32
      %parallel_loop3A_451 = arith.muli %parallel_loop3A_334, %parallel_loop3A_450 : i32
      %parallel_loop3A_452 = arith.constant 80 : i32
      %parallel_loop3A_453 = arith.addi %parallel_loop3A_451, %parallel_loop3A_452 : i32
      %parallel_loop3A_454 = tpu.assume_multiple %parallel_loop3A_453, 16 : i32
      %parallel_loop3A_455 = arith.constant 1 : i32
      %parallel_loop3A_456 = arith.index_cast %parallel_loop3A_334 : i32 to index
      %parallel_loop3A_457 = arith.index_cast %parallel_loop3A_455 : i32 to index
      %parallel_loop3A_458 = arith.constant 80 : index
      %parallel_loop3A_459 = tpu.vector_load %arg6[%parallel_loop3A_456, %parallel_loop3A_457, %parallel_loop3A_458] {strides = array<i32>} : memref<16x2x128xi32, #tpu.memory_space<vmem>>, vector<16xi32>,
      %parallel_loop3A_460 = tpu.vector_load_idx %arg14[%parallel_loop3A_459] : memref<100000xf32, #tpu.memory_space<vmem>>[vector<16xi32>], vector<16xf32>,
      %parallel_loop3A_461 = arith.index_cast %parallel_loop3A_454 : i32 to index
      %parallel_loop3A_462 = tpu.vector_load %arg8[%parallel_loop3A_461] {strides = array<i32>} : memref<2048xf32, #tpu.memory_space<vmem>>, vector<16xf32>,
      %parallel_loop3A_463 = arith.mulf %parallel_loop3A_462, %parallel_loop3A_460 : vector<16xf32>
      %parallel_loop3A_464 = arith.index_cast %parallel_loop3A_454 : i32 to index
      %parallel_loop3A_465 = tpu.vector_load %arg10[%parallel_loop3A_464] {strides = array<i32>} : memref<2048xf32, #tpu.memory_space<vmem>>, vector<16xf32>,
      tpu.vector_store %arg10[%parallel_loop3A_464], %parallel_loop3A_463 {strides = array<i32>} : memref<2048xf32, #tpu.memory_space<vmem>>, vector<16xf32>,
      %parallel_loop3A_466 = arith.constant 0 : i32
      %parallel_loop3A_467 = arith.index_cast %parallel_loop3A_334 : i32 to index
      %parallel_loop3A_468 = arith.index_cast %parallel_loop3A_466 : i32 to index
      %parallel_loop3A_469 = arith.constant 80 : index
      %parallel_loop3A_470 = tpu.vector_load %arg6[%parallel_loop3A_467, %parallel_loop3A_468, %parallel_loop3A_469] {strides = array<i32>} : memref<16x2x128xi32, #tpu.memory_space<vmem>>, vector<16xi32>,
      %parallel_loop3A_471 = arith.index_cast %parallel_loop3A_454 : i32 to index
      %parallel_loop3A_472 = tpu.vector_load %arg12[%parallel_loop3A_471] {strides = array<i32>} : memref<2048xi32, #tpu.memory_space<vmem>>, vector<16xi32>,
      tpu.vector_store %arg12[%parallel_loop3A_471], %parallel_loop3A_470 {strides = array<i32>} : memref<2048xi32, #tpu.memory_space<vmem>>, vector<16xi32>,
      %parallel_loop3A_473 = arith.constant 128 : i32
      %parallel_loop3A_474 = arith.muli %parallel_loop3A_334, %parallel_loop3A_473 : i32
      %parallel_loop3A_475 = arith.constant 96 : i32
      %parallel_loop3A_476 = arith.addi %parallel_loop3A_474, %parallel_loop3A_475 : i32
      %parallel_loop3A_477 = tpu.assume_multiple %parallel_loop3A_476, 16 : i32
      %parallel_loop3A_478 = arith.constant 1 : i32
      %parallel_loop3A_479 = arith.index_cast %parallel_loop3A_334 : i32 to index
      %parallel_loop3A_480 = arith.index_cast %parallel_loop3A_478 : i32 to index
      %parallel_loop3A_481 = arith.constant 96 : index
      %parallel_loop3A_482 = tpu.vector_load %arg6[%parallel_loop3A_479, %parallel_loop3A_480, %parallel_loop3A_481] {strides = array<i32>} : memref<16x2x128xi32, #tpu.memory_space<vmem>>, vector<16xi32>,
      %parallel_loop3A_483 = tpu.vector_load_idx %arg14[%parallel_loop3A_482] : memref<100000xf32, #tpu.memory_space<vmem>>[vector<16xi32>], vector<16xf32>,
      %parallel_loop3A_484 = arith.index_cast %parallel_loop3A_477 : i32 to index
      %parallel_loop3A_485 = tpu.vector_load %arg8[%parallel_loop3A_484] {strides = array<i32>} : memref<2048xf32, #tpu.memory_space<vmem>>, vector<16xf32>,
      %parallel_loop3A_486 = arith.mulf %parallel_loop3A_485, %parallel_loop3A_483 : vector<16xf32>
      %parallel_loop3A_487 = arith.index_cast %parallel_loop3A_477 : i32 to index
      %parallel_loop3A_488 = tpu.vector_load %arg10[%parallel_loop3A_487] {strides = array<i32>} : memref<2048xf32, #tpu.memory_space<vmem>>, vector<16xf32>,
      tpu.vector_store %arg10[%parallel_loop3A_487], %parallel_loop3A_486 {strides = array<i32>} : memref<2048xf32, #tpu.memory_space<vmem>>, vector<16xf32>,
      %parallel_loop3A_489 = arith.constant 0 : i32
      %parallel_loop3A_490 = arith.index_cast %parallel_loop3A_334 : i32 to index
      %parallel_loop3A_491 = arith.index_cast %parallel_loop3A_489 : i32 to index
      %parallel_loop3A_492 = arith.constant 96 : index
      %parallel_loop3A_493 = tpu.vector_load %arg6[%parallel_loop3A_490, %parallel_loop3A_491, %parallel_loop3A_492] {strides = array<i32>} : memref<16x2x128xi32, #tpu.memory_space<vmem>>, vector<16xi32>,
      %parallel_loop3A_494 = arith.index_cast %parallel_loop3A_477 : i32 to index
      %parallel_loop3A_495 = tpu.vector_load %arg12[%parallel_loop3A_494] {strides = array<i32>} : memref<2048xi32, #tpu.memory_space<vmem>>, vector<16xi32>,
      tpu.vector_store %arg12[%parallel_loop3A_494], %parallel_loop3A_493 {strides = array<i32>} : memref<2048xi32, #tpu.memory_space<vmem>>, vector<16xi32>,
      %parallel_loop3A_496 = arith.constant 128 : i32
      %parallel_loop3A_497 = arith.muli %parallel_loop3A_334, %parallel_loop3A_496 : i32
      %parallel_loop3A_498 = arith.constant 112 : i32
      %parallel_loop3A_499 = arith.addi %parallel_loop3A_497, %parallel_loop3A_498 : i32
      %parallel_loop3A_500 = tpu.assume_multiple %parallel_loop3A_499, 16 : i32
      %parallel_loop3A_501 = arith.constant 1 : i32
      %parallel_loop3A_502 = arith.index_cast %parallel_loop3A_334 : i32 to index
      %parallel_loop3A_503 = arith.index_cast %parallel_loop3A_501 : i32 to index
      %parallel_loop3A_504 = arith.constant 112 : index
      %parallel_loop3A_505 = tpu.vector_load %arg6[%parallel_loop3A_502, %parallel_loop3A_503, %parallel_loop3A_504] {strides = array<i32>} : memref<16x2x128xi32, #tpu.memory_space<vmem>>, vector<16xi32>,
      %parallel_loop3A_506 = tpu.vector_load_idx %arg14[%parallel_loop3A_505] : memref<100000xf32, #tpu.memory_space<vmem>>[vector<16xi32>], vector<16xf32>,
      %parallel_loop3A_507 = arith.index_cast %parallel_loop3A_500 : i32 to index
      %parallel_loop3A_508 = tpu.vector_load %arg8[%parallel_loop3A_507] {strides = array<i32>} : memref<2048xf32, #tpu.memory_space<vmem>>, vector<16xf32>,
      %parallel_loop3A_509 = arith.mulf %parallel_loop3A_508, %parallel_loop3A_506 : vector<16xf32>
      %parallel_loop3A_510 = arith.index_cast %parallel_loop3A_500 : i32 to index
      %parallel_loop3A_511 = tpu.vector_load %arg10[%parallel_loop3A_510] {strides = array<i32>} : memref<2048xf32, #tpu.memory_space<vmem>>, vector<16xf32>,
      tpu.vector_store %arg10[%parallel_loop3A_510], %parallel_loop3A_509 {strides = array<i32>} : memref<2048xf32, #tpu.memory_space<vmem>>, vector<16xf32>,
      %parallel_loop3A_512 = arith.constant 0 : i32
      %parallel_loop3A_513 = arith.index_cast %parallel_loop3A_334 : i32 to index
      %parallel_loop3A_514 = arith.index_cast %parallel_loop3A_512 : i32 to index
      %parallel_loop3A_515 = arith.constant 112 : index
      %parallel_loop3A_516 = tpu.vector_load %arg6[%parallel_loop3A_513, %parallel_loop3A_514, %parallel_loop3A_515] {strides = array<i32>} : memref<16x2x128xi32, #tpu.memory_space<vmem>>, vector<16xi32>,
      %parallel_loop3A_517 = arith.index_cast %parallel_loop3A_500 : i32 to index
      %parallel_loop3A_518 = tpu.vector_load %arg12[%parallel_loop3A_517] {strides = array<i32>} : memref<2048xi32, #tpu.memory_space<vmem>>, vector<16xi32>,
      tpu.vector_store %arg12[%parallel_loop3A_517], %parallel_loop3A_516 {strides = array<i32>} : memref<2048xi32, #tpu.memory_space<vmem>>, vector<16xi32>,
    } {sc.loop_unroll_factor = 4 : i64, sc.parallel_access}
    %dma_start3A_100 = arith.constant 0 : i32
    %dma_start3A_101 = tpu.memref_slice %arg15[%dma_start3A_100] : memref<100096xf32, #tpu.memory_space<vmem_shared>> -> memref<100096xf32, #tpu.memory_space<vmem_shared>>
    tpu.enqueue_indirect_dma source(%arg10 : memref<2048xf32, #tpu.memory_space<vmem>>) target(%dma_start3A_101 : memref<100096xf32, #tpu.memory_space<vmem_shared>>) offsets(%arg12 : memref<2048xi32, #tpu.memory_space<vmem>>) semaphore(%arg18 : memref<!tpu.dma_semaphore, #tpu.memory_space<semaphore_mem>>) {add = true}
    %min3A_102 = arith.constant 2 : i32
    %min3A_103 = arith.constant 47 : i32
    %min3A_104 = arith.minsi %min3A_102, %min3A_103 : i32
    %mul3A_105 = arith.constant 32 : i32
    %mul3A_106 = arith.muli %min3A_104, %mul3A_105 : i32
    %add3A_107 = arith.addi %mul3A_106, %add3A : i32
    %mul3A_108 = arith.constant 2048 : i32
    %mul3A_109 = arith.muli %add3A_107, %mul3A_108 : i32
    %jit3A_110 = arith.constant 128 : i32
    %div3A_111 = arith.divsi %mul3A_109, %jit3A_110 : i32
    %sign3A_112 = arith.constant 0 : i32
    %sign3A_113 = arith.cmpi sgt, %mul3A_109, %sign3A_112 : i32
    %sign3A_114 = arith.extui %sign3A_113 : i1 to i32
    %sign3A_115 = arith.constant 0 : i32
    %sign3A_116 = arith.cmpi slt, %mul3A_109, %sign3A_115 : i32
    %sign3A_117 = arith.extui %sign3A_116 : i1 to i32
    %sign3A_118 = arith.subi %sign3A_114, %sign3A_117 : i32
    %sign3A_119 = arith.constant 0 : i32
    %sign3A_120 = arith.cmpi sgt, %jit3A_110, %sign3A_119 : i32
    %sign3A_121 = arith.extui %sign3A_120 : i1 to i32
    %sign3A_122 = arith.constant 0 : i32
    %sign3A_123 = arith.cmpi slt, %jit3A_110, %sign3A_122 : i32
    %sign3A_124 = arith.extui %sign3A_123 : i1 to i32
    %sign3A_125 = arith.subi %sign3A_121, %sign3A_124 : i32
    %ne3A_126 = arith.cmpi ne, %sign3A_118, %sign3A_125 : i32
    %rem3A_127 = arith.remsi %mul3A_109, %jit3A_110 : i32
    %ne3A_128 = arith.constant 0 : i32
    %ne3A_129 = arith.cmpi ne, %rem3A_127, %ne3A_128 : i32
    %and3A_130 = arith.andi %ne3A_126, %ne3A_129 : i1
    %sub3A_131 = arith.constant 1 : i32
    %sub3A_132 = arith.subi %div3A_111, %sub3A_131 : i32
    %select_n3A_133 = arith.select %and3A_130, %sub3A_132, %div3A_111 : i32
    %dma_start3A_134 = arith.constant 0 : i32
    %dma_start3A_135 = arith.constant 0 : i32
    %dma_start3A_136 = tpu.memref_slice %arg3[%select_n3A_133, %dma_start3A_134, %dma_start3A_135] : memref<25000x2x128xi32, #tpu.memory_space<hbm>> -> memref<16x2x128xi32, #tpu.memory_space<hbm>>
    %dma_start3A_137 = arith.constant 0 : i32
    %dma_start3A_138 = arith.constant 0 : i32
    %dma_start3A_139 = tpu.memref_slice %arg3[%select_n3A_133, %dma_start3A_137, %dma_start3A_138] : memref<25000x2x128xi32, #tpu.memory_space<hbm>> -> memref<16x2x128xi32, #tpu.memory_space<hbm>>
    tpu.enqueue_dma source(%dma_start3A_139 : memref<16x2x128xi32, #tpu.memory_space<hbm>>) target(%arg6 : memref<16x2x128xi32, #tpu.memory_space<vmem>>) target_semaphore(%arg16 : memref<!tpu.dma_semaphore, #tpu.memory_space<semaphore_mem>>)
    %dma_start3A_140 = tpu.memref_slice %arg4[%mul3A_109] : memref<3200000xf32, #tpu.memory_space<hbm>> -> memref<2048xf32, #tpu.memory_space<hbm>>
    %dma_start3A_141 = tpu.memref_slice %arg4[%mul3A_109] : memref<3200000xf32, #tpu.memory_space<hbm>> -> memref<2048xf32, #tpu.memory_space<hbm>>
    tpu.enqueue_dma source(%dma_start3A_141 : memref<2048xf32, #tpu.memory_space<hbm>>) target(%arg8 : memref<2048xf32, #tpu.memory_space<vmem>>) target_semaphore(%arg16 : memref<!tpu.dma_semaphore, #tpu.memory_space<semaphore_mem>>)
    %dma_wait3A_142 = arith.constant 0 : i32
    %dma_wait3A_143 = arith.constant 0 : i32
    %dma_wait3A_144 = arith.constant 0 : i32
    %dma_wait3A_145 = tpu.memref_slice %arg3[%dma_wait3A_142, %dma_wait3A_143, %dma_wait3A_144] : memref<25000x2x128xi32, #tpu.memory_space<hbm>> -> memref<16x2x128xi32, #tpu.memory_space<hbm>>
    %dma_wait3A_146 = arith.constant 0 : i32
    %dma_wait3A_147 = arith.constant 0 : i32
    %dma_wait3A_148 = arith.constant 0 : i32
    %dma_wait3A_149 = tpu.memref_slice %arg3[%dma_wait3A_146, %dma_wait3A_147, %dma_wait3A_148] : memref<25000x2x128xi32, #tpu.memory_space<hbm>> -> memref<16x2x128xi32, #tpu.memory_space<hbm>>
    tpu.wait_dma2 semaphore(%arg17 : memref<!tpu.dma_semaphore, #tpu.memory_space<semaphore_mem>>) src(%dma_wait3A_149 : memref<16x2x128xi32, #tpu.memory_space<hbm>>) dst(%arg7 : memref<16x2x128xi32, #tpu.memory_space<vmem>>)
    %dma_wait3A_150 = arith.constant 0 : i32
    %dma_wait3A_151 = tpu.memref_slice %arg4[%dma_wait3A_150] : memref<3200000xf32, #tpu.memory_space<hbm>> -> memref<2048xf32, #tpu.memory_space<hbm>>
    %dma_wait3A_152 = arith.constant 0 : i32
    %dma_wait3A_153 = tpu.memref_slice %arg4[%dma_wait3A_152] : memref<3200000xf32, #tpu.memory_space<hbm>> -> memref<2048xf32, #tpu.memory_space<hbm>>
    tpu.wait_dma2 semaphore(%arg17 : memref<!tpu.dma_semaphore, #tpu.memory_space<semaphore_mem>>) src(%dma_wait3A_153 : memref<2048xf32, #tpu.memory_space<hbm>>) dst(%arg9 : memref<2048xf32, #tpu.memory_space<vmem>>)
    %parallel_loop3A_154 = arith.constant 0 : i32
    %parallel_loop3A_155 = arith.constant 16 : i32
    %parallel_loop3A_156 = arith.constant 1 : i32
    scf.for %parallel_loop3A_334 = %parallel_loop3A_154 to %parallel_loop3A_155 step %parallel_loop3A_156  : i32 {
      %parallel_loop3A_335 = arith.constant 128 : i32
      %parallel_loop3A_336 = arith.muli %parallel_loop3A_334, %parallel_loop3A_335 : i32
      %parallel_loop3A_337 = arith.constant 0 : i32
      %parallel_loop3A_338 = arith.addi %parallel_loop3A_336, %parallel_loop3A_337 : i32
      %parallel_loop3A_339 = tpu.assume_multiple %parallel_loop3A_338, 16 : i32
      %parallel_loop3A_340 = arith.constant 1 : i32
      %parallel_loop3A_341 = arith.index_cast %parallel_loop3A_334 : i32 to index
      %parallel_loop3A_342 = arith.index_cast %parallel_loop3A_340 : i32 to index
      %parallel_loop3A_343 = arith.constant 0 : index
      %parallel_loop3A_344 = tpu.vector_load %arg7[%parallel_loop3A_341, %parallel_loop3A_342, %parallel_loop3A_343] {strides = array<i32>} : memref<16x2x128xi32, #tpu.memory_space<vmem>>, vector<16xi32>,
      %parallel_loop3A_345 = tpu.vector_load_idx %arg14[%parallel_loop3A_344] : memref<100000xf32, #tpu.memory_space<vmem>>[vector<16xi32>], vector<16xf32>,
      %parallel_loop3A_346 = arith.index_cast %parallel_loop3A_339 : i32 to index
      %parallel_loop3A_347 = tpu.vector_load %arg9[%parallel_loop3A_346] {strides = array<i32>} : memref<2048xf32, #tpu.memory_space<vmem>>, vector<16xf32>,
      %parallel_loop3A_348 = arith.mulf %parallel_loop3A_347, %parallel_loop3A_345 : vector<16xf32>
      %parallel_loop3A_349 = arith.index_cast %parallel_loop3A_339 : i32 to index
      %parallel_loop3A_350 = tpu.vector_load %arg11[%parallel_loop3A_349] {strides = array<i32>} : memref<2048xf32, #tpu.memory_space<vmem>>, vector<16xf32>,
      tpu.vector_store %arg11[%parallel_loop3A_349], %parallel_loop3A_348 {strides = array<i32>} : memref<2048xf32, #tpu.memory_space<vmem>>, vector<16xf32>,
      %parallel_loop3A_351 = arith.constant 0 : i32
      %parallel_loop3A_352 = arith.index_cast %parallel_loop3A_334 : i32 to index
      %parallel_loop3A_353 = arith.index_cast %parallel_loop3A_351 : i32 to index
      %parallel_loop3A_354 = arith.constant 0 : index
      %parallel_loop3A_355 = tpu.vector_load %arg7[%parallel_loop3A_352, %parallel_loop3A_353, %parallel_loop3A_354] {strides = array<i32>} : memref<16x2x128xi32, #tpu.memory_space<vmem>>, vector<16xi32>,
      %parallel_loop3A_356 = arith.index_cast %parallel_loop3A_339 : i32 to index
      %parallel_loop3A_357 = tpu.vector_load %arg13[%parallel_loop3A_356] {strides = array<i32>} : memref<2048xi32, #tpu.memory_space<vmem>>, vector<16xi32>,
      tpu.vector_store %arg13[%parallel_loop3A_356], %parallel_loop3A_355 {strides = array<i32>} : memref<2048xi32, #tpu.memory_space<vmem>>, vector<16xi32>,
      %parallel_loop3A_358 = arith.constant 128 : i32
      %parallel_loop3A_359 = arith.muli %parallel_loop3A_334, %parallel_loop3A_358 : i32
      %parallel_loop3A_360 = arith.constant 16 : i32
      %parallel_loop3A_361 = arith.addi %parallel_loop3A_359, %parallel_loop3A_360 : i32
      %parallel_loop3A_362 = tpu.assume_multiple %parallel_loop3A_361, 16 : i32
      %parallel_loop3A_363 = arith.constant 1 : i32
      %parallel_loop3A_364 = arith.index_cast %parallel_loop3A_334 : i32 to index
      %parallel_loop3A_365 = arith.index_cast %parallel_loop3A_363 : i32 to index
      %parallel_loop3A_366 = arith.constant 16 : index
      %parallel_loop3A_367 = tpu.vector_load %arg7[%parallel_loop3A_364, %parallel_loop3A_365, %parallel_loop3A_366] {strides = array<i32>} : memref<16x2x128xi32, #tpu.memory_space<vmem>>, vector<16xi32>,
      %parallel_loop3A_368 = tpu.vector_load_idx %arg14[%parallel_loop3A_367] : memref<100000xf32, #tpu.memory_space<vmem>>[vector<16xi32>], vector<16xf32>,
      %parallel_loop3A_369 = arith.index_cast %parallel_loop3A_362 : i32 to index
      %parallel_loop3A_370 = tpu.vector_load %arg9[%parallel_loop3A_369] {strides = array<i32>} : memref<2048xf32, #tpu.memory_space<vmem>>, vector<16xf32>,
      %parallel_loop3A_371 = arith.mulf %parallel_loop3A_370, %parallel_loop3A_368 : vector<16xf32>
      %parallel_loop3A_372 = arith.index_cast %parallel_loop3A_362 : i32 to index
      %parallel_loop3A_373 = tpu.vector_load %arg11[%parallel_loop3A_372] {strides = array<i32>} : memref<2048xf32, #tpu.memory_space<vmem>>, vector<16xf32>,
      tpu.vector_store %arg11[%parallel_loop3A_372], %parallel_loop3A_371 {strides = array<i32>} : memref<2048xf32, #tpu.memory_space<vmem>>, vector<16xf32>,
      %parallel_loop3A_374 = arith.constant 0 : i32
      %parallel_loop3A_375 = arith.index_cast %parallel_loop3A_334 : i32 to index
      %parallel_loop3A_376 = arith.index_cast %parallel_loop3A_374 : i32 to index
      %parallel_loop3A_377 = arith.constant 16 : index
      %parallel_loop3A_378 = tpu.vector_load %arg7[%parallel_loop3A_375, %parallel_loop3A_376, %parallel_loop3A_377] {strides = array<i32>} : memref<16x2x128xi32, #tpu.memory_space<vmem>>, vector<16xi32>,
      %parallel_loop3A_379 = arith.index_cast %parallel_loop3A_362 : i32 to index
      %parallel_loop3A_380 = tpu.vector_load %arg13[%parallel_loop3A_379] {strides = array<i32>} : memref<2048xi32, #tpu.memory_space<vmem>>, vector<16xi32>,
      tpu.vector_store %arg13[%parallel_loop3A_379], %parallel_loop3A_378 {strides = array<i32>} : memref<2048xi32, #tpu.memory_space<vmem>>, vector<16xi32>,
      %parallel_loop3A_381 = arith.constant 128 : i32
      %parallel_loop3A_382 = arith.muli %parallel_loop3A_334, %parallel_loop3A_381 : i32
      %parallel_loop3A_383 = arith.constant 32 : i32
      %parallel_loop3A_384 = arith.addi %parallel_loop3A_382, %parallel_loop3A_383 : i32
      %parallel_loop3A_385 = tpu.assume_multiple %parallel_loop3A_384, 16 : i32
      %parallel_loop3A_386 = arith.constant 1 : i32
      %parallel_loop3A_387 = arith.index_cast %parallel_loop3A_334 : i32 to index
      %parallel_loop3A_388 = arith.index_cast %parallel_loop3A_386 : i32 to index
      %parallel_loop3A_389 = arith.constant 32 : index
      %parallel_loop3A_390 = tpu.vector_load %arg7[%parallel_loop3A_387, %parallel_loop3A_388, %parallel_loop3A_389] {strides = array<i32>} : memref<16x2x128xi32, #tpu.memory_space<vmem>>, vector<16xi32>,
      %parallel_loop3A_391 = tpu.vector_load_idx %arg14[%parallel_loop3A_390] : memref<100000xf32, #tpu.memory_space<vmem>>[vector<16xi32>], vector<16xf32>,
      %parallel_loop3A_392 = arith.index_cast %parallel_loop3A_385 : i32 to index
      %parallel_loop3A_393 = tpu.vector_load %arg9[%parallel_loop3A_392] {strides = array<i32>} : memref<2048xf32, #tpu.memory_space<vmem>>, vector<16xf32>,
      %parallel_loop3A_394 = arith.mulf %parallel_loop3A_393, %parallel_loop3A_391 : vector<16xf32>
      %parallel_loop3A_395 = arith.index_cast %parallel_loop3A_385 : i32 to index
      %parallel_loop3A_396 = tpu.vector_load %arg11[%parallel_loop3A_395] {strides = array<i32>} : memref<2048xf32, #tpu.memory_space<vmem>>, vector<16xf32>,
      tpu.vector_store %arg11[%parallel_loop3A_395], %parallel_loop3A_394 {strides = array<i32>} : memref<2048xf32, #tpu.memory_space<vmem>>, vector<16xf32>,
      %parallel_loop3A_397 = arith.constant 0 : i32
      %parallel_loop3A_398 = arith.index_cast %parallel_loop3A_334 : i32 to index
      %parallel_loop3A_399 = arith.index_cast %parallel_loop3A_397 : i32 to index
      %parallel_loop3A_400 = arith.constant 32 : index
      %parallel_loop3A_401 = tpu.vector_load %arg7[%parallel_loop3A_398, %parallel_loop3A_399, %parallel_loop3A_400] {strides = array<i32>} : memref<16x2x128xi32, #tpu.memory_space<vmem>>, vector<16xi32>,
      %parallel_loop3A_402 = arith.index_cast %parallel_loop3A_385 : i32 to index
      %parallel_loop3A_403 = tpu.vector_load %arg13[%parallel_loop3A_402] {strides = array<i32>} : memref<2048xi32, #tpu.memory_space<vmem>>, vector<16xi32>,
      tpu.vector_store %arg13[%parallel_loop3A_402], %parallel_loop3A_401 {strides = array<i32>} : memref<2048xi32, #tpu.memory_space<vmem>>, vector<16xi32>,
      %parallel_loop3A_404 = arith.constant 128 : i32
      %parallel_loop3A_405 = arith.muli %parallel_loop3A_334, %parallel_loop3A_404 : i32
      %parallel_loop3A_406 = arith.constant 48 : i32
      %parallel_loop3A_407 = arith.addi %parallel_loop3A_405, %parallel_loop3A_406 : i32
      %parallel_loop3A_408 = tpu.assume_multiple %parallel_loop3A_407, 16 : i32
      %parallel_loop3A_409 = arith.constant 1 : i32
      %parallel_loop3A_410 = arith.index_cast %parallel_loop3A_334 : i32 to index
      %parallel_loop3A_411 = arith.index_cast %parallel_loop3A_409 : i32 to index
      %parallel_loop3A_412 = arith.constant 48 : index
      %parallel_loop3A_413 = tpu.vector_load %arg7[%parallel_loop3A_410, %parallel_loop3A_411, %parallel_loop3A_412] {strides = array<i32>} : memref<16x2x128xi32, #tpu.memory_space<vmem>>, vector<16xi32>,
      %parallel_loop3A_414 = tpu.vector_load_idx %arg14[%parallel_loop3A_413] : memref<100000xf32, #tpu.memory_space<vmem>>[vector<16xi32>], vector<16xf32>,
      %parallel_loop3A_415 = arith.index_cast %parallel_loop3A_408 : i32 to index
      %parallel_loop3A_416 = tpu.vector_load %arg9[%parallel_loop3A_415] {strides = array<i32>} : memref<2048xf32, #tpu.memory_space<vmem>>, vector<16xf32>,
      %parallel_loop3A_417 = arith.mulf %parallel_loop3A_416, %parallel_loop3A_414 : vector<16xf32>
      %parallel_loop3A_418 = arith.index_cast %parallel_loop3A_408 : i32 to index
      %parallel_loop3A_419 = tpu.vector_load %arg11[%parallel_loop3A_418] {strides = array<i32>} : memref<2048xf32, #tpu.memory_space<vmem>>, vector<16xf32>,
      tpu.vector_store %arg11[%parallel_loop3A_418], %parallel_loop3A_417 {strides = array<i32>} : memref<2048xf32, #tpu.memory_space<vmem>>, vector<16xf32>,
      %parallel_loop3A_420 = arith.constant 0 : i32
      %parallel_loop3A_421 = arith.index_cast %parallel_loop3A_334 : i32 to index
      %parallel_loop3A_422 = arith.index_cast %parallel_loop3A_420 : i32 to index
      %parallel_loop3A_423 = arith.constant 48 : index
      %parallel_loop3A_424 = tpu.vector_load %arg7[%parallel_loop3A_421, %parallel_loop3A_422, %parallel_loop3A_423] {strides = array<i32>} : memref<16x2x128xi32, #tpu.memory_space<vmem>>, vector<16xi32>,
      %parallel_loop3A_425 = arith.index_cast %parallel_loop3A_408 : i32 to index
      %parallel_loop3A_426 = tpu.vector_load %arg13[%parallel_loop3A_425] {strides = array<i32>} : memref<2048xi32, #tpu.memory_space<vmem>>, vector<16xi32>,
      tpu.vector_store %arg13[%parallel_loop3A_425], %parallel_loop3A_424 {strides = array<i32>} : memref<2048xi32, #tpu.memory_space<vmem>>, vector<16xi32>,
      %parallel_loop3A_427 = arith.constant 128 : i32
      %parallel_loop3A_428 = arith.muli %parallel_loop3A_334, %parallel_loop3A_427 : i32
      %parallel_loop3A_429 = arith.constant 64 : i32
      %parallel_loop3A_430 = arith.addi %parallel_loop3A_428, %parallel_loop3A_429 : i32
      %parallel_loop3A_431 = tpu.assume_multiple %parallel_loop3A_430, 16 : i32
      %parallel_loop3A_432 = arith.constant 1 : i32
      %parallel_loop3A_433 = arith.index_cast %parallel_loop3A_334 : i32 to index
      %parallel_loop3A_434 = arith.index_cast %parallel_loop3A_432 : i32 to index
      %parallel_loop3A_435 = arith.constant 64 : index
      %parallel_loop3A_436 = tpu.vector_load %arg7[%parallel_loop3A_433, %parallel_loop3A_434, %parallel_loop3A_435] {strides = array<i32>} : memref<16x2x128xi32, #tpu.memory_space<vmem>>, vector<16xi32>,
      %parallel_loop3A_437 = tpu.vector_load_idx %arg14[%parallel_loop3A_436] : memref<100000xf32, #tpu.memory_space<vmem>>[vector<16xi32>], vector<16xf32>,
      %parallel_loop3A_438 = arith.index_cast %parallel_loop3A_431 : i32 to index
      %parallel_loop3A_439 = tpu.vector_load %arg9[%parallel_loop3A_438] {strides = array<i32>} : memref<2048xf32, #tpu.memory_space<vmem>>, vector<16xf32>,
      %parallel_loop3A_440 = arith.mulf %parallel_loop3A_439, %parallel_loop3A_437 : vector<16xf32>
      %parallel_loop3A_441 = arith.index_cast %parallel_loop3A_431 : i32 to index
      %parallel_loop3A_442 = tpu.vector_load %arg11[%parallel_loop3A_441] {strides = array<i32>} : memref<2048xf32, #tpu.memory_space<vmem>>, vector<16xf32>,
      tpu.vector_store %arg11[%parallel_loop3A_441], %parallel_loop3A_440 {strides = array<i32>} : memref<2048xf32, #tpu.memory_space<vmem>>, vector<16xf32>,
      %parallel_loop3A_443 = arith.constant 0 : i32
      %parallel_loop3A_444 = arith.index_cast %parallel_loop3A_334 : i32 to index
      %parallel_loop3A_445 = arith.index_cast %parallel_loop3A_443 : i32 to index
      %parallel_loop3A_446 = arith.constant 64 : index
      %parallel_loop3A_447 = tpu.vector_load %arg7[%parallel_loop3A_444, %parallel_loop3A_445, %parallel_loop3A_446] {strides = array<i32>} : memref<16x2x128xi32, #tpu.memory_space<vmem>>, vector<16xi32>,
      %parallel_loop3A_448 = arith.index_cast %parallel_loop3A_431 : i32 to index
      %parallel_loop3A_449 = tpu.vector_load %arg13[%parallel_loop3A_448] {strides = array<i32>} : memref<2048xi32, #tpu.memory_space<vmem>>, vector<16xi32>,
      tpu.vector_store %arg13[%parallel_loop3A_448], %parallel_loop3A_447 {strides = array<i32>} : memref<2048xi32, #tpu.memory_space<vmem>>, vector<16xi32>,
      %parallel_loop3A_450 = arith.constant 128 : i32
      %parallel_loop3A_451 = arith.muli %parallel_loop3A_334, %parallel_loop3A_450 : i32
      %parallel_loop3A_452 = arith.constant 80 : i32
      %parallel_loop3A_453 = arith.addi %parallel_loop3A_451, %parallel_loop3A_452 : i32
      %parallel_loop3A_454 = tpu.assume_multiple %parallel_loop3A_453, 16 : i32
      %parallel_loop3A_455 = arith.constant 1 : i32
      %parallel_loop3A_456 = arith.index_cast %parallel_loop3A_334 : i32 to index
      %parallel_loop3A_457 = arith.index_cast %parallel_loop3A_455 : i32 to index
      %parallel_loop3A_458 = arith.constant 80 : index
      %parallel_loop3A_459 = tpu.vector_load %arg7[%parallel_loop3A_456, %parallel_loop3A_457, %parallel_loop3A_458] {strides = array<i32>} : memref<16x2x128xi32, #tpu.memory_space<vmem>>, vector<16xi32>,
      %parallel_loop3A_460 = tpu.vector_load_idx %arg14[%parallel_loop3A_459] : memref<100000xf32, #tpu.memory_space<vmem>>[vector<16xi32>], vector<16xf32>,
      %parallel_loop3A_461 = arith.index_cast %parallel_loop3A_454 : i32 to index
      %parallel_loop3A_462 = tpu.vector_load %arg9[%parallel_loop3A_461] {strides = array<i32>} : memref<2048xf32, #tpu.memory_space<vmem>>, vector<16xf32>,
      %parallel_loop3A_463 = arith.mulf %parallel_loop3A_462, %parallel_loop3A_460 : vector<16xf32>
      %parallel_loop3A_464 = arith.index_cast %parallel_loop3A_454 : i32 to index
      %parallel_loop3A_465 = tpu.vector_load %arg11[%parallel_loop3A_464] {strides = array<i32>} : memref<2048xf32, #tpu.memory_space<vmem>>, vector<16xf32>,
      tpu.vector_store %arg11[%parallel_loop3A_464], %parallel_loop3A_463 {strides = array<i32>} : memref<2048xf32, #tpu.memory_space<vmem>>, vector<16xf32>,
      %parallel_loop3A_466 = arith.constant 0 : i32
      %parallel_loop3A_467 = arith.index_cast %parallel_loop3A_334 : i32 to index
      %parallel_loop3A_468 = arith.index_cast %parallel_loop3A_466 : i32 to index
      %parallel_loop3A_469 = arith.constant 80 : index
      %parallel_loop3A_470 = tpu.vector_load %arg7[%parallel_loop3A_467, %parallel_loop3A_468, %parallel_loop3A_469] {strides = array<i32>} : memref<16x2x128xi32, #tpu.memory_space<vmem>>, vector<16xi32>,
      %parallel_loop3A_471 = arith.index_cast %parallel_loop3A_454 : i32 to index
      %parallel_loop3A_472 = tpu.vector_load %arg13[%parallel_loop3A_471] {strides = array<i32>} : memref<2048xi32, #tpu.memory_space<vmem>>, vector<16xi32>,
      tpu.vector_store %arg13[%parallel_loop3A_471], %parallel_loop3A_470 {strides = array<i32>} : memref<2048xi32, #tpu.memory_space<vmem>>, vector<16xi32>,
      %parallel_loop3A_473 = arith.constant 128 : i32
      %parallel_loop3A_474 = arith.muli %parallel_loop3A_334, %parallel_loop3A_473 : i32
      %parallel_loop3A_475 = arith.constant 96 : i32
      %parallel_loop3A_476 = arith.addi %parallel_loop3A_474, %parallel_loop3A_475 : i32
      %parallel_loop3A_477 = tpu.assume_multiple %parallel_loop3A_476, 16 : i32
      %parallel_loop3A_478 = arith.constant 1 : i32
      %parallel_loop3A_479 = arith.index_cast %parallel_loop3A_334 : i32 to index
      %parallel_loop3A_480 = arith.index_cast %parallel_loop3A_478 : i32 to index
      %parallel_loop3A_481 = arith.constant 96 : index
      %parallel_loop3A_482 = tpu.vector_load %arg7[%parallel_loop3A_479, %parallel_loop3A_480, %parallel_loop3A_481] {strides = array<i32>} : memref<16x2x128xi32, #tpu.memory_space<vmem>>, vector<16xi32>,
      %parallel_loop3A_483 = tpu.vector_load_idx %arg14[%parallel_loop3A_482] : memref<100000xf32, #tpu.memory_space<vmem>>[vector<16xi32>], vector<16xf32>,
      %parallel_loop3A_484 = arith.index_cast %parallel_loop3A_477 : i32 to index
      %parallel_loop3A_485 = tpu.vector_load %arg9[%parallel_loop3A_484] {strides = array<i32>} : memref<2048xf32, #tpu.memory_space<vmem>>, vector<16xf32>,
      %parallel_loop3A_486 = arith.mulf %parallel_loop3A_485, %parallel_loop3A_483 : vector<16xf32>
      %parallel_loop3A_487 = arith.index_cast %parallel_loop3A_477 : i32 to index
      %parallel_loop3A_488 = tpu.vector_load %arg11[%parallel_loop3A_487] {strides = array<i32>} : memref<2048xf32, #tpu.memory_space<vmem>>, vector<16xf32>,
      tpu.vector_store %arg11[%parallel_loop3A_487], %parallel_loop3A_486 {strides = array<i32>} : memref<2048xf32, #tpu.memory_space<vmem>>, vector<16xf32>,
      %parallel_loop3A_489 = arith.constant 0 : i32
      %parallel_loop3A_490 = arith.index_cast %parallel_loop3A_334 : i32 to index
      %parallel_loop3A_491 = arith.index_cast %parallel_loop3A_489 : i32 to index
      %parallel_loop3A_492 = arith.constant 96 : index
      %parallel_loop3A_493 = tpu.vector_load %arg7[%parallel_loop3A_490, %parallel_loop3A_491, %parallel_loop3A_492] {strides = array<i32>} : memref<16x2x128xi32, #tpu.memory_space<vmem>>, vector<16xi32>,
      %parallel_loop3A_494 = arith.index_cast %parallel_loop3A_477 : i32 to index
      %parallel_loop3A_495 = tpu.vector_load %arg13[%parallel_loop3A_494] {strides = array<i32>} : memref<2048xi32, #tpu.memory_space<vmem>>, vector<16xi32>,
      tpu.vector_store %arg13[%parallel_loop3A_494], %parallel_loop3A_493 {strides = array<i32>} : memref<2048xi32, #tpu.memory_space<vmem>>, vector<16xi32>,
      %parallel_loop3A_496 = arith.constant 128 : i32
      %parallel_loop3A_497 = arith.muli %parallel_loop3A_334, %parallel_loop3A_496 : i32
      %parallel_loop3A_498 = arith.constant 112 : i32
      %parallel_loop3A_499 = arith.addi %parallel_loop3A_497, %parallel_loop3A_498 : i32
      %parallel_loop3A_500 = tpu.assume_multiple %parallel_loop3A_499, 16 : i32
      %parallel_loop3A_501 = arith.constant 1 : i32
      %parallel_loop3A_502 = arith.index_cast %parallel_loop3A_334 : i32 to index
      %parallel_loop3A_503 = arith.index_cast %parallel_loop3A_501 : i32 to index
      %parallel_loop3A_504 = arith.constant 112 : index
      %parallel_loop3A_505 = tpu.vector_load %arg7[%parallel_loop3A_502, %parallel_loop3A_503, %parallel_loop3A_504] {strides = array<i32>} : memref<16x2x128xi32, #tpu.memory_space<vmem>>, vector<16xi32>,
      %parallel_loop3A_506 = tpu.vector_load_idx %arg14[%parallel_loop3A_505] : memref<100000xf32, #tpu.memory_space<vmem>>[vector<16xi32>], vector<16xf32>,
      %parallel_loop3A_507 = arith.index_cast %parallel_loop3A_500 : i32 to index
      %parallel_loop3A_508 = tpu.vector_load %arg9[%parallel_loop3A_507] {strides = array<i32>} : memref<2048xf32, #tpu.memory_space<vmem>>, vector<16xf32>,
      %parallel_loop3A_509 = arith.mulf %parallel_loop3A_508, %parallel_loop3A_506 : vector<16xf32>
      %parallel_loop3A_510 = arith.index_cast %parallel_loop3A_500 : i32 to index
      %parallel_loop3A_511 = tpu.vector_load %arg11[%parallel_loop3A_510] {strides = array<i32>} : memref<2048xf32, #tpu.memory_space<vmem>>, vector<16xf32>,
      tpu.vector_store %arg11[%parallel_loop3A_510], %parallel_loop3A_509 {strides = array<i32>} : memref<2048xf32, #tpu.memory_space<vmem>>, vector<16xf32>,
      %parallel_loop3A_512 = arith.constant 0 : i32
      %parallel_loop3A_513 = arith.index_cast %parallel_loop3A_334 : i32 to index
      %parallel_loop3A_514 = arith.index_cast %parallel_loop3A_512 : i32 to index
      %parallel_loop3A_515 = arith.constant 112 : index
      %parallel_loop3A_516 = tpu.vector_load %arg7[%parallel_loop3A_513, %parallel_loop3A_514, %parallel_loop3A_515] {strides = array<i32>} : memref<16x2x128xi32, #tpu.memory_space<vmem>>, vector<16xi32>,
      %parallel_loop3A_517 = arith.index_cast %parallel_loop3A_500 : i32 to index
      %parallel_loop3A_518 = tpu.vector_load %arg13[%parallel_loop3A_517] {strides = array<i32>} : memref<2048xi32, #tpu.memory_space<vmem>>, vector<16xi32>,
      tpu.vector_store %arg13[%parallel_loop3A_517], %parallel_loop3A_516 {strides = array<i32>} : memref<2048xi32, #tpu.memory_space<vmem>>, vector<16xi32>,
    } {sc.loop_unroll_factor = 4 : i64, sc.parallel_access}
    %dma_start3A_157 = arith.constant 0 : i32
    %dma_start3A_158 = tpu.memref_slice %arg15[%dma_start3A_157] : memref<100096xf32, #tpu.memory_space<vmem_shared>> -> memref<100096xf32, #tpu.memory_space<vmem_shared>>
    tpu.enqueue_indirect_dma source(%arg11 : memref<2048xf32, #tpu.memory_space<vmem>>) target(%dma_start3A_158 : memref<100096xf32, #tpu.memory_space<vmem_shared>>) offsets(%arg13 : memref<2048xi32, #tpu.memory_space<vmem>>) semaphore(%arg19 : memref<!tpu.dma_semaphore, #tpu.memory_space<semaphore_mem>>) {add = true}
    %min3A_159 = arith.constant 3 : i32
    %min3A_160 = arith.constant 47 : i32
    %min3A_161 = arith.minsi %min3A_159, %min3A_160 : i32
    %mul3A_162 = arith.constant 32 : i32
    %mul3A_163 = arith.muli %min3A_161, %mul3A_162 : i32
    %add3A_164 = arith.addi %mul3A_163, %add3A : i32
    %mul3A_165 = arith.constant 2048 : i32
    %mul3A_166 = arith.muli %add3A_164, %mul3A_165 : i32
    %jit3A_167 = arith.constant 128 : i32
    %div3A_168 = arith.divsi %mul3A_166, %jit3A_167 : i32
    %sign3A_169 = arith.constant 0 : i32
    %sign3A_170 = arith.cmpi sgt, %mul3A_166, %sign3A_169 : i32
    %sign3A_171 = arith.extui %sign3A_170 : i1 to i32
    %sign3A_172 = arith.constant 0 : i32
    %sign3A_173 = arith.cmpi slt, %mul3A_166, %sign3A_172 : i32
    %sign3A_174 = arith.extui %sign3A_173 : i1 to i32
    %sign3A_175 = arith.subi %sign3A_171, %sign3A_174 : i32
    %sign3A_176 = arith.constant 0 : i32
    %sign3A_177 = arith.cmpi sgt, %jit3A_167, %sign3A_176 : i32
    %sign3A_178 = arith.extui %sign3A_177 : i1 to i32
    %sign3A_179 = arith.constant 0 : i32
    %sign3A_180 = arith.cmpi slt, %jit3A_167, %sign3A_179 : i32
    %sign3A_181 = arith.extui %sign3A_180 : i1 to i32
    %sign3A_182 = arith.subi %sign3A_178, %sign3A_181 : i32
    %ne3A_183 = arith.cmpi ne, %sign3A_175, %sign3A_182 : i32
    %rem3A_184 = arith.remsi %mul3A_166, %jit3A_167 : i32
    %ne3A_185 = arith.constant 0 : i32
    %ne3A_186 = arith.cmpi ne, %rem3A_184, %ne3A_185 : i32
    %and3A_187 = arith.andi %ne3A_183, %ne3A_186 : i1
    %sub3A_188 = arith.constant 1 : i32
    %sub3A_189 = arith.subi %div3A_168, %sub3A_188 : i32
    %select_n3A_190 = arith.select %and3A_187, %sub3A_189, %div3A_168 : i32
    %dma_start3A_191 = arith.constant 0 : i32
    %dma_start3A_192 = arith.constant 0 : i32
    %dma_start3A_193 = tpu.memref_slice %arg3[%select_n3A_190, %dma_start3A_191, %dma_start3A_192] : memref<25000x2x128xi32, #tpu.memory_space<hbm>> -> memref<16x2x128xi32, #tpu.memory_space<hbm>>
    %dma_start3A_194 = arith.constant 0 : i32
    %dma_start3A_195 = arith.constant 0 : i32
    %dma_start3A_196 = tpu.memref_slice %arg3[%select_n3A_190, %dma_start3A_194, %dma_start3A_195] : memref<25000x2x128xi32, #tpu.memory_space<hbm>> -> memref<16x2x128xi32, #tpu.memory_space<hbm>>
    tpu.enqueue_dma source(%dma_start3A_196 : memref<16x2x128xi32, #tpu.memory_space<hbm>>) target(%arg7 : memref<16x2x128xi32, #tpu.memory_space<vmem>>) target_semaphore(%arg17 : memref<!tpu.dma_semaphore, #tpu.memory_space<semaphore_mem>>)
    %dma_start3A_197 = tpu.memref_slice %arg4[%mul3A_166] : memref<3200000xf32, #tpu.memory_space<hbm>> -> memref<2048xf32, #tpu.memory_space<hbm>>
    %dma_start3A_198 = tpu.memref_slice %arg4[%mul3A_166] : memref<3200000xf32, #tpu.memory_space<hbm>> -> memref<2048xf32, #tpu.memory_space<hbm>>
    tpu.enqueue_dma source(%dma_start3A_198 : memref<2048xf32, #tpu.memory_space<hbm>>) target(%arg9 : memref<2048xf32, #tpu.memory_space<vmem>>) target_semaphore(%arg17 : memref<!tpu.dma_semaphore, #tpu.memory_space<semaphore_mem>>)
    %scan3A_199 = arith.constant 0 : i32
    %scan3A_200 = arith.constant 1 : i32
    %scan3A_201 = arith.constant 23 : i32
    %scan3A_202 = arith.addi %scan3A_200, %scan3A_201 : i32
    %scan3A_203 = arith.constant 1 : i32
    %scan3A_204 = scf.for %scan3A_334 = %scan3A_200 to %scan3A_202 step %scan3A_203 iter_args(%scan3A_335 = %scan3A_199) -> (i32)  : i32 {
      %mul3A_336 = arith.constant 2 : i32
      %mul3A_337 = arith.muli %scan3A_334, %mul3A_336 : i32
      %add3A_338 = arith.constant 0 : i32
      %add3A_339 = arith.addi %mul3A_337, %add3A_338 : i32
      %dma_wait3A_340 = arith.constant 0 : i32
      %dma_wait3A_341 = arith.constant 0 : i32
      %dma_wait3A_342 = arith.constant 0 : i32
      %dma_wait3A_343 = tpu.memref_slice %arg3[%dma_wait3A_340, %dma_wait3A_341, %dma_wait3A_342] : memref<25000x2x128xi32, #tpu.memory_space<hbm>> -> memref<16x2x128xi32, #tpu.memory_space<hbm>>
      %dma_wait3A_344 = arith.constant 0 : i32
      %dma_wait3A_345 = arith.constant 0 : i32
      %dma_wait3A_346 = arith.constant 0 : i32
      %dma_wait3A_347 = tpu.memref_slice %arg3[%dma_wait3A_344, %dma_wait3A_345, %dma_wait3A_346] : memref<25000x2x128xi32, #tpu.memory_space<hbm>> -> memref<16x2x128xi32, #tpu.memory_space<hbm>>
      tpu.wait_dma2 semaphore(%arg16 : memref<!tpu.dma_semaphore, #tpu.memory_space<semaphore_mem>>) src(%dma_wait3A_347 : memref<16x2x128xi32, #tpu.memory_space<hbm>>) dst(%arg6 : memref<16x2x128xi32, #tpu.memory_space<vmem>>)
      %dma_wait3A_348 = arith.constant 0 : i32
      %dma_wait3A_349 = tpu.memref_slice %arg4[%dma_wait3A_348] : memref<3200000xf32, #tpu.memory_space<hbm>> -> memref<2048xf32, #tpu.memory_space<hbm>>
      %dma_wait3A_350 = arith.constant 0 : i32
      %dma_wait3A_351 = tpu.memref_slice %arg4[%dma_wait3A_350] : memref<3200000xf32, #tpu.memory_space<hbm>> -> memref<2048xf32, #tpu.memory_space<hbm>>
      tpu.wait_dma2 semaphore(%arg16 : memref<!tpu.dma_semaphore, #tpu.memory_space<semaphore_mem>>) src(%dma_wait3A_351 : memref<2048xf32, #tpu.memory_space<hbm>>) dst(%arg8 : memref<2048xf32, #tpu.memory_space<vmem>>)
      %dma_wait3A_352 = arith.constant 0 : i32
      %dma_wait3A_353 = tpu.memref_slice %arg15[%dma_wait3A_352] : memref<100096xf32, #tpu.memory_space<vmem_shared>> -> memref<100096xf32, #tpu.memory_space<vmem_shared>>
      tpu.wait_indirect_dma semaphore(%arg18 : memref<!tpu.dma_semaphore, #tpu.memory_space<semaphore_mem>>) src(%arg10 : memref<2048xf32, #tpu.memory_space<vmem>>) dst(%dma_wait3A_353 : memref<100096xf32, #tpu.memory_space<vmem_shared>>)
      %parallel_loop3A_354 = arith.constant 0 : i32
      %parallel_loop3A_355 = arith.constant 16 : i32
      %parallel_loop3A_356 = arith.constant 1 : i32
      scf.for %parallel_loop3A_465 = %parallel_loop3A_354 to %parallel_loop3A_355 step %parallel_loop3A_356  : i32 {
        %parallel_loop3A_466 = arith.constant 128 : i32
        %parallel_loop3A_467 = arith.muli %parallel_loop3A_465, %parallel_loop3A_466 : i32
        %parallel_loop3A_468 = arith.constant 0 : i32
        %parallel_loop3A_469 = arith.addi %parallel_loop3A_467, %parallel_loop3A_468 : i32
        %parallel_loop3A_470 = tpu.assume_multiple %parallel_loop3A_469, 16 : i32
        %parallel_loop3A_471 = arith.constant 1 : i32
        %parallel_loop3A_472 = arith.index_cast %parallel_loop3A_465 : i32 to index
        %parallel_loop3A_473 = arith.index_cast %parallel_loop3A_471 : i32 to index
        %parallel_loop3A_474 = arith.constant 0 : index
        %parallel_loop3A_475 = tpu.vector_load %arg6[%parallel_loop3A_472, %parallel_loop3A_473, %parallel_loop3A_474] {strides = array<i32>} : memref<16x2x128xi32, #tpu.memory_space<vmem>>, vector<16xi32>,
        %parallel_loop3A_476 = tpu.vector_load_idx %arg14[%parallel_loop3A_475] : memref<100000xf32, #tpu.memory_space<vmem>>[vector<16xi32>], vector<16xf32>,
        %parallel_loop3A_477 = arith.index_cast %parallel_loop3A_470 : i32 to index
        %parallel_loop3A_478 = tpu.vector_load %arg8[%parallel_loop3A_477] {strides = array<i32>} : memref<2048xf32, #tpu.memory_space<vmem>>, vector<16xf32>,
        %parallel_loop3A_479 = arith.mulf %parallel_loop3A_478, %parallel_loop3A_476 : vector<16xf32>
        %parallel_loop3A_480 = arith.index_cast %parallel_loop3A_470 : i32 to index
        %parallel_loop3A_481 = tpu.vector_load %arg10[%parallel_loop3A_480] {strides = array<i32>} : memref<2048xf32, #tpu.memory_space<vmem>>, vector<16xf32>,
        tpu.vector_store %arg10[%parallel_loop3A_480], %parallel_loop3A_479 {strides = array<i32>} : memref<2048xf32, #tpu.memory_space<vmem>>, vector<16xf32>,
        %parallel_loop3A_482 = arith.constant 0 : i32
        %parallel_loop3A_483 = arith.index_cast %parallel_loop3A_465 : i32 to index
        %parallel_loop3A_484 = arith.index_cast %parallel_loop3A_482 : i32 to index
        %parallel_loop3A_485 = arith.constant 0 : index
        %parallel_loop3A_486 = tpu.vector_load %arg6[%parallel_loop3A_483, %parallel_loop3A_484, %parallel_loop3A_485] {strides = array<i32>} : memref<16x2x128xi32, #tpu.memory_space<vmem>>, vector<16xi32>,
        %parallel_loop3A_487 = arith.index_cast %parallel_loop3A_470 : i32 to index
        %parallel_loop3A_488 = tpu.vector_load %arg12[%parallel_loop3A_487] {strides = array<i32>} : memref<2048xi32, #tpu.memory_space<vmem>>, vector<16xi32>,
        tpu.vector_store %arg12[%parallel_loop3A_487], %parallel_loop3A_486 {strides = array<i32>} : memref<2048xi32, #tpu.memory_space<vmem>>, vector<16xi32>,
        %parallel_loop3A_489 = arith.constant 128 : i32
        %parallel_loop3A_490 = arith.muli %parallel_loop3A_465, %parallel_loop3A_489 : i32
        %parallel_loop3A_491 = arith.constant 16 : i32
        %parallel_loop3A_492 = arith.addi %parallel_loop3A_490, %parallel_loop3A_491 : i32
        %parallel_loop3A_493 = tpu.assume_multiple %parallel_loop3A_492, 16 : i32
        %parallel_loop3A_494 = arith.constant 1 : i32
        %parallel_loop3A_495 = arith.index_cast %parallel_loop3A_465 : i32 to index
        %parallel_loop3A_496 = arith.index_cast %parallel_loop3A_494 : i32 to index
        %parallel_loop3A_497 = arith.constant 16 : index
        %parallel_loop3A_498 = tpu.vector_load %arg6[%parallel_loop3A_495, %parallel_loop3A_496, %parallel_loop3A_497] {strides = array<i32>} : memref<16x2x128xi32, #tpu.memory_space<vmem>>, vector<16xi32>,
        %parallel_loop3A_499 = tpu.vector_load_idx %arg14[%parallel_loop3A_498] : memref<100000xf32, #tpu.memory_space<vmem>>[vector<16xi32>], vector<16xf32>,
        %parallel_loop3A_500 = arith.index_cast %parallel_loop3A_493 : i32 to index
        %parallel_loop3A_501 = tpu.vector_load %arg8[%parallel_loop3A_500] {strides = array<i32>} : memref<2048xf32, #tpu.memory_space<vmem>>, vector<16xf32>,
        %parallel_loop3A_502 = arith.mulf %parallel_loop3A_501, %parallel_loop3A_499 : vector<16xf32>
        %parallel_loop3A_503 = arith.index_cast %parallel_loop3A_493 : i32 to index
        %parallel_loop3A_504 = tpu.vector_load %arg10[%parallel_loop3A_503] {strides = array<i32>} : memref<2048xf32, #tpu.memory_space<vmem>>, vector<16xf32>,
        tpu.vector_store %arg10[%parallel_loop3A_503], %parallel_loop3A_502 {strides = array<i32>} : memref<2048xf32, #tpu.memory_space<vmem>>, vector<16xf32>,
        %parallel_loop3A_505 = arith.constant 0 : i32
        %parallel_loop3A_506 = arith.index_cast %parallel_loop3A_465 : i32 to index
        %parallel_loop3A_507 = arith.index_cast %parallel_loop3A_505 : i32 to index
        %parallel_loop3A_508 = arith.constant 16 : index
        %parallel_loop3A_509 = tpu.vector_load %arg6[%parallel_loop3A_506, %parallel_loop3A_507, %parallel_loop3A_508] {strides = array<i32>} : memref<16x2x128xi32, #tpu.memory_space<vmem>>, vector<16xi32>,
        %parallel_loop3A_510 = arith.index_cast %parallel_loop3A_493 : i32 to index
        %parallel_loop3A_511 = tpu.vector_load %arg12[%parallel_loop3A_510] {strides = array<i32>} : memref<2048xi32, #tpu.memory_space<vmem>>, vector<16xi32>,
        tpu.vector_store %arg12[%parallel_loop3A_510], %parallel_loop3A_509 {strides = array<i32>} : memref<2048xi32, #tpu.memory_space<vmem>>, vector<16xi32>,
        %parallel_loop3A_512 = arith.constant 128 : i32
        %parallel_loop3A_513 = arith.muli %parallel_loop3A_465, %parallel_loop3A_512 : i32
        %parallel_loop3A_514 = arith.constant 32 : i32
        %parallel_loop3A_515 = arith.addi %parallel_loop3A_513, %parallel_loop3A_514 : i32
        %parallel_loop3A_516 = tpu.assume_multiple %parallel_loop3A_515, 16 : i32
        %parallel_loop3A_517 = arith.constant 1 : i32
        %parallel_loop3A_518 = arith.index_cast %parallel_loop3A_465 : i32 to index
        %parallel_loop3A_519 = arith.index_cast %parallel_loop3A_517 : i32 to index
        %parallel_loop3A_520 = arith.constant 32 : index
        %parallel_loop3A_521 = tpu.vector_load %arg6[%parallel_loop3A_518, %parallel_loop3A_519, %parallel_loop3A_520] {strides = array<i32>} : memref<16x2x128xi32, #tpu.memory_space<vmem>>, vector<16xi32>,
        %parallel_loop3A_522 = tpu.vector_load_idx %arg14[%parallel_loop3A_521] : memref<100000xf32, #tpu.memory_space<vmem>>[vector<16xi32>], vector<16xf32>,
        %parallel_loop3A_523 = arith.index_cast %parallel_loop3A_516 : i32 to index
        %parallel_loop3A_524 = tpu.vector_load %arg8[%parallel_loop3A_523] {strides = array<i32>} : memref<2048xf32, #tpu.memory_space<vmem>>, vector<16xf32>,
        %parallel_loop3A_525 = arith.mulf %parallel_loop3A_524, %parallel_loop3A_522 : vector<16xf32>
        %parallel_loop3A_526 = arith.index_cast %parallel_loop3A_516 : i32 to index
        %parallel_loop3A_527 = tpu.vector_load %arg10[%parallel_loop3A_526] {strides = array<i32>} : memref<2048xf32, #tpu.memory_space<vmem>>, vector<16xf32>,
        tpu.vector_store %arg10[%parallel_loop3A_526], %parallel_loop3A_525 {strides = array<i32>} : memref<2048xf32, #tpu.memory_space<vmem>>, vector<16xf32>,
        %parallel_loop3A_528 = arith.constant 0 : i32
        %parallel_loop3A_529 = arith.index_cast %parallel_loop3A_465 : i32 to index
        %parallel_loop3A_530 = arith.index_cast %parallel_loop3A_528 : i32 to index
        %parallel_loop3A_531 = arith.constant 32 : index
        %parallel_loop3A_532 = tpu.vector_load %arg6[%parallel_loop3A_529, %parallel_loop3A_530, %parallel_loop3A_531] {strides = array<i32>} : memref<16x2x128xi32, #tpu.memory_space<vmem>>, vector<16xi32>,
        %parallel_loop3A_533 = arith.index_cast %parallel_loop3A_516 : i32 to index
        %parallel_loop3A_534 = tpu.vector_load %arg12[%parallel_loop3A_533] {strides = array<i32>} : memref<2048xi32, #tpu.memory_space<vmem>>, vector<16xi32>,
        tpu.vector_store %arg12[%parallel_loop3A_533], %parallel_loop3A_532 {strides = array<i32>} : memref<2048xi32, #tpu.memory_space<vmem>>, vector<16xi32>,
        %parallel_loop3A_535 = arith.constant 128 : i32
        %parallel_loop3A_536 = arith.muli %parallel_loop3A_465, %parallel_loop3A_535 : i32
        %parallel_loop3A_537 = arith.constant 48 : i32
        %parallel_loop3A_538 = arith.addi %parallel_loop3A_536, %parallel_loop3A_537 : i32
        %parallel_loop3A_539 = tpu.assume_multiple %parallel_loop3A_538, 16 : i32
        %parallel_loop3A_540 = arith.constant 1 : i32
        %parallel_loop3A_541 = arith.index_cast %parallel_loop3A_465 : i32 to index
        %parallel_loop3A_542 = arith.index_cast %parallel_loop3A_540 : i32 to index
        %parallel_loop3A_543 = arith.constant 48 : index
        %parallel_loop3A_544 = tpu.vector_load %arg6[%parallel_loop3A_541, %parallel_loop3A_542, %parallel_loop3A_543] {strides = array<i32>} : memref<16x2x128xi32, #tpu.memory_space<vmem>>, vector<16xi32>,
        %parallel_loop3A_545 = tpu.vector_load_idx %arg14[%parallel_loop3A_544] : memref<100000xf32, #tpu.memory_space<vmem>>[vector<16xi32>], vector<16xf32>,
        %parallel_loop3A_546 = arith.index_cast %parallel_loop3A_539 : i32 to index
        %parallel_loop3A_547 = tpu.vector_load %arg8[%parallel_loop3A_546] {strides = array<i32>} : memref<2048xf32, #tpu.memory_space<vmem>>, vector<16xf32>,
        %parallel_loop3A_548 = arith.mulf %parallel_loop3A_547, %parallel_loop3A_545 : vector<16xf32>
        %parallel_loop3A_549 = arith.index_cast %parallel_loop3A_539 : i32 to index
        %parallel_loop3A_550 = tpu.vector_load %arg10[%parallel_loop3A_549] {strides = array<i32>} : memref<2048xf32, #tpu.memory_space<vmem>>, vector<16xf32>,
        tpu.vector_store %arg10[%parallel_loop3A_549], %parallel_loop3A_548 {strides = array<i32>} : memref<2048xf32, #tpu.memory_space<vmem>>, vector<16xf32>,
        %parallel_loop3A_551 = arith.constant 0 : i32
        %parallel_loop3A_552 = arith.index_cast %parallel_loop3A_465 : i32 to index
        %parallel_loop3A_553 = arith.index_cast %parallel_loop3A_551 : i32 to index
        %parallel_loop3A_554 = arith.constant 48 : index
        %parallel_loop3A_555 = tpu.vector_load %arg6[%parallel_loop3A_552, %parallel_loop3A_553, %parallel_loop3A_554] {strides = array<i32>} : memref<16x2x128xi32, #tpu.memory_space<vmem>>, vector<16xi32>,
        %parallel_loop3A_556 = arith.index_cast %parallel_loop3A_539 : i32 to index
        %parallel_loop3A_557 = tpu.vector_load %arg12[%parallel_loop3A_556] {strides = array<i32>} : memref<2048xi32, #tpu.memory_space<vmem>>, vector<16xi32>,
        tpu.vector_store %arg12[%parallel_loop3A_556], %parallel_loop3A_555 {strides = array<i32>} : memref<2048xi32, #tpu.memory_space<vmem>>, vector<16xi32>,
        %parallel_loop3A_558 = arith.constant 128 : i32
        %parallel_loop3A_559 = arith.muli %parallel_loop3A_465, %parallel_loop3A_558 : i32
        %parallel_loop3A_560 = arith.constant 64 : i32
        %parallel_loop3A_561 = arith.addi %parallel_loop3A_559, %parallel_loop3A_560 : i32
        %parallel_loop3A_562 = tpu.assume_multiple %parallel_loop3A_561, 16 : i32
        %parallel_loop3A_563 = arith.constant 1 : i32
        %parallel_loop3A_564 = arith.index_cast %parallel_loop3A_465 : i32 to index
        %parallel_loop3A_565 = arith.index_cast %parallel_loop3A_563 : i32 to index
        %parallel_loop3A_566 = arith.constant 64 : index
        %parallel_loop3A_567 = tpu.vector_load %arg6[%parallel_loop3A_564, %parallel_loop3A_565, %parallel_loop3A_566] {strides = array<i32>} : memref<16x2x128xi32, #tpu.memory_space<vmem>>, vector<16xi32>,
        %parallel_loop3A_568 = tpu.vector_load_idx %arg14[%parallel_loop3A_567] : memref<100000xf32, #tpu.memory_space<vmem>>[vector<16xi32>], vector<16xf32>,
        %parallel_loop3A_569 = arith.index_cast %parallel_loop3A_562 : i32 to index
        %parallel_loop3A_570 = tpu.vector_load %arg8[%parallel_loop3A_569] {strides = array<i32>} : memref<2048xf32, #tpu.memory_space<vmem>>, vector<16xf32>,
        %parallel_loop3A_571 = arith.mulf %parallel_loop3A_570, %parallel_loop3A_568 : vector<16xf32>
        %parallel_loop3A_572 = arith.index_cast %parallel_loop3A_562 : i32 to index
        %parallel_loop3A_573 = tpu.vector_load %arg10[%parallel_loop3A_572] {strides = array<i32>} : memref<2048xf32, #tpu.memory_space<vmem>>, vector<16xf32>,
        tpu.vector_store %arg10[%parallel_loop3A_572], %parallel_loop3A_571 {strides = array<i32>} : memref<2048xf32, #tpu.memory_space<vmem>>, vector<16xf32>,
        %parallel_loop3A_574 = arith.constant 0 : i32
        %parallel_loop3A_575 = arith.index_cast %parallel_loop3A_465 : i32 to index
        %parallel_loop3A_576 = arith.index_cast %parallel_loop3A_574 : i32 to index
        %parallel_loop3A_577 = arith.constant 64 : index
        %parallel_loop3A_578 = tpu.vector_load %arg6[%parallel_loop3A_575, %parallel_loop3A_576, %parallel_loop3A_577] {strides = array<i32>} : memref<16x2x128xi32, #tpu.memory_space<vmem>>, vector<16xi32>,
        %parallel_loop3A_579 = arith.index_cast %parallel_loop3A_562 : i32 to index
        %parallel_loop3A_580 = tpu.vector_load %arg12[%parallel_loop3A_579] {strides = array<i32>} : memref<2048xi32, #tpu.memory_space<vmem>>, vector<16xi32>,
        tpu.vector_store %arg12[%parallel_loop3A_579], %parallel_loop3A_578 {strides = array<i32>} : memref<2048xi32, #tpu.memory_space<vmem>>, vector<16xi32>,
        %parallel_loop3A_581 = arith.constant 128 : i32
        %parallel_loop3A_582 = arith.muli %parallel_loop3A_465, %parallel_loop3A_581 : i32
        %parallel_loop3A_583 = arith.constant 80 : i32
        %parallel_loop3A_584 = arith.addi %parallel_loop3A_582, %parallel_loop3A_583 : i32
        %parallel_loop3A_585 = tpu.assume_multiple %parallel_loop3A_584, 16 : i32
        %parallel_loop3A_586 = arith.constant 1 : i32
        %parallel_loop3A_587 = arith.index_cast %parallel_loop3A_465 : i32 to index
        %parallel_loop3A_588 = arith.index_cast %parallel_loop3A_586 : i32 to index
        %parallel_loop3A_589 = arith.constant 80 : index
        %parallel_loop3A_590 = tpu.vector_load %arg6[%parallel_loop3A_587, %parallel_loop3A_588, %parallel_loop3A_589] {strides = array<i32>} : memref<16x2x128xi32, #tpu.memory_space<vmem>>, vector<16xi32>,
        %parallel_loop3A_591 = tpu.vector_load_idx %arg14[%parallel_loop3A_590] : memref<100000xf32, #tpu.memory_space<vmem>>[vector<16xi32>], vector<16xf32>,
        %parallel_loop3A_592 = arith.index_cast %parallel_loop3A_585 : i32 to index
        %parallel_loop3A_593 = tpu.vector_load %arg8[%parallel_loop3A_592] {strides = array<i32>} : memref<2048xf32, #tpu.memory_space<vmem>>, vector<16xf32>,
        %parallel_loop3A_594 = arith.mulf %parallel_loop3A_593, %parallel_loop3A_591 : vector<16xf32>
        %parallel_loop3A_595 = arith.index_cast %parallel_loop3A_585 : i32 to index
        %parallel_loop3A_596 = tpu.vector_load %arg10[%parallel_loop3A_595] {strides = array<i32>} : memref<2048xf32, #tpu.memory_space<vmem>>, vector<16xf32>,
        tpu.vector_store %arg10[%parallel_loop3A_595], %parallel_loop3A_594 {strides = array<i32>} : memref<2048xf32, #tpu.memory_space<vmem>>, vector<16xf32>,
        %parallel_loop3A_597 = arith.constant 0 : i32
        %parallel_loop3A_598 = arith.index_cast %parallel_loop3A_465 : i32 to index
        %parallel_loop3A_599 = arith.index_cast %parallel_loop3A_597 : i32 to index
        %parallel_loop3A_600 = arith.constant 80 : index
        %parallel_loop3A_601 = tpu.vector_load %arg6[%parallel_loop3A_598, %parallel_loop3A_599, %parallel_loop3A_600] {strides = array<i32>} : memref<16x2x128xi32, #tpu.memory_space<vmem>>, vector<16xi32>,
        %parallel_loop3A_602 = arith.index_cast %parallel_loop3A_585 : i32 to index
        %parallel_loop3A_603 = tpu.vector_load %arg12[%parallel_loop3A_602] {strides = array<i32>} : memref<2048xi32, #tpu.memory_space<vmem>>, vector<16xi32>,
        tpu.vector_store %arg12[%parallel_loop3A_602], %parallel_loop3A_601 {strides = array<i32>} : memref<2048xi32, #tpu.memory_space<vmem>>, vector<16xi32>,
        %parallel_loop3A_604 = arith.constant 128 : i32
        %parallel_loop3A_605 = arith.muli %parallel_loop3A_465, %parallel_loop3A_604 : i32
        %parallel_loop3A_606 = arith.constant 96 : i32
        %parallel_loop3A_607 = arith.addi %parallel_loop3A_605, %parallel_loop3A_606 : i32
        %parallel_loop3A_608 = tpu.assume_multiple %parallel_loop3A_607, 16 : i32
        %parallel_loop3A_609 = arith.constant 1 : i32
        %parallel_loop3A_610 = arith.index_cast %parallel_loop3A_465 : i32 to index
        %parallel_loop3A_611 = arith.index_cast %parallel_loop3A_609 : i32 to index
        %parallel_loop3A_612 = arith.constant 96 : index
        %parallel_loop3A_613 = tpu.vector_load %arg6[%parallel_loop3A_610, %parallel_loop3A_611, %parallel_loop3A_612] {strides = array<i32>} : memref<16x2x128xi32, #tpu.memory_space<vmem>>, vector<16xi32>,
        %parallel_loop3A_614 = tpu.vector_load_idx %arg14[%parallel_loop3A_613] : memref<100000xf32, #tpu.memory_space<vmem>>[vector<16xi32>], vector<16xf32>,
        %parallel_loop3A_615 = arith.index_cast %parallel_loop3A_608 : i32 to index
        %parallel_loop3A_616 = tpu.vector_load %arg8[%parallel_loop3A_615] {strides = array<i32>} : memref<2048xf32, #tpu.memory_space<vmem>>, vector<16xf32>,
        %parallel_loop3A_617 = arith.mulf %parallel_loop3A_616, %parallel_loop3A_614 : vector<16xf32>
        %parallel_loop3A_618 = arith.index_cast %parallel_loop3A_608 : i32 to index
        %parallel_loop3A_619 = tpu.vector_load %arg10[%parallel_loop3A_618] {strides = array<i32>} : memref<2048xf32, #tpu.memory_space<vmem>>, vector<16xf32>,
        tpu.vector_store %arg10[%parallel_loop3A_618], %parallel_loop3A_617 {strides = array<i32>} : memref<2048xf32, #tpu.memory_space<vmem>>, vector<16xf32>,
        %parallel_loop3A_620 = arith.constant 0 : i32
        %parallel_loop3A_621 = arith.index_cast %parallel_loop3A_465 : i32 to index
        %parallel_loop3A_622 = arith.index_cast %parallel_loop3A_620 : i32 to index
        %parallel_loop3A_623 = arith.constant 96 : index
        %parallel_loop3A_624 = tpu.vector_load %arg6[%parallel_loop3A_621, %parallel_loop3A_622, %parallel_loop3A_623] {strides = array<i32>} : memref<16x2x128xi32, #tpu.memory_space<vmem>>, vector<16xi32>,
        %parallel_loop3A_625 = arith.index_cast %parallel_loop3A_608 : i32 to index
        %parallel_loop3A_626 = tpu.vector_load %arg12[%parallel_loop3A_625] {strides = array<i32>} : memref<2048xi32, #tpu.memory_space<vmem>>, vector<16xi32>,
        tpu.vector_store %arg12[%parallel_loop3A_625], %parallel_loop3A_624 {strides = array<i32>} : memref<2048xi32, #tpu.memory_space<vmem>>, vector<16xi32>,
        %parallel_loop3A_627 = arith.constant 128 : i32
        %parallel_loop3A_628 = arith.muli %parallel_loop3A_465, %parallel_loop3A_627 : i32
        %parallel_loop3A_629 = arith.constant 112 : i32
        %parallel_loop3A_630 = arith.addi %parallel_loop3A_628, %parallel_loop3A_629 : i32
        %parallel_loop3A_631 = tpu.assume_multiple %parallel_loop3A_630, 16 : i32
        %parallel_loop3A_632 = arith.constant 1 : i32
        %parallel_loop3A_633 = arith.index_cast %parallel_loop3A_465 : i32 to index
        %parallel_loop3A_634 = arith.index_cast %parallel_loop3A_632 : i32 to index
        %parallel_loop3A_635 = arith.constant 112 : index
        %parallel_loop3A_636 = tpu.vector_load %arg6[%parallel_loop3A_633, %parallel_loop3A_634, %parallel_loop3A_635] {strides = array<i32>} : memref<16x2x128xi32, #tpu.memory_space<vmem>>, vector<16xi32>,
        %parallel_loop3A_637 = tpu.vector_load_idx %arg14[%parallel_loop3A_636] : memref<100000xf32, #tpu.memory_space<vmem>>[vector<16xi32>], vector<16xf32>,
        %parallel_loop3A_638 = arith.index_cast %parallel_loop3A_631 : i32 to index
        %parallel_loop3A_639 = tpu.vector_load %arg8[%parallel_loop3A_638] {strides = array<i32>} : memref<2048xf32, #tpu.memory_space<vmem>>, vector<16xf32>,
        %parallel_loop3A_640 = arith.mulf %parallel_loop3A_639, %parallel_loop3A_637 : vector<16xf32>
        %parallel_loop3A_641 = arith.index_cast %parallel_loop3A_631 : i32 to index
        %parallel_loop3A_642 = tpu.vector_load %arg10[%parallel_loop3A_641] {strides = array<i32>} : memref<2048xf32, #tpu.memory_space<vmem>>, vector<16xf32>,
        tpu.vector_store %arg10[%parallel_loop3A_641], %parallel_loop3A_640 {strides = array<i32>} : memref<2048xf32, #tpu.memory_space<vmem>>, vector<16xf32>,
        %parallel_loop3A_643 = arith.constant 0 : i32
        %parallel_loop3A_644 = arith.index_cast %parallel_loop3A_465 : i32 to index
        %parallel_loop3A_645 = arith.index_cast %parallel_loop3A_643 : i32 to index
        %parallel_loop3A_646 = arith.constant 112 : index
        %parallel_loop3A_647 = tpu.vector_load %arg6[%parallel_loop3A_644, %parallel_loop3A_645, %parallel_loop3A_646] {strides = array<i32>} : memref<16x2x128xi32, #tpu.memory_space<vmem>>, vector<16xi32>,
        %parallel_loop3A_648 = arith.index_cast %parallel_loop3A_631 : i32 to index
        %parallel_loop3A_649 = tpu.vector_load %arg12[%parallel_loop3A_648] {strides = array<i32>} : memref<2048xi32, #tpu.memory_space<vmem>>, vector<16xi32>,
        tpu.vector_store %arg12[%parallel_loop3A_648], %parallel_loop3A_647 {strides = array<i32>} : memref<2048xi32, #tpu.memory_space<vmem>>, vector<16xi32>,
      } {sc.loop_unroll_factor = 4 : i64, sc.parallel_access}
      %dma_start3A_357 = arith.constant 0 : i32
      %dma_start3A_358 = tpu.memref_slice %arg15[%dma_start3A_357] : memref<100096xf32, #tpu.memory_space<vmem_shared>> -> memref<100096xf32, #tpu.memory_space<vmem_shared>>
      tpu.enqueue_indirect_dma source(%arg10 : memref<2048xf32, #tpu.memory_space<vmem>>) target(%dma_start3A_358 : memref<100096xf32, #tpu.memory_space<vmem_shared>>) offsets(%arg12 : memref<2048xi32, #tpu.memory_space<vmem>>) semaphore(%arg18 : memref<!tpu.dma_semaphore, #tpu.memory_space<semaphore_mem>>) {add = true}
      %add3A_359 = arith.constant 2 : i32
      %add3A_360 = arith.addi %add3A_339, %add3A_359 : i32
      %min3A_361 = arith.constant 47 : i32
      %min3A_362 = arith.minsi %add3A_360, %min3A_361 : i32
      %mul3A_363 = arith.constant 32 : i32
      %mul3A_364 = arith.muli %min3A_362, %mul3A_363 : i32
      %add3A_365 = arith.addi %mul3A_364, %add3A : i32
      %mul3A_366 = arith.constant 2048 : i32
      %mul3A_367 = arith.muli %add3A_365, %mul3A_366 : i32
      %jit3A_368 = arith.constant 128 : i32
      %div3A_369 = arith.divsi %mul3A_367, %jit3A_368 : i32
      %sign3A_370 = arith.constant 0 : i32
      %sign3A_371 = arith.cmpi sgt, %mul3A_367, %sign3A_370 : i32
      %sign3A_372 = arith.extui %sign3A_371 : i1 to i32
      %sign3A_373 = arith.constant 0 : i32
      %sign3A_374 = arith.cmpi slt, %mul3A_367, %sign3A_373 : i32
      %sign3A_375 = arith.extui %sign3A_374 : i1 to i32
      %sign3A_376 = arith.subi %sign3A_372, %sign3A_375 : i32
      %sign3A_377 = arith.constant 0 : i32
      %sign3A_378 = arith.cmpi sgt, %jit3A_368, %sign3A_377 : i32
      %sign3A_379 = arith.extui %sign3A_378 : i1 to i32
      %sign3A_380 = arith.constant 0 : i32
      %sign3A_381 = arith.cmpi slt, %jit3A_368, %sign3A_380 : i32
      %sign3A_382 = arith.extui %sign3A_381 : i1 to i32
      %sign3A_383 = arith.subi %sign3A_379, %sign3A_382 : i32
      %ne3A_384 = arith.cmpi ne, %sign3A_376, %sign3A_383 : i32
      %rem3A_385 = arith.remsi %mul3A_367, %jit3A_368 : i32
      %ne3A_386 = arith.constant 0 : i32
      %ne3A_387 = arith.cmpi ne, %rem3A_385, %ne3A_386 : i32
      %and3A_388 = arith.andi %ne3A_384, %ne3A_387 : i1
      %sub3A_389 = arith.constant 1 : i32
      %sub3A_390 = arith.subi %div3A_369, %sub3A_389 : i32
      %select_n3A_391 = arith.select %and3A_388, %sub3A_390, %div3A_369 : i32
      %dma_start3A_392 = arith.constant 0 : i32
      %dma_start3A_393 = arith.constant 0 : i32
      %dma_start3A_394 = tpu.memref_slice %arg3[%select_n3A_391, %dma_start3A_392, %dma_start3A_393] : memref<25000x2x128xi32, #tpu.memory_space<hbm>> -> memref<16x2x128xi32, #tpu.memory_space<hbm>>
      %dma_start3A_395 = arith.constant 0 : i32
      %dma_start3A_396 = arith.constant 0 : i32
      %dma_start3A_397 = tpu.memref_slice %arg3[%select_n3A_391, %dma_start3A_395, %dma_start3A_396] : memref<25000x2x128xi32, #tpu.memory_space<hbm>> -> memref<16x2x128xi32, #tpu.memory_space<hbm>>
      tpu.enqueue_dma source(%dma_start3A_397 : memref<16x2x128xi32, #tpu.memory_space<hbm>>) target(%arg6 : memref<16x2x128xi32, #tpu.memory_space<vmem>>) target_semaphore(%arg16 : memref<!tpu.dma_semaphore, #tpu.memory_space<semaphore_mem>>)
      %dma_start3A_398 = tpu.memref_slice %arg4[%mul3A_367] : memref<3200000xf32, #tpu.memory_space<hbm>> -> memref<2048xf32, #tpu.memory_space<hbm>>
      %dma_start3A_399 = tpu.memref_slice %arg4[%mul3A_367] : memref<3200000xf32, #tpu.memory_space<hbm>> -> memref<2048xf32, #tpu.memory_space<hbm>>
      tpu.enqueue_dma source(%dma_start3A_399 : memref<2048xf32, #tpu.memory_space<hbm>>) target(%arg8 : memref<2048xf32, #tpu.memory_space<vmem>>) target_semaphore(%arg16 : memref<!tpu.dma_semaphore, #tpu.memory_space<semaphore_mem>>)
      %mul3A_400 = arith.constant 2 : i32
      %mul3A_401 = arith.muli %scan3A_334, %mul3A_400 : i32
      %add3A_402 = arith.constant 1 : i32
      %add3A_403 = arith.addi %mul3A_401, %add3A_402 : i32
      %dma_wait3A_404 = arith.constant 0 : i32
      %dma_wait3A_405 = arith.constant 0 : i32
      %dma_wait3A_406 = arith.constant 0 : i32
      %dma_wait3A_407 = tpu.memref_slice %arg3[%dma_wait3A_404, %dma_wait3A_405, %dma_wait3A_406] : memref<25000x2x128xi32, #tpu.memory_space<hbm>> -> memref<16x2x128xi32, #tpu.memory_space<hbm>>
      %dma_wait3A_408 = arith.constant 0 : i32
      %dma_wait3A_409 = arith.constant 0 : i32
      %dma_wait3A_410 = arith.constant 0 : i32
      %dma_wait3A_411 = tpu.memref_slice %arg3[%dma_wait3A_408, %dma_wait3A_409, %dma_wait3A_410] : memref<25000x2x128xi32, #tpu.memory_space<hbm>> -> memref<16x2x128xi32, #tpu.memory_space<hbm>>
      tpu.wait_dma2 semaphore(%arg17 : memref<!tpu.dma_semaphore, #tpu.memory_space<semaphore_mem>>) src(%dma_wait3A_411 : memref<16x2x128xi32, #tpu.memory_space<hbm>>) dst(%arg7 : memref<16x2x128xi32, #tpu.memory_space<vmem>>)
      %dma_wait3A_412 = arith.constant 0 : i32
      %dma_wait3A_413 = tpu.memref_slice %arg4[%dma_wait3A_412] : memref<3200000xf32, #tpu.memory_space<hbm>> -> memref<2048xf32, #tpu.memory_space<hbm>>
      %dma_wait3A_414 = arith.constant 0 : i32
      %dma_wait3A_415 = tpu.memref_slice %arg4[%dma_wait3A_414] : memref<3200000xf32, #tpu.memory_space<hbm>> -> memref<2048xf32, #tpu.memory_space<hbm>>
      tpu.wait_dma2 semaphore(%arg17 : memref<!tpu.dma_semaphore, #tpu.memory_space<semaphore_mem>>) src(%dma_wait3A_415 : memref<2048xf32, #tpu.memory_space<hbm>>) dst(%arg9 : memref<2048xf32, #tpu.memory_space<vmem>>)
      %dma_wait3A_416 = arith.constant 0 : i32
      %dma_wait3A_417 = tpu.memref_slice %arg15[%dma_wait3A_416] : memref<100096xf32, #tpu.memory_space<vmem_shared>> -> memref<100096xf32, #tpu.memory_space<vmem_shared>>
      tpu.wait_indirect_dma semaphore(%arg19 : memref<!tpu.dma_semaphore, #tpu.memory_space<semaphore_mem>>) src(%arg11 : memref<2048xf32, #tpu.memory_space<vmem>>) dst(%dma_wait3A_417 : memref<100096xf32, #tpu.memory_space<vmem_shared>>)
      %parallel_loop3A_418 = arith.constant 0 : i32
      %parallel_loop3A_419 = arith.constant 16 : i32
      %parallel_loop3A_420 = arith.constant 1 : i32
      scf.for %parallel_loop3A_465 = %parallel_loop3A_418 to %parallel_loop3A_419 step %parallel_loop3A_420  : i32 {
        %parallel_loop3A_466 = arith.constant 128 : i32
        %parallel_loop3A_467 = arith.muli %parallel_loop3A_465, %parallel_loop3A_466 : i32
        %parallel_loop3A_468 = arith.constant 0 : i32
        %parallel_loop3A_469 = arith.addi %parallel_loop3A_467, %parallel_loop3A_468 : i32
        %parallel_loop3A_470 = tpu.assume_multiple %parallel_loop3A_469, 16 : i32
        %parallel_loop3A_471 = arith.constant 1 : i32
        %parallel_loop3A_472 = arith.index_cast %parallel_loop3A_465 : i32 to index
        %parallel_loop3A_473 = arith.index_cast %parallel_loop3A_471 : i32 to index
        %parallel_loop3A_474 = arith.constant 0 : index
        %parallel_loop3A_475 = tpu.vector_load %arg7[%parallel_loop3A_472, %parallel_loop3A_473, %parallel_loop3A_474] {strides = array<i32>} : memref<16x2x128xi32, #tpu.memory_space<vmem>>, vector<16xi32>,
        %parallel_loop3A_476 = tpu.vector_load_idx %arg14[%parallel_loop3A_475] : memref<100000xf32, #tpu.memory_space<vmem>>[vector<16xi32>], vector<16xf32>,
        %parallel_loop3A_477 = arith.index_cast %parallel_loop3A_470 : i32 to index
        %parallel_loop3A_478 = tpu.vector_load %arg9[%parallel_loop3A_477] {strides = array<i32>} : memref<2048xf32, #tpu.memory_space<vmem>>, vector<16xf32>,
        %parallel_loop3A_479 = arith.mulf %parallel_loop3A_478, %parallel_loop3A_476 : vector<16xf32>
        %parallel_loop3A_480 = arith.index_cast %parallel_loop3A_470 : i32 to index
        %parallel_loop3A_481 = tpu.vector_load %arg11[%parallel_loop3A_480] {strides = array<i32>} : memref<2048xf32, #tpu.memory_space<vmem>>, vector<16xf32>,
        tpu.vector_store %arg11[%parallel_loop3A_480], %parallel_loop3A_479 {strides = array<i32>} : memref<2048xf32, #tpu.memory_space<vmem>>, vector<16xf32>,
        %parallel_loop3A_482 = arith.constant 0 : i32
        %parallel_loop3A_483 = arith.index_cast %parallel_loop3A_465 : i32 to index
        %parallel_loop3A_484 = arith.index_cast %parallel_loop3A_482 : i32 to index
        %parallel_loop3A_485 = arith.constant 0 : index
        %parallel_loop3A_486 = tpu.vector_load %arg7[%parallel_loop3A_483, %parallel_loop3A_484, %parallel_loop3A_485] {strides = array<i32>} : memref<16x2x128xi32, #tpu.memory_space<vmem>>, vector<16xi32>,
        %parallel_loop3A_487 = arith.index_cast %parallel_loop3A_470 : i32 to index
        %parallel_loop3A_488 = tpu.vector_load %arg13[%parallel_loop3A_487] {strides = array<i32>} : memref<2048xi32, #tpu.memory_space<vmem>>, vector<16xi32>,
        tpu.vector_store %arg13[%parallel_loop3A_487], %parallel_loop3A_486 {strides = array<i32>} : memref<2048xi32, #tpu.memory_space<vmem>>, vector<16xi32>,
        %parallel_loop3A_489 = arith.constant 128 : i32
        %parallel_loop3A_490 = arith.muli %parallel_loop3A_465, %parallel_loop3A_489 : i32
        %parallel_loop3A_491 = arith.constant 16 : i32
        %parallel_loop3A_492 = arith.addi %parallel_loop3A_490, %parallel_loop3A_491 : i32
        %parallel_loop3A_493 = tpu.assume_multiple %parallel_loop3A_492, 16 : i32
        %parallel_loop3A_494 = arith.constant 1 : i32
        %parallel_loop3A_495 = arith.index_cast %parallel_loop3A_465 : i32 to index
        %parallel_loop3A_496 = arith.index_cast %parallel_loop3A_494 : i32 to index
        %parallel_loop3A_497 = arith.constant 16 : index
        %parallel_loop3A_498 = tpu.vector_load %arg7[%parallel_loop3A_495, %parallel_loop3A_496, %parallel_loop3A_497] {strides = array<i32>} : memref<16x2x128xi32, #tpu.memory_space<vmem>>, vector<16xi32>,
        %parallel_loop3A_499 = tpu.vector_load_idx %arg14[%parallel_loop3A_498] : memref<100000xf32, #tpu.memory_space<vmem>>[vector<16xi32>], vector<16xf32>,
        %parallel_loop3A_500 = arith.index_cast %parallel_loop3A_493 : i32 to index
        %parallel_loop3A_501 = tpu.vector_load %arg9[%parallel_loop3A_500] {strides = array<i32>} : memref<2048xf32, #tpu.memory_space<vmem>>, vector<16xf32>,
        %parallel_loop3A_502 = arith.mulf %parallel_loop3A_501, %parallel_loop3A_499 : vector<16xf32>
        %parallel_loop3A_503 = arith.index_cast %parallel_loop3A_493 : i32 to index
        %parallel_loop3A_504 = tpu.vector_load %arg11[%parallel_loop3A_503] {strides = array<i32>} : memref<2048xf32, #tpu.memory_space<vmem>>, vector<16xf32>,
        tpu.vector_store %arg11[%parallel_loop3A_503], %parallel_loop3A_502 {strides = array<i32>} : memref<2048xf32, #tpu.memory_space<vmem>>, vector<16xf32>,
        %parallel_loop3A_505 = arith.constant 0 : i32
        %parallel_loop3A_506 = arith.index_cast %parallel_loop3A_465 : i32 to index
        %parallel_loop3A_507 = arith.index_cast %parallel_loop3A_505 : i32 to index
        %parallel_loop3A_508 = arith.constant 16 : index
        %parallel_loop3A_509 = tpu.vector_load %arg7[%parallel_loop3A_506, %parallel_loop3A_507, %parallel_loop3A_508] {strides = array<i32>} : memref<16x2x128xi32, #tpu.memory_space<vmem>>, vector<16xi32>,
        %parallel_loop3A_510 = arith.index_cast %parallel_loop3A_493 : i32 to index
        %parallel_loop3A_511 = tpu.vector_load %arg13[%parallel_loop3A_510] {strides = array<i32>} : memref<2048xi32, #tpu.memory_space<vmem>>, vector<16xi32>,
        tpu.vector_store %arg13[%parallel_loop3A_510], %parallel_loop3A_509 {strides = array<i32>} : memref<2048xi32, #tpu.memory_space<vmem>>, vector<16xi32>,
        %parallel_loop3A_512 = arith.constant 128 : i32
        %parallel_loop3A_513 = arith.muli %parallel_loop3A_465, %parallel_loop3A_512 : i32
        %parallel_loop3A_514 = arith.constant 32 : i32
        %parallel_loop3A_515 = arith.addi %parallel_loop3A_513, %parallel_loop3A_514 : i32
        %parallel_loop3A_516 = tpu.assume_multiple %parallel_loop3A_515, 16 : i32
        %parallel_loop3A_517 = arith.constant 1 : i32
        %parallel_loop3A_518 = arith.index_cast %parallel_loop3A_465 : i32 to index
        %parallel_loop3A_519 = arith.index_cast %parallel_loop3A_517 : i32 to index
        %parallel_loop3A_520 = arith.constant 32 : index
        %parallel_loop3A_521 = tpu.vector_load %arg7[%parallel_loop3A_518, %parallel_loop3A_519, %parallel_loop3A_520] {strides = array<i32>} : memref<16x2x128xi32, #tpu.memory_space<vmem>>, vector<16xi32>,
        %parallel_loop3A_522 = tpu.vector_load_idx %arg14[%parallel_loop3A_521] : memref<100000xf32, #tpu.memory_space<vmem>>[vector<16xi32>], vector<16xf32>,
        %parallel_loop3A_523 = arith.index_cast %parallel_loop3A_516 : i32 to index
        %parallel_loop3A_524 = tpu.vector_load %arg9[%parallel_loop3A_523] {strides = array<i32>} : memref<2048xf32, #tpu.memory_space<vmem>>, vector<16xf32>,
        %parallel_loop3A_525 = arith.mulf %parallel_loop3A_524, %parallel_loop3A_522 : vector<16xf32>
        %parallel_loop3A_526 = arith.index_cast %parallel_loop3A_516 : i32 to index
        %parallel_loop3A_527 = tpu.vector_load %arg11[%parallel_loop3A_526] {strides = array<i32>} : memref<2048xf32, #tpu.memory_space<vmem>>, vector<16xf32>,
        tpu.vector_store %arg11[%parallel_loop3A_526], %parallel_loop3A_525 {strides = array<i32>} : memref<2048xf32, #tpu.memory_space<vmem>>, vector<16xf32>,
        %parallel_loop3A_528 = arith.constant 0 : i32
        %parallel_loop3A_529 = arith.index_cast %parallel_loop3A_465 : i32 to index
        %parallel_loop3A_530 = arith.index_cast %parallel_loop3A_528 : i32 to index
        %parallel_loop3A_531 = arith.constant 32 : index
        %parallel_loop3A_532 = tpu.vector_load %arg7[%parallel_loop3A_529, %parallel_loop3A_530, %parallel_loop3A_531] {strides = array<i32>} : memref<16x2x128xi32, #tpu.memory_space<vmem>>, vector<16xi32>,
        %parallel_loop3A_533 = arith.index_cast %parallel_loop3A_516 : i32 to index
        %parallel_loop3A_534 = tpu.vector_load %arg13[%parallel_loop3A_533] {strides = array<i32>} : memref<2048xi32, #tpu.memory_space<vmem>>, vector<16xi32>,
        tpu.vector_store %arg13[%parallel_loop3A_533], %parallel_loop3A_532 {strides = array<i32>} : memref<2048xi32, #tpu.memory_space<vmem>>, vector<16xi32>,
        %parallel_loop3A_535 = arith.constant 128 : i32
        %parallel_loop3A_536 = arith.muli %parallel_loop3A_465, %parallel_loop3A_535 : i32
        %parallel_loop3A_537 = arith.constant 48 : i32
        %parallel_loop3A_538 = arith.addi %parallel_loop3A_536, %parallel_loop3A_537 : i32
        %parallel_loop3A_539 = tpu.assume_multiple %parallel_loop3A_538, 16 : i32
        %parallel_loop3A_540 = arith.constant 1 : i32
        %parallel_loop3A_541 = arith.index_cast %parallel_loop3A_465 : i32 to index
        %parallel_loop3A_542 = arith.index_cast %parallel_loop3A_540 : i32 to index
        %parallel_loop3A_543 = arith.constant 48 : index
        %parallel_loop3A_544 = tpu.vector_load %arg7[%parallel_loop3A_541, %parallel_loop3A_542, %parallel_loop3A_543] {strides = array<i32>} : memref<16x2x128xi32, #tpu.memory_space<vmem>>, vector<16xi32>,
        %parallel_loop3A_545 = tpu.vector_load_idx %arg14[%parallel_loop3A_544] : memref<100000xf32, #tpu.memory_space<vmem>>[vector<16xi32>], vector<16xf32>,
        %parallel_loop3A_546 = arith.index_cast %parallel_loop3A_539 : i32 to index
        %parallel_loop3A_547 = tpu.vector_load %arg9[%parallel_loop3A_546] {strides = array<i32>} : memref<2048xf32, #tpu.memory_space<vmem>>, vector<16xf32>,
        %parallel_loop3A_548 = arith.mulf %parallel_loop3A_547, %parallel_loop3A_545 : vector<16xf32>
        %parallel_loop3A_549 = arith.index_cast %parallel_loop3A_539 : i32 to index
        %parallel_loop3A_550 = tpu.vector_load %arg11[%parallel_loop3A_549] {strides = array<i32>} : memref<2048xf32, #tpu.memory_space<vmem>>, vector<16xf32>,
        tpu.vector_store %arg11[%parallel_loop3A_549], %parallel_loop3A_548 {strides = array<i32>} : memref<2048xf32, #tpu.memory_space<vmem>>, vector<16xf32>,
        %parallel_loop3A_551 = arith.constant 0 : i32
        %parallel_loop3A_552 = arith.index_cast %parallel_loop3A_465 : i32 to index
        %parallel_loop3A_553 = arith.index_cast %parallel_loop3A_551 : i32 to index
        %parallel_loop3A_554 = arith.constant 48 : index
        %parallel_loop3A_555 = tpu.vector_load %arg7[%parallel_loop3A_552, %parallel_loop3A_553, %parallel_loop3A_554] {strides = array<i32>} : memref<16x2x128xi32, #tpu.memory_space<vmem>>, vector<16xi32>,
        %parallel_loop3A_556 = arith.index_cast %parallel_loop3A_539 : i32 to index
        %parallel_loop3A_557 = tpu.vector_load %arg13[%parallel_loop3A_556] {strides = array<i32>} : memref<2048xi32, #tpu.memory_space<vmem>>, vector<16xi32>,
        tpu.vector_store %arg13[%parallel_loop3A_556], %parallel_loop3A_555 {strides = array<i32>} : memref<2048xi32, #tpu.memory_space<vmem>>, vector<16xi32>,
        %parallel_loop3A_558 = arith.constant 128 : i32
        %parallel_loop3A_559 = arith.muli %parallel_loop3A_465, %parallel_loop3A_558 : i32
        %parallel_loop3A_560 = arith.constant 64 : i32
        %parallel_loop3A_561 = arith.addi %parallel_loop3A_559, %parallel_loop3A_560 : i32
        %parallel_loop3A_562 = tpu.assume_multiple %parallel_loop3A_561, 16 : i32
        %parallel_loop3A_563 = arith.constant 1 : i32
        %parallel_loop3A_564 = arith.index_cast %parallel_loop3A_465 : i32 to index
        %parallel_loop3A_565 = arith.index_cast %parallel_loop3A_563 : i32 to index
        %parallel_loop3A_566 = arith.constant 64 : index
        %parallel_loop3A_567 = tpu.vector_load %arg7[%parallel_loop3A_564, %parallel_loop3A_565, %parallel_loop3A_566] {strides = array<i32>} : memref<16x2x128xi32, #tpu.memory_space<vmem>>, vector<16xi32>,
        %parallel_loop3A_568 = tpu.vector_load_idx %arg14[%parallel_loop3A_567] : memref<100000xf32, #tpu.memory_space<vmem>>[vector<16xi32>], vector<16xf32>,
        %parallel_loop3A_569 = arith.index_cast %parallel_loop3A_562 : i32 to index
        %parallel_loop3A_570 = tpu.vector_load %arg9[%parallel_loop3A_569] {strides = array<i32>} : memref<2048xf32, #tpu.memory_space<vmem>>, vector<16xf32>,
        %parallel_loop3A_571 = arith.mulf %parallel_loop3A_570, %parallel_loop3A_568 : vector<16xf32>
        %parallel_loop3A_572 = arith.index_cast %parallel_loop3A_562 : i32 to index
        %parallel_loop3A_573 = tpu.vector_load %arg11[%parallel_loop3A_572] {strides = array<i32>} : memref<2048xf32, #tpu.memory_space<vmem>>, vector<16xf32>,
        tpu.vector_store %arg11[%parallel_loop3A_572], %parallel_loop3A_571 {strides = array<i32>} : memref<2048xf32, #tpu.memory_space<vmem>>, vector<16xf32>,
        %parallel_loop3A_574 = arith.constant 0 : i32
        %parallel_loop3A_575 = arith.index_cast %parallel_loop3A_465 : i32 to index
        %parallel_loop3A_576 = arith.index_cast %parallel_loop3A_574 : i32 to index
        %parallel_loop3A_577 = arith.constant 64 : index
        %parallel_loop3A_578 = tpu.vector_load %arg7[%parallel_loop3A_575, %parallel_loop3A_576, %parallel_loop3A_577] {strides = array<i32>} : memref<16x2x128xi32, #tpu.memory_space<vmem>>, vector<16xi32>,
        %parallel_loop3A_579 = arith.index_cast %parallel_loop3A_562 : i32 to index
        %parallel_loop3A_580 = tpu.vector_load %arg13[%parallel_loop3A_579] {strides = array<i32>} : memref<2048xi32, #tpu.memory_space<vmem>>, vector<16xi32>,
        tpu.vector_store %arg13[%parallel_loop3A_579], %parallel_loop3A_578 {strides = array<i32>} : memref<2048xi32, #tpu.memory_space<vmem>>, vector<16xi32>,
        %parallel_loop3A_581 = arith.constant 128 : i32
        %parallel_loop3A_582 = arith.muli %parallel_loop3A_465, %parallel_loop3A_581 : i32
        %parallel_loop3A_583 = arith.constant 80 : i32
        %parallel_loop3A_584 = arith.addi %parallel_loop3A_582, %parallel_loop3A_583 : i32
        %parallel_loop3A_585 = tpu.assume_multiple %parallel_loop3A_584, 16 : i32
        %parallel_loop3A_586 = arith.constant 1 : i32
        %parallel_loop3A_587 = arith.index_cast %parallel_loop3A_465 : i32 to index
        %parallel_loop3A_588 = arith.index_cast %parallel_loop3A_586 : i32 to index
        %parallel_loop3A_589 = arith.constant 80 : index
        %parallel_loop3A_590 = tpu.vector_load %arg7[%parallel_loop3A_587, %parallel_loop3A_588, %parallel_loop3A_589] {strides = array<i32>} : memref<16x2x128xi32, #tpu.memory_space<vmem>>, vector<16xi32>,
        %parallel_loop3A_591 = tpu.vector_load_idx %arg14[%parallel_loop3A_590] : memref<100000xf32, #tpu.memory_space<vmem>>[vector<16xi32>], vector<16xf32>,
        %parallel_loop3A_592 = arith.index_cast %parallel_loop3A_585 : i32 to index
        %parallel_loop3A_593 = tpu.vector_load %arg9[%parallel_loop3A_592] {strides = array<i32>} : memref<2048xf32, #tpu.memory_space<vmem>>, vector<16xf32>,
        %parallel_loop3A_594 = arith.mulf %parallel_loop3A_593, %parallel_loop3A_591 : vector<16xf32>
        %parallel_loop3A_595 = arith.index_cast %parallel_loop3A_585 : i32 to index
        %parallel_loop3A_596 = tpu.vector_load %arg11[%parallel_loop3A_595] {strides = array<i32>} : memref<2048xf32, #tpu.memory_space<vmem>>, vector<16xf32>,
        tpu.vector_store %arg11[%parallel_loop3A_595], %parallel_loop3A_594 {strides = array<i32>} : memref<2048xf32, #tpu.memory_space<vmem>>, vector<16xf32>,
        %parallel_loop3A_597 = arith.constant 0 : i32
        %parallel_loop3A_598 = arith.index_cast %parallel_loop3A_465 : i32 to index
        %parallel_loop3A_599 = arith.index_cast %parallel_loop3A_597 : i32 to index
        %parallel_loop3A_600 = arith.constant 80 : index
        %parallel_loop3A_601 = tpu.vector_load %arg7[%parallel_loop3A_598, %parallel_loop3A_599, %parallel_loop3A_600] {strides = array<i32>} : memref<16x2x128xi32, #tpu.memory_space<vmem>>, vector<16xi32>,
        %parallel_loop3A_602 = arith.index_cast %parallel_loop3A_585 : i32 to index
        %parallel_loop3A_603 = tpu.vector_load %arg13[%parallel_loop3A_602] {strides = array<i32>} : memref<2048xi32, #tpu.memory_space<vmem>>, vector<16xi32>,
        tpu.vector_store %arg13[%parallel_loop3A_602], %parallel_loop3A_601 {strides = array<i32>} : memref<2048xi32, #tpu.memory_space<vmem>>, vector<16xi32>,
        %parallel_loop3A_604 = arith.constant 128 : i32
        %parallel_loop3A_605 = arith.muli %parallel_loop3A_465, %parallel_loop3A_604 : i32
        %parallel_loop3A_606 = arith.constant 96 : i32
        %parallel_loop3A_607 = arith.addi %parallel_loop3A_605, %parallel_loop3A_606 : i32
        %parallel_loop3A_608 = tpu.assume_multiple %parallel_loop3A_607, 16 : i32
        %parallel_loop3A_609 = arith.constant 1 : i32
        %parallel_loop3A_610 = arith.index_cast %parallel_loop3A_465 : i32 to index
        %parallel_loop3A_611 = arith.index_cast %parallel_loop3A_609 : i32 to index
        %parallel_loop3A_612 = arith.constant 96 : index
        %parallel_loop3A_613 = tpu.vector_load %arg7[%parallel_loop3A_610, %parallel_loop3A_611, %parallel_loop3A_612] {strides = array<i32>} : memref<16x2x128xi32, #tpu.memory_space<vmem>>, vector<16xi32>,
        %parallel_loop3A_614 = tpu.vector_load_idx %arg14[%parallel_loop3A_613] : memref<100000xf32, #tpu.memory_space<vmem>>[vector<16xi32>], vector<16xf32>,
        %parallel_loop3A_615 = arith.index_cast %parallel_loop3A_608 : i32 to index
        %parallel_loop3A_616 = tpu.vector_load %arg9[%parallel_loop3A_615] {strides = array<i32>} : memref<2048xf32, #tpu.memory_space<vmem>>, vector<16xf32>,
        %parallel_loop3A_617 = arith.mulf %parallel_loop3A_616, %parallel_loop3A_614 : vector<16xf32>
        %parallel_loop3A_618 = arith.index_cast %parallel_loop3A_608 : i32 to index
        %parallel_loop3A_619 = tpu.vector_load %arg11[%parallel_loop3A_618] {strides = array<i32>} : memref<2048xf32, #tpu.memory_space<vmem>>, vector<16xf32>,
        tpu.vector_store %arg11[%parallel_loop3A_618], %parallel_loop3A_617 {strides = array<i32>} : memref<2048xf32, #tpu.memory_space<vmem>>, vector<16xf32>,
        %parallel_loop3A_620 = arith.constant 0 : i32
        %parallel_loop3A_621 = arith.index_cast %parallel_loop3A_465 : i32 to index
        %parallel_loop3A_622 = arith.index_cast %parallel_loop3A_620 : i32 to index
        %parallel_loop3A_623 = arith.constant 96 : index
        %parallel_loop3A_624 = tpu.vector_load %arg7[%parallel_loop3A_621, %parallel_loop3A_622, %parallel_loop3A_623] {strides = array<i32>} : memref<16x2x128xi32, #tpu.memory_space<vmem>>, vector<16xi32>,
        %parallel_loop3A_625 = arith.index_cast %parallel_loop3A_608 : i32 to index
        %parallel_loop3A_626 = tpu.vector_load %arg13[%parallel_loop3A_625] {strides = array<i32>} : memref<2048xi32, #tpu.memory_space<vmem>>, vector<16xi32>,
        tpu.vector_store %arg13[%parallel_loop3A_625], %parallel_loop3A_624 {strides = array<i32>} : memref<2048xi32, #tpu.memory_space<vmem>>, vector<16xi32>,
        %parallel_loop3A_627 = arith.constant 128 : i32
        %parallel_loop3A_628 = arith.muli %parallel_loop3A_465, %parallel_loop3A_627 : i32
        %parallel_loop3A_629 = arith.constant 112 : i32
        %parallel_loop3A_630 = arith.addi %parallel_loop3A_628, %parallel_loop3A_629 : i32
        %parallel_loop3A_631 = tpu.assume_multiple %parallel_loop3A_630, 16 : i32
        %parallel_loop3A_632 = arith.constant 1 : i32
        %parallel_loop3A_633 = arith.index_cast %parallel_loop3A_465 : i32 to index
        %parallel_loop3A_634 = arith.index_cast %parallel_loop3A_632 : i32 to index
        %parallel_loop3A_635 = arith.constant 112 : index
        %parallel_loop3A_636 = tpu.vector_load %arg7[%parallel_loop3A_633, %parallel_loop3A_634, %parallel_loop3A_635] {strides = array<i32>} : memref<16x2x128xi32, #tpu.memory_space<vmem>>, vector<16xi32>,
        %parallel_loop3A_637 = tpu.vector_load_idx %arg14[%parallel_loop3A_636] : memref<100000xf32, #tpu.memory_space<vmem>>[vector<16xi32>], vector<16xf32>,
        %parallel_loop3A_638 = arith.index_cast %parallel_loop3A_631 : i32 to index
        %parallel_loop3A_639 = tpu.vector_load %arg9[%parallel_loop3A_638] {strides = array<i32>} : memref<2048xf32, #tpu.memory_space<vmem>>, vector<16xf32>,
        %parallel_loop3A_640 = arith.mulf %parallel_loop3A_639, %parallel_loop3A_637 : vector<16xf32>
        %parallel_loop3A_641 = arith.index_cast %parallel_loop3A_631 : i32 to index
        %parallel_loop3A_642 = tpu.vector_load %arg11[%parallel_loop3A_641] {strides = array<i32>} : memref<2048xf32, #tpu.memory_space<vmem>>, vector<16xf32>,
        tpu.vector_store %arg11[%parallel_loop3A_641], %parallel_loop3A_640 {strides = array<i32>} : memref<2048xf32, #tpu.memory_space<vmem>>, vector<16xf32>,
        %parallel_loop3A_643 = arith.constant 0 : i32
        %parallel_loop3A_644 = arith.index_cast %parallel_loop3A_465 : i32 to index
        %parallel_loop3A_645 = arith.index_cast %parallel_loop3A_643 : i32 to index
        %parallel_loop3A_646 = arith.constant 112 : index
        %parallel_loop3A_647 = tpu.vector_load %arg7[%parallel_loop3A_644, %parallel_loop3A_645, %parallel_loop3A_646] {strides = array<i32>} : memref<16x2x128xi32, #tpu.memory_space<vmem>>, vector<16xi32>,
        %parallel_loop3A_648 = arith.index_cast %parallel_loop3A_631 : i32 to index
        %parallel_loop3A_649 = tpu.vector_load %arg13[%parallel_loop3A_648] {strides = array<i32>} : memref<2048xi32, #tpu.memory_space<vmem>>, vector<16xi32>,
        tpu.vector_store %arg13[%parallel_loop3A_648], %parallel_loop3A_647 {strides = array<i32>} : memref<2048xi32, #tpu.memory_space<vmem>>, vector<16xi32>,
      } {sc.loop_unroll_factor = 4 : i64, sc.parallel_access}
      %dma_start3A_421 = arith.constant 0 : i32
      %dma_start3A_422 = tpu.memref_slice %arg15[%dma_start3A_421] : memref<100096xf32, #tpu.memory_space<vmem_shared>> -> memref<100096xf32, #tpu.memory_space<vmem_shared>>
      tpu.enqueue_indirect_dma source(%arg11 : memref<2048xf32, #tpu.memory_space<vmem>>) target(%dma_start3A_422 : memref<100096xf32, #tpu.memory_space<vmem_shared>>) offsets(%arg13 : memref<2048xi32, #tpu.memory_space<vmem>>) semaphore(%arg19 : memref<!tpu.dma_semaphore, #tpu.memory_space<semaphore_mem>>) {add = true}
      %add3A_423 = arith.constant 2 : i32
      %add3A_424 = arith.addi %add3A_403, %add3A_423 : i32
      %min3A_425 = arith.constant 47 : i32
      %min3A_426 = arith.minsi %add3A_424, %min3A_425 : i32
      %mul3A_427 = arith.constant 32 : i32
      %mul3A_428 = arith.muli %min3A_426, %mul3A_427 : i32
      %add3A_429 = arith.addi %mul3A_428, %add3A : i32
      %mul3A_430 = arith.constant 2048 : i32
      %mul3A_431 = arith.muli %add3A_429, %mul3A_430 : i32
      %jit3A_432 = arith.constant 128 : i32
      %div3A_433 = arith.divsi %mul3A_431, %jit3A_432 : i32
      %sign3A_434 = arith.constant 0 : i32
      %sign3A_435 = arith.cmpi sgt, %mul3A_431, %sign3A_434 : i32
      %sign3A_436 = arith.extui %sign3A_435 : i1 to i32
      %sign3A_437 = arith.constant 0 : i32
      %sign3A_438 = arith.cmpi slt, %mul3A_431, %sign3A_437 : i32
      %sign3A_439 = arith.extui %sign3A_438 : i1 to i32
      %sign3A_440 = arith.subi %sign3A_436, %sign3A_439 : i32
      %sign3A_441 = arith.constant 0 : i32
      %sign3A_442 = arith.cmpi sgt, %jit3A_432, %sign3A_441 : i32
      %sign3A_443 = arith.extui %sign3A_442 : i1 to i32
      %sign3A_444 = arith.constant 0 : i32
      %sign3A_445 = arith.cmpi slt, %jit3A_432, %sign3A_444 : i32
      %sign3A_446 = arith.extui %sign3A_445 : i1 to i32
      %sign3A_447 = arith.subi %sign3A_443, %sign3A_446 : i32
      %ne3A_448 = arith.cmpi ne, %sign3A_440, %sign3A_447 : i32
      %rem3A_449 = arith.remsi %mul3A_431, %jit3A_432 : i32
      %ne3A_450 = arith.constant 0 : i32
      %ne3A_451 = arith.cmpi ne, %rem3A_449, %ne3A_450 : i32
      %and3A_452 = arith.andi %ne3A_448, %ne3A_451 : i1
      %sub3A_453 = arith.constant 1 : i32
      %sub3A_454 = arith.subi %div3A_433, %sub3A_453 : i32
      %select_n3A_455 = arith.select %and3A_452, %sub3A_454, %div3A_433 : i32
      %dma_start3A_456 = arith.constant 0 : i32
      %dma_start3A_457 = arith.constant 0 : i32
      %dma_start3A_458 = tpu.memref_slice %arg3[%select_n3A_455, %dma_start3A_456, %dma_start3A_457] : memref<25000x2x128xi32, #tpu.memory_space<hbm>> -> memref<16x2x128xi32, #tpu.memory_space<hbm>>
      %dma_start3A_459 = arith.constant 0 : i32
      %dma_start3A_460 = arith.constant 0 : i32
      %dma_start3A_461 = tpu.memref_slice %arg3[%select_n3A_455, %dma_start3A_459, %dma_start3A_460] : memref<25000x2x128xi32, #tpu.memory_space<hbm>> -> memref<16x2x128xi32, #tpu.memory_space<hbm>>
      tpu.enqueue_dma source(%dma_start3A_461 : memref<16x2x128xi32, #tpu.memory_space<hbm>>) target(%arg7 : memref<16x2x128xi32, #tpu.memory_space<vmem>>) target_semaphore(%arg17 : memref<!tpu.dma_semaphore, #tpu.memory_space<semaphore_mem>>)
      %dma_start3A_462 = tpu.memref_slice %arg4[%mul3A_431] : memref<3200000xf32, #tpu.memory_space<hbm>> -> memref<2048xf32, #tpu.memory_space<hbm>>
      %dma_start3A_463 = tpu.memref_slice %arg4[%mul3A_431] : memref<3200000xf32, #tpu.memory_space<hbm>> -> memref<2048xf32, #tpu.memory_space<hbm>>
      tpu.enqueue_dma source(%dma_start3A_463 : memref<2048xf32, #tpu.memory_space<hbm>>) target(%arg9 : memref<2048xf32, #tpu.memory_space<vmem>>) target_semaphore(%arg17 : memref<!tpu.dma_semaphore, #tpu.memory_space<semaphore_mem>>)
      %scan3A_464 = arith.constant 0 : i32
      scf.yield %scan3A_464 : i32
    }
    %scan3A_205 = arith.constant 23 : i32
    %dma_wait3A_206 = arith.constant 0 : i32
    %dma_wait3A_207 = arith.constant 0 : i32
    %dma_wait3A_208 = arith.constant 0 : i32
    %dma_wait3A_209 = tpu.memref_slice %arg3[%dma_wait3A_206, %dma_wait3A_207, %dma_wait3A_208] : memref<25000x2x128xi32, #tpu.memory_space<hbm>> -> memref<16x2x128xi32, #tpu.memory_space<hbm>>
    %dma_wait3A_210 = arith.constant 0 : i32
    %dma_wait3A_211 = arith.constant 0 : i32
    %dma_wait3A_212 = arith.constant 0 : i32
    %dma_wait3A_213 = tpu.memref_slice %arg3[%dma_wait3A_210, %dma_wait3A_211, %dma_wait3A_212] : memref<25000x2x128xi32, #tpu.memory_space<hbm>> -> memref<16x2x128xi32, #tpu.memory_space<hbm>>
    tpu.wait_dma2 semaphore(%arg16 : memref<!tpu.dma_semaphore, #tpu.memory_space<semaphore_mem>>) src(%dma_wait3A_213 : memref<16x2x128xi32, #tpu.memory_space<hbm>>) dst(%arg6 : memref<16x2x128xi32, #tpu.memory_space<vmem>>)
    %dma_wait3A_214 = arith.constant 0 : i32
    %dma_wait3A_215 = tpu.memref_slice %arg4[%dma_wait3A_214] : memref<3200000xf32, #tpu.memory_space<hbm>> -> memref<2048xf32, #tpu.memory_space<hbm>>
    %dma_wait3A_216 = arith.constant 0 : i32
    %dma_wait3A_217 = tpu.memref_slice %arg4[%dma_wait3A_216] : memref<3200000xf32, #tpu.memory_space<hbm>> -> memref<2048xf32, #tpu.memory_space<hbm>>
    tpu.wait_dma2 semaphore(%arg16 : memref<!tpu.dma_semaphore, #tpu.memory_space<semaphore_mem>>) src(%dma_wait3A_217 : memref<2048xf32, #tpu.memory_space<hbm>>) dst(%arg8 : memref<2048xf32, #tpu.memory_space<vmem>>)
    %dma_wait3A_218 = arith.constant 0 : i32
    %dma_wait3A_219 = tpu.memref_slice %arg15[%dma_wait3A_218] : memref<100096xf32, #tpu.memory_space<vmem_shared>> -> memref<100096xf32, #tpu.memory_space<vmem_shared>>
    tpu.wait_indirect_dma semaphore(%arg18 : memref<!tpu.dma_semaphore, #tpu.memory_space<semaphore_mem>>) src(%arg10 : memref<2048xf32, #tpu.memory_space<vmem>>) dst(%dma_wait3A_219 : memref<100096xf32, #tpu.memory_space<vmem_shared>>)
    %dma_wait3A_220 = arith.constant 0 : i32
    %dma_wait3A_221 = arith.constant 0 : i32
    %dma_wait3A_222 = arith.constant 0 : i32
    %dma_wait3A_223 = tpu.memref_slice %arg3[%dma_wait3A_220, %dma_wait3A_221, %dma_wait3A_222] : memref<25000x2x128xi32, #tpu.memory_space<hbm>> -> memref<16x2x128xi32, #tpu.memory_space<hbm>>
    %dma_wait3A_224 = arith.constant 0 : i32
    %dma_wait3A_225 = arith.constant 0 : i32
    %dma_wait3A_226 = arith.constant 0 : i32
    %dma_wait3A_227 = tpu.memref_slice %arg3[%dma_wait3A_224, %dma_wait3A_225, %dma_wait3A_226] : memref<25000x2x128xi32, #tpu.memory_space<hbm>> -> memref<16x2x128xi32, #tpu.memory_space<hbm>>
    tpu.wait_dma2 semaphore(%arg17 : memref<!tpu.dma_semaphore, #tpu.memory_space<semaphore_mem>>) src(%dma_wait3A_227 : memref<16x2x128xi32, #tpu.memory_space<hbm>>) dst(%arg7 : memref<16x2x128xi32, #tpu.memory_space<vmem>>)
    %dma_wait3A_228 = arith.constant 0 : i32
    %dma_wait3A_229 = tpu.memref_slice %arg4[%dma_wait3A_228] : memref<3200000xf32, #tpu.memory_space<hbm>> -> memref<2048xf32, #tpu.memory_space<hbm>>
    %dma_wait3A_230 = arith.constant 0 : i32
    %dma_wait3A_231 = tpu.memref_slice %arg4[%dma_wait3A_230] : memref<3200000xf32, #tpu.memory_space<hbm>> -> memref<2048xf32, #tpu.memory_space<hbm>>
    tpu.wait_dma2 semaphore(%arg17 : memref<!tpu.dma_semaphore, #tpu.memory_space<semaphore_mem>>) src(%dma_wait3A_231 : memref<2048xf32, #tpu.memory_space<hbm>>) dst(%arg9 : memref<2048xf32, #tpu.memory_space<vmem>>)
    %dma_wait3A_232 = arith.constant 0 : i32
    %dma_wait3A_233 = tpu.memref_slice %arg15[%dma_wait3A_232] : memref<100096xf32, #tpu.memory_space<vmem_shared>> -> memref<100096xf32, #tpu.memory_space<vmem_shared>>
    tpu.wait_indirect_dma semaphore(%arg19 : memref<!tpu.dma_semaphore, #tpu.memory_space<semaphore_mem>>) src(%arg11 : memref<2048xf32, #tpu.memory_space<vmem>>) dst(%dma_wait3A_233 : memref<100096xf32, #tpu.memory_space<vmem_shared>>)
    %mul3A_234 = arith.constant 1664 : i32
    %mul3A_235 = arith.muli %add3A, %mul3A_234 : i32
    %add3A_236 = arith.constant 3145728 : i32
    %add3A_237 = arith.addi %add3A_236, %mul3A_235 : i32
    %lt3A = arith.constant 8 : i32
    %lt3A_238 = arith.cmpi slt, %add3A, %lt3A : i32
    %jit3A_239 = arith.constant 0 : i32
    %select_n3A_240 = arith.select %lt3A_238, %add3A, %jit3A_239 : i32
    %mul3A_241 = arith.constant 128 : i32
    %mul3A_242 = arith.muli %select_n3A_240, %mul3A_241 : i32
    %add3A_243 = arith.constant 3198976 : i32
    %add3A_244 = arith.addi %add3A_243, %mul3A_242 : i32
    %jit3A_245 = arith.constant 128 : i32
    %div3A_246 = arith.divsi %add3A_237, %jit3A_245 : i32
    %sign3A_247 = arith.constant 0 : i32
    %sign3A_248 = arith.cmpi sgt, %add3A_237, %sign3A_247 : i32
    %sign3A_249 = arith.extui %sign3A_248 : i1 to i32
    %sign3A_250 = arith.constant 0 : i32
    %sign3A_251 = arith.cmpi slt, %add3A_237, %sign3A_250 : i32
    %sign3A_252 = arith.extui %sign3A_251 : i1 to i32
    %sign3A_253 = arith.subi %sign3A_249, %sign3A_252 : i32
    %sign3A_254 = arith.constant 0 : i32
    %sign3A_255 = arith.cmpi sgt, %jit3A_245, %sign3A_254 : i32
    %sign3A_256 = arith.extui %sign3A_255 : i1 to i32
    %sign3A_257 = arith.constant 0 : i32
    %sign3A_258 = arith.cmpi slt, %jit3A_245, %sign3A_257 : i32
    %sign3A_259 = arith.extui %sign3A_258 : i1 to i32
    %sign3A_260 = arith.subi %sign3A_256, %sign3A_259 : i32
    %ne3A_261 = arith.cmpi ne, %sign3A_253, %sign3A_260 : i32
    %rem3A_262 = arith.remsi %add3A_237, %jit3A_245 : i32
    %ne3A_263 = arith.constant 0 : i32
    %ne3A_264 = arith.cmpi ne, %rem3A_262, %ne3A_263 : i32
    %and3A_265 = arith.andi %ne3A_261, %ne3A_264 : i1
    %sub3A_266 = arith.constant 1 : i32
    %sub3A_267 = arith.subi %div3A_246, %sub3A_266 : i32
    %select_n3A_268 = arith.select %and3A_265, %sub3A_267, %div3A_246 : i32
    "tpu.region"() ({
      %run_scoped3A = tpu.sem_alloc : memref<!tpu.dma_semaphore, #tpu.memory_space<semaphore_mem>>
      %dma_start3A_334 = arith.constant 0 : i32
      %dma_start3A_335 = arith.constant 0 : i32
      %dma_start3A_336 = arith.constant 0 : i32
      %dma_start3A_337 = tpu.memref_slice %arg6[%dma_start3A_334, %dma_start3A_335, %dma_start3A_336] : memref<16x2x128xi32, #tpu.memory_space<vmem>> -> memref<13x2x128xi32, #tpu.memory_space<vmem>>
      %dma_start3A_338 = arith.constant 0 : i32
      %dma_start3A_339 = arith.constant 0 : i32
      %dma_start3A_340 = tpu.memref_slice %arg3[%select_n3A_268, %dma_start3A_338, %dma_start3A_339] : memref<25000x2x128xi32, #tpu.memory_space<hbm>> -> memref<13x2x128xi32, #tpu.memory_space<hbm>>
      %dma_start3A_341 = arith.constant 0 : i32
      %dma_start3A_342 = arith.constant 0 : i32
      %dma_start3A_343 = arith.constant 0 : i32
      %dma_start3A_344 = tpu.memref_slice %arg6[%dma_start3A_341, %dma_start3A_342, %dma_start3A_343] : memref<16x2x128xi32, #tpu.memory_space<vmem>> -> memref<13x2x128xi32, #tpu.memory_space<vmem>>
      %dma_start3A_345 = arith.constant 0 : i32
      %dma_start3A_346 = arith.constant 0 : i32
      %dma_start3A_347 = tpu.memref_slice %arg3[%select_n3A_268, %dma_start3A_345, %dma_start3A_346] : memref<25000x2x128xi32, #tpu.memory_space<hbm>> -> memref<13x2x128xi32, #tpu.memory_space<hbm>>
      tpu.enqueue_dma source(%dma_start3A_347 : memref<13x2x128xi32, #tpu.memory_space<hbm>>) target(%dma_start3A_344 : memref<13x2x128xi32, #tpu.memory_space<vmem>>) target_semaphore(%run_scoped3A : memref<!tpu.dma_semaphore, #tpu.memory_space<semaphore_mem>>)
      %dma_wait3A_348 = arith.constant 0 : i32
      %dma_wait3A_349 = arith.constant 0 : i32
      %dma_wait3A_350 = arith.constant 0 : i32
      %dma_wait3A_351 = tpu.memref_slice %arg6[%dma_wait3A_348, %dma_wait3A_349, %dma_wait3A_350] : memref<16x2x128xi32, #tpu.memory_space<vmem>> -> memref<13x2x128xi32, #tpu.memory_space<vmem>>
      %dma_wait3A_352 = arith.constant 0 : i32
      %dma_wait3A_353 = arith.constant 0 : i32
      %dma_wait3A_354 = tpu.memref_slice %arg3[%select_n3A_268, %dma_wait3A_352, %dma_wait3A_353] : memref<25000x2x128xi32, #tpu.memory_space<hbm>> -> memref<13x2x128xi32, #tpu.memory_space<hbm>>
      %dma_wait3A_355 = arith.constant 0 : i32
      %dma_wait3A_356 = arith.constant 0 : i32
      %dma_wait3A_357 = arith.constant 0 : i32
      %dma_wait3A_358 = tpu.memref_slice %arg6[%dma_wait3A_355, %dma_wait3A_356, %dma_wait3A_357] : memref<16x2x128xi32, #tpu.memory_space<vmem>> -> memref<13x2x128xi32, #tpu.memory_space<vmem>>
      %dma_wait3A_359 = arith.constant 0 : i32
      %dma_wait3A_360 = arith.constant 0 : i32
      %dma_wait3A_361 = tpu.memref_slice %arg3[%select_n3A_268, %dma_wait3A_359, %dma_wait3A_360] : memref<25000x2x128xi32, #tpu.memory_space<hbm>> -> memref<13x2x128xi32, #tpu.memory_space<hbm>>
      tpu.wait_dma2 semaphore(%run_scoped3A : memref<!tpu.dma_semaphore, #tpu.memory_space<semaphore_mem>>) src(%dma_wait3A_361 : memref<13x2x128xi32, #tpu.memory_space<hbm>>) dst(%dma_wait3A_358 : memref<13x2x128xi32, #tpu.memory_space<vmem>>)
      tpu.yield
    }) : () -> ()
    "tpu.region"() ({
      %run_scoped3A = tpu.sem_alloc : memref<!tpu.dma_semaphore, #tpu.memory_space<semaphore_mem>>
      %dma_start3A_334 = arith.constant 0 : i32
      %dma_start3A_335 = tpu.memref_slice %arg8[%dma_start3A_334] : memref<2048xf32, #tpu.memory_space<vmem>> -> memref<1664xf32, #tpu.memory_space<vmem>>
      %dma_start3A_336 = tpu.memref_slice %arg4[%add3A_237] : memref<3200000xf32, #tpu.memory_space<hbm>> -> memref<1664xf32, #tpu.memory_space<hbm>>
      %dma_start3A_337 = arith.constant 0 : i32
      %dma_start3A_338 = tpu.memref_slice %arg8[%dma_start3A_337] : memref<2048xf32, #tpu.memory_space<vmem>> -> memref<1664xf32, #tpu.memory_space<vmem>>
      %dma_start3A_339 = tpu.memref_slice %arg4[%add3A_237] : memref<3200000xf32, #tpu.memory_space<hbm>> -> memref<1664xf32, #tpu.memory_space<hbm>>
      tpu.enqueue_dma source(%dma_start3A_339 : memref<1664xf32, #tpu.memory_space<hbm>>) target(%dma_start3A_338 : memref<1664xf32, #tpu.memory_space<vmem>>) target_semaphore(%run_scoped3A : memref<!tpu.dma_semaphore, #tpu.memory_space<semaphore_mem>>)
      %dma_wait3A_340 = arith.constant 0 : i32
      %dma_wait3A_341 = tpu.memref_slice %arg8[%dma_wait3A_340] : memref<2048xf32, #tpu.memory_space<vmem>> -> memref<1664xf32, #tpu.memory_space<vmem>>
      %dma_wait3A_342 = tpu.memref_slice %arg4[%add3A_237] : memref<3200000xf32, #tpu.memory_space<hbm>> -> memref<1664xf32, #tpu.memory_space<hbm>>
      %dma_wait3A_343 = arith.constant 0 : i32
      %dma_wait3A_344 = tpu.memref_slice %arg8[%dma_wait3A_343] : memref<2048xf32, #tpu.memory_space<vmem>> -> memref<1664xf32, #tpu.memory_space<vmem>>
      %dma_wait3A_345 = tpu.memref_slice %arg4[%add3A_237] : memref<3200000xf32, #tpu.memory_space<hbm>> -> memref<1664xf32, #tpu.memory_space<hbm>>
      tpu.wait_dma2 semaphore(%run_scoped3A : memref<!tpu.dma_semaphore, #tpu.memory_space<semaphore_mem>>) src(%dma_wait3A_345 : memref<1664xf32, #tpu.memory_space<hbm>>) dst(%dma_wait3A_344 : memref<1664xf32, #tpu.memory_space<vmem>>)
      tpu.yield
    }) : () -> ()
    %jit3A_269 = arith.constant 128 : i32
    %div3A_270 = arith.divsi %add3A_244, %jit3A_269 : i32
    %sign3A_271 = arith.constant 0 : i32
    %sign3A_272 = arith.cmpi sgt, %add3A_244, %sign3A_271 : i32
    %sign3A_273 = arith.extui %sign3A_272 : i1 to i32
    %sign3A_274 = arith.constant 0 : i32
    %sign3A_275 = arith.cmpi slt, %add3A_244, %sign3A_274 : i32
    %sign3A_276 = arith.extui %sign3A_275 : i1 to i32
    %sign3A_277 = arith.subi %sign3A_273, %sign3A_276 : i32
    %sign3A_278 = arith.constant 0 : i32
    %sign3A_279 = arith.cmpi sgt, %jit3A_269, %sign3A_278 : i32
    %sign3A_280 = arith.extui %sign3A_279 : i1 to i32
    %sign3A_281 = arith.constant 0 : i32
    %sign3A_282 = arith.cmpi slt, %jit3A_269, %sign3A_281 : i32
    %sign3A_283 = arith.extui %sign3A_282 : i1 to i32
    %sign3A_284 = arith.subi %sign3A_280, %sign3A_283 : i32
    %ne3A_285 = arith.cmpi ne, %sign3A_277, %sign3A_284 : i32
    %rem3A_286 = arith.remsi %add3A_244, %jit3A_269 : i32
    %ne3A_287 = arith.constant 0 : i32
    %ne3A_288 = arith.cmpi ne, %rem3A_286, %ne3A_287 : i32
    %and3A_289 = arith.andi %ne3A_285, %ne3A_288 : i1
    %sub3A_290 = arith.constant 1 : i32
    %sub3A_291 = arith.subi %div3A_270, %sub3A_290 : i32
    %select_n3A_292 = arith.select %and3A_289, %sub3A_291, %div3A_270 : i32
    "tpu.region"() ({
      %run_scoped3A = tpu.sem_alloc : memref<!tpu.dma_semaphore, #tpu.memory_space<semaphore_mem>>
      %dma_start3A_334 = arith.constant 13 : i32
      %dma_start3A_335 = arith.constant 0 : i32
      %dma_start3A_336 = arith.constant 0 : i32
      %dma_start3A_337 = tpu.memref_slice %arg6[%dma_start3A_334, %dma_start3A_335, %dma_start3A_336] : memref<16x2x128xi32, #tpu.memory_space<vmem>> -> memref<1x2x128xi32, #tpu.memory_space<vmem>>
      %dma_start3A_338 = arith.constant 0 : i32
      %dma_start3A_339 = arith.constant 0 : i32
      %dma_start3A_340 = tpu.memref_slice %arg3[%select_n3A_292, %dma_start3A_338, %dma_start3A_339] : memref<25000x2x128xi32, #tpu.memory_space<hbm>> -> memref<1x2x128xi32, #tpu.memory_space<hbm>>
      %dma_start3A_341 = arith.constant 13 : i32
      %dma_start3A_342 = arith.constant 0 : i32
      %dma_start3A_343 = arith.constant 0 : i32
      %dma_start3A_344 = tpu.memref_slice %arg6[%dma_start3A_341, %dma_start3A_342, %dma_start3A_343] : memref<16x2x128xi32, #tpu.memory_space<vmem>> -> memref<1x2x128xi32, #tpu.memory_space<vmem>>
      %dma_start3A_345 = arith.constant 0 : i32
      %dma_start3A_346 = arith.constant 0 : i32
      %dma_start3A_347 = tpu.memref_slice %arg3[%select_n3A_292, %dma_start3A_345, %dma_start3A_346] : memref<25000x2x128xi32, #tpu.memory_space<hbm>> -> memref<1x2x128xi32, #tpu.memory_space<hbm>>
      tpu.enqueue_dma source(%dma_start3A_347 : memref<1x2x128xi32, #tpu.memory_space<hbm>>) target(%dma_start3A_344 : memref<1x2x128xi32, #tpu.memory_space<vmem>>) target_semaphore(%run_scoped3A : memref<!tpu.dma_semaphore, #tpu.memory_space<semaphore_mem>>)
      %dma_wait3A_348 = arith.constant 13 : i32
      %dma_wait3A_349 = arith.constant 0 : i32
      %dma_wait3A_350 = arith.constant 0 : i32
      %dma_wait3A_351 = tpu.memref_slice %arg6[%dma_wait3A_348, %dma_wait3A_349, %dma_wait3A_350] : memref<16x2x128xi32, #tpu.memory_space<vmem>> -> memref<1x2x128xi32, #tpu.memory_space<vmem>>
      %dma_wait3A_352 = arith.constant 0 : i32
      %dma_wait3A_353 = arith.constant 0 : i32
      %dma_wait3A_354 = tpu.memref_slice %arg3[%select_n3A_292, %dma_wait3A_352, %dma_wait3A_353] : memref<25000x2x128xi32, #tpu.memory_space<hbm>> -> memref<1x2x128xi32, #tpu.memory_space<hbm>>
      %dma_wait3A_355 = arith.constant 13 : i32
      %dma_wait3A_356 = arith.constant 0 : i32
      %dma_wait3A_357 = arith.constant 0 : i32
      %dma_wait3A_358 = tpu.memref_slice %arg6[%dma_wait3A_355, %dma_wait3A_356, %dma_wait3A_357] : memref<16x2x128xi32, #tpu.memory_space<vmem>> -> memref<1x2x128xi32, #tpu.memory_space<vmem>>
      %dma_wait3A_359 = arith.constant 0 : i32
      %dma_wait3A_360 = arith.constant 0 : i32
      %dma_wait3A_361 = tpu.memref_slice %arg3[%select_n3A_292, %dma_wait3A_359, %dma_wait3A_360] : memref<25000x2x128xi32, #tpu.memory_space<hbm>> -> memref<1x2x128xi32, #tpu.memory_space<hbm>>
      tpu.wait_dma2 semaphore(%run_scoped3A : memref<!tpu.dma_semaphore, #tpu.memory_space<semaphore_mem>>) src(%dma_wait3A_361 : memref<1x2x128xi32, #tpu.memory_space<hbm>>) dst(%dma_wait3A_358 : memref<1x2x128xi32, #tpu.memory_space<vmem>>)
      tpu.yield
    }) : () -> ()
    "tpu.region"() ({
      %run_scoped3A = tpu.sem_alloc : memref<!tpu.dma_semaphore, #tpu.memory_space<semaphore_mem>>
      %dma_start3A_334 = arith.constant 1664 : i32
      %dma_start3A_335 = tpu.memref_slice %arg8[%dma_start3A_334] : memref<2048xf32, #tpu.memory_space<vmem>> -> memref<128xf32, #tpu.memory_space<vmem>>
      %dma_start3A_336 = tpu.memref_slice %arg4[%add3A_244] : memref<3200000xf32, #tpu.memory_space<hbm>> -> memref<128xf32, #tpu.memory_space<hbm>>
      %dma_start3A_337 = arith.constant 1664 : i32
      %dma_start3A_338 = tpu.memref_slice %arg8[%dma_start3A_337] : memref<2048xf32, #tpu.memory_space<vmem>> -> memref<128xf32, #tpu.memory_space<vmem>>
      %dma_start3A_339 = tpu.memref_slice %arg4[%add3A_244] : memref<3200000xf32, #tpu.memory_space<hbm>> -> memref<128xf32, #tpu.memory_space<hbm>>
      tpu.enqueue_dma source(%dma_start3A_339 : memref<128xf32, #tpu.memory_space<hbm>>) target(%dma_start3A_338 : memref<128xf32, #tpu.memory_space<vmem>>) target_semaphore(%run_scoped3A : memref<!tpu.dma_semaphore, #tpu.memory_space<semaphore_mem>>)
      %dma_wait3A_340 = arith.constant 1664 : i32
      %dma_wait3A_341 = tpu.memref_slice %arg8[%dma_wait3A_340] : memref<2048xf32, #tpu.memory_space<vmem>> -> memref<128xf32, #tpu.memory_space<vmem>>
      %dma_wait3A_342 = tpu.memref_slice %arg4[%add3A_244] : memref<3200000xf32, #tpu.memory_space<hbm>> -> memref<128xf32, #tpu.memory_space<hbm>>
      %dma_wait3A_343 = arith.constant 1664 : i32
      %dma_wait3A_344 = tpu.memref_slice %arg8[%dma_wait3A_343] : memref<2048xf32, #tpu.memory_space<vmem>> -> memref<128xf32, #tpu.memory_space<vmem>>
      %dma_wait3A_345 = tpu.memref_slice %arg4[%add3A_244] : memref<3200000xf32, #tpu.memory_space<hbm>> -> memref<128xf32, #tpu.memory_space<hbm>>
      tpu.wait_dma2 semaphore(%run_scoped3A : memref<!tpu.dma_semaphore, #tpu.memory_space<semaphore_mem>>) src(%dma_wait3A_345 : memref<128xf32, #tpu.memory_space<hbm>>) dst(%dma_wait3A_344 : memref<128xf32, #tpu.memory_space<vmem>>)
      tpu.yield
    }) : () -> ()
    %parallel_loop3A_293 = arith.constant 0 : i32
    %parallel_loop3A_294 = arith.constant 14 : i32
    %parallel_loop3A_295 = arith.constant 1 : i32
    scf.for %parallel_loop3A_334 = %parallel_loop3A_293 to %parallel_loop3A_294 step %parallel_loop3A_295  : i32 {
      %parallel_loop3A_335 = arith.constant 128 : i32
      %parallel_loop3A_336 = arith.muli %parallel_loop3A_334, %parallel_loop3A_335 : i32
      %parallel_loop3A_337 = arith.constant 0 : i32
      %parallel_loop3A_338 = arith.addi %parallel_loop3A_336, %parallel_loop3A_337 : i32
      %parallel_loop3A_339 = tpu.assume_multiple %parallel_loop3A_338, 16 : i32
      %parallel_loop3A_340 = arith.constant 1 : i32
      %parallel_loop3A_341 = arith.index_cast %parallel_loop3A_334 : i32 to index
      %parallel_loop3A_342 = arith.index_cast %parallel_loop3A_340 : i32 to index
      %parallel_loop3A_343 = arith.constant 0 : index
      %parallel_loop3A_344 = tpu.vector_load %arg6[%parallel_loop3A_341, %parallel_loop3A_342, %parallel_loop3A_343] {strides = array<i32>} : memref<16x2x128xi32, #tpu.memory_space<vmem>>, vector<16xi32>,
      %parallel_loop3A_345 = tpu.vector_load_idx %arg14[%parallel_loop3A_344] : memref<100000xf32, #tpu.memory_space<vmem>>[vector<16xi32>], vector<16xf32>,
      %parallel_loop3A_346 = arith.index_cast %parallel_loop3A_339 : i32 to index
      %parallel_loop3A_347 = tpu.vector_load %arg8[%parallel_loop3A_346] {strides = array<i32>} : memref<2048xf32, #tpu.memory_space<vmem>>, vector<16xf32>,
      %parallel_loop3A_348 = arith.mulf %parallel_loop3A_347, %parallel_loop3A_345 : vector<16xf32>
      %parallel_loop3A_349 = arith.index_cast %parallel_loop3A_339 : i32 to index
      %parallel_loop3A_350 = tpu.vector_load %arg10[%parallel_loop3A_349] {strides = array<i32>} : memref<2048xf32, #tpu.memory_space<vmem>>, vector<16xf32>,
      tpu.vector_store %arg10[%parallel_loop3A_349], %parallel_loop3A_348 {strides = array<i32>} : memref<2048xf32, #tpu.memory_space<vmem>>, vector<16xf32>,
      %parallel_loop3A_351 = arith.constant 0 : i32
      %parallel_loop3A_352 = arith.index_cast %parallel_loop3A_334 : i32 to index
      %parallel_loop3A_353 = arith.index_cast %parallel_loop3A_351 : i32 to index
      %parallel_loop3A_354 = arith.constant 0 : index
      %parallel_loop3A_355 = tpu.vector_load %arg6[%parallel_loop3A_352, %parallel_loop3A_353, %parallel_loop3A_354] {strides = array<i32>} : memref<16x2x128xi32, #tpu.memory_space<vmem>>, vector<16xi32>,
      %parallel_loop3A_356 = arith.index_cast %parallel_loop3A_339 : i32 to index
      %parallel_loop3A_357 = tpu.vector_load %arg12[%parallel_loop3A_356] {strides = array<i32>} : memref<2048xi32, #tpu.memory_space<vmem>>, vector<16xi32>,
      tpu.vector_store %arg12[%parallel_loop3A_356], %parallel_loop3A_355 {strides = array<i32>} : memref<2048xi32, #tpu.memory_space<vmem>>, vector<16xi32>,
      %parallel_loop3A_358 = arith.constant 128 : i32
      %parallel_loop3A_359 = arith.muli %parallel_loop3A_334, %parallel_loop3A_358 : i32
      %parallel_loop3A_360 = arith.constant 16 : i32
      %parallel_loop3A_361 = arith.addi %parallel_loop3A_359, %parallel_loop3A_360 : i32
      %parallel_loop3A_362 = tpu.assume_multiple %parallel_loop3A_361, 16 : i32
      %parallel_loop3A_363 = arith.constant 1 : i32
      %parallel_loop3A_364 = arith.index_cast %parallel_loop3A_334 : i32 to index
      %parallel_loop3A_365 = arith.index_cast %parallel_loop3A_363 : i32 to index
      %parallel_loop3A_366 = arith.constant 16 : index
      %parallel_loop3A_367 = tpu.vector_load %arg6[%parallel_loop3A_364, %parallel_loop3A_365, %parallel_loop3A_366] {strides = array<i32>} : memref<16x2x128xi32, #tpu.memory_space<vmem>>, vector<16xi32>,
      %parallel_loop3A_368 = tpu.vector_load_idx %arg14[%parallel_loop3A_367] : memref<100000xf32, #tpu.memory_space<vmem>>[vector<16xi32>], vector<16xf32>,
      %parallel_loop3A_369 = arith.index_cast %parallel_loop3A_362 : i32 to index
      %parallel_loop3A_370 = tpu.vector_load %arg8[%parallel_loop3A_369] {strides = array<i32>} : memref<2048xf32, #tpu.memory_space<vmem>>, vector<16xf32>,
      %parallel_loop3A_371 = arith.mulf %parallel_loop3A_370, %parallel_loop3A_368 : vector<16xf32>
      %parallel_loop3A_372 = arith.index_cast %parallel_loop3A_362 : i32 to index
      %parallel_loop3A_373 = tpu.vector_load %arg10[%parallel_loop3A_372] {strides = array<i32>} : memref<2048xf32, #tpu.memory_space<vmem>>, vector<16xf32>,
      tpu.vector_store %arg10[%parallel_loop3A_372], %parallel_loop3A_371 {strides = array<i32>} : memref<2048xf32, #tpu.memory_space<vmem>>, vector<16xf32>,
      %parallel_loop3A_374 = arith.constant 0 : i32
      %parallel_loop3A_375 = arith.index_cast %parallel_loop3A_334 : i32 to index
      %parallel_loop3A_376 = arith.index_cast %parallel_loop3A_374 : i32 to index
      %parallel_loop3A_377 = arith.constant 16 : index
      %parallel_loop3A_378 = tpu.vector_load %arg6[%parallel_loop3A_375, %parallel_loop3A_376, %parallel_loop3A_377] {strides = array<i32>} : memref<16x2x128xi32, #tpu.memory_space<vmem>>, vector<16xi32>,
      %parallel_loop3A_379 = arith.index_cast %parallel_loop3A_362 : i32 to index
      %parallel_loop3A_380 = tpu.vector_load %arg12[%parallel_loop3A_379] {strides = array<i32>} : memref<2048xi32, #tpu.memory_space<vmem>>, vector<16xi32>,
      tpu.vector_store %arg12[%parallel_loop3A_379], %parallel_loop3A_378 {strides = array<i32>} : memref<2048xi32, #tpu.memory_space<vmem>>, vector<16xi32>,
      %parallel_loop3A_381 = arith.constant 128 : i32
      %parallel_loop3A_382 = arith.muli %parallel_loop3A_334, %parallel_loop3A_381 : i32
      %parallel_loop3A_383 = arith.constant 32 : i32
      %parallel_loop3A_384 = arith.addi %parallel_loop3A_382, %parallel_loop3A_383 : i32
      %parallel_loop3A_385 = tpu.assume_multiple %parallel_loop3A_384, 16 : i32
      %parallel_loop3A_386 = arith.constant 1 : i32
      %parallel_loop3A_387 = arith.index_cast %parallel_loop3A_334 : i32 to index
      %parallel_loop3A_388 = arith.index_cast %parallel_loop3A_386 : i32 to index
      %parallel_loop3A_389 = arith.constant 32 : index
      %parallel_loop3A_390 = tpu.vector_load %arg6[%parallel_loop3A_387, %parallel_loop3A_388, %parallel_loop3A_389] {strides = array<i32>} : memref<16x2x128xi32, #tpu.memory_space<vmem>>, vector<16xi32>,
      %parallel_loop3A_391 = tpu.vector_load_idx %arg14[%parallel_loop3A_390] : memref<100000xf32, #tpu.memory_space<vmem>>[vector<16xi32>], vector<16xf32>,
      %parallel_loop3A_392 = arith.index_cast %parallel_loop3A_385 : i32 to index
      %parallel_loop3A_393 = tpu.vector_load %arg8[%parallel_loop3A_392] {strides = array<i32>} : memref<2048xf32, #tpu.memory_space<vmem>>, vector<16xf32>,
      %parallel_loop3A_394 = arith.mulf %parallel_loop3A_393, %parallel_loop3A_391 : vector<16xf32>
      %parallel_loop3A_395 = arith.index_cast %parallel_loop3A_385 : i32 to index
      %parallel_loop3A_396 = tpu.vector_load %arg10[%parallel_loop3A_395] {strides = array<i32>} : memref<2048xf32, #tpu.memory_space<vmem>>, vector<16xf32>,
      tpu.vector_store %arg10[%parallel_loop3A_395], %parallel_loop3A_394 {strides = array<i32>} : memref<2048xf32, #tpu.memory_space<vmem>>, vector<16xf32>,
      %parallel_loop3A_397 = arith.constant 0 : i32
      %parallel_loop3A_398 = arith.index_cast %parallel_loop3A_334 : i32 to index
      %parallel_loop3A_399 = arith.index_cast %parallel_loop3A_397 : i32 to index
      %parallel_loop3A_400 = arith.constant 32 : index
      %parallel_loop3A_401 = tpu.vector_load %arg6[%parallel_loop3A_398, %parallel_loop3A_399, %parallel_loop3A_400] {strides = array<i32>} : memref<16x2x128xi32, #tpu.memory_space<vmem>>, vector<16xi32>,
      %parallel_loop3A_402 = arith.index_cast %parallel_loop3A_385 : i32 to index
      %parallel_loop3A_403 = tpu.vector_load %arg12[%parallel_loop3A_402] {strides = array<i32>} : memref<2048xi32, #tpu.memory_space<vmem>>, vector<16xi32>,
      tpu.vector_store %arg12[%parallel_loop3A_402], %parallel_loop3A_401 {strides = array<i32>} : memref<2048xi32, #tpu.memory_space<vmem>>, vector<16xi32>,
      %parallel_loop3A_404 = arith.constant 128 : i32
      %parallel_loop3A_405 = arith.muli %parallel_loop3A_334, %parallel_loop3A_404 : i32
      %parallel_loop3A_406 = arith.constant 48 : i32
      %parallel_loop3A_407 = arith.addi %parallel_loop3A_405, %parallel_loop3A_406 : i32
      %parallel_loop3A_408 = tpu.assume_multiple %parallel_loop3A_407, 16 : i32
      %parallel_loop3A_409 = arith.constant 1 : i32
      %parallel_loop3A_410 = arith.index_cast %parallel_loop3A_334 : i32 to index
      %parallel_loop3A_411 = arith.index_cast %parallel_loop3A_409 : i32 to index
      %parallel_loop3A_412 = arith.constant 48 : index
      %parallel_loop3A_413 = tpu.vector_load %arg6[%parallel_loop3A_410, %parallel_loop3A_411, %parallel_loop3A_412] {strides = array<i32>} : memref<16x2x128xi32, #tpu.memory_space<vmem>>, vector<16xi32>,
      %parallel_loop3A_414 = tpu.vector_load_idx %arg14[%parallel_loop3A_413] : memref<100000xf32, #tpu.memory_space<vmem>>[vector<16xi32>], vector<16xf32>,
      %parallel_loop3A_415 = arith.index_cast %parallel_loop3A_408 : i32 to index
      %parallel_loop3A_416 = tpu.vector_load %arg8[%parallel_loop3A_415] {strides = array<i32>} : memref<2048xf32, #tpu.memory_space<vmem>>, vector<16xf32>,
      %parallel_loop3A_417 = arith.mulf %parallel_loop3A_416, %parallel_loop3A_414 : vector<16xf32>
      %parallel_loop3A_418 = arith.index_cast %parallel_loop3A_408 : i32 to index
      %parallel_loop3A_419 = tpu.vector_load %arg10[%parallel_loop3A_418] {strides = array<i32>} : memref<2048xf32, #tpu.memory_space<vmem>>, vector<16xf32>,
      tpu.vector_store %arg10[%parallel_loop3A_418], %parallel_loop3A_417 {strides = array<i32>} : memref<2048xf32, #tpu.memory_space<vmem>>, vector<16xf32>,
      %parallel_loop3A_420 = arith.constant 0 : i32
      %parallel_loop3A_421 = arith.index_cast %parallel_loop3A_334 : i32 to index
      %parallel_loop3A_422 = arith.index_cast %parallel_loop3A_420 : i32 to index
      %parallel_loop3A_423 = arith.constant 48 : index
      %parallel_loop3A_424 = tpu.vector_load %arg6[%parallel_loop3A_421, %parallel_loop3A_422, %parallel_loop3A_423] {strides = array<i32>} : memref<16x2x128xi32, #tpu.memory_space<vmem>>, vector<16xi32>,
      %parallel_loop3A_425 = arith.index_cast %parallel_loop3A_408 : i32 to index
      %parallel_loop3A_426 = tpu.vector_load %arg12[%parallel_loop3A_425] {strides = array<i32>} : memref<2048xi32, #tpu.memory_space<vmem>>, vector<16xi32>,
      tpu.vector_store %arg12[%parallel_loop3A_425], %parallel_loop3A_424 {strides = array<i32>} : memref<2048xi32, #tpu.memory_space<vmem>>, vector<16xi32>,
      %parallel_loop3A_427 = arith.constant 128 : i32
      %parallel_loop3A_428 = arith.muli %parallel_loop3A_334, %parallel_loop3A_427 : i32
      %parallel_loop3A_429 = arith.constant 64 : i32
      %parallel_loop3A_430 = arith.addi %parallel_loop3A_428, %parallel_loop3A_429 : i32
      %parallel_loop3A_431 = tpu.assume_multiple %parallel_loop3A_430, 16 : i32
      %parallel_loop3A_432 = arith.constant 1 : i32
      %parallel_loop3A_433 = arith.index_cast %parallel_loop3A_334 : i32 to index
      %parallel_loop3A_434 = arith.index_cast %parallel_loop3A_432 : i32 to index
      %parallel_loop3A_435 = arith.constant 64 : index
      %parallel_loop3A_436 = tpu.vector_load %arg6[%parallel_loop3A_433, %parallel_loop3A_434, %parallel_loop3A_435] {strides = array<i32>} : memref<16x2x128xi32, #tpu.memory_space<vmem>>, vector<16xi32>,
      %parallel_loop3A_437 = tpu.vector_load_idx %arg14[%parallel_loop3A_436] : memref<100000xf32, #tpu.memory_space<vmem>>[vector<16xi32>], vector<16xf32>,
      %parallel_loop3A_438 = arith.index_cast %parallel_loop3A_431 : i32 to index
      %parallel_loop3A_439 = tpu.vector_load %arg8[%parallel_loop3A_438] {strides = array<i32>} : memref<2048xf32, #tpu.memory_space<vmem>>, vector<16xf32>,
      %parallel_loop3A_440 = arith.mulf %parallel_loop3A_439, %parallel_loop3A_437 : vector<16xf32>
      %parallel_loop3A_441 = arith.index_cast %parallel_loop3A_431 : i32 to index
      %parallel_loop3A_442 = tpu.vector_load %arg10[%parallel_loop3A_441] {strides = array<i32>} : memref<2048xf32, #tpu.memory_space<vmem>>, vector<16xf32>,
      tpu.vector_store %arg10[%parallel_loop3A_441], %parallel_loop3A_440 {strides = array<i32>} : memref<2048xf32, #tpu.memory_space<vmem>>, vector<16xf32>,
      %parallel_loop3A_443 = arith.constant 0 : i32
      %parallel_loop3A_444 = arith.index_cast %parallel_loop3A_334 : i32 to index
      %parallel_loop3A_445 = arith.index_cast %parallel_loop3A_443 : i32 to index
      %parallel_loop3A_446 = arith.constant 64 : index
      %parallel_loop3A_447 = tpu.vector_load %arg6[%parallel_loop3A_444, %parallel_loop3A_445, %parallel_loop3A_446] {strides = array<i32>} : memref<16x2x128xi32, #tpu.memory_space<vmem>>, vector<16xi32>,
      %parallel_loop3A_448 = arith.index_cast %parallel_loop3A_431 : i32 to index
      %parallel_loop3A_449 = tpu.vector_load %arg12[%parallel_loop3A_448] {strides = array<i32>} : memref<2048xi32, #tpu.memory_space<vmem>>, vector<16xi32>,
      tpu.vector_store %arg12[%parallel_loop3A_448], %parallel_loop3A_447 {strides = array<i32>} : memref<2048xi32, #tpu.memory_space<vmem>>, vector<16xi32>,
      %parallel_loop3A_450 = arith.constant 128 : i32
      %parallel_loop3A_451 = arith.muli %parallel_loop3A_334, %parallel_loop3A_450 : i32
      %parallel_loop3A_452 = arith.constant 80 : i32
      %parallel_loop3A_453 = arith.addi %parallel_loop3A_451, %parallel_loop3A_452 : i32
      %parallel_loop3A_454 = tpu.assume_multiple %parallel_loop3A_453, 16 : i32
      %parallel_loop3A_455 = arith.constant 1 : i32
      %parallel_loop3A_456 = arith.index_cast %parallel_loop3A_334 : i32 to index
      %parallel_loop3A_457 = arith.index_cast %parallel_loop3A_455 : i32 to index
      %parallel_loop3A_458 = arith.constant 80 : index
      %parallel_loop3A_459 = tpu.vector_load %arg6[%parallel_loop3A_456, %parallel_loop3A_457, %parallel_loop3A_458] {strides = array<i32>} : memref<16x2x128xi32, #tpu.memory_space<vmem>>, vector<16xi32>,
      %parallel_loop3A_460 = tpu.vector_load_idx %arg14[%parallel_loop3A_459] : memref<100000xf32, #tpu.memory_space<vmem>>[vector<16xi32>], vector<16xf32>,
      %parallel_loop3A_461 = arith.index_cast %parallel_loop3A_454 : i32 to index
      %parallel_loop3A_462 = tpu.vector_load %arg8[%parallel_loop3A_461] {strides = array<i32>} : memref<2048xf32, #tpu.memory_space<vmem>>, vector<16xf32>,
      %parallel_loop3A_463 = arith.mulf %parallel_loop3A_462, %parallel_loop3A_460 : vector<16xf32>
      %parallel_loop3A_464 = arith.index_cast %parallel_loop3A_454 : i32 to index
      %parallel_loop3A_465 = tpu.vector_load %arg10[%parallel_loop3A_464] {strides = array<i32>} : memref<2048xf32, #tpu.memory_space<vmem>>, vector<16xf32>,
      tpu.vector_store %arg10[%parallel_loop3A_464], %parallel_loop3A_463 {strides = array<i32>} : memref<2048xf32, #tpu.memory_space<vmem>>, vector<16xf32>,
      %parallel_loop3A_466 = arith.constant 0 : i32
      %parallel_loop3A_467 = arith.index_cast %parallel_loop3A_334 : i32 to index
      %parallel_loop3A_468 = arith.index_cast %parallel_loop3A_466 : i32 to index
      %parallel_loop3A_469 = arith.constant 80 : index
      %parallel_loop3A_470 = tpu.vector_load %arg6[%parallel_loop3A_467, %parallel_loop3A_468, %parallel_loop3A_469] {strides = array<i32>} : memref<16x2x128xi32, #tpu.memory_space<vmem>>, vector<16xi32>,
      %parallel_loop3A_471 = arith.index_cast %parallel_loop3A_454 : i32 to index
      %parallel_loop3A_472 = tpu.vector_load %arg12[%parallel_loop3A_471] {strides = array<i32>} : memref<2048xi32, #tpu.memory_space<vmem>>, vector<16xi32>,
      tpu.vector_store %arg12[%parallel_loop3A_471], %parallel_loop3A_470 {strides = array<i32>} : memref<2048xi32, #tpu.memory_space<vmem>>, vector<16xi32>,
      %parallel_loop3A_473 = arith.constant 128 : i32
      %parallel_loop3A_474 = arith.muli %parallel_loop3A_334, %parallel_loop3A_473 : i32
      %parallel_loop3A_475 = arith.constant 96 : i32
      %parallel_loop3A_476 = arith.addi %parallel_loop3A_474, %parallel_loop3A_475 : i32
      %parallel_loop3A_477 = tpu.assume_multiple %parallel_loop3A_476, 16 : i32
      %parallel_loop3A_478 = arith.constant 1 : i32
      %parallel_loop3A_479 = arith.index_cast %parallel_loop3A_334 : i32 to index
      %parallel_loop3A_480 = arith.index_cast %parallel_loop3A_478 : i32 to index
      %parallel_loop3A_481 = arith.constant 96 : index
      %parallel_loop3A_482 = tpu.vector_load %arg6[%parallel_loop3A_479, %parallel_loop3A_480, %parallel_loop3A_481] {strides = array<i32>} : memref<16x2x128xi32, #tpu.memory_space<vmem>>, vector<16xi32>,
      %parallel_loop3A_483 = tpu.vector_load_idx %arg14[%parallel_loop3A_482] : memref<100000xf32, #tpu.memory_space<vmem>>[vector<16xi32>], vector<16xf32>,
      %parallel_loop3A_484 = arith.index_cast %parallel_loop3A_477 : i32 to index
      %parallel_loop3A_485 = tpu.vector_load %arg8[%parallel_loop3A_484] {strides = array<i32>} : memref<2048xf32, #tpu.memory_space<vmem>>, vector<16xf32>,
      %parallel_loop3A_486 = arith.mulf %parallel_loop3A_485, %parallel_loop3A_483 : vector<16xf32>
      %parallel_loop3A_487 = arith.index_cast %parallel_loop3A_477 : i32 to index
      %parallel_loop3A_488 = tpu.vector_load %arg10[%parallel_loop3A_487] {strides = array<i32>} : memref<2048xf32, #tpu.memory_space<vmem>>, vector<16xf32>,
      tpu.vector_store %arg10[%parallel_loop3A_487], %parallel_loop3A_486 {strides = array<i32>} : memref<2048xf32, #tpu.memory_space<vmem>>, vector<16xf32>,
      %parallel_loop3A_489 = arith.constant 0 : i32
      %parallel_loop3A_490 = arith.index_cast %parallel_loop3A_334 : i32 to index
      %parallel_loop3A_491 = arith.index_cast %parallel_loop3A_489 : i32 to index
      %parallel_loop3A_492 = arith.constant 96 : index
      %parallel_loop3A_493 = tpu.vector_load %arg6[%parallel_loop3A_490, %parallel_loop3A_491, %parallel_loop3A_492] {strides = array<i32>} : memref<16x2x128xi32, #tpu.memory_space<vmem>>, vector<16xi32>,
      %parallel_loop3A_494 = arith.index_cast %parallel_loop3A_477 : i32 to index
      %parallel_loop3A_495 = tpu.vector_load %arg12[%parallel_loop3A_494] {strides = array<i32>} : memref<2048xi32, #tpu.memory_space<vmem>>, vector<16xi32>,
      tpu.vector_store %arg12[%parallel_loop3A_494], %parallel_loop3A_493 {strides = array<i32>} : memref<2048xi32, #tpu.memory_space<vmem>>, vector<16xi32>,
      %parallel_loop3A_496 = arith.constant 128 : i32
      %parallel_loop3A_497 = arith.muli %parallel_loop3A_334, %parallel_loop3A_496 : i32
      %parallel_loop3A_498 = arith.constant 112 : i32
      %parallel_loop3A_499 = arith.addi %parallel_loop3A_497, %parallel_loop3A_498 : i32
      %parallel_loop3A_500 = tpu.assume_multiple %parallel_loop3A_499, 16 : i32
      %parallel_loop3A_501 = arith.constant 1 : i32
      %parallel_loop3A_502 = arith.index_cast %parallel_loop3A_334 : i32 to index
      %parallel_loop3A_503 = arith.index_cast %parallel_loop3A_501 : i32 to index
      %parallel_loop3A_504 = arith.constant 112 : index
      %parallel_loop3A_505 = tpu.vector_load %arg6[%parallel_loop3A_502, %parallel_loop3A_503, %parallel_loop3A_504] {strides = array<i32>} : memref<16x2x128xi32, #tpu.memory_space<vmem>>, vector<16xi32>,
      %parallel_loop3A_506 = tpu.vector_load_idx %arg14[%parallel_loop3A_505] : memref<100000xf32, #tpu.memory_space<vmem>>[vector<16xi32>], vector<16xf32>,
      %parallel_loop3A_507 = arith.index_cast %parallel_loop3A_500 : i32 to index
      %parallel_loop3A_508 = tpu.vector_load %arg8[%parallel_loop3A_507] {strides = array<i32>} : memref<2048xf32, #tpu.memory_space<vmem>>, vector<16xf32>,
      %parallel_loop3A_509 = arith.mulf %parallel_loop3A_508, %parallel_loop3A_506 : vector<16xf32>
      %parallel_loop3A_510 = arith.index_cast %parallel_loop3A_500 : i32 to index
      %parallel_loop3A_511 = tpu.vector_load %arg10[%parallel_loop3A_510] {strides = array<i32>} : memref<2048xf32, #tpu.memory_space<vmem>>, vector<16xf32>,
      tpu.vector_store %arg10[%parallel_loop3A_510], %parallel_loop3A_509 {strides = array<i32>} : memref<2048xf32, #tpu.memory_space<vmem>>, vector<16xf32>,
      %parallel_loop3A_512 = arith.constant 0 : i32
      %parallel_loop3A_513 = arith.index_cast %parallel_loop3A_334 : i32 to index
      %parallel_loop3A_514 = arith.index_cast %parallel_loop3A_512 : i32 to index
      %parallel_loop3A_515 = arith.constant 112 : index
      %parallel_loop3A_516 = tpu.vector_load %arg6[%parallel_loop3A_513, %parallel_loop3A_514, %parallel_loop3A_515] {strides = array<i32>} : memref<16x2x128xi32, #tpu.memory_space<vmem>>, vector<16xi32>,
      %parallel_loop3A_517 = arith.index_cast %parallel_loop3A_500 : i32 to index
      %parallel_loop3A_518 = tpu.vector_load %arg12[%parallel_loop3A_517] {strides = array<i32>} : memref<2048xi32, #tpu.memory_space<vmem>>, vector<16xi32>,
      tpu.vector_store %arg12[%parallel_loop3A_517], %parallel_loop3A_516 {strides = array<i32>} : memref<2048xi32, #tpu.memory_space<vmem>>, vector<16xi32>,
    } {sc.loop_unroll_factor = 4 : i64, sc.parallel_access}
    %ge3A = arith.constant 8 : i32
    %ge3A_296 = arith.cmpi sge, %add3A, %ge3A : i32
    %convert_element_type3A = arith.extui %ge3A_296 : i1 to i32
    %cond3A = arith.constant 0 : i32
    %cond3A_297 = arith.cmpi ne, %convert_element_type3A, %cond3A : i32
    scf.if %cond3A_297 {
      %scan3A_334 = arith.constant 0 : i32
      %scan3A_335 = arith.constant 0 : i32
      %scan3A_336 = arith.constant 8 : i32
      %scan3A_337 = arith.addi %scan3A_335, %scan3A_336 : i32
      %scan3A_338 = arith.constant 1 : i32
      %scan3A_339 = scf.for %scan3A_341 = %scan3A_335 to %scan3A_337 step %scan3A_338 iter_args(%scan3A_342 = %scan3A_334) -> (i32)  : i32 {
        %broadcast_in_dim3A = arith.constant 0.000000e+00 : f32
        %broadcast_in_dim3A_343 = vector.broadcast %broadcast_in_dim3A : f32 to vector<16xf32>
        %mul3A_344 = arith.constant 16 : i32
        %mul3A_345 = arith.muli %scan3A_341, %mul3A_344 : i32
        %add3A_346 = arith.constant 1664 : i32
        %add3A_347 = arith.addi %add3A_346, %mul3A_345 : i32
        %multiple_of3A = tpu.assume_multiple %add3A_347, 16 : i32
        %swap3A = arith.index_cast %multiple_of3A : i32 to index
        %swap3A_348 = tpu.vector_load %arg10[%swap3A] {strides = array<i32>} : memref<2048xf32, #tpu.memory_space<vmem>>, vector<16xf32>,
        tpu.vector_store %arg10[%swap3A], %broadcast_in_dim3A_343 {strides = array<i32>} : memref<2048xf32, #tpu.memory_space<vmem>>, vector<16xf32>,
        %scan3A_349 = arith.constant 0 : i32
        scf.yield %scan3A_349 : i32
      }
      %scan3A_340 = arith.constant 8 : i32
    } else {
    }
    %scan3A_298 = arith.constant 0 : i32
    %scan3A_299 = arith.constant 0 : i32
    %scan3A_300 = arith.constant 16 : i32
    %scan3A_301 = arith.addi %scan3A_299, %scan3A_300 : i32
    %scan3A_302 = arith.constant 1 : i32
    %scan3A_303 = scf.for %scan3A_334 = %scan3A_299 to %scan3A_301 step %scan3A_302 iter_args(%scan3A_335 = %scan3A_298) -> (i32)  : i32 {
      %broadcast_in_dim3A = arith.constant 0.000000e+00 : f32
      %broadcast_in_dim3A_336 = vector.broadcast %broadcast_in_dim3A : f32 to vector<16xf32>
      %mul3A_337 = arith.constant 16 : i32
      %mul3A_338 = arith.muli %scan3A_334, %mul3A_337 : i32
      %add3A_339 = arith.constant 1792 : i32
      %add3A_340 = arith.addi %add3A_339, %mul3A_338 : i32
      %multiple_of3A = tpu.assume_multiple %add3A_340, 16 : i32
      %swap3A = arith.index_cast %multiple_of3A : i32 to index
      %swap3A_341 = tpu.vector_load %arg10[%swap3A] {strides = array<i32>} : memref<2048xf32, #tpu.memory_space<vmem>>, vector<16xf32>,
      tpu.vector_store %arg10[%swap3A], %broadcast_in_dim3A_336 {strides = array<i32>} : memref<2048xf32, #tpu.memory_space<vmem>>, vector<16xf32>,
      %scan3A_342 = arith.constant 0 : i32
      scf.yield %scan3A_342 : i32
    }
    %scan3A_304 = arith.constant 16 : i32
    "tpu.region"() ({
      %run_scoped3A = tpu.sem_alloc : memref<!tpu.dma_semaphore, #tpu.memory_space<semaphore_mem>>
      %dma_start3A_334 = arith.constant 0 : i32
      %dma_start3A_335 = tpu.memref_slice %arg15[%dma_start3A_334] : memref<100096xf32, #tpu.memory_space<vmem_shared>> -> memref<100096xf32, #tpu.memory_space<vmem_shared>>
      tpu.enqueue_indirect_dma source(%arg10 : memref<2048xf32, #tpu.memory_space<vmem>>) target(%dma_start3A_335 : memref<100096xf32, #tpu.memory_space<vmem_shared>>) offsets(%arg12 : memref<2048xi32, #tpu.memory_space<vmem>>) semaphore(%run_scoped3A : memref<!tpu.dma_semaphore, #tpu.memory_space<semaphore_mem>>) {add = true}
      %dma_wait3A_336 = arith.constant 0 : i32
      %dma_wait3A_337 = tpu.memref_slice %arg15[%dma_wait3A_336] : memref<100096xf32, #tpu.memory_space<vmem_shared>> -> memref<100096xf32, #tpu.memory_space<vmem_shared>>
      tpu.wait_indirect_dma semaphore(%run_scoped3A : memref<!tpu.dma_semaphore, #tpu.memory_space<semaphore_mem>>) src(%arg10 : memref<2048xf32, #tpu.memory_space<vmem>>) dst(%dma_wait3A_337 : memref<100096xf32, #tpu.memory_space<vmem_shared>>)
      tpu.yield
    }) : () -> ()
    %barrier3A_305 = arith.constant 0 : index
    tpu.barrier barrier_id(%barrier3A_305)
    %add3A_306 = arith.constant 0 : i32
    %add3A_307 = arith.addi %mul3A_8, %add3A_306 : i32
    "tpu.region"() ({
      %run_scoped3A = tpu.sem_alloc : memref<!tpu.dma_semaphore, #tpu.memory_space<semaphore_mem>>
      %dma_start3A_334 = arith.constant 0 : i32
      %dma_start3A_335 = tpu.memref_slice %arg10[%dma_start3A_334] : memref<2048xf32, #tpu.memory_space<vmem>> -> memref<2048xf32, #tpu.memory_space<vmem>>
      %dma_start3A_336 = tpu.memref_slice %arg15[%add3A_307] : memref<100096xf32, #tpu.memory_space<vmem_shared>> -> memref<2048xf32, #tpu.memory_space<vmem_shared>>
      %dma_start3A_337 = arith.constant 0 : i32
      %dma_start3A_338 = tpu.memref_slice %arg10[%dma_start3A_337] : memref<2048xf32, #tpu.memory_space<vmem>> -> memref<2048xf32, #tpu.memory_space<vmem>>
      %dma_start3A_339 = tpu.memref_slice %arg15[%add3A_307] : memref<100096xf32, #tpu.memory_space<vmem_shared>> -> memref<2048xf32, #tpu.memory_space<vmem_shared>>
      tpu.enqueue_dma source(%dma_start3A_339 : memref<2048xf32, #tpu.memory_space<vmem_shared>>) target(%dma_start3A_338 : memref<2048xf32, #tpu.memory_space<vmem>>) target_semaphore(%run_scoped3A : memref<!tpu.dma_semaphore, #tpu.memory_space<semaphore_mem>>)
      %dma_wait3A_340 = arith.constant 0 : i32
      %dma_wait3A_341 = tpu.memref_slice %arg10[%dma_wait3A_340] : memref<2048xf32, #tpu.memory_space<vmem>> -> memref<2048xf32, #tpu.memory_space<vmem>>
      %dma_wait3A_342 = tpu.memref_slice %arg15[%add3A_307] : memref<100096xf32, #tpu.memory_space<vmem_shared>> -> memref<2048xf32, #tpu.memory_space<vmem_shared>>
      %dma_wait3A_343 = arith.constant 0 : i32
      %dma_wait3A_344 = tpu.memref_slice %arg10[%dma_wait3A_343] : memref<2048xf32, #tpu.memory_space<vmem>> -> memref<2048xf32, #tpu.memory_space<vmem>>
      %dma_wait3A_345 = tpu.memref_slice %arg15[%add3A_307] : memref<100096xf32, #tpu.memory_space<vmem_shared>> -> memref<2048xf32, #tpu.memory_space<vmem_shared>>
      tpu.wait_dma2 semaphore(%run_scoped3A : memref<!tpu.dma_semaphore, #tpu.memory_space<semaphore_mem>>) src(%dma_wait3A_345 : memref<2048xf32, #tpu.memory_space<vmem_shared>>) dst(%dma_wait3A_344 : memref<2048xf32, #tpu.memory_space<vmem>>)
      tpu.yield
    }) : () -> ()
    %mul3A_308 = arith.constant 100096 : i32
    %mul3A_309 = arith.muli %arg0, %mul3A_308 : i32
    %add3A_310 = arith.addi %mul3A_309, %mul3A_8 : i32
    %add3A_311 = arith.constant 0 : i32
    %add3A_312 = arith.addi %add3A_310, %add3A_311 : i32
    "tpu.region"() ({
      %run_scoped3A = tpu.sem_alloc : memref<!tpu.dma_semaphore, #tpu.memory_space<semaphore_mem>>
      %dma_start3A_334 = arith.constant 0 : i32
      %dma_start3A_335 = tpu.memref_slice %arg10[%dma_start3A_334] : memref<2048xf32, #tpu.memory_space<vmem>> -> memref<2048xf32, #tpu.memory_space<vmem>>
      %dma_start3A_336 = tpu.memref_slice %arg5[%add3A_312] : memref<200192xf32, #tpu.memory_space<hbm>> -> memref<2048xf32, #tpu.memory_space<hbm>>
      %dma_start3A_337 = tpu.memref_slice %arg5[%add3A_312] : memref<200192xf32, #tpu.memory_space<hbm>> -> memref<2048xf32, #tpu.memory_space<hbm>>
      %dma_start3A_338 = arith.constant 0 : i32
      %dma_start3A_339 = tpu.memref_slice %arg10[%dma_start3A_338] : memref<2048xf32, #tpu.memory_space<vmem>> -> memref<2048xf32, #tpu.memory_space<vmem>>
      tpu.enqueue_dma source(%dma_start3A_339 : memref<2048xf32, #tpu.memory_space<vmem>>) target(%dma_start3A_337 : memref<2048xf32, #tpu.memory_space<hbm>>) target_semaphore(%run_scoped3A : memref<!tpu.dma_semaphore, #tpu.memory_space<semaphore_mem>>)
      %dma_wait3A_340 = arith.constant 0 : i32
      %dma_wait3A_341 = tpu.memref_slice %arg10[%dma_wait3A_340] : memref<2048xf32, #tpu.memory_space<vmem>> -> memref<2048xf32, #tpu.memory_space<vmem>>
      %dma_wait3A_342 = tpu.memref_slice %arg5[%add3A_312] : memref<200192xf32, #tpu.memory_space<hbm>> -> memref<2048xf32, #tpu.memory_space<hbm>>
      %dma_wait3A_343 = tpu.memref_slice %arg5[%add3A_312] : memref<200192xf32, #tpu.memory_space<hbm>> -> memref<2048xf32, #tpu.memory_space<hbm>>
      %dma_wait3A_344 = arith.constant 0 : i32
      %dma_wait3A_345 = tpu.memref_slice %arg10[%dma_wait3A_344] : memref<2048xf32, #tpu.memory_space<vmem>> -> memref<2048xf32, #tpu.memory_space<vmem>>
      tpu.wait_dma2 semaphore(%run_scoped3A : memref<!tpu.dma_semaphore, #tpu.memory_space<semaphore_mem>>) src(%dma_wait3A_345 : memref<2048xf32, #tpu.memory_space<vmem>>) dst(%dma_wait3A_343 : memref<2048xf32, #tpu.memory_space<hbm>>)
      tpu.yield
    }) : () -> ()
    %add3A_313 = arith.constant 2048 : i32
    %add3A_314 = arith.addi %mul3A_8, %add3A_313 : i32
    "tpu.region"() ({
      %run_scoped3A = tpu.sem_alloc : memref<!tpu.dma_semaphore, #tpu.memory_space<semaphore_mem>>
      %dma_start3A_334 = arith.constant 0 : i32
      %dma_start3A_335 = tpu.memref_slice %arg10[%dma_start3A_334] : memref<2048xf32, #tpu.memory_space<vmem>> -> memref<2048xf32, #tpu.memory_space<vmem>>
      %dma_start3A_336 = tpu.memref_slice %arg15[%add3A_314] : memref<100096xf32, #tpu.memory_space<vmem_shared>> -> memref<2048xf32, #tpu.memory_space<vmem_shared>>
      %dma_start3A_337 = arith.constant 0 : i32
      %dma_start3A_338 = tpu.memref_slice %arg10[%dma_start3A_337] : memref<2048xf32, #tpu.memory_space<vmem>> -> memref<2048xf32, #tpu.memory_space<vmem>>
      %dma_start3A_339 = tpu.memref_slice %arg15[%add3A_314] : memref<100096xf32, #tpu.memory_space<vmem_shared>> -> memref<2048xf32, #tpu.memory_space<vmem_shared>>
      tpu.enqueue_dma source(%dma_start3A_339 : memref<2048xf32, #tpu.memory_space<vmem_shared>>) target(%dma_start3A_338 : memref<2048xf32, #tpu.memory_space<vmem>>) target_semaphore(%run_scoped3A : memref<!tpu.dma_semaphore, #tpu.memory_space<semaphore_mem>>)
      %dma_wait3A_340 = arith.constant 0 : i32
      %dma_wait3A_341 = tpu.memref_slice %arg10[%dma_wait3A_340] : memref<2048xf32, #tpu.memory_space<vmem>> -> memref<2048xf32, #tpu.memory_space<vmem>>
      %dma_wait3A_342 = tpu.memref_slice %arg15[%add3A_314] : memref<100096xf32, #tpu.memory_space<vmem_shared>> -> memref<2048xf32, #tpu.memory_space<vmem_shared>>
      %dma_wait3A_343 = arith.constant 0 : i32
      %dma_wait3A_344 = tpu.memref_slice %arg10[%dma_wait3A_343] : memref<2048xf32, #tpu.memory_space<vmem>> -> memref<2048xf32, #tpu.memory_space<vmem>>
      %dma_wait3A_345 = tpu.memref_slice %arg15[%add3A_314] : memref<100096xf32, #tpu.memory_space<vmem_shared>> -> memref<2048xf32, #tpu.memory_space<vmem_shared>>
      tpu.wait_dma2 semaphore(%run_scoped3A : memref<!tpu.dma_semaphore, #tpu.memory_space<semaphore_mem>>) src(%dma_wait3A_345 : memref<2048xf32, #tpu.memory_space<vmem_shared>>) dst(%dma_wait3A_344 : memref<2048xf32, #tpu.memory_space<vmem>>)
      tpu.yield
    }) : () -> ()
    %mul3A_315 = arith.constant 100096 : i32
    %mul3A_316 = arith.muli %arg0, %mul3A_315 : i32
    %add3A_317 = arith.addi %mul3A_316, %mul3A_8 : i32
    %add3A_318 = arith.constant 2048 : i32
    %add3A_319 = arith.addi %add3A_317, %add3A_318 : i32
    "tpu.region"() ({
      %run_scoped3A = tpu.sem_alloc : memref<!tpu.dma_semaphore, #tpu.memory_space<semaphore_mem>>
      %dma_start3A_334 = arith.constant 0 : i32
      %dma_start3A_335 = tpu.memref_slice %arg10[%dma_start3A_334] : memref<2048xf32, #tpu.memory_space<vmem>> -> memref<2048xf32, #tpu.memory_space<vmem>>
      %dma_start3A_336 = tpu.memref_slice %arg5[%add3A_319] : memref<200192xf32, #tpu.memory_space<hbm>> -> memref<2048xf32, #tpu.memory_space<hbm>>
      %dma_start3A_337 = tpu.memref_slice %arg5[%add3A_319] : memref<200192xf32, #tpu.memory_space<hbm>> -> memref<2048xf32, #tpu.memory_space<hbm>>
      %dma_start3A_338 = arith.constant 0 : i32
      %dma_start3A_339 = tpu.memref_slice %arg10[%dma_start3A_338] : memref<2048xf32, #tpu.memory_space<vmem>> -> memref<2048xf32, #tpu.memory_space<vmem>>
      tpu.enqueue_dma source(%dma_start3A_339 : memref<2048xf32, #tpu.memory_space<vmem>>) target(%dma_start3A_337 : memref<2048xf32, #tpu.memory_space<hbm>>) target_semaphore(%run_scoped3A : memref<!tpu.dma_semaphore, #tpu.memory_space<semaphore_mem>>)
      %dma_wait3A_340 = arith.constant 0 : i32
      %dma_wait3A_341 = tpu.memref_slice %arg10[%dma_wait3A_340] : memref<2048xf32, #tpu.memory_space<vmem>> -> memref<2048xf32, #tpu.memory_space<vmem>>
      %dma_wait3A_342 = tpu.memref_slice %arg5[%add3A_319] : memref<200192xf32, #tpu.memory_space<hbm>> -> memref<2048xf32, #tpu.memory_space<hbm>>
      %dma_wait3A_343 = tpu.memref_slice %arg5[%add3A_319] : memref<200192xf32, #tpu.memory_space<hbm>> -> memref<2048xf32, #tpu.memory_space<hbm>>
      %dma_wait3A_344 = arith.constant 0 : i32
      %dma_wait3A_345 = tpu.memref_slice %arg10[%dma_wait3A_344] : memref<2048xf32, #tpu.memory_space<vmem>> -> memref<2048xf32, #tpu.memory_space<vmem>>
      tpu.wait_dma2 semaphore(%run_scoped3A : memref<!tpu.dma_semaphore, #tpu.memory_space<semaphore_mem>>) src(%dma_wait3A_345 : memref<2048xf32, #tpu.memory_space<vmem>>) dst(%dma_wait3A_343 : memref<2048xf32, #tpu.memory_space<hbm>>)
      tpu.yield
    }) : () -> ()
    %add3A_320 = arith.constant 4096 : i32
    %add3A_321 = arith.addi %mul3A_8, %add3A_320 : i32
    "tpu.region"() ({
      %run_scoped3A = tpu.sem_alloc : memref<!tpu.dma_semaphore, #tpu.memory_space<semaphore_mem>>
      %dma_start3A_334 = arith.constant 0 : i32
      %dma_start3A_335 = tpu.memref_slice %arg10[%dma_start3A_334] : memref<2048xf32, #tpu.memory_space<vmem>> -> memref<2048xf32, #tpu.memory_space<vmem>>
      %dma_start3A_336 = tpu.memref_slice %arg15[%add3A_321] : memref<100096xf32, #tpu.memory_space<vmem_shared>> -> memref<2048xf32, #tpu.memory_space<vmem_shared>>
      %dma_start3A_337 = arith.constant 0 : i32
      %dma_start3A_338 = tpu.memref_slice %arg10[%dma_start3A_337] : memref<2048xf32, #tpu.memory_space<vmem>> -> memref<2048xf32, #tpu.memory_space<vmem>>
      %dma_start3A_339 = tpu.memref_slice %arg15[%add3A_321] : memref<100096xf32, #tpu.memory_space<vmem_shared>> -> memref<2048xf32, #tpu.memory_space<vmem_shared>>
      tpu.enqueue_dma source(%dma_start3A_339 : memref<2048xf32, #tpu.memory_space<vmem_shared>>) target(%dma_start3A_338 : memref<2048xf32, #tpu.memory_space<vmem>>) target_semaphore(%run_scoped3A : memref<!tpu.dma_semaphore, #tpu.memory_space<semaphore_mem>>)
      %dma_wait3A_340 = arith.constant 0 : i32
      %dma_wait3A_341 = tpu.memref_slice %arg10[%dma_wait3A_340] : memref<2048xf32, #tpu.memory_space<vmem>> -> memref<2048xf32, #tpu.memory_space<vmem>>
      %dma_wait3A_342 = tpu.memref_slice %arg15[%add3A_321] : memref<100096xf32, #tpu.memory_space<vmem_shared>> -> memref<2048xf32, #tpu.memory_space<vmem_shared>>
      %dma_wait3A_343 = arith.constant 0 : i32
      %dma_wait3A_344 = tpu.memref_slice %arg10[%dma_wait3A_343] : memref<2048xf32, #tpu.memory_space<vmem>> -> memref<2048xf32, #tpu.memory_space<vmem>>
      %dma_wait3A_345 = tpu.memref_slice %arg15[%add3A_321] : memref<100096xf32, #tpu.memory_space<vmem_shared>> -> memref<2048xf32, #tpu.memory_space<vmem_shared>>
      tpu.wait_dma2 semaphore(%run_scoped3A : memref<!tpu.dma_semaphore, #tpu.memory_space<semaphore_mem>>) src(%dma_wait3A_345 : memref<2048xf32, #tpu.memory_space<vmem_shared>>) dst(%dma_wait3A_344 : memref<2048xf32, #tpu.memory_space<vmem>>)
      tpu.yield
    }) : () -> ()
    %mul3A_322 = arith.constant 100096 : i32
    %mul3A_323 = arith.muli %arg0, %mul3A_322 : i32
    %add3A_324 = arith.addi %mul3A_323, %mul3A_8 : i32
    %add3A_325 = arith.constant 4096 : i32
    %add3A_326 = arith.addi %add3A_324, %add3A_325 : i32
    "tpu.region"() ({
      %run_scoped3A = tpu.sem_alloc : memref<!tpu.dma_semaphore, #tpu.memory_space<semaphore_mem>>
      %dma_start3A_334 = arith.constant 0 : i32
      %dma_start3A_335 = tpu.memref_slice %arg10[%dma_start3A_334] : memref<2048xf32, #tpu.memory_space<vmem>> -> memref<2048xf32, #tpu.memory_space<vmem>>
      %dma_start3A_336 = tpu.memref_slice %arg5[%add3A_326] : memref<200192xf32, #tpu.memory_space<hbm>> -> memref<2048xf32, #tpu.memory_space<hbm>>
      %dma_start3A_337 = tpu.memref_slice %arg5[%add3A_326] : memref<200192xf32, #tpu.memory_space<hbm>> -> memref<2048xf32, #tpu.memory_space<hbm>>
      %dma_start3A_338 = arith.constant 0 : i32
      %dma_start3A_339 = tpu.memref_slice %arg10[%dma_start3A_338] : memref<2048xf32, #tpu.memory_space<vmem>> -> memref<2048xf32, #tpu.memory_space<vmem>>
      tpu.enqueue_dma source(%dma_start3A_339 : memref<2048xf32, #tpu.memory_space<vmem>>) target(%dma_start3A_337 : memref<2048xf32, #tpu.memory_space<hbm>>) target_semaphore(%run_scoped3A : memref<!tpu.dma_semaphore, #tpu.memory_space<semaphore_mem>>)
      %dma_wait3A_340 = arith.constant 0 : i32
      %dma_wait3A_341 = tpu.memref_slice %arg10[%dma_wait3A_340] : memref<2048xf32, #tpu.memory_space<vmem>> -> memref<2048xf32, #tpu.memory_space<vmem>>
      %dma_wait3A_342 = tpu.memref_slice %arg5[%add3A_326] : memref<200192xf32, #tpu.memory_space<hbm>> -> memref<2048xf32, #tpu.memory_space<hbm>>
      %dma_wait3A_343 = tpu.memref_slice %arg5[%add3A_326] : memref<200192xf32, #tpu.memory_space<hbm>> -> memref<2048xf32, #tpu.memory_space<hbm>>
      %dma_wait3A_344 = arith.constant 0 : i32
      %dma_wait3A_345 = tpu.memref_slice %arg10[%dma_wait3A_344] : memref<2048xf32, #tpu.memory_space<vmem>> -> memref<2048xf32, #tpu.memory_space<vmem>>
      tpu.wait_dma2 semaphore(%run_scoped3A : memref<!tpu.dma_semaphore, #tpu.memory_space<semaphore_mem>>) src(%dma_wait3A_345 : memref<2048xf32, #tpu.memory_space<vmem>>) dst(%dma_wait3A_343 : memref<2048xf32, #tpu.memory_space<hbm>>)
      tpu.yield
    }) : () -> ()
    %add3A_327 = arith.constant 6144 : i32
    %add3A_328 = arith.addi %mul3A_8, %add3A_327 : i32
    "tpu.region"() ({
      %run_scoped3A = tpu.sem_alloc : memref<!tpu.dma_semaphore, #tpu.memory_space<semaphore_mem>>
      %dma_start3A_334 = arith.constant 0 : i32
      %dma_start3A_335 = tpu.memref_slice %arg10[%dma_start3A_334] : memref<2048xf32, #tpu.memory_space<vmem>> -> memref<112xf32, #tpu.memory_space<vmem>>
      %dma_start3A_336 = tpu.memref_slice %arg15[%add3A_328] : memref<100096xf32, #tpu.memory_space<vmem_shared>> -> memref<112xf32, #tpu.memory_space<vmem_shared>>
      %dma_start3A_337 = arith.constant 0 : i32
      %dma_start3A_338 = tpu.memref_slice %arg10[%dma_start3A_337] : memref<2048xf32, #tpu.memory_space<vmem>> -> memref<112xf32, #tpu.memory_space<vmem>>
      %dma_start3A_339 = tpu.memref_slice %arg15[%add3A_328] : memref<100096xf32, #tpu.memory_space<vmem_shared>> -> memref<112xf32, #tpu.memory_space<vmem_shared>>
      tpu.enqueue_dma source(%dma_start3A_339 : memref<112xf32, #tpu.memory_space<vmem_shared>>) target(%dma_start3A_338 : memref<112xf32, #tpu.memory_space<vmem>>) target_semaphore(%run_scoped3A : memref<!tpu.dma_semaphore, #tpu.memory_space<semaphore_mem>>)
      %dma_wait3A_340 = arith.constant 0 : i32
      %dma_wait3A_341 = tpu.memref_slice %arg10[%dma_wait3A_340] : memref<2048xf32, #tpu.memory_space<vmem>> -> memref<112xf32, #tpu.memory_space<vmem>>
      %dma_wait3A_342 = tpu.memref_slice %arg15[%add3A_328] : memref<100096xf32, #tpu.memory_space<vmem_shared>> -> memref<112xf32, #tpu.memory_space<vmem_shared>>
      %dma_wait3A_343 = arith.constant 0 : i32
      %dma_wait3A_344 = tpu.memref_slice %arg10[%dma_wait3A_343] : memref<2048xf32, #tpu.memory_space<vmem>> -> memref<112xf32, #tpu.memory_space<vmem>>
      %dma_wait3A_345 = tpu.memref_slice %arg15[%add3A_328] : memref<100096xf32, #tpu.memory_space<vmem_shared>> -> memref<112xf32, #tpu.memory_space<vmem_shared>>
      tpu.wait_dma2 semaphore(%run_scoped3A : memref<!tpu.dma_semaphore, #tpu.memory_space<semaphore_mem>>) src(%dma_wait3A_345 : memref<112xf32, #tpu.memory_space<vmem_shared>>) dst(%dma_wait3A_344 : memref<112xf32, #tpu.memory_space<vmem>>)
      tpu.yield
    }) : () -> ()
    %mul3A_329 = arith.constant 100096 : i32
    %mul3A_330 = arith.muli %arg0, %mul3A_329 : i32
    %add3A_331 = arith.addi %mul3A_330, %mul3A_8 : i32
    %add3A_332 = arith.constant 6144 : i32
    %add3A_333 = arith.addi %add3A_331, %add3A_332 : i32
    "tpu.region"() ({
      %run_scoped3A = tpu.sem_alloc : memref<!tpu.dma_semaphore, #tpu.memory_space<semaphore_mem>>
      %dma_start3A_334 = arith.constant 0 : i32
      %dma_start3A_335 = tpu.memref_slice %arg10[%dma_start3A_334] : memref<2048xf32, #tpu.memory_space<vmem>> -> memref<112xf32, #tpu.memory_space<vmem>>
      %dma_start3A_336 = tpu.memref_slice %arg5[%add3A_333] : memref<200192xf32, #tpu.memory_space<hbm>> -> memref<112xf32, #tpu.memory_space<hbm>>
      %dma_start3A_337 = tpu.memref_slice %arg5[%add3A_333] : memref<200192xf32, #tpu.memory_space<hbm>> -> memref<112xf32, #tpu.memory_space<hbm>>
      %dma_start3A_338 = arith.constant 0 : i32
      %dma_start3A_339 = tpu.memref_slice %arg10[%dma_start3A_338] : memref<2048xf32, #tpu.memory_space<vmem>> -> memref<112xf32, #tpu.memory_space<vmem>>
      tpu.enqueue_dma source(%dma_start3A_339 : memref<112xf32, #tpu.memory_space<vmem>>) target(%dma_start3A_337 : memref<112xf32, #tpu.memory_space<hbm>>) target_semaphore(%run_scoped3A : memref<!tpu.dma_semaphore, #tpu.memory_space<semaphore_mem>>)
      %dma_wait3A_340 = arith.constant 0 : i32
      %dma_wait3A_341 = tpu.memref_slice %arg10[%dma_wait3A_340] : memref<2048xf32, #tpu.memory_space<vmem>> -> memref<112xf32, #tpu.memory_space<vmem>>
      %dma_wait3A_342 = tpu.memref_slice %arg5[%add3A_333] : memref<200192xf32, #tpu.memory_space<hbm>> -> memref<112xf32, #tpu.memory_space<hbm>>
      %dma_wait3A_343 = tpu.memref_slice %arg5[%add3A_333] : memref<200192xf32, #tpu.memory_space<hbm>> -> memref<112xf32, #tpu.memory_space<hbm>>
      %dma_wait3A_344 = arith.constant 0 : i32
      %dma_wait3A_345 = tpu.memref_slice %arg10[%dma_wait3A_344] : memref<2048xf32, #tpu.memory_space<vmem>> -> memref<112xf32, #tpu.memory_space<vmem>>
      tpu.wait_dma2 semaphore(%run_scoped3A : memref<!tpu.dma_semaphore, #tpu.memory_space<semaphore_mem>>) src(%dma_wait3A_345 : memref<112xf32, #tpu.memory_space<vmem>>) dst(%dma_wait3A_343 : memref<112xf32, #tpu.memory_space<hbm>>)
      tpu.yield
    }) : () -> ()
    return
  }
}

module attributes {stable_mosaic.version = 14 : i64} {
  func.func @_combine_body(%arg0: memref<200192xf32, #tpu.memory_space<vmem>>, %arg1: memref<100000xf32, #tpu.memory_space<vmem>>, %arg2: memref<100000xf32, #tpu.memory_space<vmem>>) attributes {dimension_semantics = [], scalar_prefetch = 0 : i64, scratch_operands = 0 : i64, tpu.core_type = #tpu.core_type<tc>} {
    %get3A = arith.constant 0 : index
    %get3A_0 = vector.load %arg1[%get3A] : memref<100000xf32, #tpu.memory_space<vmem>>, vector<100000xf32>
    %get3A_1 = arith.constant 0 : index
    %get3A_2 = vector.load %arg0[%get3A_1] : memref<200192xf32, #tpu.memory_space<vmem>>, vector<100000xf32>
    %sub3A = arith.subf %get3A_0, %get3A_2 : vector<100000xf32>
    %get3A_3 = arith.constant 100096 : index
    %get3A_4 = vector.load %arg0[%get3A_3] : memref<200192xf32, #tpu.memory_space<vmem>>, vector<100000xf32>
    %sub3A_5 = arith.subf %sub3A, %get3A_4 : vector<100000xf32>
    %swap3A = arith.constant 0 : index
    %swap3A_6 = vector.load %arg2[%swap3A] : memref<100000xf32, #tpu.memory_space<vmem>>, vector<100000xf32>
    tpu.vector_store %arg2[%swap3A], %sub3A_5 {strides = array<i32>} : memref<100000xf32, #tpu.memory_space<vmem>>, vector<100000xf32>,
    return
  }
}

</mosaic_0001>

<sc_bundles>
// kernel: kernel.4.cloned.1.call-start
scs
__scs_entry_jumppad:
0x0: {  	(pc) =	sbr.rel $0x88, $3  }
0x1: {  	(tag) =	ssettag $0x0;
	lr =	simm.s32 $0x1  }
0x2: {  	[smem:$0x3F9E] =	sst lr;
	_ =	strace $0xD0000000  }
0x3: {  	_ = 	snop  }
0x4: {  	_ = 	snop  }
0x5: {  	_ = 	snop  }
0x6: {  	_ = 	snop  }
0x7: {  	_ = 	snop  }
__scs_overlays_trampoline_lowered:
0x8: {  	[smem:$0x3FAD] =	sst s0  }
0x9: {  	[smem:$0x3FAE] =	sst s1  }
0xa: {  	[smem:$0x3FAF] =	sst s2  }
0xb: {  	[smem:$0x3FB0] =	sst s3  }
0xc: {  	[smem:$0x3FB1] =	sst s4  }
0xd: {  	[smem:$0x3FB2] =	sst s5  }
0xe: {  	[smem:$0x3FB3] =	sst s6  }
0xf: {  	[smem:$0x3FB4] =	sst s7  }
0x10: {  	[smem:$0x3FB5] =	sst s8  }
0x11: {  	[smem:$0x3FB6] =	sst s9;
	s0 =	simm.s32 @!p0 $0x0  }
0x12: {  	s1 =	sld [smem:$0x3F9C];
	s0 =	simm.s32 @p0 $0x1  }
0x13: {  	[smem:$0x3FB7] =	sst s0;
	s0 =	simm.s32 @!p1 $0x0  }
0x14: {  	s2 =	sld [smem:$0x3F9B];
	s0 =	simm.s32 @p1 $0x1  }
0x15: {  	[smem:$0x3FB8] =	sst s0;
	s0 =	simm.s32 @!p2 $0x0  }
0x16: {  	s3 =	sld [smem:$0x3FDB];
	s0 =	simm.s32 @p2 $0x1  }
0x17: {  	s4 =	simm.s32 $0x1BF5;
	[smem:$0x3FBA] =	sst s0  }
0x18: {  	s0 =	sld [smem:$0x3F9D];
	_ =	swait.ge [sflag:s4], $0x0  }
0x19: {  	s7 =	sld [smem:$0x3F9E]  }
0x1a: {  	s8 =	sadd.s32 $0xFFFFE003, lr  }
0x1b: {  	s9 =	sadd.s32 $0xFFFFFEF7, lr;
	s5 =	simm.s32 $0xFFFFFFFF;
	p2 =	slt.u32 s8, $0xFFFFF086  }
0x1c: {  	p1 =	slt.u32 s9, $0xF7A;
	s5 =	simm.s32 @!p2 $0x0  }
0x1d: {  	s5 =	simm.s32 @p1 $0x1;
	p0 =	seq.s32 s7, s2  }
0x1e: {  	s7 =	smul.u32 @!p0 $0xF7A, s2;
	p2 =	seq.s32 @!p0 s5, $0x0  }
0x1f: {  	s9 =	smul.u32 $0xF7A, s1;
	s8 =	simm.s32 @!p0 $0x1BF5;
	p2 =	por !p2, p0  }
0x20: {  	[sflag:s8] =	ssyncset.s32 @!p0 $0xFFFFF086;
	s6 =	sadd.s32 @!p0 s3, s7;
	s7 =	simm.s32 @!p0 $0x108  }
0x21: {  	s3 =	sadd.s32 s3, s9;
	s6 =	sadd.s32 @!p0 $0x88, s6;
	s7 =	simm.s32 @p2 $0x1082  }
0x22: {  	[simem:s7], [sflag:s8] =	dma.local @!p0 [hbm:s6], $0xF7A  }
0x23: {  	s9 =	sor.u32 $0xD0000000, s2;
	s6 =	simm.s32 $0x108;
	_ =	swait.ge @!p0 [sflag:s8], $0x0  }
0x24: {  	s3 =	sadd.s32 $0x88, s3;
	s6 =	simm.s32 @!p1 $0x1082;
	[sflag:s4] =	ssyncset.s32 $0xFFFFF086  }
0x25: {  	[simem:s6], [sflag:s4] =	dma.local [hbm:s3], $0xF7A  }
0x26: {  	[smem:$0x3F9E] =	sst s1;
	(tag) =	ssettag s2;
	_ =	strace s9  }
0x27: {  	s1 =	sld [smem:$0x3FAE]  }
0x28: {  	s2 =	sld [smem:$0x3FAF]  }
0x29: {  	s4 =	sld [smem:$0x3FB1]  }
0x2a: {  	p0 =	seq.s32 s5, $0x0;
	s5 =	sld [smem:$0x3FB2]  }
0x2b: {  	s6 =	sld [smem:$0x3FB3]  }
0x2c: {  	s7 =	sld [smem:$0x3FB4]  }
0x2d: {  	s3 =	simm.s32 $0x108;
	s8 =	sld [smem:$0x3FB5]  }
0x2e: {  	s3 =	simm.s32 @!p0 $0x1082;
	s9 =	sld [smem:$0x3FB6]  }
0x2f: {  	lr =	sadd.s32 s0, s3;
	s0 =	sld [smem:$0x3FAD]  }
0x30: {  	s3 =	sld [smem:$0x3FB0]  }
0x31: {  	[smem:$0x3FB9] =	sst s10  }
0x32: {  	s10 =	sld [smem:$0x3FB7];
	_ =	sdelay $0x3  }
0x33: {  	p0 =	seq.s32 s10, $0x1;
	s10 =	sld [smem:$0x3FB9];
	_ =	sdelay $0x3  }
0x34: {  	[smem:$0x3FB9] =	sst s10  }
0x35: {  	s10 =	sld [smem:$0x3FB8];
	_ =	sdelay $0x3  }
0x36: {  	p1 =	seq.s32 s10, $0x1;
	s10 =	sld [smem:$0x3FB9];
	_ =	sdelay $0x3  }
0x37: {  	[smem:$0x3FB9] =	sst s10  }
0x38: {  	s10 =	sld [smem:$0x3FBA]  }
0x39: {  	_ = 	snop;
	(pc) =	sbr.ind lr, $3  }
0x3a: {  	_ = 	snop  }
0x3b: {  	_ = 	snop  }
0x3c: {  	p2 =	seq.s32 s10, $0x1;
	s10 =	sld [smem:$0x3FB9]  }
0x3d: {  	_ =	shalt  }
0x3e: {  	_ =	shalt  }
0x3f: {  	_ =	shalt  }
0x40: {  	_ =	shalt  }
0x41: {  	_ =	shalt  }
0x42: {  	_ =	shalt  }
0x43: {  	_ =	shalt  }
0x44: {  	_ =	shalt  }
0x45: {  	_ =	shalt  }
0x46: {  	_ =	shalt  }
0x47: {  	_ =	shalt  }
0x48: {  	_ =	shalt  }
0x49: {  	_ =	shalt  }
0x4a: {  	_ =	shalt  }
0x4b: {  	_ =	shalt  }
0x4c: {  	_ =	shalt  }
0x4d: {  	_ =	shalt  }
0x4e: {  	_ =	shalt  }
0x4f: {  	_ =	shalt  }
0x50: {  	_ =	shalt  }
0x51: {  	_ =	shalt  }
0x52: {  	_ =	shalt  }
0x53: {  	_ =	shalt  }
0x54: {  	_ =	shalt  }
0x55: {  	_ =	shalt  }
0x56: {  	_ =	shalt  }
0x57: {  	_ =	shalt  }
0x58: {  	_ =	shalt  }
0x59: {  	_ =	shalt  }
0x5a: {  	_ =	shalt  }
0x5b: {  	_ =	shalt  }
0x5c: {  	_ =	shalt  }
0x5d: {  	_ =	shalt  }
0x5e: {  	_ =	shalt  }
0x5f: {  	_ =	shalt  }
0x60: {  	_ =	shalt  }
0x61: {  	_ =	shalt  }
0x62: {  	_ =	shalt  }
0x63: {  	_ =	shalt  }
0x64: {  	_ =	shalt  }
0x65: {  	_ =	shalt  }
0x66: {  	_ =	shalt  }
0x67: {  	_ =	shalt  }
0x68: {  	_ =	shalt  }
0x69: {  	_ =	shalt  }
0x6a: {  	_ =	shalt  }
0x6b: {  	_ =	shalt  }
0x6c: {  	_ =	shalt  }
0x6d: {  	_ =	shalt  }
0x6e: {  	_ =	shalt  }
0x6f: {  	_ =	shalt  }
0x70: {  	_ =	shalt  }
0x71: {  	_ =	shalt  }
0x72: {  	_ =	shalt  }
0x73: {  	_ =	shalt  }
0x74: {  	_ =	shalt  }
0x75: {  	_ =	shalt  }
0x76: {  	_ =	shalt  }
0x77: {  	_ =	shalt  }
0x78: {  	_ =	shalt  }
0x79: {  	_ =	shalt  }
0x7a: {  	_ =	shalt  }
0x7b: {  	_ =	shalt  }
0x7c: {  	_ =	shalt  }
0x7d: {  	_ =	shalt  }
0x7e: {  	_ =	shalt  }
0x7f: {  	_ =	shalt  }
0x80: {  	_ =	shalt  }
0x81: {  	_ =	shalt  }
0x82: {  	_ =	shalt  }
0x83: {  	_ =	shalt  }
0x84: {  	_ =	shalt  }
0x85: {  	_ =	shalt  }
0x86: {  	_ =	shalt  }
0x87: {  	_ =	shalt  }
.Lfunc_end0:
.L_simem_size_0:
called_computation_lowered:
.L_overlay_start_0:
0x88: {  	s2 =	sld [smem:$0x3FD9]  }
0x89: {  	s3 =	sld [smem:$0x3FFE];
	_ =	sdelay $0x1  }
0x8a: {  	s1 =	srdreg.scid  }
0x8b: {  	s0 =	sand.u32 $0x1, s1  }
0x8c: {  	s17 =	sshll.u32 s0, $0xA;
	s2 =	sadd.s32 s3, s2  }
0x8d: {  	s2 =	sadd.s32 s2, s17  }
0x8e: {  	[smem:$0x3FC5] =	sst s2  }
0x8f: {  	_ = 	snop  }
0x90: {  	s2 =	sld [smem:$0x3FC8]  }
0x91: {  	s18 =	sld [smem:$0x3FC7];
	(tm) =	ssettm $0x1  }
0x92: {  	s4 =	sld [smem:$0x3FFB];
	_ =	sdelay $0x3  }
0x93: {  	_ =	strace s4  }
0x94: {  	s4 =	sld [smem:$0x3FFC];
	_ =	sdelay $0x3  }
0x95: {  	_ =	strace s4  }
0x96: {  	s4 =	sld [smem:$0x3FFD];
	_ =	sdelay $0x3  }
0x97: {  	_ =	strace s4  }
0x98: {  	_ =	strace $0x8FFFFFFF  }
0x99: {  	s19 =	sld [smem:$0x3FDB];
	_ =	sdelay $0x1  }
0x9a: {  	s5 =	simm.s32 $_scs_section_size  }
0x9b: {  	s6 =	simm.s32 $_size__tile_overlayer_lowered;
	s7 =	simm.s32 $_tile_overlayer_lowered  }
0x9c: {  	s22 =	simm.s32 $0x1BFF;
	s21 =	sshll.u32 s7, $0x1;
	s4 =	sadd.s32 s5, s19  }
0x9d: {  	s8 =	simm.s32 $0x0;
	s20 =	sshll.u32 s6, $0x1;
	s6 =	sadd.s32 s21, s4  }
0x9e: {  	[timem:s8], [sflag:s22] =	dma.local [hbm:s6], s20  }
0x9f: {  	_ =	swait.ge [sflag:s22], s20  }
0xa0: {  	s5 =	ssub.s32 $0x0, s20;
	[sflag:s22] =	ssyncset.done $0x0  }
0xa1: {  	[sflag:s22] =	ssyncadd.s32 s5;
	_ =	sdelay $0x1  }
0xa2: {  	s23 =	simm.s32 $0x1B8B  }
0xa3: {  	_ =	swait.ge [sflag:s23], $0x1  }
0xa4: {  	[sflag:s23] =	ssyncset.done $0x0  }
0xa5: {  	s25 =	simm.s32 $0x1B8E;
	s24 =	sld [smem:$0x3FFE];
	[sflag:s23] =	ssyncadd.s32 $0xFFFFFFFF  }
0xa6: {  	s26 =	simm.s32 $execute0_lowered;
	[smem:$0x3FD2] =	sst s25  }
0xa7: {  	s6 =	sshll.u32 s26, $0x1;
	_ =	strace $0x80000046;
	[dreg:$0x1] =	wrdreg $0xFFFFFFFF  }
0xa8: {  	s28 =	simm.s32 $_size_execute0_lowered;
	s4 =	sadd.s32 s4, s6;
	[dreg:$0x0] =	wrdreg $0x0  }
0xa9: {  	s6 =	sshll.u32 s28, $0x1;
	[dreg:$0x2] =	wrdreg s4  }
0xaa: {  	[dreg:$0x3] =	wrdreg s6  }
0xab: {  	[dreg:$0x4] =	wrdreg $0xC0  }
0xac: {  	_ =	task [dreg:s8], $0x5FFFF  }
0xad: {  	[dreg:$0x1] =	wrdreg $0xFFFFFFFF  }
0xae: {  	[dreg:$0x0] =	wrdreg $0x60  }
0xaf: {  	[dreg:$0x2] =	wrdreg s24  }
0xb0: {  	[dreg:$0x3] =	wrdreg s2  }
0xb1: {  	[dreg:$0x4] =	wrdreg s18  }
0xb2: {  	[dreg:$0x5] =	wrdreg $0x1D7000  }
0xb3: {  	[dreg:$0x6] =	wrdreg $0x9  }
0xb4: {  	_ =	task.clear_ibuf [dreg:s8], $0x7FFFF;
	_ =	strace $0x90000046  }
0xb5: {  	s29 =	simm.s32 $0x9;
	_ =	strace $0x80000048  }
0xb6: {  	_ =	swait.ge [sflag:s29], $0x1  }
0xb7: {  	[sflag:s29] =	ssyncadd.s32 $0xFFFFFFFF  }
0xb8: {  	_ =	strace $0x90000048  }
0xb9: {  	_ =	sfence  }
0xba: {  	s30 =	sld [smem:$0x0];
	_ =	sdelay $0x2  }
0xbb: {  	s31 =	sshll.u32 s1, $0xD;
	s1 =	sshrl.u32 s1, $0x2  }
0xbc: {  	s3 =	sand.u32 $0x4000, s31;
	s1 =	sadd.s32 s1, s30  }
0xbd: {  	s0 =	sor.u32 s3, s0;
	s1 =	sshll.u32 s1, $0x11  }
0xbe: {  	s0 =	sor.u32 s1, s0  }
0xbf: {  	s0 =	sadd.s32 $0x8F2B, s0  }
0xc0: {  	[sflag:s0] =	ssyncadd.remote.s32 $0x1  }
0xc1: {  	_ =	sfence.sel $0xFFFF  }
0xc2: {  	[dreg:$0x0] =	wrdreg $0xFFFFFFFF;
	(pc) =	sbr.abs _section_cstart, $3  }
0xc3: {  	[dreg:$0x1] =	wrdreg $0xFFFFFFFF  }
0xc4: {  	_ =	task.clear_ibuf [dreg:s8], $0x2FFFF;
	_ =	strace $0x9FFFFFFF  }
0xc5: {  	(tm) =	ssettm $0x7FFFFFFF  }
tec
execute0_lowered:
.L_overlay_start_1:
0x0: {  	(tag) =	ssettag $0x1  }
0x1: {  	s10 =	rddreg [dreg:$0x0]  }
0x2: {  	s2 =	rddreg [dreg:$0x1]  }
0x3: {  	s4 =	rddreg [dreg:$0x2];
	s0 =	srdreg.scid  }
0x4: {  	s9 =	stileid.u32;
	s5 =	rddreg [dreg:$0x3];
	s6 =	simm.s32 $0x0  }
0x5: {  	s31 =	simm.s32 $0x5000;
	s0 =	sand.u32 $0x1, s0;
	s1 =	smul.u32 $0x1870, s9  }
0x6: {  	[smem:$0x7FF] =	sst s6;
	s3 =	smul.u32 $0x18700, s0;
	s7 =	ssub.s32 $0x2, s0  }
0x7: {  	_ =	strace $0x80000047;
	s0 =	sshll.u32 s0, $0x4;
	s8 =	sshrl.u32 s7, $0x1  }
0x8: {  	s0 =	sor.u32 s9, s0;
	s18 =	sadd.s32 s1, s5;
	s3 =	sadd.s32 s1, s3  }
0x9: {  	s7 =	ssub.s32 s7, s8;
	s29 =	sshll.u32 s0, $0x9;
	s9 =	sshll.u32 s0, $0x8  }
0xa: {  	s30 =	sshll.u32 s0, $0xB;
	s17 =	smul.u32 $0x680, s0;
	s22 =	sshll.u32 s0, $0x7  }
0xb: {  	p0 =	slt.u32 s0, $0x8;
	[dreg:$0x9] =	wrdreg s18;
	s3 =	sshrl.u32 s3, $0x3  }
0xc: {  	s8 =	sadd.s32 s2, s29;
	s11 =	sadd.s32 s4, s9;
	s12 =	sor.u32 $0x10000, s30  }
0xd: {  	s9 =	sor.u32 $0x20000, s30;
	s0 =	sor.u32 $0x30D000, s22;
	[dreg:$0x5] =	wrdreg s8  }
0xe: {  	s22 =	sadd.s32 $0x1800, s18;
	s3 =	sadd.s32 s3, s10;
	[dreg:$0x6] =	wrdreg s11  }
0xf: {  	s11 =	sshrl.u32 s12, $0x2;
	s8 =	sshrl.u32 s12, $0x3;
	s13 =	sshrl.u32 s9, $0x2  }
0x10: {  	s15 =	sshrl.u32 s9, $0x3;
	s21 =	sor.u32 $0x300000, s17;
	s0 =	simm.s32 @!p0 $0x30D000  }
0x11: {  	s10 =	simm.s32 $0x3;
	[dreg:$0x19] =	wrdreg s22;
	s11 =	sadd.s32 s2, s11  }
0x12: {  	s17 =	simm.s32 $0x0;
	s8 =	sadd.s32 s4, s8;
	[dreg:$0x7] =	wrdreg s11  }
0x13: {  	s14 =	sadd.s32 s2, s13;
	s1 =	sadd.s32 s4, s15;
	[dreg:$0x8] =	wrdreg s8  }
0x14: {  	s23 =	sshrl.u32 s21, $0x2;
	s24 =	sshrl.u32 s0, $0x2;
	[dreg:$0xa] =	wrdreg s14  }
0x15: {  	s0 =	sshrl.u32 s0, $0x3;
	s25 =	sadd.s32 $0x3200, s3;
	[dreg:$0xb] =	wrdreg s1  }
0x16: {  	s26 =	sadd.s32 $0x3300, s3;
	s28 =	sadd.s32 $0x3400, s3;
	[dreg:$0x12] =	wrdreg s25  }
0x17: {  	s29 =	sadd.s32 $0x3500, s3;
	s3 =	simm.s32 $0x2000;
	[dreg:$0x13] =	wrdreg s26  }
0x18: {  	s13 =	simm.s32 $0x800;
	s15 =	simm.s32 $0x4000;
	[dreg:$0x14] =	wrdreg s28  }
0x19: {  	s14 =	sor.u32 $0x30000, s30;
	s8 =	sadd.s32 s2, s23;
	[dreg:$0x15] =	wrdreg s29  }
0x1a: {  	s0 =	sadd.s32 s4, s0;
	s30 =	smax.u32 s7, $0x1;
	[dreg:$0xe] =	wrdreg s8  }
0x1b: {  	s7 =	simm.s32 $0x3000;
	s16 =	sshrl.u32 s14, $0x2;
	[dreg:$0x11] =	wrdreg s0  }
0x1c: {  	s20 =	sshrl.u32 s14, $0x3;
	[dreg:$0x16] =	wrdreg s30;
	s19 =	sadd.s32 s2, s16  }
0x1d: {  	s11 =	simm.s32 $0x1;
	s1 =	sadd.s32 s4, s20;
	[dreg:$0xc] =	wrdreg s19  }
0x1e: {  	s0 =	simm.s32 $0x1000;
	s20 =	sadd.s32 $0x800, s18;
	[dreg:$0xd] =	wrdreg s1  }
0x1f: {  	s1 =	sshrl.u32 s21, $0x3;
	s21 =	sadd.s32 $0x1000, s18;
	[dreg:$0x17] =	wrdreg s20  }
0x20: {  	s8 =	simm.s32 $0x5;
	s1 =	sadd.s32 s4, s1;
	[dreg:$0x18] =	wrdreg s21  }
0x21: {  	s16 =	simm.s32 $0x2;
	[dreg:$0xf] =	wrdreg s1;
	s1 =	sadd.s32 s2, s24  }
0x22: {  	v0 =	vimm.f32 $0.0e+00;
	s19 =	simm.s32 $0x4;
	[dreg:$0x10] =	wrdreg s1;
	s1 =	simm.s32 $0x2800  }
.LBB2_1:
0x23: {  	[dreg:$0x1a] =	wrdreg s17;
	s12 =	simm.s32 $0x40;
	s17 =	simm.s32 $0x0  }
.LBB2_2:
0x24: {  	p1 =	sne.s32 s12, $0x1FC0;
	[tilespmem:s17+$0x3000] =	vst v0;
	s17 =	smov.u32 s12;
	s12 =	sadd.s32 $0x40, s12  }
.Ltmp0:
0x25: {  	(pc) =	sbr.rel @p1 .LBB2_2-.Ltmp0, $2  }
0x26: {  	_ =	sdelay $0x2  }
0x27: {  	s17 =	sshra.s32 s17, $0x2  }
0x28: {  	[tilespmem:s17+$0x3000] =	vst v0;
	s12 =	rddreg [dreg:$0x0]  }
0x29: {  	[tilespmem:s31], [sflag:$0x3] =	stream.linear.gather [hbm4b:s12+s6], $0x18700, $0x38;
	[tilespmem:$0x1EF70] =	vst v63  }
0x2a: {  	s25 =	rddreg [dreg:$0x5]  }
0x2b: {  	[tilespmem:s6], [sflag:$0x1] =	stream.linear.gather [hbm4b:s25+s6], $0x1000, $0x38;
	[tilespmem:$0x1EF70] =	vst v63  }
0x2c: {  	s26 =	rddreg [dreg:$0x6]  }
0x2d: {  	[tilespmem:s3], [sflag:$0x1] =	stream.linear.gather [hbm4b:s26+s6], $0x800, $0x38;
	[tilespmem:$0x1EF70] =	vst v63  }
0x2e: {  	s30 =	rddreg [dreg:$0x7]  }
0x2f: {  	[tilespmem:s0], [sflag:$0x2] =	stream.linear.gather [hbm4b:s30+s6], $0x1000, $0x38;
	[tilespmem:$0x1EF70] =	vst v63  }
0x30: {  	s17 =	rddreg [dreg:$0x8]  }
0x31: {  	[tilespmem:s1], [sflag:$0x2] =	stream.linear.gather [hbm4b:s17+s6], $0x800, $0x38;
	[tilespmem:$0x1EF70] =	vst v63  }
0x32: {  	_ = 	snop  }
0x33: {  	[spmem:s18] =	stream.linear.scatter [tilespmem:s7], [sflag:$0x5], $0x800, $0x38;
	[tilespmem:$0x1EF70] =	vst v63  }
0x34: {  	_ =	swait.ge [sflag:s8], $0x800  }
0x35: {  	[sflag:s8] =	ssyncset.done $0x0  }
0x36: {  	[sflag:s8] =	ssyncadd.s32 $0xFFFFF800  }
0x37: {  	[spmem:s20] =	stream.linear.scatter [tilespmem:s7], [sflag:$0x5], $0x800, $0x38;
	[tilespmem:$0x1EF70] =	vst v63  }
0x38: {  	_ =	swait.ge [sflag:s8], $0x800  }
0x39: {  	[sflag:s8] =	ssyncset.done $0x0  }
0x3a: {  	[sflag:s8] =	ssyncadd.s32 $0xFFFFF800  }
0x3b: {  	[spmem:s21] =	stream.linear.scatter [tilespmem:s7], [sflag:$0x5], $0x800, $0x38;
	[tilespmem:$0x1EF70] =	vst v63  }
0x3c: {  	_ =	swait.ge [sflag:s8], $0x800  }
0x3d: {  	[sflag:s8] =	ssyncset.done $0x0  }
0x3e: {  	[sflag:s8] =	ssyncadd.s32 $0xFFFFF800  }
0x3f: {  	[spmem:s22] =	stream.linear.scatter [tilespmem:s7], [sflag:$0x5], $0x70, $0x38;
	[tilespmem:$0x1EF70] =	vst v63  }
0x40: {  	_ =	swait.ge [sflag:s8], $0x70  }
0x41: {  	[sflag:s8] =	ssyncset.done $0x0  }
0x42: {  	[sflag:s8] =	ssyncadd.s32 $0xFFFFFF90  }
0x43: {  	_ =	swait.ge [sflag:s10], $0x18700  }
0x44: {  	[sflag:s10] =	ssyncset.done $0x0  }
0x45: {  	[sflag:s10] =	ssyncadd.s32 $0xFFFE7900  }
0x46: {  	[bflag:$0x0] =	sbarrier.arrive $0xFFFF  }
0x47: {  	_ =	swait.ge [sflag:s11], $0x1000  }
0x48: {  	[sflag:s11] =	ssyncset.done $0x0  }
0x49: {  	[sflag:s11] =	ssyncadd.s32 $0xFFFFF000  }
0x4a: {  	_ =	swait.ge [sflag:s11], $0x800  }
0x4b: {  	[sflag:s11] =	ssyncset.done $0x0  }
0x4c: {  	s21 =	simm.s32 $0x200;
	[sflag:s11] =	ssyncadd.s32 $0xFFFFF800  }
0x4d: {  	v1 =	vld [tilespmem:s21+$0x180];
	_ =	sdelay $0x3  }
0x4e: {  	s20 =	simm.s32 $0x2100;
	v2 =	vld [tilespmem:s21+$0xFFFFFE80]  }
0x4f: {  	v3 =	vld [tilespmem:s20+$0x80]  }
0x50: {  	v4 =	vld [tilespmem:s21+$0xFFFFFF80]  }
0x51: {  	v5 =	vld [tilespmem:s21+$0x80]  }
0x52: {  	v1 =	vld.idx.msk [tilespmem:v1+s31+$0x0], $0xffff;
	_ =	sdelay $0x2  }
0x53: {  	v6 =	vld [tilespmem:s20+$0xFFFFFF00]  }
0x54: {  	v2 =	vld.idx.msk [tilespmem:v2+s31+$0x0], $0xffff  }
0x55: {  	v1 =	vmul.f32 v3, v1  }
0x56: {  	s30 =	simm.s32 $0x3100;
	v3 =	vld.idx.msk [tilespmem:v4+s31+$0x0], $0xffff  }
0x57: {  	v4 =	vld.idx.msk [tilespmem:v5+s31+$0x0], $0xffff;
	[tilespmem:s30+$0x80] =	vst v1  }
0x58: {  	v1 =	vld [tilespmem:s21+$0x100]  }
0x59: {  	v2 =	vmul.f32 v6, v2;
	v5 =	vld [tilespmem:s20+$0xFFFFFF80];
	_ =	sdelay $0x1  }
0x5a: {  	v6 =	vld [tilespmem:s20+$0x0];
	[tilespmem:s30+$0xFFFFFF00] =	vst v2  }
0x5b: {  	s22 =	simm.s32 $0x4100;
	v2 =	vld [tilespmem:s21+$0xFFFFFE00]  }
0x5c: {  	[tilespmem:s22+$0x80] =	vst v1  }
0x5d: {  	v3 =	vmul.f32 v5, v3;
	v1 =	vld [tilespmem:s21+$0x190];
	_ =	sdelay $0x1  }
0x5e: {  	v4 =	vmul.f32 v6, v4;
	[tilespmem:s30+$0xFFFFFF80] =	vst v3  }
0x5f: {  	v3 =	vld [tilespmem:s21+$0xFFFFFF00];
	[tilespmem:s22+$0xFFFFFF00] =	vst v2  }
0x60: {  	[tilespmem:s30+$0x0] =	vst v4;
	v2 =	vld [tilespmem:s21+$0xFFFFFE90]  }
0x61: {  	v4 =	vld [tilespmem:s21+$0x0];
	_ =	sdelay $0x1  }
0x62: {  	v5 =	vld [tilespmem:s20+$0x90]  }
0x63: {  	[tilespmem:s22+$0xFFFFFF80] =	vst v3;
	v1 =	vld.idx.msk [tilespmem:v1+s31+$0x0], $0xffff  }
0x64: {  	v3 =	vld [tilespmem:s21+$0xFFFFFF90]  }
0x65: {  	v6 =	vld [tilespmem:s20+$0xFFFFFF10];
	[tilespmem:s22+$0x0] =	vst v4  }
0x66: {  	v4 =	vld [tilespmem:s21+$0x90]  }
0x67: {  	v2 =	vld.idx.msk [tilespmem:v2+s31+$0x0], $0xffff  }
0x68: {  	v1 =	vmul.f32 v5, v1;
	_ =	sdelay $0x1  }
0x69: {  	v5 =	vld [tilespmem:s20+$0xFFFFFF90];
	[tilespmem:s30+$0x90] =	vst v1  }
0x6a: {  	v1 =	vld [tilespmem:s21+$0x110]  }
0x6b: {  	v2 =	vmul.f32 v6, v2;
	v3 =	vld.idx.msk [tilespmem:v3+s31+$0x0], $0xffff  }
0x6c: {  	v7 =	vld [tilespmem:s20+$0x10]  }
0x6d: {  	v4 =	vld.idx.msk [tilespmem:v4+s31+$0x0], $0xffff;
	[tilespmem:s30+$0xFFFFFF10] =	vst v2  }
0x6e: {  	v2 =	vld [tilespmem:s21+$0xFFFFFE10]  }
0x6f: {  	[tilespmem:s22+$0x90] =	vst v1  }
0x70: {  	v3 =	vmul.f32 v5, v3;
	v1 =	vld [tilespmem:s21+$0x1A0];
	_ =	sdelay $0x1  }
0x71: {  	[tilespmem:s30+$0xFFFFFF90] =	vst v3;
	v3 =	vmul.f32 v7, v4  }
0x72: {  	[tilespmem:s22+$0xFFFFFF10] =	vst v2  }
0x73: {  	v2 =	vld [tilespmem:s21+$0xFFFFFEA0];
	[tilespmem:s30+$0x10] =	vst v3  }
0x74: {  	v3 =	vld [tilespmem:s21+$0x10];
	_ =	sdelay $0x1  }
0x75: {  	v5 =	vld [tilespmem:s20+$0xA0]  }
0x76: {  	v1 =	vld.idx.msk [tilespmem:v1+s31+$0x0], $0xffff  }
0x77: {  	v4 =	vld [tilespmem:s21+$0xFFFFFF10]  }
0x78: {  	v6 =	vld [tilespmem:s20+$0xFFFFFF20];
	[tilespmem:s22+$0x10] =	vst v3  }
0x79: {  	v3 =	vld [tilespmem:s21+$0xA0]  }
0x7a: {  	v2 =	vld.idx.msk [tilespmem:v2+s31+$0x0], $0xffff  }
0x7b: {  	v1 =	vmul.f32 v5, v1  }
0x7c: {  	[tilespmem:s22+$0xFFFFFF90] =	vst v4  }
0x7d: {  	v4 =	vld [tilespmem:s21+$0xFFFFFFA0];
	[tilespmem:s30+$0xA0] =	vst v1  }
0x7e: {  	v1 =	vld [tilespmem:s21+$0x120]  }
0x7f: {  	v2 =	vmul.f32 v6, v2  }
0x80: {  	v7 =	vld [tilespmem:s20+$0x20]  }
0x81: {  	v3 =	vld.idx.msk [tilespmem:v3+s31+$0x0], $0xffff;
	[tilespmem:s30+$0xFFFFFF20] =	vst v2  }
0x82: {  	v2 =	vld [tilespmem:s21+$0xFFFFFE20]  }
0x83: {  	v5 =	vld [tilespmem:s20+$0xFFFFFFA0];
	[tilespmem:s22+$0xA0] =	vst v1  }
0x84: {  	v1 =	vld [tilespmem:s21+$0x1B0]  }
0x85: {  	v4 =	vld.idx.msk [tilespmem:v4+s31+$0x0], $0xffff  }
0x86: {  	v3 =	vmul.f32 v7, v3  }
0x87: {  	[tilespmem:s22+$0xFFFFFF20] =	vst v2  }
0x88: {  	v2 =	vld [tilespmem:s21+$0xFFFFFEB0];
	[tilespmem:s30+$0x20] =	vst v3  }
0x89: {  	v3 =	vld [tilespmem:s21+$0x20]  }
0x8a: {  	v4 =	vmul.f32 v5, v4  }
0x8b: {  	v5 =	vld [tilespmem:s20+$0xB0]  }
0x8c: {  	[tilespmem:s30+$0xFFFFFFA0] =	vst v4;
	v1 =	vld.idx.msk [tilespmem:v1+s31+$0x0], $0xffff  }
0x8d: {  	v4 =	vld [tilespmem:s21+$0xFFFFFF20]  }
0x8e: {  	v6 =	vld [tilespmem:s20+$0xFFFFFF30];
	[tilespmem:s22+$0x20] =	vst v3  }
0x8f: {  	v3 =	vld [tilespmem:s21+$0xB0]  }
0x90: {  	v2 =	vld.idx.msk [tilespmem:v2+s31+$0x0], $0xffff  }
0x91: {  	v1 =	vmul.f32 v5, v1  }
0x92: {  	[tilespmem:s22+$0xFFFFFFA0] =	vst v4  }
0x93: {  	v4 =	vld [tilespmem:s21+$0xFFFFFFB0];
	[tilespmem:s30+$0xB0] =	vst v1  }
0x94: {  	s23 =	simm.s32 $0x600;
	v1 =	vld [tilespmem:s21+$0x130]  }
0x95: {  	v9 =	vld [tilespmem:s23+$0xFFFFFE80];
	v2 =	vmul.f32 v6, v2  }
0x96: {  	v7 =	vld [tilespmem:s20+$0x30]  }
0x97: {  	v3 =	vld.idx.msk [tilespmem:v3+s31+$0x0], $0xffff;
	[tilespmem:s30+$0xFFFFFF30] =	vst v2  }
0x98: {  	v2 =	vld [tilespmem:s21+$0xFFFFFE30]  }
0x99: {  	v5 =	vld [tilespmem:s20+$0xFFFFFFB0];
	[tilespmem:s22+$0xB0] =	vst v1  }
0x9a: {  	v1 =	vld [tilespmem:s21+$0x1C0]  }
0x9b: {  	v4 =	vld.idx.msk [tilespmem:v4+s31+$0x0], $0xffff  }
0x9c: {  	s25 =	simm.s32 $0x2300;
	v3 =	vmul.f32 v7, v3  }
0x9d: {  	v12 =	vld [tilespmem:s25+$0xFFFFFF00];
	[tilespmem:s22+$0xFFFFFF30] =	vst v2  }
0x9e: {  	v2 =	vld [tilespmem:s21+$0xFFFFFEC0];
	[tilespmem:s30+$0x30] =	vst v3  }
0x9f: {  	v3 =	vld [tilespmem:s21+$0x30]  }
0xa0: {  	v9 =	vld.idx.msk [tilespmem:v9+s31+$0x0], $0xffff;
	v4 =	vmul.f32 v5, v4  }
0xa1: {  	v5 =	vld [tilespmem:s20+$0xC0]  }
0xa2: {  	[tilespmem:s30+$0xFFFFFFB0] =	vst v4;
	v1 =	vld.idx.msk [tilespmem:v1+s31+$0x0], $0xffff  }
0xa3: {  	v4 =	vld [tilespmem:s21+$0xFFFFFF30]  }
0xa4: {  	v6 =	vld [tilespmem:s20+$0xFFFFFF40];
	[tilespmem:s22+$0x30] =	vst v3  }
0xa5: {  	v3 =	vld [tilespmem:s21+$0xC0]  }
0xa6: {  	v9 =	vmul.f32 v12, v9;
	v2 =	vld.idx.msk [tilespmem:v2+s31+$0x0], $0xffff  }
0xa7: {  	s24 =	simm.s32 $0x3300;
	v1 =	vmul.f32 v5, v1  }
0xa8: {  	[tilespmem:s24+$0xFFFFFF00] =	vst v9  }
0xa9: {  	v9 =	vld [tilespmem:s23+$0xFFFFFE00];
	[tilespmem:s30+$0xC0] =	vst v1  }
0xaa: {  	[tilespmem:s22+$0xFFFFFFB0] =	vst v4;
	v1 =	vld [tilespmem:s21+$0x140]  }
0xab: {  	v4 =	vld [tilespmem:s21+$0xFFFFFFC0];
	v2 =	vmul.f32 v6, v2  }
0xac: {  	v6 =	vld [tilespmem:s20+$0x40]  }
0xad: {  	[tilespmem:s30+$0xFFFFFF40] =	vst v2;
	v3 =	vld.idx.msk [tilespmem:v3+s31+$0x0], $0xffff  }
0xae: {  	v2 =	vld [tilespmem:s21+$0xFFFFFE40]  }
0xaf: {  	v10 =	vld [tilespmem:s23+$0x80];
	[tilespmem:s22+$0xC0] =	vst v1  }
0xb0: {  	v1 =	vld [tilespmem:s21+$0x1D0]  }
0xb1: {  	s26 =	simm.s32 $0x4300;
	v11 =	vld [tilespmem:s25+$0x80]  }
0xb2: {  	v41 =	vld [tilespmem:s25+$0xFFFFFF80];
	[tilespmem:s26+$0xFFFFFF00] =	vst v9  }
0xb3: {  	[tilespmem:s22+$0xFFFFFF40] =	vst v2;
	v2 =	vmul.f32 v6, v3;
	v6 =	vld [tilespmem:s23+$0x180]  }
0xb4: {  	v9 =	vld [tilespmem:s23+$0xFFFFFE90]  }
0xb5: {  	v5 =	vld [tilespmem:s20+$0xFFFFFFC0]  }
0xb6: {  	v4 =	vld.idx.msk [tilespmem:v4+s31+$0x0], $0xffff  }
0xb7: {  	[tilespmem:s30+$0x40] =	vst v2;
	v2 =	vld [tilespmem:s20+$0xD0]  }
0xb8: {  	v1 =	vld.idx.msk [tilespmem:v1+s31+$0x0], $0xffff  }
0xb9: {  	v13 =	vld [tilespmem:s25+$0x0]  }
0xba: {  	v10 =	vld.idx.msk [tilespmem:v10+s31+$0x0], $0xffff  }
0xbb: {  	v6 =	vld.idx.msk [tilespmem:v6+s31+$0x0], $0xffff  }
0xbc: {  	v46 =	vld [tilespmem:s25+$0xFFFFFF10];
	v4 =	vmul.f32 v5, v4  }
0xbd: {  	v1 =	vmul.f32 v2, v1;
	v2 =	vld [tilespmem:s23+$0xFFFFFF80]  }
0xbe: {  	v9 =	vld.idx.msk [tilespmem:v9+s31+$0x0], $0xffff;
	[tilespmem:s30+$0xFFFFFFC0] =	vst v4  }
0xbf: {  	v4 =	vld [tilespmem:s21+$0xFFFFFF40];
	[tilespmem:s30+$0xD0] =	vst v1  }
0xc0: {  	v6 =	vmul.f32 v11, v6;
	v1 =	vld [tilespmem:s21+$0x150]  }
0xc1: {  	v3 =	vld [tilespmem:s21+$0xFFFFFED0]  }
0xc2: {  	v7 =	vld [tilespmem:s20+$0xFFFFFF50];
	[tilespmem:s24+$0x80] =	vst v6  }
0xc3: {  	v6 =	vld [tilespmem:s23+$0x100]  }
0xc4: {  	[tilespmem:s22+$0xFFFFFFC0] =	vst v4;
	v4 =	vld [tilespmem:s21+$0x40]  }
0xc5: {  	[tilespmem:s22+$0xD0] =	vst v1;
	v2 =	vld.idx.msk [tilespmem:v2+s31+$0x0], $0xffff  }
0xc6: {  	v1 =	vld [tilespmem:s21+$0x1E0]  }
0xc7: {  	v5 =	vld [tilespmem:s21+$0xFFFFFFD0]  }
0xc8: {  	v8 =	vld [tilespmem:s20+$0xFFFFFFD0];
	[tilespmem:s26+$0x80] =	vst v6;
	v6 =	vmul.f32 v13, v10  }
0xc9: {  	v3 =	vld.idx.msk [tilespmem:v3+s31+$0x0], $0xffff  }
0xca: {  	v42 =	vld [tilespmem:s20+$0xE0];
	[tilespmem:s24+$0x0] =	vst v6;
	v2 =	vmul.f32 v41, v2  }
0xcb: {  	v6 =	vld [tilespmem:s23+$0x0]  }
0xcc: {  	[tilespmem:s24+$0xFFFFFF80] =	vst v2;
	v2 =	vld [tilespmem:s23+$0x190]  }
0xcd: {  	v43 =	vld [tilespmem:s23+$0xFFFFFF00]  }
0xce: {  	[tilespmem:s22+$0x40] =	vst v4;
	v1 =	vld.idx.msk [tilespmem:v1+s31+$0x0], $0xffff  }
0xcf: {  	v4 =	vld [tilespmem:s21+$0xD0]  }
0xd0: {  	v44 =	vld [tilespmem:s20+$0x50];
	[tilespmem:s26+$0x0] =	vst v6  }
0xd1: {  	v6 =	vld [tilespmem:s23+$0x90]  }
0xd2: {  	v5 =	vld.idx.msk [tilespmem:v5+s31+$0x0], $0xffff;
	v3 =	vmul.f32 v7, v3;
	[tilespmem:s26+$0xFFFFFF80] =	vst v43  }
0xd3: {  	v1 =	vmul.f32 v42, v1;
	v7 =	vld [tilespmem:s23+$0xFFFFFF90]  }
0xd4: {  	[tilespmem:s30+$0xFFFFFF50] =	vst v3;
	v3 =	vld [tilespmem:s25+$0x90]  }
0xd5: {  	v2 =	vld.idx.msk [tilespmem:v2+s31+$0x0], $0xffff;
	[tilespmem:s30+$0xE0] =	vst v1  }
0xd6: {  	v1 =	vld [tilespmem:s21+$0x160]  }
0xd7: {  	v45 =	vld [tilespmem:s21+$0xFFFFFE50]  }
0xd8: {  	v4 =	vld.idx.msk [tilespmem:v4+s31+$0x0], $0xffff  }
0xd9: {  	v6 =	vld.idx.msk [tilespmem:v6+s31+$0x0], $0xffff  }
0xda: {  	v2 =	vmul.f32 v3, v2;
	v3 =	vmul.f32 v8, v5;
	v5 =	vld [tilespmem:s25+$0xFFFFFF90]  }
0xdb: {  	[tilespmem:s22+$0xE0] =	vst v1;
	v7 =	vld.idx.msk [tilespmem:v7+s31+$0x0], $0xffff  }
0xdc: {  	[tilespmem:s24+$0x90] =	vst v2;
	v1 =	vld [tilespmem:s21+$0x1F0]  }
0xdd: {  	v8 =	vmul.f32 v46, v9;
	[tilespmem:s30+$0xFFFFFFD0] =	vst v3;
	v3 =	vld [tilespmem:s23+$0x110]  }
0xde: {  	v2 =	vmul.f32 v44, v4;
	v4 =	vld [tilespmem:s21+$0xFFFFFF50]  }
0xdf: {  	[tilespmem:s24+$0xFFFFFF10] =	vst v8;
	v8 =	vld [tilespmem:s20+$0xF0]  }
0xe0: {  	[tilespmem:s30+$0x50] =	vst v2;
	v2 =	vld [tilespmem:s25+$0x10]  }
0xe1: {  	v47 =	vld [tilespmem:s21+$0x50];
	v5 =	vmul.f32 v5, v7  }
0xe2: {  	v7 =	vld [tilespmem:s23+$0xFFFFFE10];
	[tilespmem:s26+$0x90] =	vst v3  }
0xe3: {  	[tilespmem:s24+$0xFFFFFF90] =	vst v5;
	v3 =	vld [tilespmem:s23+$0x1A0]  }
0xe4: {  	[tilespmem:s22+$0xFFFFFF50] =	vst v45;
	v5 =	vld [tilespmem:s23+$0xFFFFFF10]  }
0xe5: {  	v2 =	vmul.f32 v2, v6;
	v6 =	vld [tilespmem:s21+$0xFFFFFEE0]  }
0xe6: {  	[tilespmem:s22+$0xFFFFFFD0] =	vst v4;
	v4 =	vld [tilespmem:s25+$0xA0]  }
0xe7: {  	v48 =	vld [tilespmem:s21+$0xFFFFFFE0];
	[tilespmem:s26+$0xFFFFFF10] =	vst v7  }
0xe8: {  	[tilespmem:s24+$0x10] =	vst v2;
	v7 =	vld [tilespmem:s23+$0xFFFFFEA0]  }
0xe9: {  	v2 =	vld [tilespmem:s23+$0x10];
	[tilespmem:s26+$0xFFFFFF90] =	vst v5  }
0xea: {  	v5 =	vld [tilespmem:s23+$0xFFFFFFA0]  }
0xeb: {  	v3 =	vld.idx.msk [tilespmem:v3+s31+$0x0], $0xffff  }
0xec: {  	v1 =	vld.idx.msk [tilespmem:v1+s31+$0x0], $0xffff  }
0xed: {  	v53 =	vld [tilespmem:s20+$0xFFFFFFE0]  }
0xee: {  	v50 =	vld [tilespmem:s25+$0xFFFFFF20];
	[tilespmem:s26+$0x10] =	vst v2  }
0xef: {  	v2 =	vld [tilespmem:s23+$0xA0]  }
0xf0: {  	v7 =	vld.idx.msk [tilespmem:v7+s31+$0x0], $0xffff;
	v3 =	vmul.f32 v4, v3  }
0xf1: {  	[tilespmem:s22+$0x50] =	vst v47;
	v1 =	vmul.f32 v8, v1;
	v4 =	vld [tilespmem:s25+$0xFFFFFFA0]  }
0xf2: {  	v5 =	vld.idx.msk [tilespmem:v5+s31+$0x0], $0xffff;
	[tilespmem:s24+$0xA0] =	vst v3  }
0xf3: {  	[tilespmem:s30+$0xF0] =	vst v1;
	v1 =	vld [tilespmem:s23+$0x120]  }
0xf4: {  	v49 =	vld [tilespmem:s21+$0xE0]  }
0xf5: {  	v54 =	vld [tilespmem:s20+$0x60];
	v7 =	vmul.f32 v50, v7  }
0xf6: {  	v8 =	vld [tilespmem:s25+$0x20]  }
0xf7: {  	v2 =	vld.idx.msk [tilespmem:v2+s31+$0x0], $0xffff;
	[tilespmem:s24+$0xFFFFFF20] =	vst v7;
	v4 =	vmul.f32 v4, v5  }
0xf8: {  	v5 =	vld [tilespmem:s23+$0xFFFFFE20];
	[tilespmem:s26+$0xA0] =	vst v1  }
0xf9: {  	[tilespmem:s24+$0xFFFFFFA0] =	vst v4;
	v1 =	vld [tilespmem:s23+$0x1B0]  }
0xfa: {  	v4 =	vld [tilespmem:s23+$0xFFFFFF20]  }
0xfb: {  	v6 =	vld.idx.msk [tilespmem:v6+s31+$0x0], $0xffff  }
0xfc: {  	v51 =	vld.idx.msk [tilespmem:v49+s31+$0x0], $0xffff;
	v2 =	vmul.f32 v8, v2  }
0xfd: {  	v52 =	vld [tilespmem:s25+$0xB0];
	[tilespmem:s26+$0xFFFFFF20] =	vst v5  }
0xfe: {  	[tilespmem:s24+$0x20] =	vst v2;
	v5 =	vld [tilespmem:s23+$0xFFFFFEB0]  }
0xff: {  	v2 =	vld [tilespmem:s23+$0x20];
	[tilespmem:s26+$0xFFFFFFA0] =	vst v4  }
0x100: {  	v4 =	vld [tilespmem:s23+$0xFFFFFFB0]  }
0x101: {  	v1 =	vld.idx.msk [tilespmem:v1+s31+$0x0], $0xffff  }
0x102: {  	v7 =	vld.idx.msk [tilespmem:v48+s31+$0x0], $0xffff  }
0x103: {  	v8 =	vld [tilespmem:s20+$0xFFFFFF60]  }
0x104: {  	v55 =	vld [tilespmem:s25+$0xFFFFFF30];
	[tilespmem:s26+$0x20] =	vst v2  }
0x105: {  	v2 =	vld [tilespmem:s23+$0xB0]  }
0x106: {  	v5 =	vld.idx.msk [tilespmem:v5+s31+$0x0], $0xffff;
	v1 =	vmul.f32 v52, v1  }
0x107: {  	v56 =	vld [tilespmem:s25+$0xFFFFFFB0]  }
0x108: {  	[tilespmem:s24+$0xB0] =	vst v1;
	v1 =	vld.idx.msk [tilespmem:v4+s31+$0x0], $0xffff  }
0x109: {  	v6 =	vmul.f32 v8, v6;
	v4 =	vmul.f32 v53, v7;
	v7 =	vld [tilespmem:s23+$0x130]  }
0x10a: {  	v3 =	vld [tilespmem:s21+$0x170]  }
0x10b: {  	[tilespmem:s30+$0xFFFFFF60] =	vst v6;
	v6 =	vld [tilespmem:s25+$0x30];
	v5 =	vmul.f32 v55, v5  }
0x10c: {  	[tilespmem:s30+$0xFFFFFFE0] =	vst v4;
	v4 =	vld [tilespmem:s21+$0xFFFFFE60]  }
0x10d: {  	v2 =	vld.idx.msk [tilespmem:v2+s31+$0x0], $0xffff;
	[tilespmem:s24+$0xFFFFFF30] =	vst v5;
	v5 =	vmul.f32 v54, v51  }
0x10e: {  	v8 =	vld [tilespmem:s21+$0xFFFFFF60];
	v1 =	vmul.f32 v56, v1;
	[tilespmem:s26+$0xB0] =	vst v7  }
0x10f: {  	v57 =	vld [tilespmem:s23+$0xFFFFFE30];
	[tilespmem:s30+$0x60] =	vst v5  }
0x110: {  	[tilespmem:s24+$0xFFFFFFB0] =	vst v1;
	v1 =	vld [tilespmem:s23+$0x1C0]  }
0x111: {  	v7 =	vld [tilespmem:s21+$0x60]  }
0x112: {  	[tilespmem:s22+$0xFFFFFF60] =	vst v4;
	v5 =	vld [tilespmem:s23+$0xFFFFFF30]  }
0x113: {  	v2 =	vmul.f32 v6, v2;
	v4 =	vld [tilespmem:s21+$0xFFFFFEF0]  }
0x114: {  	[tilespmem:s22+$0xFFFFFFE0] =	vst v8;
	v62 =	vld [tilespmem:s20+$0xFFFFFF70]  }
0x115: {  	v6 =	vld [tilespmem:s21+$0xFFFFFFF0];
	[tilespmem:s24+$0x30] =	vst v2  }
0x116: {  	[tilespmem:s26+$0xFFFFFF30] =	vst v57;
	v2 =	vld [tilespmem:s23+$0x30]  }
0x117: {  	v8 =	vld [tilespmem:s23+$0xFFFFFEC0];
	[tilespmem:s22+$0x60] =	vst v7  }
0x118: {  	v7 =	vld [tilespmem:s25+$0xC0];
	[tilespmem:s26+$0xFFFFFFB0] =	vst v5  }
0x119: {  	v5 =	vld [tilespmem:s23+$0xFFFFFFC0]  }
0x11a: {  	v1 =	vld.idx.msk [tilespmem:v1+s31+$0x0], $0xffff  }
0x11b: {  	v63 =	vld [tilespmem:s20+$0xFFFFFFF0]  }
0x11c: {  	v59 =	vld [tilespmem:s25+$0xFFFFFF40];
	[tilespmem:s26+$0x30] =	vst v2  }
0x11d: {  	v2 =	vld [tilespmem:s23+$0xC0]  }
0x11e: {  	v58 =	vld [tilespmem:s21+$0xF0]  }
0x11f: {  	v8 =	vld.idx.msk [tilespmem:v8+s31+$0x0], $0xffff;
	v1 =	vmul.f32 v7, v1  }
0x120: {  	v60 =	vld [tilespmem:s25+$0xFFFFFFC0]  }
0x121: {  	v5 =	vld.idx.msk [tilespmem:v5+s31+$0x0], $0xffff;
	[tilespmem:s24+$0xC0] =	vst v1  }
0x122: {  	v1 =	vld [tilespmem:s23+$0x140]  }
0x123: {  	v4 =	vld.idx.msk [tilespmem:v4+s31+$0x0], $0xffff  }
0x124: {  	v7 =	vld [tilespmem:s25+$0x40];
	v8 =	vmul.f32 v59, v8  }
0x125: {  	v2 =	vld.idx.msk [tilespmem:v2+s31+$0x0], $0xffff  }
0x126: {  	v6 =	vld.idx.msk [tilespmem:v6+s31+$0x0], $0xffff;
	[tilespmem:s24+$0xFFFFFF40] =	vst v8;
	v5 =	vmul.f32 v60, v5  }
0x127: {  	v8 =	vld [tilespmem:s23+$0xFFFFFE40];
	[tilespmem:s26+$0xC0] =	vst v1  }
0x128: {  	[tilespmem:s24+$0xFFFFFFC0] =	vst v5;
	v5 =	vld [tilespmem:s23+$0x1D0]  }
0x129: {  	v9 =	vld.idx.msk [tilespmem:v58+s31+$0x0], $0xffff  }
0x12a: {  	v2 =	vmul.f32 v7, v2;
	v7 =	vld [tilespmem:s20+$0x70]  }
0x12b: {  	[tilespmem:s22+$0xF0] =	vst v3;
	v61 =	vld [tilespmem:s23+$0xFFFFFF40]  }
0x12c: {  	v3 =	vmul.f32 v63, v6;
	v6 =	vld [tilespmem:s25+$0xD0];
	[tilespmem:s24+$0x40] =	vst v2  }
0x12d: {  	[tilespmem:s26+$0xFFFFFF40] =	vst v8;
	v8 =	vld [tilespmem:s23+$0x40]  }
0x12e: {  	v1 =	vld [tilespmem:s23+$0xFFFFFED0]  }
0x12f: {  	v4 =	vmul.f32 v62, v4;
	[tilespmem:s30+$0xFFFFFFF0] =	vst v3;
	v3 =	vld [tilespmem:s25+$0xFFFFFF50]  }
0x130: {  	[tilespmem:s26+$0xFFFFFFC0] =	vst v61;
	v5 =	vld.idx.msk [tilespmem:v5+s31+$0x0], $0xffff  }
0x131: {  	[tilespmem:s30+$0xFFFFFF70] =	vst v4;
	v7 =	vmul.f32 v7, v9;
	v2 =	vld [tilespmem:s23+$0xFFFFFFD0]  }
0x132: {  	s29 =	simm.s32 $0x3300;
	s28 =	simm.s32 $0x4300;
	v4 =	vld [tilespmem:s25+$0xFFFFFFD0];
	[tilespmem:s26+$0x40] =	vst v8  }
0x133: {  	s12 =	simm.s32 $0x2300;
	s17 =	simm.s32 $0xA00;
	s20 =	simm.s32 $0x4;
	[tilespmem:s30+$0x70] =	vst v7;
	v7 =	vld [tilespmem:s23+$0xD0]  }
.LBB2_4:
0x134: {  	v8 =	vld [tilespmem:s17+$0x180];
	s20 =	sadd.s32 $0x4, s20  }
0x135: {  	v9 =	vld [tilespmem:s17+$0xFFFFFF80];
	p1 =	slt.u32 s20, $0xC;
	v5 =	vmul.f32 v6, v5  }
0x136: {  	v6 =	vld [tilespmem:s17+$0x80]  }
0x137: {  	v10 =	vld [tilespmem:s17+$0xFFFFFE80];
	[tilespmem:s24+$0xD0] =	vst v5  }
0x138: {  	v5 =	vld [tilespmem:s23+$0x150]  }
0x139: {  	v1 =	vld.idx.msk [tilespmem:v1+s31+$0x0], $0xffff  }
0x13a: {  	v2 =	vld.idx.msk [tilespmem:v2+s31+$0x0], $0xffff  }
0x13b: {  	v7 =	vld.idx.msk [tilespmem:v7+s31+$0x0], $0xffff  }
0x13c: {  	s25 =	sadd.s32 $0x200, s25;
	v8 =	vld.idx.msk [tilespmem:v8+s31+$0x0], $0xffff  }
0x13d: {  	v11 =	vld [tilespmem:s25+$0x80];
	[tilespmem:s26+$0xD0] =	vst v5  }
0x13e: {  	v5 =	vld [tilespmem:s23+$0x1E0]  }
0x13f: {  	v1 =	vmul.f32 v3, v1;
	v10 =	vld.idx.msk [tilespmem:v10+s31+$0x0], $0xffff  }
0x140: {  	v2 =	vmul.f32 v4, v2;
	v3 =	vld.idx.msk [tilespmem:v9+s31+$0x0], $0xffff  }
0x141: {  	v4 =	vld.idx.msk [tilespmem:v6+s31+$0x0], $0xffff;
	[tilespmem:s24+$0xFFFFFF50] =	vst v1  }
0x142: {  	v1 =	vld [tilespmem:s25+$0xFFFFFF00];
	v6 =	vmul.f32 v11, v8;
	[tilespmem:s24+$0xFFFFFFD0] =	vst v2  }
0x143: {  	s24 =	sadd.s32 $0x200, s24;
	v2 =	vld [tilespmem:s25+$0xFFFFFF80]  }
0x144: {  	v8 =	vld [tilespmem:s25+$0x0];
	[tilespmem:s24+$0x80] =	vst v6  }
0x145: {  	v6 =	vld [tilespmem:s17+$0x100]  }
0x146: {  	v5 =	vld.idx.msk [tilespmem:v5+s31+$0x0], $0xffff  }
0x147: {  	v1 =	vmul.f32 v1, v10;
	v9 =	vld [tilespmem:s12+$0xE0]  }
0x148: {  	v2 =	vmul.f32 v2, v3;
	v3 =	vld [tilespmem:s12+$0x50]  }
0x149: {  	s26 =	sadd.s32 $0x200, s26;
	[tilespmem:s24+$0xFFFFFF00] =	vst v1;
	v1 =	vmul.f32 v8, v4;
	v4 =	vld [tilespmem:s23+$0xFFFFFE50]  }
0x14a: {  	v8 =	vld [tilespmem:s17+$0xFFFFFE00];
	[tilespmem:s26+$0x80] =	vst v6  }
0x14b: {  	[tilespmem:s24+$0xFFFFFF80] =	vst v2;
	v2 =	vld [tilespmem:s17+$0x190]  }
0x14c: {  	v6 =	vld [tilespmem:s17+$0xFFFFFF00];
	[tilespmem:s24+$0x0] =	vst v1;
	v1 =	vmul.f32 v9, v5  }
0x14d: {  	v5 =	vld [tilespmem:s17+$0x0];
	v3 =	vmul.f32 v3, v7  }
0x14e: {  	v7 =	vld [tilespmem:s23+$0xFFFFFF50];
	[tilespmem:s29+$0xE0] =	vst v1  }
0x14f: {  	[tilespmem:s26+$0xFFFFFF00] =	vst v8;
	v1 =	vld [tilespmem:s23+$0x160]  }
0x150: {  	v8 =	vld [tilespmem:s17+$0xFFFFFE90];
	[tilespmem:s29+$0x50] =	vst v3  }
0x151: {  	v3 =	vld [tilespmem:s25+$0xFFFFFF10];
	[tilespmem:s26+$0xFFFFFF80] =	vst v6  }
0x152: {  	v6 =	vld [tilespmem:s17+$0xFFFFFF90];
	[tilespmem:s26+$0x0] =	vst v5  }
0x153: {  	v2 =	vld.idx.msk [tilespmem:v2+s31+$0x0], $0xffff;
	[tilespmem:s28+$0xFFFFFF50] =	vst v4  }
0x154: {  	v4 =	vld [tilespmem:s25+$0x90];
	[tilespmem:s28+$0xE0] =	vst v1  }
0x155: {  	[tilespmem:s28+$0xFFFFFFD0] =	vst v7;
	v1 =	vld [tilespmem:s23+$0x1F0]  }
0x156: {  	v5 =	vld [tilespmem:s17+$0x90]  }
0x157: {  	v7 =	vld [tilespmem:s25+$0xFFFFFF90]  }
0x158: {  	v8 =	vld.idx.msk [tilespmem:v8+s31+$0x0], $0xffff  }
0x159: {  	v9 =	vld [tilespmem:s25+$0x10];
	v2 =	vmul.f32 v4, v2  }
0x15a: {  	v4 =	vld.idx.msk [tilespmem:v6+s31+$0x0], $0xffff  }
0x15b: {  	[tilespmem:s24+$0x90] =	vst v2;
	v2 =	vld [tilespmem:s23+$0x50]  }
0x15c: {  	v6 =	vld [tilespmem:s17+$0x110]  }
0x15d: {  	v1 =	vld.idx.msk [tilespmem:v1+s31+$0x0], $0xffff  }
0x15e: {  	v3 =	vmul.f32 v3, v8;
	v8 =	vld [tilespmem:s12+$0xF0]  }
0x15f: {  	v5 =	vld.idx.msk [tilespmem:v5+s31+$0x0], $0xffff  }
0x160: {  	[tilespmem:s24+$0xFFFFFF10] =	vst v3;
	v3 =	vmul.f32 v7, v4;
	v4 =	vld [tilespmem:s23+$0xFFFFFEE0]  }
0x161: {  	v7 =	vld [tilespmem:s17+$0xFFFFFE10];
	[tilespmem:s26+$0x90] =	vst v6  }
0x162: {  	[tilespmem:s24+$0xFFFFFF90] =	vst v3;
	v3 =	vld [tilespmem:s17+$0x1A0]  }
0x163: {  	v6 =	vld [tilespmem:s17+$0xFFFFFF10];
	[tilespmem:s28+$0x50] =	vst v2;
	v1 =	vmul.f32 v8, v1  }
0x164: {  	v2 =	vld [tilespmem:s23+$0xFFFFFFE0]  }
0x165: {  	v5 =	vmul.f32 v9, v5;
	v8 =	vld [tilespmem:s23+$0xE0];
	[tilespmem:s29+$0xF0] =	vst v1  }
0x166: {  	[tilespmem:s26+$0xFFFFFF10] =	vst v7;
	v1 =	vld [tilespmem:s23+$0x170]  }
0x167: {  	v7 =	vld [tilespmem:s17+$0xFFFFFEA0];
	[tilespmem:s24+$0x10] =	vst v5  }
0x168: {  	[tilespmem:s26+$0xFFFFFF90] =	vst v6;
	v5 =	vld [tilespmem:s17+$0x10]  }
0x169: {  	v6 =	vld [tilespmem:s17+$0xFFFFFFA0]  }
0x16a: {  	v3 =	vld.idx.msk [tilespmem:v3+s31+$0x0], $0xffff  }
0x16b: {  	v9 =	vld [tilespmem:s25+$0xA0];
	[tilespmem:s28+$0xF0] =	vst v1  }
0x16c: {  	v1 =	vld [tilespmem:s25+$0xFFFFFF20]  }
0x16d: {  	v10 =	vld [tilespmem:s25+$0xFFFFFFA0];
	[tilespmem:s26+$0x10] =	vst v5  }
0x16e: {  	v5 =	vld [tilespmem:s17+$0xA0]  }
0x16f: {  	v7 =	vld.idx.msk [tilespmem:v7+s31+$0x0], $0xffff  }
0x170: {  	v11 =	vld [tilespmem:s25+$0x20];
	v3 =	vmul.f32 v9, v3  }
0x171: {  	v6 =	vld.idx.msk [tilespmem:v6+s31+$0x0], $0xffff  }
0x172: {  	[tilespmem:s24+$0xA0] =	vst v3;
	v3 =	vld.idx.msk [tilespmem:v4+s31+$0x0], $0xffff  }
0x173: {  	v4 =	vld [tilespmem:s17+$0x120]  }
0x174: {  	v2 =	vld.idx.msk [tilespmem:v2+s31+$0x0], $0xffff  }
0x175: {  	v1 =	vmul.f32 v1, v7;
	v7 =	vld.idx.msk [tilespmem:v8+s31+$0x0], $0xffff  }
0x176: {  	v5 =	vld.idx.msk [tilespmem:v5+s31+$0x0], $0xffff  }
0x177: {  	[tilespmem:s24+$0xFFFFFF20] =	vst v1;
	v1 =	vmul.f32 v10, v6;
	v6 =	vld [tilespmem:s12+$0xFFFFFF60]  }
0x178: {  	v8 =	vld [tilespmem:s17+$0xFFFFFE20];
	[tilespmem:s26+$0xA0] =	vst v4  }
0x179: {  	[tilespmem:s24+$0xFFFFFFA0] =	vst v1;
	v1 =	vld [tilespmem:s17+$0x1B0]  }
0x17a: {  	v4 =	vld [tilespmem:s17+$0xFFFFFF20]  }
0x17b: {  	v9 =	vld [tilespmem:s12+$0xFFFFFFE0]  }
0x17c: {  	v5 =	vmul.f32 v11, v5;
	v3 =	vmul.f32 v6, v3;
	v6 =	vld [tilespmem:s12+$0x60]  }
0x17d: {  	[tilespmem:s26+$0xFFFFFF20] =	vst v8;
	v8 =	vld [tilespmem:s21+$0xFFFFFE70]  }
0x17e: {  	v10 =	vld [tilespmem:s17+$0xFFFFFEB0];
	[tilespmem:s24+$0x20] =	vst v5  }
0x17f: {  	[tilespmem:s26+$0xFFFFFFA0] =	vst v4;
	v4 =	vld [tilespmem:s17+$0x20]  }
0x180: {  	v5 =	vld [tilespmem:s17+$0xFFFFFFB0];
	[tilespmem:s29+$0xFFFFFF60] =	vst v3;
	v2 =	vmul.f32 v9, v2  }
0x181: {  	v1 =	vld.idx.msk [tilespmem:v1+s31+$0x0], $0xffff;
	v3 =	vmul.f32 v6, v7  }
0x182: {  	v6 =	vld [tilespmem:s25+$0xB0];
	[tilespmem:s29+$0xFFFFFFE0] =	vst v2  }
0x183: {  	v2 =	vld [tilespmem:s25+$0xFFFFFF30];
	[tilespmem:s29+$0x60] =	vst v3  }
0x184: {  	v3 =	vld [tilespmem:s25+$0xFFFFFFB0];
	[tilespmem:s26+$0x20] =	vst v4  }
0x185: {  	v4 =	vld [tilespmem:s17+$0xB0];
	[tilespmem:s22+$0xFFFFFF70] =	vst v8  }
0x186: {  	v7 =	vld.idx.msk [tilespmem:v10+s31+$0x0], $0xffff  }
0x187: {  	v8 =	vld [tilespmem:s25+$0x30];
	v1 =	vmul.f32 v6, v1  }
0x188: {  	v5 =	vld.idx.msk [tilespmem:v5+s31+$0x0], $0xffff  }
0x189: {  	[tilespmem:s24+$0xB0] =	vst v1;
	v1 =	vld [tilespmem:s23+$0xFFFFFE60]  }
0x18a: {  	v6 =	vld [tilespmem:s17+$0x130]  }
0x18b: {  	v9 =	vld [tilespmem:s23+$0xFFFFFF60]  }
0x18c: {  	v2 =	vmul.f32 v2, v7;
	v7 =	vld [tilespmem:s23+$0x60]  }
0x18d: {  	v4 =	vld.idx.msk [tilespmem:v4+s31+$0x0], $0xffff  }
0x18e: {  	[tilespmem:s24+$0xFFFFFF30] =	vst v2;
	v2 =	vmul.f32 v3, v5;
	v3 =	vld [tilespmem:s21+$0xFFFFFF70]  }
0x18f: {  	v5 =	vld [tilespmem:s17+$0xFFFFFE30];
	[tilespmem:s26+$0xB0] =	vst v6  }
0x190: {  	[tilespmem:s24+$0xFFFFFFB0] =	vst v2;
	v2 =	vld [tilespmem:s17+$0x1C0]  }
0x191: {  	v6 =	vld [tilespmem:s17+$0xFFFFFF30];
	[tilespmem:s28+$0xFFFFFF60] =	vst v1  }
0x192: {  	v1 =	vld [tilespmem:s23+$0xFFFFFEF0];
	[tilespmem:s28+$0xFFFFFFE0] =	vst v9  }
0x193: {  	v4 =	vmul.f32 v8, v4;
	v8 =	vld [tilespmem:s23+$0xFFFFFFF0];
	[tilespmem:s28+$0x60] =	vst v7  }
0x194: {  	[tilespmem:s26+$0xFFFFFF30] =	vst v5;
	v5 =	vld [tilespmem:s23+$0xF0]  }
0x195: {  	v7 =	vld [tilespmem:s17+$0xFFFFFEC0];
	[tilespmem:s24+$0x30] =	vst v4  }
0x196: {  	[tilespmem:s26+$0xFFFFFFB0] =	vst v6;
	v4 =	vld [tilespmem:s17+$0x30]  }
0x197: {  	v6 =	vld [tilespmem:s17+$0xFFFFFFC0];
	[tilespmem:s22+$0xFFFFFFF0] =	vst v3  }
0x198: {  	v2 =	vld.idx.msk [tilespmem:v2+s31+$0x0], $0xffff  }
0x199: {  	v3 =	vld [tilespmem:s25+$0xC0]  }
0x19a: {  	v9 =	vld [tilespmem:s25+$0xFFFFFF40]  }
0x19b: {  	v10 =	vld [tilespmem:s25+$0xFFFFFFC0];
	[tilespmem:s26+$0x30] =	vst v4  }
0x19c: {  	v4 =	vld [tilespmem:s17+$0xC0]  }
0x19d: {  	v7 =	vld.idx.msk [tilespmem:v7+s31+$0x0], $0xffff  }
0x19e: {  	v11 =	vld [tilespmem:s25+$0x40];
	v2 =	vmul.f32 v3, v2  }
0x19f: {  	v3 =	vld.idx.msk [tilespmem:v6+s31+$0x0], $0xffff  }
0x1a0: {  	[tilespmem:s24+$0xC0] =	vst v2;
	v1 =	vld.idx.msk [tilespmem:v1+s31+$0x0], $0xffff  }
0x1a1: {  	v2 =	vld [tilespmem:s17+$0x140]  }
0x1a2: {  	v6 =	vld.idx.msk [tilespmem:v8+s31+$0x0], $0xffff  }
0x1a3: {  	v7 =	vmul.f32 v9, v7;
	v8 =	vld.idx.msk [tilespmem:v5+s31+$0x0], $0xffff  }
0x1a4: {  	v4 =	vld.idx.msk [tilespmem:v4+s31+$0x0], $0xffff  }
0x1a5: {  	v3 =	vmul.f32 v10, v3;
	[tilespmem:s24+$0xFFFFFF40] =	vst v7;
	v5 =	vld [tilespmem:s12+$0xFFFFFF70]  }
0x1a6: {  	v7 =	vld [tilespmem:s17+$0xFFFFFE40];
	[tilespmem:s26+$0xC0] =	vst v2  }
0x1a7: {  	[tilespmem:s24+$0xFFFFFFC0] =	vst v3;
	v3 =	vld [tilespmem:s17+$0x1D0]  }
0x1a8: {  	v2 =	vld [tilespmem:s17+$0xFFFFFF40]  }
0x1a9: {  	v9 =	vld [tilespmem:s12+$0xFFFFFFF0]  }
0x1aa: {  	v4 =	vmul.f32 v11, v4;
	v5 =	vmul.f32 v5, v1;
	v10 =	vld [tilespmem:s12+$0x70];
	s12 =	smov.u32 s25  }
0x1ab: {  	[tilespmem:s26+$0xFFFFFF40] =	vst v7;
	v11 =	vld [tilespmem:s21+$0x70];
	s21 =	smov.u32 s23;
	s23 =	smov.u32 s17  }
0x1ac: {  	v1 =	vld [tilespmem:s17+$0xFFFFFED0];
	[tilespmem:s24+$0x40] =	vst v4  }
0x1ad: {  	[tilespmem:s26+$0xFFFFFFC0] =	vst v2;
	v7 =	vld [tilespmem:s17+$0x40]  }
0x1ae: {  	v2 =	vld [tilespmem:s17+$0xFFFFFFD0];
	[tilespmem:s29+$0xFFFFFF70] =	vst v5;
	v4 =	vmul.f32 v9, v6  }
.Ltmp1:
0x1af: {  	v5 =	vld.idx.msk [tilespmem:v3+s31+$0x0], $0xffff;
	v8 =	vmul.f32 v10, v8;
	(pc) =	sbr.rel @p1 .LBB2_4-.Ltmp1, $4  }
0x1b0: {  	v6 =	vld [tilespmem:s25+$0xD0];
	[tilespmem:s29+$0xFFFFFFF0] =	vst v4  }
0x1b1: {  	v3 =	vld [tilespmem:s25+$0xFFFFFF50];
	[tilespmem:s29+$0x70] =	vst v8;
	s29 =	smov.u32 s24  }
0x1b2: {  	v4 =	vld [tilespmem:s25+$0xFFFFFFD0];
	[tilespmem:s26+$0x40] =	vst v7  }
0x1b3: {  	s17 =	sadd.s32 $0x400, s17;
	v7 =	vld [tilespmem:s23+$0xD0];
	[tilespmem:s22+$0x70] =	vst v11;
	s22 =	smov.u32 s28;
	s28 =	smov.u32 s26  }
0x1b4: {  	_ =	sdelay $0x3  }
0x1b5: {  	v5 =	vmul.f32 v6, v5  }
0x1b6: {  	v1 =	vld.idx.msk [tilespmem:v1+s31+$0x0], $0xffff  }
0x1b7: {  	v2 =	vld.idx.msk [tilespmem:v2+s31+$0x0], $0xffff;
	[tilespmem:s24+$0xD0] =	vst v5  }
0x1b8: {  	v5 =	vld [tilespmem:s23+$0x150]  }
0x1b9: {  	v6 =	vld.idx.msk [tilespmem:v7+s31+$0x0], $0xffff  }
0x1ba: {  	v7 =	vld [tilespmem:s12+$0x50]  }
0x1bb: {  	v1 =	vmul.f32 v3, v1  }
0x1bc: {  	v2 =	vmul.f32 v4, v2  }
0x1bd: {  	[tilespmem:s24+$0xFFFFFF50] =	vst v1  }
0x1be: {  	[tilespmem:s24+$0xFFFFFFD0] =	vst v2  }
0x1bf: {  	v2 =	vld [tilespmem:s23+$0xFFFFFE50];
	[tilespmem:s26+$0xD0] =	vst v5;
	v1 =	vmul.f32 v7, v6  }
0x1c0: {  	v5 =	vld [tilespmem:s23+$0x1E0]  }
0x1c1: {  	v3 =	vld [tilespmem:s23+$0xFFFFFF50];
	[tilespmem:s29+$0x50] =	vst v1  }
0x1c2: {  	v1 =	vld [tilespmem:s23+$0x50];
	_ =	sdelay $0x2  }
0x1c3: {  	[tilespmem:s28+$0xFFFFFF50] =	vst v2  }
0x1c4: {  	[tilespmem:s28+$0xFFFFFFD0] =	vst v3;
	v2 =	vld [tilespmem:s23+$0xFFFFFEE0]  }
0x1c5: {  	[tilespmem:s28+$0x50] =	vst v1;
	v1 =	vld [tilespmem:s23+$0xFFFFFFE0]  }
0x1c6: {  	v4 =	vld.idx.msk [tilespmem:v5+s31+$0x0], $0xffff  }
0x1c7: {  	v5 =	vld [tilespmem:s12+$0xE0]  }
0x1c8: {  	v3 =	vld [tilespmem:s23+$0xE0];
	_ =	sdelay $0x1  }
0x1c9: {  	v6 =	vld [tilespmem:s12+$0xFFFFFFE0]  }
0x1ca: {  	v7 =	vld [tilespmem:s12+$0x60]  }
0x1cb: {  	v2 =	vld.idx.msk [tilespmem:v2+s31+$0x0], $0xffff;
	v4 =	vmul.f32 v5, v4  }
0x1cc: {  	v5 =	vld [tilespmem:s12+$0xFFFFFF60]  }
0x1cd: {  	[tilespmem:s29+$0xE0] =	vst v4;
	v1 =	vld.idx.msk [tilespmem:v1+s31+$0x0], $0xffff  }
0x1ce: {  	v4 =	vld [tilespmem:s23+$0x160]  }
0x1cf: {  	v3 =	vld.idx.msk [tilespmem:v3+s31+$0x0], $0xffff;
	_ =	sdelay $0x2  }
0x1d0: {  	v2 =	vmul.f32 v5, v2  }
0x1d1: {  	v1 =	vmul.f32 v6, v1;
	[tilespmem:s28+$0xE0] =	vst v4  }
0x1d2: {  	[tilespmem:s29+$0xFFFFFF60] =	vst v2;
	v2 =	vmul.f32 v7, v3;
	v4 =	vld [tilespmem:s23+$0x1F0]  }
0x1d3: {  	[tilespmem:s29+$0xFFFFFFE0] =	vst v1;
	v1 =	vld [tilespmem:s23+$0xFFFFFE60]  }
0x1d4: {  	[tilespmem:s29+$0x60] =	vst v2;
	v2 =	vld [tilespmem:s23+$0xFFFFFF60];
	_ =	sdelay $0x1  }
0x1d5: {  	v3 =	vld [tilespmem:s23+$0x60];
	_ =	sdelay $0x1  }
0x1d6: {  	v5 =	vld [tilespmem:s12+$0xF0];
	[tilespmem:s28+$0xFFFFFF60] =	vst v1  }
0x1d7: {  	v1 =	vld [tilespmem:s23+$0xFFFFFEF0];
	[tilespmem:s28+$0xFFFFFFE0] =	vst v2  }
0x1d8: {  	v2 =	vld [tilespmem:s23+$0xFFFFFFF0]  }
0x1d9: {  	[tilespmem:s28+$0x60] =	vst v3;
	v4 =	vld.idx.msk [tilespmem:v4+s31+$0x0], $0xffff  }
0x1da: {  	v3 =	vld [tilespmem:s23+$0xF0];
	_ =	sdelay $0x1  }
0x1db: {  	v6 =	vld [tilespmem:s12+$0xFFFFFFF0]  }
0x1dc: {  	v7 =	vld [tilespmem:s12+$0x70]  }
0x1dd: {  	v4 =	vmul.f32 v5, v4;
	v5 =	vld [tilespmem:s12+$0xFFFFFF70]  }
0x1de: {  	v1 =	vld.idx.msk [tilespmem:v1+s31+$0x0], $0xffff  }
0x1df: {  	[tilespmem:s29+$0xF0] =	vst v4;
	v2 =	vld.idx.msk [tilespmem:v2+s31+$0x0], $0xffff  }
0x1e0: {  	v4 =	vld [tilespmem:s23+$0x170]  }
0x1e1: {  	v3 =	vld.idx.msk [tilespmem:v3+s31+$0x0], $0xffff;
	_ =	sdelay $0x2  }
0x1e2: {  	v8 =	vld [tilespmem:s21+$0xFFFFFE70];
	v1 =	vmul.f32 v5, v1  }
0x1e3: {  	v5 =	vld [tilespmem:s21+$0x70];
	v2 =	vmul.f32 v6, v2;
	[tilespmem:s28+$0xF0] =	vst v4  }
0x1e4: {  	v4 =	vld [tilespmem:s21+$0xFFFFFF70];
	[tilespmem:s29+$0xFFFFFF70] =	vst v1;
	v1 =	vmul.f32 v7, v3  }
0x1e5: {  	[tilespmem:s29+$0xFFFFFFF0] =	vst v2;
	v2 =	vld [tilespmem:s23+$0xFFFFFE70]  }
0x1e6: {  	[tilespmem:s29+$0x70] =	vst v1;
	v1 =	vld [tilespmem:s23+$0xFFFFFF70]  }
0x1e7: {  	[tilespmem:s22+$0xFFFFFF70] =	vst v8;
	v3 =	vld [tilespmem:s23+$0x70]  }
0x1e8: {  	[tilespmem:s22+$0x70] =	vst v5  }
0x1e9: {  	[tilespmem:s22+$0xFFFFFFF0] =	vst v4  }
0x1ea: {  	[tilespmem:s28+$0xFFFFFF70] =	vst v2  }
0x1eb: {  	[tilespmem:s28+$0xFFFFFFF0] =	vst v1  }
0x1ec: {  	[tilespmem:s28+$0x70] =	vst v3  }
0x1ed: {  	[spmem:s5] =	stream.indirect.scatter.add.f32 [tilespmem:s7], [sflag:$0x3], $0x1, s15, s13, $0xb8;
	[tilespmem:$0x1EF70] =	vst v63  }
0x1ee: {  	s25 =	rddreg [dreg:$0xa]  }
0x1ef: {  	[tilespmem:s6], [sflag:$0x1] =	stream.linear.gather [hbm4b:s25+s6], $0x1000, $0x38;
	[tilespmem:$0x1EF70] =	vst v63  }
0x1f0: {  	s26 =	rddreg [dreg:$0xb]  }
0x1f1: {  	[tilespmem:s3], [sflag:$0x1] =	stream.linear.gather [hbm4b:s26+s6], $0x800, $0x38;
	[tilespmem:$0x1EF70] =	vst v63  }
0x1f2: {  	_ =	swait.ge [sflag:s16], $0x1000  }
0x1f3: {  	[sflag:s16] =	ssyncset.done $0x0  }
0x1f4: {  	[sflag:s16] =	ssyncadd.s32 $0xFFFFF000  }
0x1f5: {  	_ =	swait.ge [sflag:s16], $0x800  }
0x1f6: {  	[sflag:s16] =	ssyncset.done $0x0  }
0x1f7: {  	s21 =	simm.s32 $0x1200;
	[sflag:s16] =	ssyncadd.s32 $0xFFFFF800  }
0x1f8: {  	v1 =	vld [tilespmem:s21+$0x180];
	_ =	sdelay $0x3  }
0x1f9: {  	s17 =	simm.s32 $0x2900;
	v2 =	vld [tilespmem:s21+$0xFFFFFE80]  }
0x1fa: {  	v3 =	vld [tilespmem:s17+$0x80]  }
0x1fb: {  	v4 =	vld [tilespmem:s21+$0xFFFFFF80]  }
0x1fc: {  	v5 =	vld [tilespmem:s21+$0x80]  }
0x1fd: {  	v1 =	vld.idx.msk [tilespmem:v1+s31+$0x0], $0xffff;
	_ =	sdelay $0x2  }
0x1fe: {  	v6 =	vld [tilespmem:s17+$0xFFFFFF00]  }
0x1ff: {  	v2 =	vld.idx.msk [tilespmem:v2+s31+$0x0], $0xffff  }
0x200: {  	v1 =	vmul.f32 v3, v1  }
0x201: {  	s30 =	simm.s32 $0x3900;
	v3 =	vld.idx.msk [tilespmem:v4+s31+$0x0], $0xffff  }
0x202: {  	v4 =	vld.idx.msk [tilespmem:v5+s31+$0x0], $0xffff;
	[tilespmem:s30+$0x80] =	vst v1  }
0x203: {  	v1 =	vld [tilespmem:s21+$0x100]  }
0x204: {  	v2 =	vmul.f32 v6, v2;
	v5 =	vld [tilespmem:s17+$0xFFFFFF80];
	_ =	sdelay $0x1  }
0x205: {  	v6 =	vld [tilespmem:s17+$0x0];
	[tilespmem:s30+$0xFFFFFF00] =	vst v2  }
0x206: {  	s22 =	simm.s32 $0x4900;
	v2 =	vld [tilespmem:s21+$0xFFFFFE00]  }
0x207: {  	[tilespmem:s22+$0x80] =	vst v1  }
0x208: {  	v3 =	vmul.f32 v5, v3;
	v1 =	vld [tilespmem:s21+$0x190];
	_ =	sdelay $0x1  }
0x209: {  	v4 =	vmul.f32 v6, v4;
	[tilespmem:s30+$0xFFFFFF80] =	vst v3  }
0x20a: {  	v3 =	vld [tilespmem:s21+$0xFFFFFF00];
	[tilespmem:s22+$0xFFFFFF00] =	vst v2  }
0x20b: {  	[tilespmem:s30+$0x0] =	vst v4;
	v2 =	vld [tilespmem:s21+$0xFFFFFE90]  }
0x20c: {  	v4 =	vld [tilespmem:s21+$0x0];
	_ =	sdelay $0x1  }
0x20d: {  	v5 =	vld [tilespmem:s17+$0x90]  }
0x20e: {  	[tilespmem:s22+$0xFFFFFF80] =	vst v3;
	v1 =	vld.idx.msk [tilespmem:v1+s31+$0x0], $0xffff  }
0x20f: {  	v3 =	vld [tilespmem:s21+$0xFFFFFF90]  }
0x210: {  	v6 =	vld [tilespmem:s17+$0xFFFFFF10];
	[tilespmem:s22+$0x0] =	vst v4  }
0x211: {  	v4 =	vld [tilespmem:s21+$0x90]  }
0x212: {  	v2 =	vld.idx.msk [tilespmem:v2+s31+$0x0], $0xffff  }
0x213: {  	v1 =	vmul.f32 v5, v1;
	_ =	sdelay $0x1  }
0x214: {  	v5 =	vld [tilespmem:s17+$0xFFFFFF90];
	[tilespmem:s30+$0x90] =	vst v1  }
0x215: {  	v1 =	vld [tilespmem:s21+$0x110]  }
0x216: {  	v2 =	vmul.f32 v6, v2;
	v3 =	vld.idx.msk [tilespmem:v3+s31+$0x0], $0xffff  }
0x217: {  	v7 =	vld [tilespmem:s17+$0x10]  }
0x218: {  	v4 =	vld.idx.msk [tilespmem:v4+s31+$0x0], $0xffff;
	[tilespmem:s30+$0xFFFFFF10] =	vst v2  }
0x219: {  	v2 =	vld [tilespmem:s21+$0xFFFFFE10]  }
0x21a: {  	[tilespmem:s22+$0x90] =	vst v1  }
0x21b: {  	v3 =	vmul.f32 v5, v3;
	v1 =	vld [tilespmem:s21+$0x1A0];
	_ =	sdelay $0x1  }
0x21c: {  	[tilespmem:s30+$0xFFFFFF90] =	vst v3;
	v3 =	vmul.f32 v7, v4  }
0x21d: {  	[tilespmem:s22+$0xFFFFFF10] =	vst v2  }
0x21e: {  	v2 =	vld [tilespmem:s21+$0xFFFFFEA0];
	[tilespmem:s30+$0x10] =	vst v3  }
0x21f: {  	v3 =	vld [tilespmem:s21+$0x10];
	_ =	sdelay $0x1  }
0x220: {  	v5 =	vld [tilespmem:s17+$0xA0]  }
0x221: {  	v1 =	vld.idx.msk [tilespmem:v1+s31+$0x0], $0xffff  }
0x222: {  	v4 =	vld [tilespmem:s21+$0xFFFFFF10]  }
0x223: {  	v6 =	vld [tilespmem:s17+$0xFFFFFF20];
	[tilespmem:s22+$0x10] =	vst v3  }
0x224: {  	v3 =	vld [tilespmem:s21+$0xA0]  }
0x225: {  	v2 =	vld.idx.msk [tilespmem:v2+s31+$0x0], $0xffff  }
0x226: {  	v1 =	vmul.f32 v5, v1  }
0x227: {  	[tilespmem:s22+$0xFFFFFF90] =	vst v4  }
0x228: {  	v4 =	vld [tilespmem:s21+$0xFFFFFFA0];
	[tilespmem:s30+$0xA0] =	vst v1  }
0x229: {  	v1 =	vld [tilespmem:s21+$0x120]  }
0x22a: {  	v2 =	vmul.f32 v6, v2  }
0x22b: {  	v7 =	vld [tilespmem:s17+$0x20]  }
0x22c: {  	v3 =	vld.idx.msk [tilespmem:v3+s31+$0x0], $0xffff;
	[tilespmem:s30+$0xFFFFFF20] =	vst v2  }
0x22d: {  	v2 =	vld [tilespmem:s21+$0xFFFFFE20]  }
0x22e: {  	v5 =	vld [tilespmem:s17+$0xFFFFFFA0];
	[tilespmem:s22+$0xA0] =	vst v1  }
0x22f: {  	v1 =	vld [tilespmem:s21+$0x1B0]  }
0x230: {  	v4 =	vld.idx.msk [tilespmem:v4+s31+$0x0], $0xffff  }
0x231: {  	v3 =	vmul.f32 v7, v3  }
0x232: {  	[tilespmem:s22+$0xFFFFFF20] =	vst v2  }
0x233: {  	v2 =	vld [tilespmem:s21+$0xFFFFFEB0];
	[tilespmem:s30+$0x20] =	vst v3  }
0x234: {  	v3 =	vld [tilespmem:s21+$0x20]  }
0x235: {  	v4 =	vmul.f32 v5, v4  }
0x236: {  	v5 =	vld [tilespmem:s17+$0xB0]  }
0x237: {  	[tilespmem:s30+$0xFFFFFFA0] =	vst v4;
	v1 =	vld.idx.msk [tilespmem:v1+s31+$0x0], $0xffff  }
0x238: {  	v4 =	vld [tilespmem:s21+$0xFFFFFF20]  }
0x239: {  	v6 =	vld [tilespmem:s17+$0xFFFFFF30];
	[tilespmem:s22+$0x20] =	vst v3  }
0x23a: {  	v3 =	vld [tilespmem:s21+$0xB0]  }
0x23b: {  	v2 =	vld.idx.msk [tilespmem:v2+s31+$0x0], $0xffff  }
0x23c: {  	v1 =	vmul.f32 v5, v1  }
0x23d: {  	[tilespmem:s22+$0xFFFFFFA0] =	vst v4  }
0x23e: {  	v4 =	vld [tilespmem:s21+$0xFFFFFFB0];
	[tilespmem:s30+$0xB0] =	vst v1  }
0x23f: {  	s23 =	simm.s32 $0x1600;
	v1 =	vld [tilespmem:s21+$0x130]  }
0x240: {  	v9 =	vld [tilespmem:s23+$0xFFFFFE80];
	v2 =	vmul.f32 v6, v2  }
0x241: {  	v7 =	vld [tilespmem:s17+$0x30]  }
0x242: {  	v3 =	vld.idx.msk [tilespmem:v3+s31+$0x0], $0xffff;
	[tilespmem:s30+$0xFFFFFF30] =	vst v2  }
0x243: {  	v2 =	vld [tilespmem:s21+$0xFFFFFE30]  }
0x244: {  	v5 =	vld [tilespmem:s17+$0xFFFFFFB0];
	[tilespmem:s22+$0xB0] =	vst v1  }
0x245: {  	v1 =	vld [tilespmem:s21+$0x1C0]  }
0x246: {  	v4 =	vld.idx.msk [tilespmem:v4+s31+$0x0], $0xffff  }
0x247: {  	s25 =	simm.s32 $0x2B00;
	v3 =	vmul.f32 v7, v3  }
0x248: {  	v12 =	vld [tilespmem:s25+$0xFFFFFF00];
	[tilespmem:s22+$0xFFFFFF30] =	vst v2  }
0x249: {  	v2 =	vld [tilespmem:s21+$0xFFFFFEC0];
	[tilespmem:s30+$0x30] =	vst v3  }
0x24a: {  	v3 =	vld [tilespmem:s21+$0x30]  }
0x24b: {  	v9 =	vld.idx.msk [tilespmem:v9+s31+$0x0], $0xffff;
	v4 =	vmul.f32 v5, v4  }
0x24c: {  	v5 =	vld [tilespmem:s17+$0xC0]  }
0x24d: {  	[tilespmem:s30+$0xFFFFFFB0] =	vst v4;
	v1 =	vld.idx.msk [tilespmem:v1+s31+$0x0], $0xffff  }
0x24e: {  	v4 =	vld [tilespmem:s21+$0xFFFFFF30]  }
0x24f: {  	v6 =	vld [tilespmem:s17+$0xFFFFFF40];
	[tilespmem:s22+$0x30] =	vst v3  }
0x250: {  	v3 =	vld [tilespmem:s21+$0xC0]  }
0x251: {  	v9 =	vmul.f32 v12, v9;
	v2 =	vld.idx.msk [tilespmem:v2+s31+$0x0], $0xffff  }
0x252: {  	s24 =	simm.s32 $0x3B00;
	v1 =	vmul.f32 v5, v1  }
0x253: {  	[tilespmem:s24+$0xFFFFFF00] =	vst v9  }
0x254: {  	v9 =	vld [tilespmem:s23+$0xFFFFFE00];
	[tilespmem:s30+$0xC0] =	vst v1  }
0x255: {  	[tilespmem:s22+$0xFFFFFFB0] =	vst v4;
	v1 =	vld [tilespmem:s21+$0x140]  }
0x256: {  	v4 =	vld [tilespmem:s21+$0xFFFFFFC0];
	v2 =	vmul.f32 v6, v2  }
0x257: {  	v6 =	vld [tilespmem:s17+$0x40]  }
0x258: {  	[tilespmem:s30+$0xFFFFFF40] =	vst v2;
	v3 =	vld.idx.msk [tilespmem:v3+s31+$0x0], $0xffff  }
0x259: {  	v2 =	vld [tilespmem:s21+$0xFFFFFE40]  }
0x25a: {  	v10 =	vld [tilespmem:s23+$0x80];
	[tilespmem:s22+$0xC0] =	vst v1  }
0x25b: {  	v1 =	vld [tilespmem:s21+$0x1D0]  }
0x25c: {  	s26 =	simm.s32 $0x4B00;
	v11 =	vld [tilespmem:s25+$0x80]  }
0x25d: {  	v41 =	vld [tilespmem:s25+$0xFFFFFF80];
	[tilespmem:s26+$0xFFFFFF00] =	vst v9  }
0x25e: {  	[tilespmem:s22+$0xFFFFFF40] =	vst v2;
	v2 =	vmul.f32 v6, v3;
	v6 =	vld [tilespmem:s23+$0x180]  }
0x25f: {  	v9 =	vld [tilespmem:s23+$0xFFFFFE90]  }
0x260: {  	v5 =	vld [tilespmem:s17+$0xFFFFFFC0]  }
0x261: {  	v4 =	vld.idx.msk [tilespmem:v4+s31+$0x0], $0xffff  }
0x262: {  	[tilespmem:s30+$0x40] =	vst v2;
	v2 =	vld [tilespmem:s17+$0xD0]  }
0x263: {  	v1 =	vld.idx.msk [tilespmem:v1+s31+$0x0], $0xffff  }
0x264: {  	v13 =	vld [tilespmem:s25+$0x0]  }
0x265: {  	v10 =	vld.idx.msk [tilespmem:v10+s31+$0x0], $0xffff  }
0x266: {  	v6 =	vld.idx.msk [tilespmem:v6+s31+$0x0], $0xffff  }
0x267: {  	v46 =	vld [tilespmem:s25+$0xFFFFFF10];
	v4 =	vmul.f32 v5, v4  }
0x268: {  	v1 =	vmul.f32 v2, v1;
	v2 =	vld [tilespmem:s23+$0xFFFFFF80]  }
0x269: {  	v9 =	vld.idx.msk [tilespmem:v9+s31+$0x0], $0xffff;
	[tilespmem:s30+$0xFFFFFFC0] =	vst v4  }
0x26a: {  	v4 =	vld [tilespmem:s21+$0xFFFFFF40];
	[tilespmem:s30+$0xD0] =	vst v1  }
0x26b: {  	v6 =	vmul.f32 v11, v6;
	v1 =	vld [tilespmem:s21+$0x150]  }
0x26c: {  	v3 =	vld [tilespmem:s21+$0xFFFFFED0]  }
0x26d: {  	v7 =	vld [tilespmem:s17+$0xFFFFFF50];
	[tilespmem:s24+$0x80] =	vst v6  }
0x26e: {  	v6 =	vld [tilespmem:s23+$0x100]  }
0x26f: {  	[tilespmem:s22+$0xFFFFFFC0] =	vst v4;
	v4 =	vld [tilespmem:s21+$0x40]  }
0x270: {  	[tilespmem:s22+$0xD0] =	vst v1;
	v2 =	vld.idx.msk [tilespmem:v2+s31+$0x0], $0xffff  }
0x271: {  	v1 =	vld [tilespmem:s21+$0x1E0]  }
0x272: {  	v5 =	vld [tilespmem:s21+$0xFFFFFFD0]  }
0x273: {  	v8 =	vld [tilespmem:s17+$0xFFFFFFD0];
	[tilespmem:s26+$0x80] =	vst v6;
	v6 =	vmul.f32 v13, v10  }
0x274: {  	v3 =	vld.idx.msk [tilespmem:v3+s31+$0x0], $0xffff  }
0x275: {  	v42 =	vld [tilespmem:s17+$0xE0];
	[tilespmem:s24+$0x0] =	vst v6;
	v2 =	vmul.f32 v41, v2  }
0x276: {  	v6 =	vld [tilespmem:s23+$0x0]  }
0x277: {  	[tilespmem:s24+$0xFFFFFF80] =	vst v2;
	v2 =	vld [tilespmem:s23+$0x190]  }
0x278: {  	v43 =	vld [tilespmem:s23+$0xFFFFFF00]  }
0x279: {  	[tilespmem:s22+$0x40] =	vst v4;
	v1 =	vld.idx.msk [tilespmem:v1+s31+$0x0], $0xffff  }
0x27a: {  	v4 =	vld [tilespmem:s21+$0xD0]  }
0x27b: {  	v44 =	vld [tilespmem:s17+$0x50];
	[tilespmem:s26+$0x0] =	vst v6  }
0x27c: {  	v6 =	vld [tilespmem:s23+$0x90]  }
0x27d: {  	v5 =	vld.idx.msk [tilespmem:v5+s31+$0x0], $0xffff;
	v3 =	vmul.f32 v7, v3;
	[tilespmem:s26+$0xFFFFFF80] =	vst v43  }
0x27e: {  	v1 =	vmul.f32 v42, v1;
	v7 =	vld [tilespmem:s23+$0xFFFFFF90]  }
0x27f: {  	[tilespmem:s30+$0xFFFFFF50] =	vst v3;
	v3 =	vld [tilespmem:s25+$0x90]  }
0x280: {  	v2 =	vld.idx.msk [tilespmem:v2+s31+$0x0], $0xffff;
	[tilespmem:s30+$0xE0] =	vst v1  }
0x281: {  	v1 =	vld [tilespmem:s21+$0x160]  }
0x282: {  	v45 =	vld [tilespmem:s21+$0xFFFFFE50]  }
0x283: {  	v4 =	vld.idx.msk [tilespmem:v4+s31+$0x0], $0xffff  }
0x284: {  	v6 =	vld.idx.msk [tilespmem:v6+s31+$0x0], $0xffff  }
0x285: {  	v2 =	vmul.f32 v3, v2;
	v3 =	vmul.f32 v8, v5;
	v5 =	vld [tilespmem:s25+$0xFFFFFF90]  }
0x286: {  	[tilespmem:s22+$0xE0] =	vst v1;
	v7 =	vld.idx.msk [tilespmem:v7+s31+$0x0], $0xffff  }
0x287: {  	[tilespmem:s24+$0x90] =	vst v2;
	v1 =	vld [tilespmem:s21+$0x1F0]  }
0x288: {  	v8 =	vmul.f32 v46, v9;
	[tilespmem:s30+$0xFFFFFFD0] =	vst v3;
	v3 =	vld [tilespmem:s23+$0x110]  }
0x289: {  	v2 =	vmul.f32 v44, v4;
	v4 =	vld [tilespmem:s21+$0xFFFFFF50]  }
0x28a: {  	[tilespmem:s24+$0xFFFFFF10] =	vst v8;
	v8 =	vld [tilespmem:s17+$0xF0]  }
0x28b: {  	[tilespmem:s30+$0x50] =	vst v2;
	v2 =	vld [tilespmem:s25+$0x10]  }
0x28c: {  	v47 =	vld [tilespmem:s21+$0x50];
	v5 =	vmul.f32 v5, v7  }
0x28d: {  	v7 =	vld [tilespmem:s23+$0xFFFFFE10];
	[tilespmem:s26+$0x90] =	vst v3  }
0x28e: {  	[tilespmem:s24+$0xFFFFFF90] =	vst v5;
	v3 =	vld [tilespmem:s23+$0x1A0]  }
0x28f: {  	[tilespmem:s22+$0xFFFFFF50] =	vst v45;
	v5 =	vld [tilespmem:s23+$0xFFFFFF10]  }
0x290: {  	v2 =	vmul.f32 v2, v6;
	v6 =	vld [tilespmem:s21+$0xFFFFFEE0]  }
0x291: {  	[tilespmem:s22+$0xFFFFFFD0] =	vst v4;
	v4 =	vld [tilespmem:s25+$0xA0]  }
0x292: {  	v48 =	vld [tilespmem:s21+$0xFFFFFFE0];
	[tilespmem:s26+$0xFFFFFF10] =	vst v7  }
0x293: {  	[tilespmem:s24+$0x10] =	vst v2;
	v7 =	vld [tilespmem:s23+$0xFFFFFEA0]  }
0x294: {  	v2 =	vld [tilespmem:s23+$0x10];
	[tilespmem:s26+$0xFFFFFF90] =	vst v5  }
0x295: {  	v5 =	vld [tilespmem:s23+$0xFFFFFFA0]  }
0x296: {  	v3 =	vld.idx.msk [tilespmem:v3+s31+$0x0], $0xffff  }
0x297: {  	v1 =	vld.idx.msk [tilespmem:v1+s31+$0x0], $0xffff  }
0x298: {  	v53 =	vld [tilespmem:s17+$0xFFFFFFE0]  }
0x299: {  	v50 =	vld [tilespmem:s25+$0xFFFFFF20];
	[tilespmem:s26+$0x10] =	vst v2  }
0x29a: {  	v2 =	vld [tilespmem:s23+$0xA0]  }
0x29b: {  	v7 =	vld.idx.msk [tilespmem:v7+s31+$0x0], $0xffff;
	v3 =	vmul.f32 v4, v3  }
0x29c: {  	[tilespmem:s22+$0x50] =	vst v47;
	v1 =	vmul.f32 v8, v1;
	v4 =	vld [tilespmem:s25+$0xFFFFFFA0]  }
0x29d: {  	v5 =	vld.idx.msk [tilespmem:v5+s31+$0x0], $0xffff;
	[tilespmem:s24+$0xA0] =	vst v3  }
0x29e: {  	[tilespmem:s30+$0xF0] =	vst v1;
	v1 =	vld [tilespmem:s23+$0x120]  }
0x29f: {  	v49 =	vld [tilespmem:s21+$0xE0]  }
0x2a0: {  	v54 =	vld [tilespmem:s17+$0x60];
	v7 =	vmul.f32 v50, v7  }
0x2a1: {  	v8 =	vld [tilespmem:s25+$0x20]  }
0x2a2: {  	v2 =	vld.idx.msk [tilespmem:v2+s31+$0x0], $0xffff;
	[tilespmem:s24+$0xFFFFFF20] =	vst v7;
	v4 =	vmul.f32 v4, v5  }
0x2a3: {  	v5 =	vld [tilespmem:s23+$0xFFFFFE20];
	[tilespmem:s26+$0xA0] =	vst v1  }
0x2a4: {  	[tilespmem:s24+$0xFFFFFFA0] =	vst v4;
	v1 =	vld [tilespmem:s23+$0x1B0]  }
0x2a5: {  	v4 =	vld [tilespmem:s23+$0xFFFFFF20]  }
0x2a6: {  	v6 =	vld.idx.msk [tilespmem:v6+s31+$0x0], $0xffff  }
0x2a7: {  	v51 =	vld.idx.msk [tilespmem:v49+s31+$0x0], $0xffff;
	v2 =	vmul.f32 v8, v2  }
0x2a8: {  	v52 =	vld [tilespmem:s25+$0xB0];
	[tilespmem:s26+$0xFFFFFF20] =	vst v5  }
0x2a9: {  	[tilespmem:s24+$0x20] =	vst v2;
	v5 =	vld [tilespmem:s23+$0xFFFFFEB0]  }
0x2aa: {  	v2 =	vld [tilespmem:s23+$0x20];
	[tilespmem:s26+$0xFFFFFFA0] =	vst v4  }
0x2ab: {  	v4 =	vld [tilespmem:s23+$0xFFFFFFB0]  }
0x2ac: {  	v1 =	vld.idx.msk [tilespmem:v1+s31+$0x0], $0xffff  }
0x2ad: {  	v7 =	vld.idx.msk [tilespmem:v48+s31+$0x0], $0xffff  }
0x2ae: {  	v8 =	vld [tilespmem:s17+$0xFFFFFF60]  }
0x2af: {  	v55 =	vld [tilespmem:s25+$0xFFFFFF30];
	[tilespmem:s26+$0x20] =	vst v2  }
0x2b0: {  	v2 =	vld [tilespmem:s23+$0xB0]  }
0x2b1: {  	v5 =	vld.idx.msk [tilespmem:v5+s31+$0x0], $0xffff;
	v1 =	vmul.f32 v52, v1  }
0x2b2: {  	v56 =	vld [tilespmem:s25+$0xFFFFFFB0]  }
0x2b3: {  	[tilespmem:s24+$0xB0] =	vst v1;
	v1 =	vld.idx.msk [tilespmem:v4+s31+$0x0], $0xffff  }
0x2b4: {  	v6 =	vmul.f32 v8, v6;
	v4 =	vmul.f32 v53, v7;
	v7 =	vld [tilespmem:s23+$0x130]  }
0x2b5: {  	v3 =	vld [tilespmem:s21+$0x170]  }
0x2b6: {  	[tilespmem:s30+$0xFFFFFF60] =	vst v6;
	v6 =	vld [tilespmem:s25+$0x30];
	v5 =	vmul.f32 v55, v5  }
0x2b7: {  	[tilespmem:s30+$0xFFFFFFE0] =	vst v4;
	v4 =	vld [tilespmem:s21+$0xFFFFFE60]  }
0x2b8: {  	v2 =	vld.idx.msk [tilespmem:v2+s31+$0x0], $0xffff;
	[tilespmem:s24+$0xFFFFFF30] =	vst v5;
	v5 =	vmul.f32 v54, v51  }
0x2b9: {  	v8 =	vld [tilespmem:s21+$0xFFFFFF60];
	v1 =	vmul.f32 v56, v1;
	[tilespmem:s26+$0xB0] =	vst v7  }
0x2ba: {  	v57 =	vld [tilespmem:s23+$0xFFFFFE30];
	[tilespmem:s30+$0x60] =	vst v5  }
0x2bb: {  	[tilespmem:s24+$0xFFFFFFB0] =	vst v1;
	v1 =	vld [tilespmem:s23+$0x1C0]  }
0x2bc: {  	v7 =	vld [tilespmem:s21+$0x60]  }
0x2bd: {  	[tilespmem:s22+$0xFFFFFF60] =	vst v4;
	v5 =	vld [tilespmem:s23+$0xFFFFFF30]  }
0x2be: {  	v2 =	vmul.f32 v6, v2;
	v4 =	vld [tilespmem:s21+$0xFFFFFEF0]  }
0x2bf: {  	[tilespmem:s22+$0xFFFFFFE0] =	vst v8;
	v62 =	vld [tilespmem:s17+$0xFFFFFF70]  }
0x2c0: {  	v6 =	vld [tilespmem:s21+$0xFFFFFFF0];
	[tilespmem:s24+$0x30] =	vst v2  }
0x2c1: {  	[tilespmem:s26+$0xFFFFFF30] =	vst v57;
	v2 =	vld [tilespmem:s23+$0x30]  }
0x2c2: {  	v8 =	vld [tilespmem:s23+$0xFFFFFEC0];
	[tilespmem:s22+$0x60] =	vst v7  }
0x2c3: {  	v7 =	vld [tilespmem:s25+$0xC0];
	[tilespmem:s26+$0xFFFFFFB0] =	vst v5  }
0x2c4: {  	v5 =	vld [tilespmem:s23+$0xFFFFFFC0]  }
0x2c5: {  	v1 =	vld.idx.msk [tilespmem:v1+s31+$0x0], $0xffff  }
0x2c6: {  	v63 =	vld [tilespmem:s17+$0xFFFFFFF0]  }
0x2c7: {  	v59 =	vld [tilespmem:s25+$0xFFFFFF40];
	[tilespmem:s26+$0x30] =	vst v2  }
0x2c8: {  	v2 =	vld [tilespmem:s23+$0xC0]  }
0x2c9: {  	v58 =	vld [tilespmem:s21+$0xF0]  }
0x2ca: {  	v8 =	vld.idx.msk [tilespmem:v8+s31+$0x0], $0xffff;
	v1 =	vmul.f32 v7, v1  }
0x2cb: {  	v60 =	vld [tilespmem:s25+$0xFFFFFFC0]  }
0x2cc: {  	v5 =	vld.idx.msk [tilespmem:v5+s31+$0x0], $0xffff;
	[tilespmem:s24+$0xC0] =	vst v1  }
0x2cd: {  	v1 =	vld [tilespmem:s23+$0x140]  }
0x2ce: {  	v4 =	vld.idx.msk [tilespmem:v4+s31+$0x0], $0xffff  }
0x2cf: {  	v7 =	vld [tilespmem:s25+$0x40];
	v8 =	vmul.f32 v59, v8  }
0x2d0: {  	v2 =	vld.idx.msk [tilespmem:v2+s31+$0x0], $0xffff  }
0x2d1: {  	v6 =	vld.idx.msk [tilespmem:v6+s31+$0x0], $0xffff;
	[tilespmem:s24+$0xFFFFFF40] =	vst v8;
	v5 =	vmul.f32 v60, v5  }
0x2d2: {  	v8 =	vld [tilespmem:s23+$0xFFFFFE40];
	[tilespmem:s26+$0xC0] =	vst v1  }
0x2d3: {  	[tilespmem:s24+$0xFFFFFFC0] =	vst v5;
	v5 =	vld [tilespmem:s23+$0x1D0]  }
0x2d4: {  	v9 =	vld.idx.msk [tilespmem:v58+s31+$0x0], $0xffff  }
0x2d5: {  	v2 =	vmul.f32 v7, v2;
	v7 =	vld [tilespmem:s17+$0x70]  }
0x2d6: {  	[tilespmem:s22+$0xF0] =	vst v3;
	v61 =	vld [tilespmem:s23+$0xFFFFFF40]  }
0x2d7: {  	v3 =	vmul.f32 v63, v6;
	v6 =	vld [tilespmem:s25+$0xD0];
	[tilespmem:s24+$0x40] =	vst v2  }
0x2d8: {  	[tilespmem:s26+$0xFFFFFF40] =	vst v8;
	v8 =	vld [tilespmem:s23+$0x40]  }
0x2d9: {  	v1 =	vld [tilespmem:s23+$0xFFFFFED0]  }
0x2da: {  	v4 =	vmul.f32 v62, v4;
	[tilespmem:s30+$0xFFFFFFF0] =	vst v3;
	v3 =	vld [tilespmem:s25+$0xFFFFFF50]  }
0x2db: {  	[tilespmem:s26+$0xFFFFFFC0] =	vst v61;
	v5 =	vld.idx.msk [tilespmem:v5+s31+$0x0], $0xffff  }
0x2dc: {  	[tilespmem:s30+$0xFFFFFF70] =	vst v4;
	v7 =	vmul.f32 v7, v9;
	v2 =	vld [tilespmem:s23+$0xFFFFFFD0]  }
0x2dd: {  	s20 =	simm.s32 $0x4;
	s12 =	simm.s32 $0x2B00;
	v4 =	vld [tilespmem:s25+$0xFFFFFFD0];
	[tilespmem:s26+$0x40] =	vst v8  }
0x2de: {  	s29 =	simm.s32 $0x3B00;
	s28 =	simm.s32 $0x4B00;
	s17 =	simm.s32 $0x1A00;
	[tilespmem:s30+$0x70] =	vst v7;
	v7 =	vld [tilespmem:s23+$0xD0]  }
.LBB2_6:
0x2df: {  	v8 =	vld [tilespmem:s17+$0x180];
	s20 =	sadd.s32 $0x4, s20  }
0x2e0: {  	v9 =	vld [tilespmem:s17+$0xFFFFFF80];
	p1 =	slt.u32 s20, $0xC;
	v5 =	vmul.f32 v6, v5  }
0x2e1: {  	v6 =	vld [tilespmem:s17+$0x80]  }
0x2e2: {  	v10 =	vld [tilespmem:s17+$0xFFFFFE80];
	[tilespmem:s24+$0xD0] =	vst v5  }
0x2e3: {  	v5 =	vld [tilespmem:s23+$0x150]  }
0x2e4: {  	v1 =	vld.idx.msk [tilespmem:v1+s31+$0x0], $0xffff  }
0x2e5: {  	v2 =	vld.idx.msk [tilespmem:v2+s31+$0x0], $0xffff  }
0x2e6: {  	v7 =	vld.idx.msk [tilespmem:v7+s31+$0x0], $0xffff  }
0x2e7: {  	s25 =	sadd.s32 $0x200, s25;
	v8 =	vld.idx.msk [tilespmem:v8+s31+$0x0], $0xffff  }
0x2e8: {  	v11 =	vld [tilespmem:s25+$0x80];
	[tilespmem:s26+$0xD0] =	vst v5  }
0x2e9: {  	v5 =	vld [tilespmem:s23+$0x1E0]  }
0x2ea: {  	v1 =	vmul.f32 v3, v1;
	v10 =	vld.idx.msk [tilespmem:v10+s31+$0x0], $0xffff  }
0x2eb: {  	v2 =	vmul.f32 v4, v2;
	v3 =	vld.idx.msk [tilespmem:v9+s31+$0x0], $0xffff  }
0x2ec: {  	v4 =	vld.idx.msk [tilespmem:v6+s31+$0x0], $0xffff;
	[tilespmem:s24+$0xFFFFFF50] =	vst v1  }
0x2ed: {  	v1 =	vld [tilespmem:s25+$0xFFFFFF00];
	v6 =	vmul.f32 v11, v8;
	[tilespmem:s24+$0xFFFFFFD0] =	vst v2  }
0x2ee: {  	s24 =	sadd.s32 $0x200, s24;
	v2 =	vld [tilespmem:s25+$0xFFFFFF80]  }
0x2ef: {  	v8 =	vld [tilespmem:s25+$0x0];
	[tilespmem:s24+$0x80] =	vst v6  }
0x2f0: {  	v6 =	vld [tilespmem:s17+$0x100]  }
0x2f1: {  	v5 =	vld.idx.msk [tilespmem:v5+s31+$0x0], $0xffff  }
0x2f2: {  	v1 =	vmul.f32 v1, v10;
	v9 =	vld [tilespmem:s12+$0xE0]  }
0x2f3: {  	v2 =	vmul.f32 v2, v3;
	v3 =	vld [tilespmem:s12+$0x50]  }
0x2f4: {  	s26 =	sadd.s32 $0x200, s26;
	[tilespmem:s24+$0xFFFFFF00] =	vst v1;
	v1 =	vmul.f32 v8, v4;
	v4 =	vld [tilespmem:s23+$0xFFFFFE50]  }
0x2f5: {  	v8 =	vld [tilespmem:s17+$0xFFFFFE00];
	[tilespmem:s26+$0x80] =	vst v6  }
0x2f6: {  	[tilespmem:s24+$0xFFFFFF80] =	vst v2;
	v2 =	vld [tilespmem:s17+$0x190]  }
0x2f7: {  	v6 =	vld [tilespmem:s17+$0xFFFFFF00];
	[tilespmem:s24+$0x0] =	vst v1;
	v1 =	vmul.f32 v9, v5  }
0x2f8: {  	v5 =	vld [tilespmem:s17+$0x0];
	v3 =	vmul.f32 v3, v7  }
0x2f9: {  	v7 =	vld [tilespmem:s23+$0xFFFFFF50];
	[tilespmem:s29+$0xE0] =	vst v1  }
0x2fa: {  	[tilespmem:s26+$0xFFFFFF00] =	vst v8;
	v1 =	vld [tilespmem:s23+$0x160]  }
0x2fb: {  	v8 =	vld [tilespmem:s17+$0xFFFFFE90];
	[tilespmem:s29+$0x50] =	vst v3  }
0x2fc: {  	v3 =	vld [tilespmem:s25+$0xFFFFFF10];
	[tilespmem:s26+$0xFFFFFF80] =	vst v6  }
0x2fd: {  	v6 =	vld [tilespmem:s17+$0xFFFFFF90];
	[tilespmem:s26+$0x0] =	vst v5  }
0x2fe: {  	v2 =	vld.idx.msk [tilespmem:v2+s31+$0x0], $0xffff;
	[tilespmem:s28+$0xFFFFFF50] =	vst v4  }
0x2ff: {  	v4 =	vld [tilespmem:s25+$0x90];
	[tilespmem:s28+$0xE0] =	vst v1  }
0x300: {  	[tilespmem:s28+$0xFFFFFFD0] =	vst v7;
	v1 =	vld [tilespmem:s23+$0x1F0]  }
0x301: {  	v5 =	vld [tilespmem:s17+$0x90]  }
0x302: {  	v7 =	vld [tilespmem:s25+$0xFFFFFF90]  }
0x303: {  	v8 =	vld.idx.msk [tilespmem:v8+s31+$0x0], $0xffff  }
0x304: {  	v9 =	vld [tilespmem:s25+$0x10];
	v2 =	vmul.f32 v4, v2  }
0x305: {  	v4 =	vld.idx.msk [tilespmem:v6+s31+$0x0], $0xffff  }
0x306: {  	[tilespmem:s24+$0x90] =	vst v2;
	v2 =	vld [tilespmem:s23+$0x50]  }
0x307: {  	v6 =	vld [tilespmem:s17+$0x110]  }
0x308: {  	v1 =	vld.idx.msk [tilespmem:v1+s31+$0x0], $0xffff  }
0x309: {  	v3 =	vmul.f32 v3, v8;
	v8 =	vld [tilespmem:s12+$0xF0]  }
0x30a: {  	v5 =	vld.idx.msk [tilespmem:v5+s31+$0x0], $0xffff  }
0x30b: {  	[tilespmem:s24+$0xFFFFFF10] =	vst v3;
	v3 =	vmul.f32 v7, v4;
	v4 =	vld [tilespmem:s23+$0xFFFFFEE0]  }
0x30c: {  	v7 =	vld [tilespmem:s17+$0xFFFFFE10];
	[tilespmem:s26+$0x90] =	vst v6  }
0x30d: {  	[tilespmem:s24+$0xFFFFFF90] =	vst v3;
	v3 =	vld [tilespmem:s17+$0x1A0]  }
0x30e: {  	v6 =	vld [tilespmem:s17+$0xFFFFFF10];
	[tilespmem:s28+$0x50] =	vst v2;
	v1 =	vmul.f32 v8, v1  }
0x30f: {  	v2 =	vld [tilespmem:s23+$0xFFFFFFE0]  }
0x310: {  	v5 =	vmul.f32 v9, v5;
	v8 =	vld [tilespmem:s23+$0xE0];
	[tilespmem:s29+$0xF0] =	vst v1  }
0x311: {  	[tilespmem:s26+$0xFFFFFF10] =	vst v7;
	v1 =	vld [tilespmem:s23+$0x170]  }
0x312: {  	v7 =	vld [tilespmem:s17+$0xFFFFFEA0];
	[tilespmem:s24+$0x10] =	vst v5  }
0x313: {  	[tilespmem:s26+$0xFFFFFF90] =	vst v6;
	v5 =	vld [tilespmem:s17+$0x10]  }
0x314: {  	v6 =	vld [tilespmem:s17+$0xFFFFFFA0]  }
0x315: {  	v3 =	vld.idx.msk [tilespmem:v3+s31+$0x0], $0xffff  }
0x316: {  	v9 =	vld [tilespmem:s25+$0xA0];
	[tilespmem:s28+$0xF0] =	vst v1  }
0x317: {  	v1 =	vld [tilespmem:s25+$0xFFFFFF20]  }
0x318: {  	v10 =	vld [tilespmem:s25+$0xFFFFFFA0];
	[tilespmem:s26+$0x10] =	vst v5  }
0x319: {  	v5 =	vld [tilespmem:s17+$0xA0]  }
0x31a: {  	v7 =	vld.idx.msk [tilespmem:v7+s31+$0x0], $0xffff  }
0x31b: {  	v11 =	vld [tilespmem:s25+$0x20];
	v3 =	vmul.f32 v9, v3  }
0x31c: {  	v6 =	vld.idx.msk [tilespmem:v6+s31+$0x0], $0xffff  }
0x31d: {  	[tilespmem:s24+$0xA0] =	vst v3;
	v3 =	vld.idx.msk [tilespmem:v4+s31+$0x0], $0xffff  }
0x31e: {  	v4 =	vld [tilespmem:s17+$0x120]  }
0x31f: {  	v2 =	vld.idx.msk [tilespmem:v2+s31+$0x0], $0xffff  }
0x320: {  	v1 =	vmul.f32 v1, v7;
	v7 =	vld.idx.msk [tilespmem:v8+s31+$0x0], $0xffff  }
0x321: {  	v5 =	vld.idx.msk [tilespmem:v5+s31+$0x0], $0xffff  }
0x322: {  	[tilespmem:s24+$0xFFFFFF20] =	vst v1;
	v1 =	vmul.f32 v10, v6;
	v6 =	vld [tilespmem:s12+$0xFFFFFF60]  }
0x323: {  	v8 =	vld [tilespmem:s17+$0xFFFFFE20];
	[tilespmem:s26+$0xA0] =	vst v4  }
0x324: {  	[tilespmem:s24+$0xFFFFFFA0] =	vst v1;
	v1 =	vld [tilespmem:s17+$0x1B0]  }
0x325: {  	v4 =	vld [tilespmem:s17+$0xFFFFFF20]  }
0x326: {  	v9 =	vld [tilespmem:s12+$0xFFFFFFE0]  }
0x327: {  	v5 =	vmul.f32 v11, v5;
	v3 =	vmul.f32 v6, v3;
	v6 =	vld [tilespmem:s12+$0x60]  }
0x328: {  	[tilespmem:s26+$0xFFFFFF20] =	vst v8;
	v8 =	vld [tilespmem:s21+$0xFFFFFE70]  }
0x329: {  	v10 =	vld [tilespmem:s17+$0xFFFFFEB0];
	[tilespmem:s24+$0x20] =	vst v5  }
0x32a: {  	[tilespmem:s26+$0xFFFFFFA0] =	vst v4;
	v4 =	vld [tilespmem:s17+$0x20]  }
0x32b: {  	v5 =	vld [tilespmem:s17+$0xFFFFFFB0];
	[tilespmem:s29+$0xFFFFFF60] =	vst v3;
	v2 =	vmul.f32 v9, v2  }
0x32c: {  	v1 =	vld.idx.msk [tilespmem:v1+s31+$0x0], $0xffff;
	v3 =	vmul.f32 v6, v7  }
0x32d: {  	v6 =	vld [tilespmem:s25+$0xB0];
	[tilespmem:s29+$0xFFFFFFE0] =	vst v2  }
0x32e: {  	v2 =	vld [tilespmem:s25+$0xFFFFFF30];
	[tilespmem:s29+$0x60] =	vst v3  }
0x32f: {  	v3 =	vld [tilespmem:s25+$0xFFFFFFB0];
	[tilespmem:s26+$0x20] =	vst v4  }
0x330: {  	v4 =	vld [tilespmem:s17+$0xB0];
	[tilespmem:s22+$0xFFFFFF70] =	vst v8  }
0x331: {  	v7 =	vld.idx.msk [tilespmem:v10+s31+$0x0], $0xffff  }
0x332: {  	v8 =	vld [tilespmem:s25+$0x30];
	v1 =	vmul.f32 v6, v1  }
0x333: {  	v5 =	vld.idx.msk [tilespmem:v5+s31+$0x0], $0xffff  }
0x334: {  	[tilespmem:s24+$0xB0] =	vst v1;
	v1 =	vld [tilespmem:s23+$0xFFFFFE60]  }
0x335: {  	v6 =	vld [tilespmem:s17+$0x130]  }
0x336: {  	v9 =	vld [tilespmem:s23+$0xFFFFFF60]  }
0x337: {  	v2 =	vmul.f32 v2, v7;
	v7 =	vld [tilespmem:s23+$0x60]  }
0x338: {  	v4 =	vld.idx.msk [tilespmem:v4+s31+$0x0], $0xffff  }
0x339: {  	[tilespmem:s24+$0xFFFFFF30] =	vst v2;
	v2 =	vmul.f32 v3, v5;
	v3 =	vld [tilespmem:s21+$0xFFFFFF70]  }
0x33a: {  	v5 =	vld [tilespmem:s17+$0xFFFFFE30];
	[tilespmem:s26+$0xB0] =	vst v6  }
0x33b: {  	[tilespmem:s24+$0xFFFFFFB0] =	vst v2;
	v2 =	vld [tilespmem:s17+$0x1C0]  }
0x33c: {  	v6 =	vld [tilespmem:s17+$0xFFFFFF30];
	[tilespmem:s28+$0xFFFFFF60] =	vst v1  }
0x33d: {  	v1 =	vld [tilespmem:s23+$0xFFFFFEF0];
	[tilespmem:s28+$0xFFFFFFE0] =	vst v9  }
0x33e: {  	v4 =	vmul.f32 v8, v4;
	v8 =	vld [tilespmem:s23+$0xFFFFFFF0];
	[tilespmem:s28+$0x60] =	vst v7  }
0x33f: {  	[tilespmem:s26+$0xFFFFFF30] =	vst v5;
	v5 =	vld [tilespmem:s23+$0xF0]  }
0x340: {  	v7 =	vld [tilespmem:s17+$0xFFFFFEC0];
	[tilespmem:s24+$0x30] =	vst v4  }
0x341: {  	[tilespmem:s26+$0xFFFFFFB0] =	vst v6;
	v4 =	vld [tilespmem:s17+$0x30]  }
0x342: {  	v6 =	vld [tilespmem:s17+$0xFFFFFFC0];
	[tilespmem:s22+$0xFFFFFFF0] =	vst v3  }
0x343: {  	v2 =	vld.idx.msk [tilespmem:v2+s31+$0x0], $0xffff  }
0x344: {  	v3 =	vld [tilespmem:s25+$0xC0]  }
0x345: {  	v9 =	vld [tilespmem:s25+$0xFFFFFF40]  }
0x346: {  	v10 =	vld [tilespmem:s25+$0xFFFFFFC0];
	[tilespmem:s26+$0x30] =	vst v4  }
0x347: {  	v4 =	vld [tilespmem:s17+$0xC0]  }
0x348: {  	v7 =	vld.idx.msk [tilespmem:v7+s31+$0x0], $0xffff  }
0x349: {  	v11 =	vld [tilespmem:s25+$0x40];
	v2 =	vmul.f32 v3, v2  }
0x34a: {  	v3 =	vld.idx.msk [tilespmem:v6+s31+$0x0], $0xffff  }
0x34b: {  	[tilespmem:s24+$0xC0] =	vst v2;
	v1 =	vld.idx.msk [tilespmem:v1+s31+$0x0], $0xffff  }
0x34c: {  	v2 =	vld [tilespmem:s17+$0x140]  }
0x34d: {  	v6 =	vld.idx.msk [tilespmem:v8+s31+$0x0], $0xffff  }
0x34e: {  	v7 =	vmul.f32 v9, v7;
	v8 =	vld.idx.msk [tilespmem:v5+s31+$0x0], $0xffff  }
0x34f: {  	v4 =	vld.idx.msk [tilespmem:v4+s31+$0x0], $0xffff  }
0x350: {  	v3 =	vmul.f32 v10, v3;
	[tilespmem:s24+$0xFFFFFF40] =	vst v7;
	v5 =	vld [tilespmem:s12+$0xFFFFFF70]  }
0x351: {  	v7 =	vld [tilespmem:s17+$0xFFFFFE40];
	[tilespmem:s26+$0xC0] =	vst v2  }
0x352: {  	[tilespmem:s24+$0xFFFFFFC0] =	vst v3;
	v3 =	vld [tilespmem:s17+$0x1D0]  }
0x353: {  	v2 =	vld [tilespmem:s17+$0xFFFFFF40]  }
0x354: {  	v9 =	vld [tilespmem:s12+$0xFFFFFFF0]  }
0x355: {  	v4 =	vmul.f32 v11, v4;
	v5 =	vmul.f32 v5, v1;
	v10 =	vld [tilespmem:s12+$0x70];
	s12 =	smov.u32 s25  }
0x356: {  	[tilespmem:s26+$0xFFFFFF40] =	vst v7;
	v11 =	vld [tilespmem:s21+$0x70];
	s21 =	smov.u32 s23;
	s23 =	smov.u32 s17  }
0x357: {  	v1 =	vld [tilespmem:s17+$0xFFFFFED0];
	[tilespmem:s24+$0x40] =	vst v4  }
0x358: {  	[tilespmem:s26+$0xFFFFFFC0] =	vst v2;
	v7 =	vld [tilespmem:s17+$0x40]  }
0x359: {  	v2 =	vld [tilespmem:s17+$0xFFFFFFD0];
	[tilespmem:s29+$0xFFFFFF70] =	vst v5;
	v4 =	vmul.f32 v9, v6  }
.Ltmp2:
0x35a: {  	v5 =	vld.idx.msk [tilespmem:v3+s31+$0x0], $0xffff;
	v8 =	vmul.f32 v10, v8;
	(pc) =	sbr.rel @p1 .LBB2_6-.Ltmp2, $4  }
0x35b: {  	v6 =	vld [tilespmem:s25+$0xD0];
	[tilespmem:s29+$0xFFFFFFF0] =	vst v4  }
0x35c: {  	v3 =	vld [tilespmem:s25+$0xFFFFFF50];
	[tilespmem:s29+$0x70] =	vst v8;
	s29 =	smov.u32 s24  }
0x35d: {  	v4 =	vld [tilespmem:s25+$0xFFFFFFD0];
	[tilespmem:s26+$0x40] =	vst v7  }
0x35e: {  	s17 =	sadd.s32 $0x400, s17;
	v7 =	vld [tilespmem:s23+$0xD0];
	[tilespmem:s22+$0x70] =	vst v11;
	s22 =	smov.u32 s28;
	s28 =	smov.u32 s26  }
0x35f: {  	_ =	sdelay $0x4  }
0x360: {  	v1 =	vld.idx.msk [tilespmem:v1+s31+$0x0], $0xffff  }
0x361: {  	v2 =	vld.idx.msk [tilespmem:v2+s31+$0x0], $0xffff  }
0x362: {  	v51 =	vld [tilespmem:s12+$0x50]  }
0x363: {  	v50 =	vld.idx.msk [tilespmem:v7+s31+$0x0], $0xffff  }
0x364: {  	v5 =	vmul.f32 v6, v5;
	_ =	sdelay $0x1  }
0x365: {  	[tilespmem:s24+$0xD0] =	vst v5;
	v1 =	vmul.f32 v3, v1  }
0x366: {  	v5 =	vld [tilespmem:s23+$0x150];
	v2 =	vmul.f32 v4, v2  }
0x367: {  	[tilespmem:s24+$0xFFFFFF50] =	vst v1;
	v1 =	vmul.f32 v51, v50  }
0x368: {  	[tilespmem:s24+$0xFFFFFFD0] =	vst v2;
	v2 =	vld [tilespmem:s23+$0xFFFFFE50]  }
0x369: {  	v3 =	vld [tilespmem:s23+$0xFFFFFF50];
	[tilespmem:s29+$0x50] =	vst v1  }
0x36a: {  	v1 =	vld [tilespmem:s23+$0x50]  }
0x36b: {  	[tilespmem:s26+$0xD0] =	vst v5  }
0x36c: {  	v5 =	vld [tilespmem:s23+$0x1E0]  }
0x36d: {  	[tilespmem:s28+$0xFFFFFF50] =	vst v2  }
0x36e: {  	[tilespmem:s28+$0xFFFFFFD0] =	vst v3;
	v2 =	vld [tilespmem:s23+$0xFFFFFEE0]  }
0x36f: {  	[tilespmem:s28+$0x50] =	vst v1;
	v1 =	vld [tilespmem:s23+$0xFFFFFFE0]  }
0x370: {  	v3 =	vld [tilespmem:s23+$0xE0]  }
0x371: {  	v53 =	vld [tilespmem:s12+$0xE0]  }
0x372: {  	v54 =	vld [tilespmem:s12+$0xFFFFFF60]  }
0x373: {  	v55 =	vld [tilespmem:s12+$0xFFFFFFE0]  }
0x374: {  	v52 =	vld.idx.msk [tilespmem:v5+s31+$0x0], $0xffff  }
0x375: {  	v56 =	vld [tilespmem:s12+$0x60]  }
0x376: {  	v2 =	vld.idx.msk [tilespmem:v2+s31+$0x0], $0xffff  }
0x377: {  	v1 =	vld.idx.msk [tilespmem:v1+s31+$0x0], $0xffff  }
0x378: {  	v3 =	vld.idx.msk [tilespmem:v3+s31+$0x0], $0xffff  }
0x379: {  	v4 =	vmul.f32 v53, v52;
	_ =	sdelay $0x1  }
0x37a: {  	[tilespmem:s29+$0xE0] =	vst v4;
	v2 =	vmul.f32 v54, v2  }
0x37b: {  	v4 =	vld [tilespmem:s23+$0x160];
	v1 =	vmul.f32 v55, v1  }
0x37c: {  	[tilespmem:s29+$0xFFFFFF60] =	vst v2;
	v2 =	vmul.f32 v56, v3  }
0x37d: {  	[tilespmem:s29+$0xFFFFFFE0] =	vst v1;
	v1 =	vld [tilespmem:s23+$0xFFFFFE60]  }
0x37e: {  	[tilespmem:s29+$0x60] =	vst v2;
	v2 =	vld [tilespmem:s23+$0xFFFFFF60]  }
0x37f: {  	v3 =	vld [tilespmem:s23+$0x60]  }
0x380: {  	[tilespmem:s28+$0xE0] =	vst v4  }
0x381: {  	v4 =	vld [tilespmem:s23+$0x1F0]  }
0x382: {  	v61 =	vld [tilespmem:s21+$0xFFFFFE70];
	[tilespmem:s28+$0xFFFFFF60] =	vst v1  }
0x383: {  	v1 =	vld [tilespmem:s23+$0xFFFFFEF0];
	[tilespmem:s28+$0xFFFFFFE0] =	vst v2  }
0x384: {  	v2 =	vld [tilespmem:s23+$0xFFFFFFF0];
	[tilespmem:s28+$0x60] =	vst v3  }
0x385: {  	v3 =	vld [tilespmem:s23+$0xF0]  }
0x386: {  	v57 =	vld [tilespmem:s12+$0xF0]  }
0x387: {  	v58 =	vld [tilespmem:s12+$0xFFFFFF70]  }
0x388: {  	v59 =	vld [tilespmem:s12+$0xFFFFFFF0]  }
0x389: {  	v4 =	vld.idx.msk [tilespmem:v4+s31+$0x0], $0xffff  }
0x38a: {  	v60 =	vld [tilespmem:s12+$0x70]  }
0x38b: {  	v1 =	vld.idx.msk [tilespmem:v1+s31+$0x0], $0xffff  }
0x38c: {  	v2 =	vld.idx.msk [tilespmem:v2+s31+$0x0], $0xffff  }
0x38d: {  	v3 =	vld.idx.msk [tilespmem:v3+s31+$0x0], $0xffff;
	_ =	sdelay $0x1  }
0x38e: {  	v4 =	vmul.f32 v57, v4  }
0x38f: {  	v62 =	vld [tilespmem:s21+$0xFFFFFF70];
	[tilespmem:s22+$0xFFFFFF70] =	vst v61;
	v1 =	vmul.f32 v58, v1  }
0x390: {  	v63 =	vld [tilespmem:s21+$0x70];
	[tilespmem:s29+$0xF0] =	vst v4;
	v2 =	vmul.f32 v59, v2  }
0x391: {  	v4 =	vld [tilespmem:s23+$0x170];
	[tilespmem:s29+$0xFFFFFF70] =	vst v1;
	v1 =	vmul.f32 v60, v3  }
0x392: {  	[tilespmem:s29+$0xFFFFFFF0] =	vst v2;
	v2 =	vld [tilespmem:s23+$0xFFFFFE70]  }
0x393: {  	[tilespmem:s29+$0x70] =	vst v1;
	v1 =	vld [tilespmem:s23+$0xFFFFFF70]  }
0x394: {  	[tilespmem:s22+$0xFFFFFFF0] =	vst v62;
	v3 =	vld [tilespmem:s23+$0x70]  }
0x395: {  	[tilespmem:s22+$0x70] =	vst v63  }
0x396: {  	[tilespmem:s28+$0xF0] =	vst v4  }
0x397: {  	[tilespmem:s28+$0xFFFFFF70] =	vst v2  }
0x398: {  	[tilespmem:s28+$0xFFFFFFF0] =	vst v1  }
0x399: {  	s17 =	simm.s32 $0x3800;
	[tilespmem:s28+$0x70] =	vst v3;
	s28 =	simm.s32 $0x4800  }
0x39a: {  	[spmem:s5] =	stream.indirect.scatter.add.f32 [tilespmem:s17], [sflag:$0x4], $0x1, s28, s13, $0xb8;
	[tilespmem:$0x1EF70] =	vst v63  }
0x39b: {  	s29 =	rddreg [dreg:$0xc]  }
0x39c: {  	[tilespmem:s0], [sflag:$0x2] =	stream.linear.gather [hbm4b:s29+s6], $0x1000, $0x38;
	[tilespmem:$0x1EF70] =	vst v63  }
0x39d: {  	s21 =	simm.s32 $0x1;
	s30 =	rddreg [dreg:$0xd]  }
0x39e: {  	[tilespmem:s1], [sflag:$0x2] =	stream.linear.gather [hbm4b:s30+s6], $0x800, $0x38;
	[tilespmem:$0x1EF70] =	vst v63  }
.LBB2_8:
0x39f: {  	_ =	swait.ge [sflag:s11], $0x1000  }
0x3a0: {  	[sflag:s11] =	ssyncset.done $0x0  }
0x3a1: {  	[sflag:s11] =	ssyncadd.s32 $0xFFFFF000  }
0x3a2: {  	_ =	swait.ge [sflag:s11], $0x800  }
0x3a3: {  	[sflag:s11] =	ssyncset.done $0x0  }
0x3a4: {  	[sflag:s11] =	ssyncadd.s32 $0xFFFFF800  }
0x3a5: {  	_ =	swait.ge [sflag:s10], $0x800  }
0x3a6: {  	[sflag:s10] =	ssyncset.done $0x0  }
0x3a7: {  	s22 =	simm.s32 $0x200;
	[sflag:s10] =	ssyncadd.s32 $0xFFFFF800  }
0x3a8: {  	v1 =	vld [tilespmem:s22+$0x180];
	_ =	sdelay $0x3  }
0x3a9: {  	s17 =	simm.s32 $0x2100;
	v2 =	vld [tilespmem:s22+$0xFFFFFE80]  }
0x3aa: {  	v3 =	vld [tilespmem:s17+$0x80]  }
0x3ab: {  	v4 =	vld [tilespmem:s22+$0xFFFFFF80]  }
0x3ac: {  	v5 =	vld [tilespmem:s22+$0x80]  }
0x3ad: {  	v1 =	vld.idx.msk [tilespmem:v1+s31+$0x0], $0xffff;
	_ =	sdelay $0x2  }
0x3ae: {  	v6 =	vld [tilespmem:s17+$0xFFFFFF00]  }
0x3af: {  	v2 =	vld.idx.msk [tilespmem:v2+s31+$0x0], $0xffff  }
0x3b0: {  	v1 =	vmul.f32 v3, v1  }
0x3b1: {  	s12 =	simm.s32 $0x3100;
	v3 =	vld.idx.msk [tilespmem:v4+s31+$0x0], $0xffff  }
0x3b2: {  	v4 =	vld.idx.msk [tilespmem:v5+s31+$0x0], $0xffff;
	[tilespmem:s12+$0x80] =	vst v1  }
0x3b3: {  	v1 =	vld [tilespmem:s22+$0x100]  }
0x3b4: {  	v2 =	vmul.f32 v6, v2;
	v5 =	vld [tilespmem:s17+$0xFFFFFF80];
	_ =	sdelay $0x1  }
0x3b5: {  	v6 =	vld [tilespmem:s17+$0x0];
	[tilespmem:s12+$0xFFFFFF00] =	vst v2  }
0x3b6: {  	s23 =	simm.s32 $0x4100;
	v2 =	vld [tilespmem:s22+$0xFFFFFE00]  }
0x3b7: {  	[tilespmem:s23+$0x80] =	vst v1  }
0x3b8: {  	v3 =	vmul.f32 v5, v3;
	v1 =	vld [tilespmem:s22+$0x190];
	_ =	sdelay $0x1  }
0x3b9: {  	v4 =	vmul.f32 v6, v4;
	[tilespmem:s12+$0xFFFFFF80] =	vst v3  }
0x3ba: {  	v3 =	vld [tilespmem:s22+$0xFFFFFF00];
	[tilespmem:s23+$0xFFFFFF00] =	vst v2  }
0x3bb: {  	[tilespmem:s12+$0x0] =	vst v4;
	v2 =	vld [tilespmem:s22+$0xFFFFFE90]  }
0x3bc: {  	v4 =	vld [tilespmem:s22+$0x0];
	_ =	sdelay $0x1  }
0x3bd: {  	v5 =	vld [tilespmem:s17+$0x90]  }
0x3be: {  	[tilespmem:s23+$0xFFFFFF80] =	vst v3;
	v1 =	vld.idx.msk [tilespmem:v1+s31+$0x0], $0xffff  }
0x3bf: {  	v3 =	vld [tilespmem:s22+$0xFFFFFF90]  }
0x3c0: {  	v6 =	vld [tilespmem:s17+$0xFFFFFF10];
	[tilespmem:s23+$0x0] =	vst v4  }
0x3c1: {  	v4 =	vld [tilespmem:s22+$0x90]  }
0x3c2: {  	v2 =	vld.idx.msk [tilespmem:v2+s31+$0x0], $0xffff  }
0x3c3: {  	v1 =	vmul.f32 v5, v1;
	_ =	sdelay $0x1  }
0x3c4: {  	v5 =	vld [tilespmem:s17+$0xFFFFFF90];
	[tilespmem:s12+$0x90] =	vst v1  }
0x3c5: {  	v1 =	vld [tilespmem:s22+$0x110]  }
0x3c6: {  	v2 =	vmul.f32 v6, v2;
	v3 =	vld.idx.msk [tilespmem:v3+s31+$0x0], $0xffff  }
0x3c7: {  	v7 =	vld [tilespmem:s17+$0x10]  }
0x3c8: {  	v4 =	vld.idx.msk [tilespmem:v4+s31+$0x0], $0xffff;
	[tilespmem:s12+$0xFFFFFF10] =	vst v2  }
0x3c9: {  	v2 =	vld [tilespmem:s22+$0xFFFFFE10]  }
0x3ca: {  	[tilespmem:s23+$0x90] =	vst v1  }
0x3cb: {  	v3 =	vmul.f32 v5, v3;
	v1 =	vld [tilespmem:s22+$0x1A0];
	_ =	sdelay $0x1  }
0x3cc: {  	[tilespmem:s12+$0xFFFFFF90] =	vst v3;
	v3 =	vmul.f32 v7, v4  }
0x3cd: {  	[tilespmem:s23+$0xFFFFFF10] =	vst v2  }
0x3ce: {  	v2 =	vld [tilespmem:s22+$0xFFFFFEA0];
	[tilespmem:s12+$0x10] =	vst v3  }
0x3cf: {  	v3 =	vld [tilespmem:s22+$0x10];
	_ =	sdelay $0x1  }
0x3d0: {  	v5 =	vld [tilespmem:s17+$0xA0]  }
0x3d1: {  	v1 =	vld.idx.msk [tilespmem:v1+s31+$0x0], $0xffff  }
0x3d2: {  	v4 =	vld [tilespmem:s22+$0xFFFFFF10]  }
0x3d3: {  	v6 =	vld [tilespmem:s17+$0xFFFFFF20];
	[tilespmem:s23+$0x10] =	vst v3  }
0x3d4: {  	v3 =	vld [tilespmem:s22+$0xA0]  }
0x3d5: {  	v2 =	vld.idx.msk [tilespmem:v2+s31+$0x0], $0xffff  }
0x3d6: {  	v1 =	vmul.f32 v5, v1  }
0x3d7: {  	[tilespmem:s23+$0xFFFFFF90] =	vst v4  }
0x3d8: {  	v4 =	vld [tilespmem:s22+$0xFFFFFFA0];
	[tilespmem:s12+$0xA0] =	vst v1  }
0x3d9: {  	v1 =	vld [tilespmem:s22+$0x120]  }
0x3da: {  	v2 =	vmul.f32 v6, v2  }
0x3db: {  	v7 =	vld [tilespmem:s17+$0x20]  }
0x3dc: {  	v3 =	vld.idx.msk [tilespmem:v3+s31+$0x0], $0xffff;
	[tilespmem:s12+$0xFFFFFF20] =	vst v2  }
0x3dd: {  	v2 =	vld [tilespmem:s22+$0xFFFFFE20]  }
0x3de: {  	v5 =	vld [tilespmem:s17+$0xFFFFFFA0];
	[tilespmem:s23+$0xA0] =	vst v1  }
0x3df: {  	v1 =	vld [tilespmem:s22+$0x1B0]  }
0x3e0: {  	v4 =	vld.idx.msk [tilespmem:v4+s31+$0x0], $0xffff  }
0x3e1: {  	v3 =	vmul.f32 v7, v3  }
0x3e2: {  	[tilespmem:s23+$0xFFFFFF20] =	vst v2  }
0x3e3: {  	v2 =	vld [tilespmem:s22+$0xFFFFFEB0];
	[tilespmem:s12+$0x20] =	vst v3  }
0x3e4: {  	v3 =	vld [tilespmem:s22+$0x20]  }
0x3e5: {  	v4 =	vmul.f32 v5, v4  }
0x3e6: {  	v5 =	vld [tilespmem:s17+$0xB0]  }
0x3e7: {  	[tilespmem:s12+$0xFFFFFFA0] =	vst v4;
	v1 =	vld.idx.msk [tilespmem:v1+s31+$0x0], $0xffff  }
0x3e8: {  	v4 =	vld [tilespmem:s22+$0xFFFFFF20]  }
0x3e9: {  	v6 =	vld [tilespmem:s17+$0xFFFFFF30];
	[tilespmem:s23+$0x20] =	vst v3  }
0x3ea: {  	v3 =	vld [tilespmem:s22+$0xB0]  }
0x3eb: {  	v2 =	vld.idx.msk [tilespmem:v2+s31+$0x0], $0xffff  }
0x3ec: {  	v1 =	vmul.f32 v5, v1  }
0x3ed: {  	[tilespmem:s23+$0xFFFFFFA0] =	vst v4  }
0x3ee: {  	v4 =	vld [tilespmem:s22+$0xFFFFFFB0];
	[tilespmem:s12+$0xB0] =	vst v1  }
0x3ef: {  	s24 =	simm.s32 $0x600;
	v1 =	vld [tilespmem:s22+$0x130]  }
0x3f0: {  	v9 =	vld [tilespmem:s24+$0xFFFFFE80];
	v2 =	vmul.f32 v6, v2  }
0x3f1: {  	v7 =	vld [tilespmem:s17+$0x30]  }
0x3f2: {  	v3 =	vld.idx.msk [tilespmem:v3+s31+$0x0], $0xffff;
	[tilespmem:s12+$0xFFFFFF30] =	vst v2  }
0x3f3: {  	v2 =	vld [tilespmem:s22+$0xFFFFFE30]  }
0x3f4: {  	v5 =	vld [tilespmem:s17+$0xFFFFFFB0];
	[tilespmem:s23+$0xB0] =	vst v1  }
0x3f5: {  	v1 =	vld [tilespmem:s22+$0x1C0]  }
0x3f6: {  	v4 =	vld.idx.msk [tilespmem:v4+s31+$0x0], $0xffff  }
0x3f7: {  	s26 =	simm.s32 $0x2300;
	v3 =	vmul.f32 v7, v3  }
0x3f8: {  	v12 =	vld [tilespmem:s26+$0xFFFFFF00];
	[tilespmem:s23+$0xFFFFFF30] =	vst v2  }
0x3f9: {  	v2 =	vld [tilespmem:s22+$0xFFFFFEC0];
	[tilespmem:s12+$0x30] =	vst v3  }
0x3fa: {  	v3 =	vld [tilespmem:s22+$0x30]  }
0x3fb: {  	v9 =	vld.idx.msk [tilespmem:v9+s31+$0x0], $0xffff;
	v4 =	vmul.f32 v5, v4  }
0x3fc: {  	v5 =	vld [tilespmem:s17+$0xC0]  }
0x3fd: {  	[tilespmem:s12+$0xFFFFFFB0] =	vst v4;
	v1 =	vld.idx.msk [tilespmem:v1+s31+$0x0], $0xffff  }
0x3fe: {  	v4 =	vld [tilespmem:s22+$0xFFFFFF30]  }
0x3ff: {  	v6 =	vld [tilespmem:s17+$0xFFFFFF40];
	[tilespmem:s23+$0x30] =	vst v3  }
0x400: {  	v3 =	vld [tilespmem:s22+$0xC0]  }
0x401: {  	v9 =	vmul.f32 v12, v9;
	v2 =	vld.idx.msk [tilespmem:v2+s31+$0x0], $0xffff  }
0x402: {  	s25 =	simm.s32 $0x3300;
	v1 =	vmul.f32 v5, v1  }
0x403: {  	[tilespmem:s25+$0xFFFFFF00] =	vst v9  }
0x404: {  	v9 =	vld [tilespmem:s24+$0xFFFFFE00];
	[tilespmem:s12+$0xC0] =	vst v1  }
0x405: {  	[tilespmem:s23+$0xFFFFFFB0] =	vst v4;
	v1 =	vld [tilespmem:s22+$0x140]  }
0x406: {  	v4 =	vld [tilespmem:s22+$0xFFFFFFC0];
	v2 =	vmul.f32 v6, v2  }
0x407: {  	v6 =	vld [tilespmem:s17+$0x40]  }
0x408: {  	[tilespmem:s12+$0xFFFFFF40] =	vst v2;
	v3 =	vld.idx.msk [tilespmem:v3+s31+$0x0], $0xffff  }
0x409: {  	v2 =	vld [tilespmem:s22+$0xFFFFFE40]  }
0x40a: {  	v10 =	vld [tilespmem:s24+$0x80];
	[tilespmem:s23+$0xC0] =	vst v1  }
0x40b: {  	v1 =	vld [tilespmem:s22+$0x1D0]  }
0x40c: {  	s28 =	simm.s32 $0x4300;
	v11 =	vld [tilespmem:s26+$0x80]  }
0x40d: {  	v41 =	vld [tilespmem:s26+$0xFFFFFF80];
	[tilespmem:s28+$0xFFFFFF00] =	vst v9  }
0x40e: {  	[tilespmem:s23+$0xFFFFFF40] =	vst v2;
	v2 =	vmul.f32 v6, v3;
	v6 =	vld [tilespmem:s24+$0x180]  }
0x40f: {  	v9 =	vld [tilespmem:s24+$0xFFFFFE90]  }
0x410: {  	v5 =	vld [tilespmem:s17+$0xFFFFFFC0]  }
0x411: {  	v4 =	vld.idx.msk [tilespmem:v4+s31+$0x0], $0xffff  }
0x412: {  	[tilespmem:s12+$0x40] =	vst v2;
	v2 =	vld [tilespmem:s17+$0xD0]  }
0x413: {  	v1 =	vld.idx.msk [tilespmem:v1+s31+$0x0], $0xffff  }
0x414: {  	v13 =	vld [tilespmem:s26+$0x0]  }
0x415: {  	v10 =	vld.idx.msk [tilespmem:v10+s31+$0x0], $0xffff  }
0x416: {  	v6 =	vld.idx.msk [tilespmem:v6+s31+$0x0], $0xffff  }
0x417: {  	v46 =	vld [tilespmem:s26+$0xFFFFFF10];
	v4 =	vmul.f32 v5, v4  }
0x418: {  	v1 =	vmul.f32 v2, v1;
	v2 =	vld [tilespmem:s24+$0xFFFFFF80]  }
0x419: {  	v9 =	vld.idx.msk [tilespmem:v9+s31+$0x0], $0xffff;
	[tilespmem:s12+$0xFFFFFFC0] =	vst v4  }
0x41a: {  	v4 =	vld [tilespmem:s22+$0xFFFFFF40];
	[tilespmem:s12+$0xD0] =	vst v1  }
0x41b: {  	v6 =	vmul.f32 v11, v6;
	v1 =	vld [tilespmem:s22+$0x150]  }
0x41c: {  	v3 =	vld [tilespmem:s22+$0xFFFFFED0]  }
0x41d: {  	v7 =	vld [tilespmem:s17+$0xFFFFFF50];
	[tilespmem:s25+$0x80] =	vst v6  }
0x41e: {  	v6 =	vld [tilespmem:s24+$0x100]  }
0x41f: {  	[tilespmem:s23+$0xFFFFFFC0] =	vst v4;
	v4 =	vld [tilespmem:s22+$0x40]  }
0x420: {  	[tilespmem:s23+$0xD0] =	vst v1;
	v2 =	vld.idx.msk [tilespmem:v2+s31+$0x0], $0xffff  }
0x421: {  	v1 =	vld [tilespmem:s22+$0x1E0]  }
0x422: {  	v5 =	vld [tilespmem:s22+$0xFFFFFFD0]  }
0x423: {  	v8 =	vld [tilespmem:s17+$0xFFFFFFD0];
	[tilespmem:s28+$0x80] =	vst v6;
	v6 =	vmul.f32 v13, v10  }
0x424: {  	v3 =	vld.idx.msk [tilespmem:v3+s31+$0x0], $0xffff  }
0x425: {  	v42 =	vld [tilespmem:s17+$0xE0];
	[tilespmem:s25+$0x0] =	vst v6;
	v2 =	vmul.f32 v41, v2  }
0x426: {  	v6 =	vld [tilespmem:s24+$0x0]  }
0x427: {  	[tilespmem:s25+$0xFFFFFF80] =	vst v2;
	v2 =	vld [tilespmem:s24+$0x190]  }
0x428: {  	v43 =	vld [tilespmem:s24+$0xFFFFFF00]  }
0x429: {  	[tilespmem:s23+$0x40] =	vst v4;
	v1 =	vld.idx.msk [tilespmem:v1+s31+$0x0], $0xffff  }
0x42a: {  	v4 =	vld [tilespmem:s22+$0xD0]  }
0x42b: {  	v44 =	vld [tilespmem:s17+$0x50];
	[tilespmem:s28+$0x0] =	vst v6  }
0x42c: {  	v6 =	vld [tilespmem:s24+$0x90]  }
0x42d: {  	v5 =	vld.idx.msk [tilespmem:v5+s31+$0x0], $0xffff;
	v3 =	vmul.f32 v7, v3;
	[tilespmem:s28+$0xFFFFFF80] =	vst v43  }
0x42e: {  	v1 =	vmul.f32 v42, v1;
	v7 =	vld [tilespmem:s24+$0xFFFFFF90]  }
0x42f: {  	[tilespmem:s12+$0xFFFFFF50] =	vst v3;
	v3 =	vld [tilespmem:s26+$0x90]  }
0x430: {  	v2 =	vld.idx.msk [tilespmem:v2+s31+$0x0], $0xffff;
	[tilespmem:s12+$0xE0] =	vst v1  }
0x431: {  	v1 =	vld [tilespmem:s22+$0x160]  }
0x432: {  	v45 =	vld [tilespmem:s22+$0xFFFFFE50]  }
0x433: {  	v4 =	vld.idx.msk [tilespmem:v4+s31+$0x0], $0xffff  }
0x434: {  	v6 =	vld.idx.msk [tilespmem:v6+s31+$0x0], $0xffff  }
0x435: {  	v2 =	vmul.f32 v3, v2;
	v3 =	vmul.f32 v8, v5;
	v5 =	vld [tilespmem:s26+$0xFFFFFF90]  }
0x436: {  	[tilespmem:s23+$0xE0] =	vst v1;
	v7 =	vld.idx.msk [tilespmem:v7+s31+$0x0], $0xffff  }
0x437: {  	[tilespmem:s25+$0x90] =	vst v2;
	v1 =	vld [tilespmem:s22+$0x1F0]  }
0x438: {  	v8 =	vmul.f32 v46, v9;
	[tilespmem:s12+$0xFFFFFFD0] =	vst v3;
	v3 =	vld [tilespmem:s24+$0x110]  }
0x439: {  	v2 =	vmul.f32 v44, v4;
	v4 =	vld [tilespmem:s22+$0xFFFFFF50]  }
0x43a: {  	[tilespmem:s25+$0xFFFFFF10] =	vst v8;
	v8 =	vld [tilespmem:s17+$0xF0]  }
0x43b: {  	[tilespmem:s12+$0x50] =	vst v2;
	v2 =	vld [tilespmem:s26+$0x10]  }
0x43c: {  	v47 =	vld [tilespmem:s22+$0x50];
	v5 =	vmul.f32 v5, v7  }
0x43d: {  	v7 =	vld [tilespmem:s24+$0xFFFFFE10];
	[tilespmem:s28+$0x90] =	vst v3  }
0x43e: {  	[tilespmem:s25+$0xFFFFFF90] =	vst v5;
	v3 =	vld [tilespmem:s24+$0x1A0]  }
0x43f: {  	[tilespmem:s23+$0xFFFFFF50] =	vst v45;
	v5 =	vld [tilespmem:s24+$0xFFFFFF10]  }
0x440: {  	v2 =	vmul.f32 v2, v6;
	v6 =	vld [tilespmem:s22+$0xFFFFFEE0]  }
0x441: {  	[tilespmem:s23+$0xFFFFFFD0] =	vst v4;
	v4 =	vld [tilespmem:s26+$0xA0]  }
0x442: {  	v48 =	vld [tilespmem:s22+$0xFFFFFFE0];
	[tilespmem:s28+$0xFFFFFF10] =	vst v7  }
0x443: {  	[tilespmem:s25+$0x10] =	vst v2;
	v7 =	vld [tilespmem:s24+$0xFFFFFEA0]  }
0x444: {  	v2 =	vld [tilespmem:s24+$0x10];
	[tilespmem:s28+$0xFFFFFF90] =	vst v5  }
0x445: {  	v5 =	vld [tilespmem:s24+$0xFFFFFFA0]  }
0x446: {  	v3 =	vld.idx.msk [tilespmem:v3+s31+$0x0], $0xffff  }
0x447: {  	v1 =	vld.idx.msk [tilespmem:v1+s31+$0x0], $0xffff  }
0x448: {  	v53 =	vld [tilespmem:s17+$0xFFFFFFE0]  }
0x449: {  	v50 =	vld [tilespmem:s26+$0xFFFFFF20];
	[tilespmem:s28+$0x10] =	vst v2  }
0x44a: {  	v2 =	vld [tilespmem:s24+$0xA0]  }
0x44b: {  	v7 =	vld.idx.msk [tilespmem:v7+s31+$0x0], $0xffff;
	v3 =	vmul.f32 v4, v3  }
0x44c: {  	[tilespmem:s23+$0x50] =	vst v47;
	v1 =	vmul.f32 v8, v1;
	v4 =	vld [tilespmem:s26+$0xFFFFFFA0]  }
0x44d: {  	v5 =	vld.idx.msk [tilespmem:v5+s31+$0x0], $0xffff;
	[tilespmem:s25+$0xA0] =	vst v3  }
0x44e: {  	[tilespmem:s12+$0xF0] =	vst v1;
	v1 =	vld [tilespmem:s24+$0x120]  }
0x44f: {  	v49 =	vld [tilespmem:s22+$0xE0]  }
0x450: {  	v54 =	vld [tilespmem:s17+$0x60];
	v7 =	vmul.f32 v50, v7  }
0x451: {  	v8 =	vld [tilespmem:s26+$0x20]  }
0x452: {  	v2 =	vld.idx.msk [tilespmem:v2+s31+$0x0], $0xffff;
	[tilespmem:s25+$0xFFFFFF20] =	vst v7;
	v4 =	vmul.f32 v4, v5  }
0x453: {  	v5 =	vld [tilespmem:s24+$0xFFFFFE20];
	[tilespmem:s28+$0xA0] =	vst v1  }
0x454: {  	[tilespmem:s25+$0xFFFFFFA0] =	vst v4;
	v1 =	vld [tilespmem:s24+$0x1B0]  }
0x455: {  	v4 =	vld [tilespmem:s24+$0xFFFFFF20]  }
0x456: {  	v6 =	vld.idx.msk [tilespmem:v6+s31+$0x0], $0xffff  }
0x457: {  	v51 =	vld.idx.msk [tilespmem:v49+s31+$0x0], $0xffff;
	v2 =	vmul.f32 v8, v2  }
0x458: {  	v52 =	vld [tilespmem:s26+$0xB0];
	[tilespmem:s28+$0xFFFFFF20] =	vst v5  }
0x459: {  	[tilespmem:s25+$0x20] =	vst v2;
	v5 =	vld [tilespmem:s24+$0xFFFFFEB0]  }
0x45a: {  	v2 =	vld [tilespmem:s24+$0x20];
	[tilespmem:s28+$0xFFFFFFA0] =	vst v4  }
0x45b: {  	v4 =	vld [tilespmem:s24+$0xFFFFFFB0]  }
0x45c: {  	v1 =	vld.idx.msk [tilespmem:v1+s31+$0x0], $0xffff  }
0x45d: {  	v7 =	vld.idx.msk [tilespmem:v48+s31+$0x0], $0xffff  }
0x45e: {  	v8 =	vld [tilespmem:s17+$0xFFFFFF60]  }
0x45f: {  	v55 =	vld [tilespmem:s26+$0xFFFFFF30];
	[tilespmem:s28+$0x20] =	vst v2  }
0x460: {  	v2 =	vld [tilespmem:s24+$0xB0]  }
0x461: {  	v5 =	vld.idx.msk [tilespmem:v5+s31+$0x0], $0xffff;
	v1 =	vmul.f32 v52, v1  }
0x462: {  	v56 =	vld [tilespmem:s26+$0xFFFFFFB0]  }
0x463: {  	[tilespmem:s25+$0xB0] =	vst v1;
	v1 =	vld.idx.msk [tilespmem:v4+s31+$0x0], $0xffff  }
0x464: {  	v6 =	vmul.f32 v8, v6;
	v4 =	vmul.f32 v53, v7;
	v7 =	vld [tilespmem:s24+$0x130]  }
0x465: {  	v3 =	vld [tilespmem:s22+$0x170]  }
0x466: {  	[tilespmem:s12+$0xFFFFFF60] =	vst v6;
	v6 =	vld [tilespmem:s26+$0x30];
	v5 =	vmul.f32 v55, v5  }
0x467: {  	[tilespmem:s12+$0xFFFFFFE0] =	vst v4;
	v4 =	vld [tilespmem:s22+$0xFFFFFE60]  }
0x468: {  	v2 =	vld.idx.msk [tilespmem:v2+s31+$0x0], $0xffff;
	[tilespmem:s25+$0xFFFFFF30] =	vst v5;
	v5 =	vmul.f32 v54, v51  }
0x469: {  	v8 =	vld [tilespmem:s22+$0xFFFFFF60];
	v1 =	vmul.f32 v56, v1;
	[tilespmem:s28+$0xB0] =	vst v7  }
0x46a: {  	v57 =	vld [tilespmem:s24+$0xFFFFFE30];
	[tilespmem:s12+$0x60] =	vst v5  }
0x46b: {  	[tilespmem:s25+$0xFFFFFFB0] =	vst v1;
	v1 =	vld [tilespmem:s24+$0x1C0]  }
0x46c: {  	v7 =	vld [tilespmem:s22+$0x60]  }
0x46d: {  	[tilespmem:s23+$0xFFFFFF60] =	vst v4;
	v5 =	vld [tilespmem:s24+$0xFFFFFF30]  }
0x46e: {  	v2 =	vmul.f32 v6, v2;
	v4 =	vld [tilespmem:s22+$0xFFFFFEF0]  }
0x46f: {  	[tilespmem:s23+$0xFFFFFFE0] =	vst v8;
	v62 =	vld [tilespmem:s17+$0xFFFFFF70]  }
0x470: {  	v6 =	vld [tilespmem:s22+$0xFFFFFFF0];
	[tilespmem:s25+$0x30] =	vst v2  }
0x471: {  	[tilespmem:s28+$0xFFFFFF30] =	vst v57;
	v2 =	vld [tilespmem:s24+$0x30]  }
0x472: {  	v8 =	vld [tilespmem:s24+$0xFFFFFEC0];
	[tilespmem:s23+$0x60] =	vst v7  }
0x473: {  	v7 =	vld [tilespmem:s26+$0xC0];
	[tilespmem:s28+$0xFFFFFFB0] =	vst v5  }
0x474: {  	v5 =	vld [tilespmem:s24+$0xFFFFFFC0]  }
0x475: {  	v1 =	vld.idx.msk [tilespmem:v1+s31+$0x0], $0xffff  }
0x476: {  	v63 =	vld [tilespmem:s17+$0xFFFFFFF0]  }
0x477: {  	v59 =	vld [tilespmem:s26+$0xFFFFFF40];
	[tilespmem:s28+$0x30] =	vst v2  }
0x478: {  	v2 =	vld [tilespmem:s24+$0xC0]  }
0x479: {  	v58 =	vld [tilespmem:s22+$0xF0]  }
0x47a: {  	v8 =	vld.idx.msk [tilespmem:v8+s31+$0x0], $0xffff;
	v1 =	vmul.f32 v7, v1  }
0x47b: {  	v60 =	vld [tilespmem:s26+$0xFFFFFFC0]  }
0x47c: {  	v5 =	vld.idx.msk [tilespmem:v5+s31+$0x0], $0xffff;
	[tilespmem:s25+$0xC0] =	vst v1  }
0x47d: {  	v1 =	vld [tilespmem:s24+$0x140]  }
0x47e: {  	v4 =	vld.idx.msk [tilespmem:v4+s31+$0x0], $0xffff  }
0x47f: {  	v7 =	vld [tilespmem:s26+$0x40];
	v8 =	vmul.f32 v59, v8  }
0x480: {  	v2 =	vld.idx.msk [tilespmem:v2+s31+$0x0], $0xffff  }
0x481: {  	v6 =	vld.idx.msk [tilespmem:v6+s31+$0x0], $0xffff;
	[tilespmem:s25+$0xFFFFFF40] =	vst v8;
	v5 =	vmul.f32 v60, v5  }
0x482: {  	v8 =	vld [tilespmem:s24+$0xFFFFFE40];
	[tilespmem:s28+$0xC0] =	vst v1  }
0x483: {  	[tilespmem:s25+$0xFFFFFFC0] =	vst v5;
	v5 =	vld [tilespmem:s24+$0x1D0]  }
0x484: {  	v9 =	vld.idx.msk [tilespmem:v58+s31+$0x0], $0xffff  }
0x485: {  	v2 =	vmul.f32 v7, v2;
	v7 =	vld [tilespmem:s17+$0x70]  }
0x486: {  	[tilespmem:s23+$0xF0] =	vst v3;
	v61 =	vld [tilespmem:s24+$0xFFFFFF40]  }
0x487: {  	v3 =	vmul.f32 v63, v6;
	v6 =	vld [tilespmem:s26+$0xD0];
	[tilespmem:s25+$0x40] =	vst v2  }
0x488: {  	[tilespmem:s28+$0xFFFFFF40] =	vst v8;
	v8 =	vld [tilespmem:s24+$0x40]  }
0x489: {  	v1 =	vld [tilespmem:s24+$0xFFFFFED0]  }
0x48a: {  	v4 =	vmul.f32 v62, v4;
	[tilespmem:s12+$0xFFFFFFF0] =	vst v3;
	v3 =	vld [tilespmem:s26+$0xFFFFFF50]  }
0x48b: {  	[tilespmem:s28+$0xFFFFFFC0] =	vst v61;
	v5 =	vld.idx.msk [tilespmem:v5+s31+$0x0], $0xffff  }
0x48c: {  	[tilespmem:s12+$0xFFFFFF70] =	vst v4;
	v7 =	vmul.f32 v7, v9;
	v2 =	vld [tilespmem:s24+$0xFFFFFFD0]  }
0x48d: {  	s20 =	simm.s32 $0x4;
	s30 =	simm.s32 $0x3300;
	v4 =	vld [tilespmem:s26+$0xFFFFFFD0];
	[tilespmem:s28+$0x40] =	vst v8  }
0x48e: {  	s29 =	simm.s32 $0x4300;
	s17 =	simm.s32 $0xA00;
	[tilespmem:s12+$0x70] =	vst v7;
	s12 =	simm.s32 $0x2300;
	v7 =	vld [tilespmem:s24+$0xD0]  }
.LBB2_9:
0x48f: {  	v8 =	vld [tilespmem:s17+$0x180];
	s20 =	sadd.s32 $0x4, s20  }
0x490: {  	v9 =	vld [tilespmem:s17+$0xFFFFFF80];
	p1 =	slt.u32 s20, $0xC;
	v5 =	vmul.f32 v6, v5  }
0x491: {  	v6 =	vld [tilespmem:s17+$0x80]  }
0x492: {  	v10 =	vld [tilespmem:s17+$0xFFFFFE80];
	[tilespmem:s25+$0xD0] =	vst v5  }
0x493: {  	v5 =	vld [tilespmem:s24+$0x150]  }
0x494: {  	v1 =	vld.idx.msk [tilespmem:v1+s31+$0x0], $0xffff  }
0x495: {  	v2 =	vld.idx.msk [tilespmem:v2+s31+$0x0], $0xffff  }
0x496: {  	v7 =	vld.idx.msk [tilespmem:v7+s31+$0x0], $0xffff  }
0x497: {  	s26 =	sadd.s32 $0x200, s26;
	v8 =	vld.idx.msk [tilespmem:v8+s31+$0x0], $0xffff  }
0x498: {  	v11 =	vld [tilespmem:s26+$0x80];
	[tilespmem:s28+$0xD0] =	vst v5  }
0x499: {  	v5 =	vld [tilespmem:s24+$0x1E0]  }
0x49a: {  	v1 =	vmul.f32 v3, v1;
	v10 =	vld.idx.msk [tilespmem:v10+s31+$0x0], $0xffff  }
0x49b: {  	v2 =	vmul.f32 v4, v2;
	v3 =	vld.idx.msk [tilespmem:v9+s31+$0x0], $0xffff  }
0x49c: {  	v4 =	vld.idx.msk [tilespmem:v6+s31+$0x0], $0xffff;
	[tilespmem:s25+$0xFFFFFF50] =	vst v1  }
0x49d: {  	v1 =	vld [tilespmem:s26+$0xFFFFFF00];
	v6 =	vmul.f32 v11, v8;
	[tilespmem:s25+$0xFFFFFFD0] =	vst v2  }
0x49e: {  	s25 =	sadd.s32 $0x200, s25;
	v2 =	vld [tilespmem:s26+$0xFFFFFF80]  }
0x49f: {  	v8 =	vld [tilespmem:s26+$0x0];
	[tilespmem:s25+$0x80] =	vst v6  }
0x4a0: {  	v6 =	vld [tilespmem:s17+$0x100]  }
0x4a1: {  	v5 =	vld.idx.msk [tilespmem:v5+s31+$0x0], $0xffff  }
0x4a2: {  	v1 =	vmul.f32 v1, v10;
	v9 =	vld [tilespmem:s12+$0xE0]  }
0x4a3: {  	v2 =	vmul.f32 v2, v3;
	v3 =	vld [tilespmem:s12+$0x50]  }
0x4a4: {  	s28 =	sadd.s32 $0x200, s28;
	[tilespmem:s25+$0xFFFFFF00] =	vst v1;
	v1 =	vmul.f32 v8, v4;
	v4 =	vld [tilespmem:s24+$0xFFFFFE50]  }
0x4a5: {  	v8 =	vld [tilespmem:s17+$0xFFFFFE00];
	[tilespmem:s28+$0x80] =	vst v6  }
0x4a6: {  	[tilespmem:s25+$0xFFFFFF80] =	vst v2;
	v2 =	vld [tilespmem:s17+$0x190]  }
0x4a7: {  	v6 =	vld [tilespmem:s17+$0xFFFFFF00];
	[tilespmem:s25+$0x0] =	vst v1;
	v1 =	vmul.f32 v9, v5  }
0x4a8: {  	v5 =	vld [tilespmem:s17+$0x0];
	v3 =	vmul.f32 v3, v7  }
0x4a9: {  	v7 =	vld [tilespmem:s24+$0xFFFFFF50];
	[tilespmem:s30+$0xE0] =	vst v1  }
0x4aa: {  	[tilespmem:s28+$0xFFFFFF00] =	vst v8;
	v1 =	vld [tilespmem:s24+$0x160]  }
0x4ab: {  	v8 =	vld [tilespmem:s17+$0xFFFFFE90];
	[tilespmem:s30+$0x50] =	vst v3  }
0x4ac: {  	v3 =	vld [tilespmem:s26+$0xFFFFFF10];
	[tilespmem:s28+$0xFFFFFF80] =	vst v6  }
0x4ad: {  	v6 =	vld [tilespmem:s17+$0xFFFFFF90];
	[tilespmem:s28+$0x0] =	vst v5  }
0x4ae: {  	v2 =	vld.idx.msk [tilespmem:v2+s31+$0x0], $0xffff;
	[tilespmem:s29+$0xFFFFFF50] =	vst v4  }
0x4af: {  	v4 =	vld [tilespmem:s26+$0x90];
	[tilespmem:s29+$0xE0] =	vst v1  }
0x4b0: {  	[tilespmem:s29+$0xFFFFFFD0] =	vst v7;
	v1 =	vld [tilespmem:s24+$0x1F0]  }
0x4b1: {  	v5 =	vld [tilespmem:s17+$0x90]  }
0x4b2: {  	v7 =	vld [tilespmem:s26+$0xFFFFFF90]  }
0x4b3: {  	v8 =	vld.idx.msk [tilespmem:v8+s31+$0x0], $0xffff  }
0x4b4: {  	v9 =	vld [tilespmem:s26+$0x10];
	v2 =	vmul.f32 v4, v2  }
0x4b5: {  	v4 =	vld.idx.msk [tilespmem:v6+s31+$0x0], $0xffff  }
0x4b6: {  	[tilespmem:s25+$0x90] =	vst v2;
	v2 =	vld [tilespmem:s24+$0x50]  }
0x4b7: {  	v6 =	vld [tilespmem:s17+$0x110]  }
0x4b8: {  	v1 =	vld.idx.msk [tilespmem:v1+s31+$0x0], $0xffff  }
0x4b9: {  	v3 =	vmul.f32 v3, v8;
	v8 =	vld [tilespmem:s12+$0xF0]  }
0x4ba: {  	v5 =	vld.idx.msk [tilespmem:v5+s31+$0x0], $0xffff  }
0x4bb: {  	[tilespmem:s25+$0xFFFFFF10] =	vst v3;
	v3 =	vmul.f32 v7, v4;
	v4 =	vld [tilespmem:s24+$0xFFFFFEE0]  }
0x4bc: {  	v7 =	vld [tilespmem:s17+$0xFFFFFE10];
	[tilespmem:s28+$0x90] =	vst v6  }
0x4bd: {  	[tilespmem:s25+$0xFFFFFF90] =	vst v3;
	v3 =	vld [tilespmem:s17+$0x1A0]  }
0x4be: {  	v6 =	vld [tilespmem:s17+$0xFFFFFF10];
	[tilespmem:s29+$0x50] =	vst v2;
	v1 =	vmul.f32 v8, v1  }
0x4bf: {  	v2 =	vld [tilespmem:s24+$0xFFFFFFE0]  }
0x4c0: {  	v5 =	vmul.f32 v9, v5;
	v8 =	vld [tilespmem:s24+$0xE0];
	[tilespmem:s30+$0xF0] =	vst v1  }
0x4c1: {  	[tilespmem:s28+$0xFFFFFF10] =	vst v7;
	v1 =	vld [tilespmem:s24+$0x170]  }
0x4c2: {  	v7 =	vld [tilespmem:s17+$0xFFFFFEA0];
	[tilespmem:s25+$0x10] =	vst v5  }
0x4c3: {  	[tilespmem:s28+$0xFFFFFF90] =	vst v6;
	v5 =	vld [tilespmem:s17+$0x10]  }
0x4c4: {  	v6 =	vld [tilespmem:s17+$0xFFFFFFA0]  }
0x4c5: {  	v3 =	vld.idx.msk [tilespmem:v3+s31+$0x0], $0xffff  }
0x4c6: {  	v9 =	vld [tilespmem:s26+$0xA0];
	[tilespmem:s29+$0xF0] =	vst v1  }
0x4c7: {  	v1 =	vld [tilespmem:s26+$0xFFFFFF20]  }
0x4c8: {  	v10 =	vld [tilespmem:s26+$0xFFFFFFA0];
	[tilespmem:s28+$0x10] =	vst v5  }
0x4c9: {  	v5 =	vld [tilespmem:s17+$0xA0]  }
0x4ca: {  	v7 =	vld.idx.msk [tilespmem:v7+s31+$0x0], $0xffff  }
0x4cb: {  	v11 =	vld [tilespmem:s26+$0x20];
	v3 =	vmul.f32 v9, v3  }
0x4cc: {  	v6 =	vld.idx.msk [tilespmem:v6+s31+$0x0], $0xffff  }
0x4cd: {  	[tilespmem:s25+$0xA0] =	vst v3;
	v3 =	vld.idx.msk [tilespmem:v4+s31+$0x0], $0xffff  }
0x4ce: {  	v4 =	vld [tilespmem:s17+$0x120]  }
0x4cf: {  	v2 =	vld.idx.msk [tilespmem:v2+s31+$0x0], $0xffff  }
0x4d0: {  	v1 =	vmul.f32 v1, v7;
	v7 =	vld.idx.msk [tilespmem:v8+s31+$0x0], $0xffff  }
0x4d1: {  	v5 =	vld.idx.msk [tilespmem:v5+s31+$0x0], $0xffff  }
0x4d2: {  	[tilespmem:s25+$0xFFFFFF20] =	vst v1;
	v1 =	vmul.f32 v10, v6;
	v6 =	vld [tilespmem:s12+$0xFFFFFF60]  }
0x4d3: {  	v8 =	vld [tilespmem:s17+$0xFFFFFE20];
	[tilespmem:s28+$0xA0] =	vst v4  }
0x4d4: {  	[tilespmem:s25+$0xFFFFFFA0] =	vst v1;
	v1 =	vld [tilespmem:s17+$0x1B0]  }
0x4d5: {  	v4 =	vld [tilespmem:s17+$0xFFFFFF20]  }
0x4d6: {  	v9 =	vld [tilespmem:s12+$0xFFFFFFE0]  }
0x4d7: {  	v5 =	vmul.f32 v11, v5;
	v3 =	vmul.f32 v6, v3;
	v6 =	vld [tilespmem:s12+$0x60]  }
0x4d8: {  	[tilespmem:s28+$0xFFFFFF20] =	vst v8;
	v8 =	vld [tilespmem:s22+$0xFFFFFE70]  }
0x4d9: {  	v10 =	vld [tilespmem:s17+$0xFFFFFEB0];
	[tilespmem:s25+$0x20] =	vst v5  }
0x4da: {  	[tilespmem:s28+$0xFFFFFFA0] =	vst v4;
	v4 =	vld [tilespmem:s17+$0x20]  }
0x4db: {  	v5 =	vld [tilespmem:s17+$0xFFFFFFB0];
	[tilespmem:s30+$0xFFFFFF60] =	vst v3;
	v2 =	vmul.f32 v9, v2  }
0x4dc: {  	v1 =	vld.idx.msk [tilespmem:v1+s31+$0x0], $0xffff;
	v3 =	vmul.f32 v6, v7  }
0x4dd: {  	v6 =	vld [tilespmem:s26+$0xB0];
	[tilespmem:s30+$0xFFFFFFE0] =	vst v2  }
0x4de: {  	v2 =	vld [tilespmem:s26+$0xFFFFFF30];
	[tilespmem:s30+$0x60] =	vst v3  }
0x4df: {  	v3 =	vld [tilespmem:s26+$0xFFFFFFB0];
	[tilespmem:s28+$0x20] =	vst v4  }
0x4e0: {  	v4 =	vld [tilespmem:s17+$0xB0];
	[tilespmem:s23+$0xFFFFFF70] =	vst v8  }
0x4e1: {  	v7 =	vld.idx.msk [tilespmem:v10+s31+$0x0], $0xffff  }
0x4e2: {  	v8 =	vld [tilespmem:s26+$0x30];
	v1 =	vmul.f32 v6, v1  }
0x4e3: {  	v5 =	vld.idx.msk [tilespmem:v5+s31+$0x0], $0xffff  }
0x4e4: {  	[tilespmem:s25+$0xB0] =	vst v1;
	v1 =	vld [tilespmem:s24+$0xFFFFFE60]  }
0x4e5: {  	v6 =	vld [tilespmem:s17+$0x130]  }
0x4e6: {  	v9 =	vld [tilespmem:s24+$0xFFFFFF60]  }
0x4e7: {  	v2 =	vmul.f32 v2, v7;
	v7 =	vld [tilespmem:s24+$0x60]  }
0x4e8: {  	v4 =	vld.idx.msk [tilespmem:v4+s31+$0x0], $0xffff  }
0x4e9: {  	[tilespmem:s25+$0xFFFFFF30] =	vst v2;
	v2 =	vmul.f32 v3, v5;
	v3 =	vld [tilespmem:s22+$0xFFFFFF70]  }
0x4ea: {  	v5 =	vld [tilespmem:s17+$0xFFFFFE30];
	[tilespmem:s28+$0xB0] =	vst v6  }
0x4eb: {  	[tilespmem:s25+$0xFFFFFFB0] =	vst v2;
	v2 =	vld [tilespmem:s17+$0x1C0]  }
0x4ec: {  	v6 =	vld [tilespmem:s17+$0xFFFFFF30];
	[tilespmem:s29+$0xFFFFFF60] =	vst v1  }
0x4ed: {  	v1 =	vld [tilespmem:s24+$0xFFFFFEF0];
	[tilespmem:s29+$0xFFFFFFE0] =	vst v9  }
0x4ee: {  	v4 =	vmul.f32 v8, v4;
	v8 =	vld [tilespmem:s24+$0xFFFFFFF0];
	[tilespmem:s29+$0x60] =	vst v7  }
0x4ef: {  	[tilespmem:s28+$0xFFFFFF30] =	vst v5;
	v5 =	vld [tilespmem:s24+$0xF0]  }
0x4f0: {  	v7 =	vld [tilespmem:s17+$0xFFFFFEC0];
	[tilespmem:s25+$0x30] =	vst v4  }
0x4f1: {  	[tilespmem:s28+$0xFFFFFFB0] =	vst v6;
	v4 =	vld [tilespmem:s17+$0x30]  }
0x4f2: {  	v6 =	vld [tilespmem:s17+$0xFFFFFFC0];
	[tilespmem:s23+$0xFFFFFFF0] =	vst v3  }
0x4f3: {  	v2 =	vld.idx.msk [tilespmem:v2+s31+$0x0], $0xffff  }
0x4f4: {  	v3 =	vld [tilespmem:s26+$0xC0]  }
0x4f5: {  	v9 =	vld [tilespmem:s26+$0xFFFFFF40]  }
0x4f6: {  	v10 =	vld [tilespmem:s26+$0xFFFFFFC0];
	[tilespmem:s28+$0x30] =	vst v4  }
0x4f7: {  	v4 =	vld [tilespmem:s17+$0xC0]  }
0x4f8: {  	v7 =	vld.idx.msk [tilespmem:v7+s31+$0x0], $0xffff  }
0x4f9: {  	v11 =	vld [tilespmem:s26+$0x40];
	v2 =	vmul.f32 v3, v2  }
0x4fa: {  	v3 =	vld.idx.msk [tilespmem:v6+s31+$0x0], $0xffff  }
0x4fb: {  	[tilespmem:s25+$0xC0] =	vst v2;
	v1 =	vld.idx.msk [tilespmem:v1+s31+$0x0], $0xffff  }
0x4fc: {  	v2 =	vld [tilespmem:s17+$0x140]  }
0x4fd: {  	v6 =	vld.idx.msk [tilespmem:v8+s31+$0x0], $0xffff  }
0x4fe: {  	v7 =	vmul.f32 v9, v7;
	v8 =	vld.idx.msk [tilespmem:v5+s31+$0x0], $0xffff  }
0x4ff: {  	v4 =	vld.idx.msk [tilespmem:v4+s31+$0x0], $0xffff  }
0x500: {  	v3 =	vmul.f32 v10, v3;
	[tilespmem:s25+$0xFFFFFF40] =	vst v7;
	v5 =	vld [tilespmem:s12+$0xFFFFFF70]  }
0x501: {  	v7 =	vld [tilespmem:s17+$0xFFFFFE40];
	[tilespmem:s28+$0xC0] =	vst v2  }
0x502: {  	[tilespmem:s25+$0xFFFFFFC0] =	vst v3;
	v3 =	vld [tilespmem:s17+$0x1D0]  }
0x503: {  	v2 =	vld [tilespmem:s17+$0xFFFFFF40]  }
0x504: {  	v9 =	vld [tilespmem:s12+$0xFFFFFFF0]  }
0x505: {  	v4 =	vmul.f32 v11, v4;
	v5 =	vmul.f32 v5, v1;
	v10 =	vld [tilespmem:s12+$0x70];
	s12 =	smov.u32 s26  }
0x506: {  	[tilespmem:s28+$0xFFFFFF40] =	vst v7;
	v11 =	vld [tilespmem:s22+$0x70];
	s22 =	smov.u32 s24;
	s24 =	smov.u32 s17  }
0x507: {  	v1 =	vld [tilespmem:s17+$0xFFFFFED0];
	[tilespmem:s25+$0x40] =	vst v4  }
0x508: {  	[tilespmem:s28+$0xFFFFFFC0] =	vst v2;
	v7 =	vld [tilespmem:s17+$0x40]  }
0x509: {  	v2 =	vld [tilespmem:s17+$0xFFFFFFD0];
	[tilespmem:s30+$0xFFFFFF70] =	vst v5;
	v4 =	vmul.f32 v9, v6  }
.Ltmp3:
0x50a: {  	v5 =	vld.idx.msk [tilespmem:v3+s31+$0x0], $0xffff;
	v8 =	vmul.f32 v10, v8;
	(pc) =	sbr.rel @p1 .LBB2_9-.Ltmp3, $4  }
0x50b: {  	v6 =	vld [tilespmem:s26+$0xD0];
	[tilespmem:s30+$0xFFFFFFF0] =	vst v4  }
0x50c: {  	v3 =	vld [tilespmem:s26+$0xFFFFFF50];
	[tilespmem:s30+$0x70] =	vst v8;
	s30 =	smov.u32 s25  }
0x50d: {  	v4 =	vld [tilespmem:s26+$0xFFFFFFD0];
	[tilespmem:s28+$0x40] =	vst v7  }
0x50e: {  	s17 =	sadd.s32 $0x400, s17;
	v7 =	vld [tilespmem:s24+$0xD0];
	[tilespmem:s23+$0x70] =	vst v11;
	s23 =	smov.u32 s29;
	s29 =	smov.u32 s28  }
0x50f: {  	_ =	sdelay $0x3  }
0x510: {  	v5 =	vmul.f32 v6, v5  }
0x511: {  	v1 =	vld.idx.msk [tilespmem:v1+s31+$0x0], $0xffff  }
0x512: {  	v2 =	vld.idx.msk [tilespmem:v2+s31+$0x0], $0xffff;
	[tilespmem:s25+$0xD0] =	vst v5  }
0x513: {  	v5 =	vld [tilespmem:s24+$0x150]  }
0x514: {  	v6 =	vld.idx.msk [tilespmem:v7+s31+$0x0], $0xffff  }
0x515: {  	v7 =	vld [tilespmem:s12+$0x50]  }
0x516: {  	v1 =	vmul.f32 v3, v1  }
0x517: {  	v2 =	vmul.f32 v4, v2  }
0x518: {  	[tilespmem:s25+$0xFFFFFF50] =	vst v1  }
0x519: {  	[tilespmem:s25+$0xFFFFFFD0] =	vst v2  }
0x51a: {  	v2 =	vld [tilespmem:s24+$0xFFFFFE50];
	[tilespmem:s28+$0xD0] =	vst v5;
	v1 =	vmul.f32 v7, v6  }
0x51b: {  	v5 =	vld [tilespmem:s24+$0x1E0]  }
0x51c: {  	v3 =	vld [tilespmem:s24+$0xFFFFFF50];
	[tilespmem:s30+$0x50] =	vst v1  }
0x51d: {  	v1 =	vld [tilespmem:s24+$0x50];
	_ =	sdelay $0x2  }
0x51e: {  	[tilespmem:s29+$0xFFFFFF50] =	vst v2  }
0x51f: {  	[tilespmem:s29+$0xFFFFFFD0] =	vst v3;
	v2 =	vld [tilespmem:s24+$0xFFFFFEE0]  }
0x520: {  	[tilespmem:s29+$0x50] =	vst v1;
	v1 =	vld [tilespmem:s24+$0xFFFFFFE0]  }
0x521: {  	v4 =	vld.idx.msk [tilespmem:v5+s31+$0x0], $0xffff  }
0x522: {  	v5 =	vld [tilespmem:s12+$0xE0]  }
0x523: {  	v3 =	vld [tilespmem:s24+$0xE0];
	_ =	sdelay $0x1  }
0x524: {  	v6 =	vld [tilespmem:s12+$0xFFFFFFE0]  }
0x525: {  	v7 =	vld [tilespmem:s12+$0x60]  }
0x526: {  	v2 =	vld.idx.msk [tilespmem:v2+s31+$0x0], $0xffff;
	v4 =	vmul.f32 v5, v4  }
0x527: {  	v5 =	vld [tilespmem:s12+$0xFFFFFF60]  }
0x528: {  	[tilespmem:s30+$0xE0] =	vst v4;
	v1 =	vld.idx.msk [tilespmem:v1+s31+$0x0], $0xffff  }
0x529: {  	v4 =	vld [tilespmem:s24+$0x160]  }
0x52a: {  	v3 =	vld.idx.msk [tilespmem:v3+s31+$0x0], $0xffff;
	_ =	sdelay $0x2  }
0x52b: {  	v2 =	vmul.f32 v5, v2  }
0x52c: {  	v1 =	vmul.f32 v6, v1;
	[tilespmem:s29+$0xE0] =	vst v4  }
0x52d: {  	[tilespmem:s30+$0xFFFFFF60] =	vst v2;
	v2 =	vmul.f32 v7, v3;
	v4 =	vld [tilespmem:s24+$0x1F0]  }
0x52e: {  	[tilespmem:s30+$0xFFFFFFE0] =	vst v1;
	v1 =	vld [tilespmem:s24+$0xFFFFFE60]  }
0x52f: {  	[tilespmem:s30+$0x60] =	vst v2;
	v2 =	vld [tilespmem:s24+$0xFFFFFF60];
	_ =	sdelay $0x1  }
0x530: {  	v3 =	vld [tilespmem:s24+$0x60];
	_ =	sdelay $0x1  }
0x531: {  	v5 =	vld [tilespmem:s12+$0xF0];
	[tilespmem:s29+$0xFFFFFF60] =	vst v1  }
0x532: {  	v1 =	vld [tilespmem:s24+$0xFFFFFEF0];
	[tilespmem:s29+$0xFFFFFFE0] =	vst v2  }
0x533: {  	v2 =	vld [tilespmem:s24+$0xFFFFFFF0]  }
0x534: {  	[tilespmem:s29+$0x60] =	vst v3;
	v4 =	vld.idx.msk [tilespmem:v4+s31+$0x0], $0xffff  }
0x535: {  	v3 =	vld [tilespmem:s24+$0xF0];
	_ =	sdelay $0x1  }
0x536: {  	v6 =	vld [tilespmem:s12+$0xFFFFFFF0]  }
0x537: {  	v7 =	vld [tilespmem:s12+$0x70]  }
0x538: {  	v4 =	vmul.f32 v5, v4;
	v5 =	vld [tilespmem:s12+$0xFFFFFF70]  }
0x539: {  	v1 =	vld.idx.msk [tilespmem:v1+s31+$0x0], $0xffff  }
0x53a: {  	[tilespmem:s30+$0xF0] =	vst v4;
	v2 =	vld.idx.msk [tilespmem:v2+s31+$0x0], $0xffff  }
0x53b: {  	v4 =	vld [tilespmem:s24+$0x170]  }
0x53c: {  	v3 =	vld.idx.msk [tilespmem:v3+s31+$0x0], $0xffff;
	_ =	sdelay $0x2  }
0x53d: {  	v8 =	vld [tilespmem:s22+$0xFFFFFE70];
	v1 =	vmul.f32 v5, v1  }
0x53e: {  	v5 =	vld [tilespmem:s22+$0x70];
	v2 =	vmul.f32 v6, v2;
	[tilespmem:s29+$0xF0] =	vst v4  }
0x53f: {  	v4 =	vld [tilespmem:s22+$0xFFFFFF70];
	[tilespmem:s30+$0xFFFFFF70] =	vst v1;
	v1 =	vmul.f32 v7, v3  }
0x540: {  	[tilespmem:s30+$0xFFFFFFF0] =	vst v2;
	v2 =	vld [tilespmem:s24+$0xFFFFFE70]  }
0x541: {  	[tilespmem:s30+$0x70] =	vst v1;
	v1 =	vld [tilespmem:s24+$0xFFFFFF70]  }
0x542: {  	[tilespmem:s23+$0xFFFFFF70] =	vst v8;
	v3 =	vld [tilespmem:s24+$0x70]  }
0x543: {  	s22 =	sshll.u32 s21, $0x1;
	[tilespmem:s23+$0x70] =	vst v5  }
0x544: {  	s17 =	smin.u32 s22, $0x2D;
	[tilespmem:s23+$0xFFFFFFF0] =	vst v4  }
0x545: {  	s12 =	sshll.u32 s17, $0x10;
	[tilespmem:s29+$0xFFFFFF70] =	vst v2  }
0x546: {  	s12 =	sadd.s32 s9, s12;
	[tilespmem:s29+$0xFFFFFFF0] =	vst v1  }
0x547: {  	s17 =	sshrl.u32 s12, $0x2;
	[tilespmem:s29+$0x70] =	vst v3  }
0x548: {  	[spmem:s5] =	stream.indirect.scatter.add.f32 [tilespmem:s7], [sflag:$0x3], $0x1, s15, s13, $0xb8;
	[tilespmem:$0x1EF70] =	vst v63  }
0x549: {  	s12 =	sshrl.u32 s12, $0x3;
	s17 =	sadd.s32 s2, s17  }
0x54a: {  	[tilespmem:s6], [sflag:$0x1] =	stream.linear.gather [hbm4b:s17+s6], $0x1000, $0x38;
	[tilespmem:$0x1EF70] =	vst v63  }
0x54b: {  	s12 =	sadd.s32 s4, s12  }
0x54c: {  	[tilespmem:s3], [sflag:$0x1] =	stream.linear.gather [hbm4b:s12+s6], $0x800, $0x38;
	[tilespmem:$0x1EF70] =	vst v63  }
0x54d: {  	_ =	swait.ge [sflag:s16], $0x1000  }
0x54e: {  	[sflag:s16] =	ssyncset.done $0x0  }
0x54f: {  	[sflag:s16] =	ssyncadd.s32 $0xFFFFF000  }
0x550: {  	_ =	swait.ge [sflag:s16], $0x800  }
0x551: {  	[sflag:s16] =	ssyncset.done $0x0  }
0x552: {  	[sflag:s16] =	ssyncadd.s32 $0xFFFFF800  }
0x553: {  	_ =	swait.ge [sflag:s19], $0x800  }
0x554: {  	[sflag:s19] =	ssyncset.done $0x0  }
0x555: {  	s23 =	simm.s32 $0x1200;
	[sflag:s19] =	ssyncadd.s32 $0xFFFFF800  }
0x556: {  	v1 =	vld [tilespmem:s23+$0x180];
	_ =	sdelay $0x3  }
0x557: {  	s18 =	simm.s32 $0x2900;
	v2 =	vld [tilespmem:s23+$0xFFFFFE80]  }
0x558: {  	v3 =	vld [tilespmem:s18+$0x80]  }
0x559: {  	v4 =	vld [tilespmem:s23+$0xFFFFFF80]  }
0x55a: {  	v5 =	vld [tilespmem:s23+$0x80]  }
0x55b: {  	v1 =	vld.idx.msk [tilespmem:v1+s31+$0x0], $0xffff;
	_ =	sdelay $0x2  }
0x55c: {  	v6 =	vld [tilespmem:s18+$0xFFFFFF00]  }
0x55d: {  	v2 =	vld.idx.msk [tilespmem:v2+s31+$0x0], $0xffff  }
0x55e: {  	v1 =	vmul.f32 v3, v1  }
0x55f: {  	s20 =	simm.s32 $0x3900;
	v3 =	vld.idx.msk [tilespmem:v4+s31+$0x0], $0xffff  }
0x560: {  	v4 =	vld.idx.msk [tilespmem:v5+s31+$0x0], $0xffff;
	[tilespmem:s20+$0x80] =	vst v1  }
0x561: {  	v1 =	vld [tilespmem:s23+$0x100]  }
0x562: {  	v2 =	vmul.f32 v6, v2;
	v5 =	vld [tilespmem:s18+$0xFFFFFF80];
	_ =	sdelay $0x1  }
0x563: {  	v6 =	vld [tilespmem:s18+$0x0];
	[tilespmem:s20+$0xFFFFFF00] =	vst v2  }
0x564: {  	s24 =	simm.s32 $0x4900;
	v2 =	vld [tilespmem:s23+$0xFFFFFE00]  }
0x565: {  	[tilespmem:s24+$0x80] =	vst v1  }
0x566: {  	v3 =	vmul.f32 v5, v3;
	v1 =	vld [tilespmem:s23+$0x190];
	_ =	sdelay $0x1  }
0x567: {  	v4 =	vmul.f32 v6, v4;
	[tilespmem:s20+$0xFFFFFF80] =	vst v3  }
0x568: {  	v3 =	vld [tilespmem:s23+$0xFFFFFF00];
	[tilespmem:s24+$0xFFFFFF00] =	vst v2  }
0x569: {  	[tilespmem:s20+$0x0] =	vst v4;
	v2 =	vld [tilespmem:s23+$0xFFFFFE90]  }
0x56a: {  	v4 =	vld [tilespmem:s23+$0x0];
	_ =	sdelay $0x1  }
0x56b: {  	v5 =	vld [tilespmem:s18+$0x90]  }
0x56c: {  	[tilespmem:s24+$0xFFFFFF80] =	vst v3;
	v1 =	vld.idx.msk [tilespmem:v1+s31+$0x0], $0xffff  }
0x56d: {  	v3 =	vld [tilespmem:s23+$0xFFFFFF90]  }
0x56e: {  	v6 =	vld [tilespmem:s18+$0xFFFFFF10];
	[tilespmem:s24+$0x0] =	vst v4  }
0x56f: {  	v4 =	vld [tilespmem:s23+$0x90]  }
0x570: {  	v2 =	vld.idx.msk [tilespmem:v2+s31+$0x0], $0xffff  }
0x571: {  	v1 =	vmul.f32 v5, v1;
	_ =	sdelay $0x1  }
0x572: {  	v5 =	vld [tilespmem:s18+$0xFFFFFF90];
	[tilespmem:s20+$0x90] =	vst v1  }
0x573: {  	v1 =	vld [tilespmem:s23+$0x110]  }
0x574: {  	v2 =	vmul.f32 v6, v2;
	v3 =	vld.idx.msk [tilespmem:v3+s31+$0x0], $0xffff  }
0x575: {  	v7 =	vld [tilespmem:s18+$0x10]  }
0x576: {  	v4 =	vld.idx.msk [tilespmem:v4+s31+$0x0], $0xffff;
	[tilespmem:s20+$0xFFFFFF10] =	vst v2  }
0x577: {  	v2 =	vld [tilespmem:s23+$0xFFFFFE10]  }
0x578: {  	[tilespmem:s24+$0x90] =	vst v1  }
0x579: {  	v3 =	vmul.f32 v5, v3;
	v1 =	vld [tilespmem:s23+$0x1A0];
	_ =	sdelay $0x1  }
0x57a: {  	[tilespmem:s20+$0xFFFFFF90] =	vst v3;
	v3 =	vmul.f32 v7, v4  }
0x57b: {  	[tilespmem:s24+$0xFFFFFF10] =	vst v2  }
0x57c: {  	v2 =	vld [tilespmem:s23+$0xFFFFFEA0];
	[tilespmem:s20+$0x10] =	vst v3  }
0x57d: {  	v3 =	vld [tilespmem:s23+$0x10];
	_ =	sdelay $0x1  }
0x57e: {  	v5 =	vld [tilespmem:s18+$0xA0]  }
0x57f: {  	v1 =	vld.idx.msk [tilespmem:v1+s31+$0x0], $0xffff  }
0x580: {  	v4 =	vld [tilespmem:s23+$0xFFFFFF10]  }
0x581: {  	v6 =	vld [tilespmem:s18+$0xFFFFFF20];
	[tilespmem:s24+$0x10] =	vst v3  }
0x582: {  	v3 =	vld [tilespmem:s23+$0xA0]  }
0x583: {  	v2 =	vld.idx.msk [tilespmem:v2+s31+$0x0], $0xffff  }
0x584: {  	v1 =	vmul.f32 v5, v1  }
0x585: {  	[tilespmem:s24+$0xFFFFFF90] =	vst v4  }
0x586: {  	v4 =	vld [tilespmem:s23+$0xFFFFFFA0];
	[tilespmem:s20+$0xA0] =	vst v1  }
0x587: {  	v1 =	vld [tilespmem:s23+$0x120]  }
0x588: {  	v2 =	vmul.f32 v6, v2  }
0x589: {  	v7 =	vld [tilespmem:s18+$0x20]  }
0x58a: {  	v3 =	vld.idx.msk [tilespmem:v3+s31+$0x0], $0xffff;
	[tilespmem:s20+$0xFFFFFF20] =	vst v2  }
0x58b: {  	v2 =	vld [tilespmem:s23+$0xFFFFFE20]  }
0x58c: {  	v5 =	vld [tilespmem:s18+$0xFFFFFFA0];
	[tilespmem:s24+$0xA0] =	vst v1  }
0x58d: {  	v1 =	vld [tilespmem:s23+$0x1B0]  }
0x58e: {  	v4 =	vld.idx.msk [tilespmem:v4+s31+$0x0], $0xffff  }
0x58f: {  	v3 =	vmul.f32 v7, v3  }
0x590: {  	[tilespmem:s24+$0xFFFFFF20] =	vst v2  }
0x591: {  	v2 =	vld [tilespmem:s23+$0xFFFFFEB0];
	[tilespmem:s20+$0x20] =	vst v3  }
0x592: {  	v3 =	vld [tilespmem:s23+$0x20]  }
0x593: {  	v4 =	vmul.f32 v5, v4  }
0x594: {  	v5 =	vld [tilespmem:s18+$0xB0]  }
0x595: {  	[tilespmem:s20+$0xFFFFFFA0] =	vst v4;
	v1 =	vld.idx.msk [tilespmem:v1+s31+$0x0], $0xffff  }
0x596: {  	v4 =	vld [tilespmem:s23+$0xFFFFFF20]  }
0x597: {  	v6 =	vld [tilespmem:s18+$0xFFFFFF30];
	[tilespmem:s24+$0x20] =	vst v3  }
0x598: {  	v3 =	vld [tilespmem:s23+$0xB0]  }
0x599: {  	v2 =	vld.idx.msk [tilespmem:v2+s31+$0x0], $0xffff  }
0x59a: {  	v1 =	vmul.f32 v5, v1  }
0x59b: {  	[tilespmem:s24+$0xFFFFFFA0] =	vst v4  }
0x59c: {  	v4 =	vld [tilespmem:s23+$0xFFFFFFB0];
	[tilespmem:s20+$0xB0] =	vst v1  }
0x59d: {  	s25 =	simm.s32 $0x1600;
	v1 =	vld [tilespmem:s23+$0x130]  }
0x59e: {  	v9 =	vld [tilespmem:s25+$0xFFFFFE80];
	v2 =	vmul.f32 v6, v2  }
0x59f: {  	v7 =	vld [tilespmem:s18+$0x30]  }
0x5a0: {  	v3 =	vld.idx.msk [tilespmem:v3+s31+$0x0], $0xffff;
	[tilespmem:s20+$0xFFFFFF30] =	vst v2  }
0x5a1: {  	v2 =	vld [tilespmem:s23+$0xFFFFFE30]  }
0x5a2: {  	v5 =	vld [tilespmem:s18+$0xFFFFFFB0];
	[tilespmem:s24+$0xB0] =	vst v1  }
0x5a3: {  	v1 =	vld [tilespmem:s23+$0x1C0]  }
0x5a4: {  	v4 =	vld.idx.msk [tilespmem:v4+s31+$0x0], $0xffff  }
0x5a5: {  	s28 =	simm.s32 $0x2B00;
	v3 =	vmul.f32 v7, v3  }
0x5a6: {  	v12 =	vld [tilespmem:s28+$0xFFFFFF00];
	[tilespmem:s24+$0xFFFFFF30] =	vst v2  }
0x5a7: {  	v2 =	vld [tilespmem:s23+$0xFFFFFEC0];
	[tilespmem:s20+$0x30] =	vst v3  }
0x5a8: {  	v3 =	vld [tilespmem:s23+$0x30]  }
0x5a9: {  	v9 =	vld.idx.msk [tilespmem:v9+s31+$0x0], $0xffff;
	v4 =	vmul.f32 v5, v4  }
0x5aa: {  	v5 =	vld [tilespmem:s18+$0xC0]  }
0x5ab: {  	[tilespmem:s20+$0xFFFFFFB0] =	vst v4;
	v1 =	vld.idx.msk [tilespmem:v1+s31+$0x0], $0xffff  }
0x5ac: {  	v4 =	vld [tilespmem:s23+$0xFFFFFF30]  }
0x5ad: {  	v6 =	vld [tilespmem:s18+$0xFFFFFF40];
	[tilespmem:s24+$0x30] =	vst v3  }
0x5ae: {  	v3 =	vld [tilespmem:s23+$0xC0]  }
0x5af: {  	v9 =	vmul.f32 v12, v9;
	v2 =	vld.idx.msk [tilespmem:v2+s31+$0x0], $0xffff  }
0x5b0: {  	s26 =	simm.s32 $0x3B00;
	v1 =	vmul.f32 v5, v1  }
0x5b1: {  	[tilespmem:s26+$0xFFFFFF00] =	vst v9  }
0x5b2: {  	v9 =	vld [tilespmem:s25+$0xFFFFFE00];
	[tilespmem:s20+$0xC0] =	vst v1  }
0x5b3: {  	[tilespmem:s24+$0xFFFFFFB0] =	vst v4;
	v1 =	vld [tilespmem:s23+$0x140]  }
0x5b4: {  	v4 =	vld [tilespmem:s23+$0xFFFFFFC0];
	v2 =	vmul.f32 v6, v2  }
0x5b5: {  	v6 =	vld [tilespmem:s18+$0x40]  }
0x5b6: {  	[tilespmem:s20+$0xFFFFFF40] =	vst v2;
	v3 =	vld.idx.msk [tilespmem:v3+s31+$0x0], $0xffff  }
0x5b7: {  	v2 =	vld [tilespmem:s23+$0xFFFFFE40]  }
0x5b8: {  	v10 =	vld [tilespmem:s25+$0x80];
	[tilespmem:s24+$0xC0] =	vst v1  }
0x5b9: {  	v1 =	vld [tilespmem:s23+$0x1D0]  }
0x5ba: {  	s29 =	simm.s32 $0x4B00;
	v11 =	vld [tilespmem:s28+$0x80]  }
0x5bb: {  	v41 =	vld [tilespmem:s28+$0xFFFFFF80];
	[tilespmem:s29+$0xFFFFFF00] =	vst v9  }
0x5bc: {  	[tilespmem:s24+$0xFFFFFF40] =	vst v2;
	v2 =	vmul.f32 v6, v3;
	v6 =	vld [tilespmem:s25+$0x180]  }
0x5bd: {  	v9 =	vld [tilespmem:s25+$0xFFFFFE90]  }
0x5be: {  	v5 =	vld [tilespmem:s18+$0xFFFFFFC0]  }
0x5bf: {  	v4 =	vld.idx.msk [tilespmem:v4+s31+$0x0], $0xffff  }
0x5c0: {  	[tilespmem:s20+$0x40] =	vst v2;
	v2 =	vld [tilespmem:s18+$0xD0]  }
0x5c1: {  	v1 =	vld.idx.msk [tilespmem:v1+s31+$0x0], $0xffff  }
0x5c2: {  	v13 =	vld [tilespmem:s28+$0x0]  }
0x5c3: {  	v10 =	vld.idx.msk [tilespmem:v10+s31+$0x0], $0xffff  }
0x5c4: {  	v6 =	vld.idx.msk [tilespmem:v6+s31+$0x0], $0xffff  }
0x5c5: {  	v46 =	vld [tilespmem:s28+$0xFFFFFF10];
	v4 =	vmul.f32 v5, v4  }
0x5c6: {  	v1 =	vmul.f32 v2, v1;
	v2 =	vld [tilespmem:s25+$0xFFFFFF80]  }
0x5c7: {  	v9 =	vld.idx.msk [tilespmem:v9+s31+$0x0], $0xffff;
	[tilespmem:s20+$0xFFFFFFC0] =	vst v4  }
0x5c8: {  	v4 =	vld [tilespmem:s23+$0xFFFFFF40];
	[tilespmem:s20+$0xD0] =	vst v1  }
0x5c9: {  	v6 =	vmul.f32 v11, v6;
	v1 =	vld [tilespmem:s23+$0x150]  }
0x5ca: {  	v3 =	vld [tilespmem:s23+$0xFFFFFED0]  }
0x5cb: {  	v7 =	vld [tilespmem:s18+$0xFFFFFF50];
	[tilespmem:s26+$0x80] =	vst v6  }
0x5cc: {  	v6 =	vld [tilespmem:s25+$0x100]  }
0x5cd: {  	[tilespmem:s24+$0xFFFFFFC0] =	vst v4;
	v4 =	vld [tilespmem:s23+$0x40]  }
0x5ce: {  	[tilespmem:s24+$0xD0] =	vst v1;
	v2 =	vld.idx.msk [tilespmem:v2+s31+$0x0], $0xffff  }
0x5cf: {  	v1 =	vld [tilespmem:s23+$0x1E0]  }
0x5d0: {  	v5 =	vld [tilespmem:s23+$0xFFFFFFD0]  }
0x5d1: {  	v8 =	vld [tilespmem:s18+$0xFFFFFFD0];
	[tilespmem:s29+$0x80] =	vst v6;
	v6 =	vmul.f32 v13, v10  }
0x5d2: {  	v3 =	vld.idx.msk [tilespmem:v3+s31+$0x0], $0xffff  }
0x5d3: {  	v42 =	vld [tilespmem:s18+$0xE0];
	[tilespmem:s26+$0x0] =	vst v6;
	v2 =	vmul.f32 v41, v2  }
0x5d4: {  	v6 =	vld [tilespmem:s25+$0x0]  }
0x5d5: {  	[tilespmem:s26+$0xFFFFFF80] =	vst v2;
	v2 =	vld [tilespmem:s25+$0x190]  }
0x5d6: {  	v43 =	vld [tilespmem:s25+$0xFFFFFF00]  }
0x5d7: {  	[tilespmem:s24+$0x40] =	vst v4;
	v1 =	vld.idx.msk [tilespmem:v1+s31+$0x0], $0xffff  }
0x5d8: {  	v4 =	vld [tilespmem:s23+$0xD0]  }
0x5d9: {  	v44 =	vld [tilespmem:s18+$0x50];
	[tilespmem:s29+$0x0] =	vst v6  }
0x5da: {  	v6 =	vld [tilespmem:s25+$0x90]  }
0x5db: {  	v5 =	vld.idx.msk [tilespmem:v5+s31+$0x0], $0xffff;
	v3 =	vmul.f32 v7, v3;
	[tilespmem:s29+$0xFFFFFF80] =	vst v43  }
0x5dc: {  	v1 =	vmul.f32 v42, v1;
	v7 =	vld [tilespmem:s25+$0xFFFFFF90]  }
0x5dd: {  	[tilespmem:s20+$0xFFFFFF50] =	vst v3;
	v3 =	vld [tilespmem:s28+$0x90]  }
0x5de: {  	v2 =	vld.idx.msk [tilespmem:v2+s31+$0x0], $0xffff;
	[tilespmem:s20+$0xE0] =	vst v1  }
0x5df: {  	v1 =	vld [tilespmem:s23+$0x160]  }
0x5e0: {  	v45 =	vld [tilespmem:s23+$0xFFFFFE50]  }
0x5e1: {  	v4 =	vld.idx.msk [tilespmem:v4+s31+$0x0], $0xffff  }
0x5e2: {  	v6 =	vld.idx.msk [tilespmem:v6+s31+$0x0], $0xffff  }
0x5e3: {  	v2 =	vmul.f32 v3, v2;
	v3 =	vmul.f32 v8, v5;
	v5 =	vld [tilespmem:s28+$0xFFFFFF90]  }
0x5e4: {  	[tilespmem:s24+$0xE0] =	vst v1;
	v7 =	vld.idx.msk [tilespmem:v7+s31+$0x0], $0xffff  }
0x5e5: {  	[tilespmem:s26+$0x90] =	vst v2;
	v1 =	vld [tilespmem:s23+$0x1F0]  }
0x5e6: {  	v8 =	vmul.f32 v46, v9;
	[tilespmem:s20+$0xFFFFFFD0] =	vst v3;
	v3 =	vld [tilespmem:s25+$0x110]  }
0x5e7: {  	v2 =	vmul.f32 v44, v4;
	v4 =	vld [tilespmem:s23+$0xFFFFFF50]  }
0x5e8: {  	[tilespmem:s26+$0xFFFFFF10] =	vst v8;
	v8 =	vld [tilespmem:s18+$0xF0]  }
0x5e9: {  	[tilespmem:s20+$0x50] =	vst v2;
	v2 =	vld [tilespmem:s28+$0x10]  }
0x5ea: {  	v47 =	vld [tilespmem:s23+$0x50];
	v5 =	vmul.f32 v5, v7  }
0x5eb: {  	v7 =	vld [tilespmem:s25+$0xFFFFFE10];
	[tilespmem:s29+$0x90] =	vst v3  }
0x5ec: {  	[tilespmem:s26+$0xFFFFFF90] =	vst v5;
	v3 =	vld [tilespmem:s25+$0x1A0]  }
0x5ed: {  	[tilespmem:s24+$0xFFFFFF50] =	vst v45;
	v5 =	vld [tilespmem:s25+$0xFFFFFF10]  }
0x5ee: {  	v2 =	vmul.f32 v2, v6;
	v6 =	vld [tilespmem:s23+$0xFFFFFEE0]  }
0x5ef: {  	[tilespmem:s24+$0xFFFFFFD0] =	vst v4;
	v4 =	vld [tilespmem:s28+$0xA0]  }
0x5f0: {  	v48 =	vld [tilespmem:s23+$0xFFFFFFE0];
	[tilespmem:s29+$0xFFFFFF10] =	vst v7  }
0x5f1: {  	[tilespmem:s26+$0x10] =	vst v2;
	v7 =	vld [tilespmem:s25+$0xFFFFFEA0]  }
0x5f2: {  	v2 =	vld [tilespmem:s25+$0x10];
	[tilespmem:s29+$0xFFFFFF90] =	vst v5  }
0x5f3: {  	v5 =	vld [tilespmem:s25+$0xFFFFFFA0]  }
0x5f4: {  	v3 =	vld.idx.msk [tilespmem:v3+s31+$0x0], $0xffff  }
0x5f5: {  	v1 =	vld.idx.msk [tilespmem:v1+s31+$0x0], $0xffff  }
0x5f6: {  	v53 =	vld [tilespmem:s18+$0xFFFFFFE0]  }
0x5f7: {  	v50 =	vld [tilespmem:s28+$0xFFFFFF20];
	[tilespmem:s29+$0x10] =	vst v2  }
0x5f8: {  	v2 =	vld [tilespmem:s25+$0xA0]  }
0x5f9: {  	v7 =	vld.idx.msk [tilespmem:v7+s31+$0x0], $0xffff;
	v3 =	vmul.f32 v4, v3  }
0x5fa: {  	[tilespmem:s24+$0x50] =	vst v47;
	v1 =	vmul.f32 v8, v1;
	v4 =	vld [tilespmem:s28+$0xFFFFFFA0]  }
0x5fb: {  	v5 =	vld.idx.msk [tilespmem:v5+s31+$0x0], $0xffff;
	[tilespmem:s26+$0xA0] =	vst v3  }
0x5fc: {  	[tilespmem:s20+$0xF0] =	vst v1;
	v1 =	vld [tilespmem:s25+$0x120]  }
0x5fd: {  	v49 =	vld [tilespmem:s23+$0xE0]  }
0x5fe: {  	v54 =	vld [tilespmem:s18+$0x60];
	v7 =	vmul.f32 v50, v7  }
0x5ff: {  	v8 =	vld [tilespmem:s28+$0x20]  }
0x600: {  	v2 =	vld.idx.msk [tilespmem:v2+s31+$0x0], $0xffff;
	[tilespmem:s26+$0xFFFFFF20] =	vst v7;
	v4 =	vmul.f32 v4, v5  }
0x601: {  	v5 =	vld [tilespmem:s25+$0xFFFFFE20];
	[tilespmem:s29+$0xA0] =	vst v1  }
0x602: {  	[tilespmem:s26+$0xFFFFFFA0] =	vst v4;
	v1 =	vld [tilespmem:s25+$0x1B0]  }
0x603: {  	v4 =	vld [tilespmem:s25+$0xFFFFFF20]  }
0x604: {  	v6 =	vld.idx.msk [tilespmem:v6+s31+$0x0], $0xffff  }
0x605: {  	v51 =	vld.idx.msk [tilespmem:v49+s31+$0x0], $0xffff;
	v2 =	vmul.f32 v8, v2  }
0x606: {  	v52 =	vld [tilespmem:s28+$0xB0];
	[tilespmem:s29+$0xFFFFFF20] =	vst v5  }
0x607: {  	[tilespmem:s26+$0x20] =	vst v2;
	v5 =	vld [tilespmem:s25+$0xFFFFFEB0]  }
0x608: {  	v2 =	vld [tilespmem:s25+$0x20];
	[tilespmem:s29+$0xFFFFFFA0] =	vst v4  }
0x609: {  	v4 =	vld [tilespmem:s25+$0xFFFFFFB0]  }
0x60a: {  	v1 =	vld.idx.msk [tilespmem:v1+s31+$0x0], $0xffff  }
0x60b: {  	v7 =	vld.idx.msk [tilespmem:v48+s31+$0x0], $0xffff  }
0x60c: {  	v8 =	vld [tilespmem:s18+$0xFFFFFF60]  }
0x60d: {  	v55 =	vld [tilespmem:s28+$0xFFFFFF30];
	[tilespmem:s29+$0x20] =	vst v2  }
0x60e: {  	v2 =	vld [tilespmem:s25+$0xB0]  }
0x60f: {  	v5 =	vld.idx.msk [tilespmem:v5+s31+$0x0], $0xffff;
	v1 =	vmul.f32 v52, v1  }
0x610: {  	v56 =	vld [tilespmem:s28+$0xFFFFFFB0]  }
0x611: {  	[tilespmem:s26+$0xB0] =	vst v1;
	v1 =	vld.idx.msk [tilespmem:v4+s31+$0x0], $0xffff  }
0x612: {  	v6 =	vmul.f32 v8, v6;
	v4 =	vmul.f32 v53, v7;
	v7 =	vld [tilespmem:s25+$0x130]  }
0x613: {  	v3 =	vld [tilespmem:s23+$0x170]  }
0x614: {  	[tilespmem:s20+$0xFFFFFF60] =	vst v6;
	v6 =	vld [tilespmem:s28+$0x30];
	v5 =	vmul.f32 v55, v5  }
0x615: {  	[tilespmem:s20+$0xFFFFFFE0] =	vst v4;
	v4 =	vld [tilespmem:s23+$0xFFFFFE60]  }
0x616: {  	v2 =	vld.idx.msk [tilespmem:v2+s31+$0x0], $0xffff;
	[tilespmem:s26+$0xFFFFFF30] =	vst v5;
	v5 =	vmul.f32 v54, v51  }
0x617: {  	v8 =	vld [tilespmem:s23+$0xFFFFFF60];
	v1 =	vmul.f32 v56, v1;
	[tilespmem:s29+$0xB0] =	vst v7  }
0x618: {  	v57 =	vld [tilespmem:s25+$0xFFFFFE30];
	[tilespmem:s20+$0x60] =	vst v5  }
0x619: {  	[tilespmem:s26+$0xFFFFFFB0] =	vst v1;
	v1 =	vld [tilespmem:s25+$0x1C0]  }
0x61a: {  	v7 =	vld [tilespmem:s23+$0x60]  }
0x61b: {  	[tilespmem:s24+$0xFFFFFF60] =	vst v4;
	v5 =	vld [tilespmem:s25+$0xFFFFFF30]  }
0x61c: {  	v2 =	vmul.f32 v6, v2;
	v4 =	vld [tilespmem:s23+$0xFFFFFEF0]  }
0x61d: {  	[tilespmem:s24+$0xFFFFFFE0] =	vst v8;
	v62 =	vld [tilespmem:s18+$0xFFFFFF70]  }
0x61e: {  	v6 =	vld [tilespmem:s23+$0xFFFFFFF0];
	[tilespmem:s26+$0x30] =	vst v2  }
0x61f: {  	[tilespmem:s29+$0xFFFFFF30] =	vst v57;
	v2 =	vld [tilespmem:s25+$0x30]  }
0x620: {  	v8 =	vld [tilespmem:s25+$0xFFFFFEC0];
	[tilespmem:s24+$0x60] =	vst v7  }
0x621: {  	v7 =	vld [tilespmem:s28+$0xC0];
	[tilespmem:s29+$0xFFFFFFB0] =	vst v5  }
0x622: {  	v5 =	vld [tilespmem:s25+$0xFFFFFFC0]  }
0x623: {  	v1 =	vld.idx.msk [tilespmem:v1+s31+$0x0], $0xffff  }
0x624: {  	v63 =	vld [tilespmem:s18+$0xFFFFFFF0]  }
0x625: {  	v59 =	vld [tilespmem:s28+$0xFFFFFF40];
	[tilespmem:s29+$0x30] =	vst v2  }
0x626: {  	v2 =	vld [tilespmem:s25+$0xC0]  }
0x627: {  	v58 =	vld [tilespmem:s23+$0xF0]  }
0x628: {  	v8 =	vld.idx.msk [tilespmem:v8+s31+$0x0], $0xffff;
	v1 =	vmul.f32 v7, v1  }
0x629: {  	v60 =	vld [tilespmem:s28+$0xFFFFFFC0]  }
0x62a: {  	v5 =	vld.idx.msk [tilespmem:v5+s31+$0x0], $0xffff;
	[tilespmem:s26+$0xC0] =	vst v1  }
0x62b: {  	v1 =	vld [tilespmem:s25+$0x140]  }
0x62c: {  	v4 =	vld.idx.msk [tilespmem:v4+s31+$0x0], $0xffff  }
0x62d: {  	v7 =	vld [tilespmem:s28+$0x40];
	v8 =	vmul.f32 v59, v8  }
0x62e: {  	v2 =	vld.idx.msk [tilespmem:v2+s31+$0x0], $0xffff  }
0x62f: {  	v6 =	vld.idx.msk [tilespmem:v6+s31+$0x0], $0xffff;
	[tilespmem:s26+$0xFFFFFF40] =	vst v8;
	v5 =	vmul.f32 v60, v5  }
0x630: {  	v8 =	vld [tilespmem:s25+$0xFFFFFE40];
	[tilespmem:s29+$0xC0] =	vst v1  }
0x631: {  	[tilespmem:s26+$0xFFFFFFC0] =	vst v5;
	v5 =	vld [tilespmem:s25+$0x1D0]  }
0x632: {  	v9 =	vld.idx.msk [tilespmem:v58+s31+$0x0], $0xffff  }
0x633: {  	v2 =	vmul.f32 v7, v2;
	v7 =	vld [tilespmem:s18+$0x70]  }
0x634: {  	[tilespmem:s24+$0xF0] =	vst v3;
	v61 =	vld [tilespmem:s25+$0xFFFFFF40]  }
0x635: {  	v3 =	vmul.f32 v63, v6;
	v6 =	vld [tilespmem:s28+$0xD0];
	[tilespmem:s26+$0x40] =	vst v2  }
0x636: {  	[tilespmem:s29+$0xFFFFFF40] =	vst v8;
	v8 =	vld [tilespmem:s25+$0x40]  }
0x637: {  	v1 =	vld [tilespmem:s25+$0xFFFFFED0]  }
0x638: {  	v4 =	vmul.f32 v62, v4;
	[tilespmem:s20+$0xFFFFFFF0] =	vst v3;
	v3 =	vld [tilespmem:s28+$0xFFFFFF50]  }
0x639: {  	[tilespmem:s29+$0xFFFFFFC0] =	vst v61;
	v5 =	vld.idx.msk [tilespmem:v5+s31+$0x0], $0xffff  }
0x63a: {  	[tilespmem:s20+$0xFFFFFF70] =	vst v4;
	v7 =	vmul.f32 v7, v9;
	v2 =	vld [tilespmem:s25+$0xFFFFFFD0]  }
0x63b: {  	s30 =	simm.s32 $0x4B00;
	s17 =	simm.s32 $0x4;
	v4 =	vld [tilespmem:s28+$0xFFFFFFD0];
	[tilespmem:s29+$0x40] =	vst v8  }
0x63c: {  	s12 =	simm.s32 $0x3B00;
	s18 =	simm.s32 $0x1A00;
	[tilespmem:s20+$0x70] =	vst v7;
	s20 =	simm.s32 $0x2B00;
	v7 =	vld [tilespmem:s25+$0xD0]  }
.LBB2_11:
0x63d: {  	v8 =	vld [tilespmem:s18+$0x180];
	s17 =	sadd.s32 $0x4, s17  }
0x63e: {  	v9 =	vld [tilespmem:s18+$0xFFFFFF80];
	p1 =	slt.u32 s17, $0xC;
	v5 =	vmul.f32 v6, v5  }
0x63f: {  	v6 =	vld [tilespmem:s18+$0x80]  }
0x640: {  	v10 =	vld [tilespmem:s18+$0xFFFFFE80];
	[tilespmem:s26+$0xD0] =	vst v5  }
0x641: {  	v5 =	vld [tilespmem:s25+$0x150]  }
0x642: {  	v1 =	vld.idx.msk [tilespmem:v1+s31+$0x0], $0xffff  }
0x643: {  	v2 =	vld.idx.msk [tilespmem:v2+s31+$0x0], $0xffff  }
0x644: {  	v7 =	vld.idx.msk [tilespmem:v7+s31+$0x0], $0xffff  }
0x645: {  	s28 =	sadd.s32 $0x200, s28;
	v8 =	vld.idx.msk [tilespmem:v8+s31+$0x0], $0xffff  }
0x646: {  	v11 =	vld [tilespmem:s28+$0x80];
	[tilespmem:s29+$0xD0] =	vst v5  }
0x647: {  	v5 =	vld [tilespmem:s25+$0x1E0]  }
0x648: {  	v1 =	vmul.f32 v3, v1;
	v10 =	vld.idx.msk [tilespmem:v10+s31+$0x0], $0xffff  }
0x649: {  	v2 =	vmul.f32 v4, v2;
	v3 =	vld.idx.msk [tilespmem:v9+s31+$0x0], $0xffff  }
0x64a: {  	v4 =	vld.idx.msk [tilespmem:v6+s31+$0x0], $0xffff;
	[tilespmem:s26+$0xFFFFFF50] =	vst v1  }
0x64b: {  	v1 =	vld [tilespmem:s28+$0xFFFFFF00];
	v6 =	vmul.f32 v11, v8;
	[tilespmem:s26+$0xFFFFFFD0] =	vst v2  }
0x64c: {  	s26 =	sadd.s32 $0x200, s26;
	v2 =	vld [tilespmem:s28+$0xFFFFFF80]  }
0x64d: {  	v8 =	vld [tilespmem:s28+$0x0];
	[tilespmem:s26+$0x80] =	vst v6  }
0x64e: {  	v6 =	vld [tilespmem:s18+$0x100]  }
0x64f: {  	v5 =	vld.idx.msk [tilespmem:v5+s31+$0x0], $0xffff  }
0x650: {  	v1 =	vmul.f32 v1, v10;
	v9 =	vld [tilespmem:s20+$0xE0]  }
0x651: {  	v2 =	vmul.f32 v2, v3;
	v3 =	vld [tilespmem:s20+$0x50]  }
0x652: {  	s29 =	sadd.s32 $0x200, s29;
	[tilespmem:s26+$0xFFFFFF00] =	vst v1;
	v1 =	vmul.f32 v8, v4;
	v4 =	vld [tilespmem:s25+$0xFFFFFE50]  }
0x653: {  	v8 =	vld [tilespmem:s18+$0xFFFFFE00];
	[tilespmem:s29+$0x80] =	vst v6  }
0x654: {  	[tilespmem:s26+$0xFFFFFF80] =	vst v2;
	v2 =	vld [tilespmem:s18+$0x190]  }
0x655: {  	v6 =	vld [tilespmem:s18+$0xFFFFFF00];
	[tilespmem:s26+$0x0] =	vst v1;
	v1 =	vmul.f32 v9, v5  }
0x656: {  	v5 =	vld [tilespmem:s18+$0x0];
	v3 =	vmul.f32 v3, v7  }
0x657: {  	v7 =	vld [tilespmem:s25+$0xFFFFFF50];
	[tilespmem:s12+$0xE0] =	vst v1  }
0x658: {  	[tilespmem:s29+$0xFFFFFF00] =	vst v8;
	v1 =	vld [tilespmem:s25+$0x160]  }
0x659: {  	v8 =	vld [tilespmem:s18+$0xFFFFFE90];
	[tilespmem:s12+$0x50] =	vst v3  }
0x65a: {  	v3 =	vld [tilespmem:s28+$0xFFFFFF10];
	[tilespmem:s29+$0xFFFFFF80] =	vst v6  }
0x65b: {  	v6 =	vld [tilespmem:s18+$0xFFFFFF90];
	[tilespmem:s29+$0x0] =	vst v5  }
0x65c: {  	v2 =	vld.idx.msk [tilespmem:v2+s31+$0x0], $0xffff;
	[tilespmem:s30+$0xFFFFFF50] =	vst v4  }
0x65d: {  	v4 =	vld [tilespmem:s28+$0x90];
	[tilespmem:s30+$0xE0] =	vst v1  }
0x65e: {  	[tilespmem:s30+$0xFFFFFFD0] =	vst v7;
	v1 =	vld [tilespmem:s25+$0x1F0]  }
0x65f: {  	v5 =	vld [tilespmem:s18+$0x90]  }
0x660: {  	v7 =	vld [tilespmem:s28+$0xFFFFFF90]  }
0x661: {  	v8 =	vld.idx.msk [tilespmem:v8+s31+$0x0], $0xffff  }
0x662: {  	v9 =	vld [tilespmem:s28+$0x10];
	v2 =	vmul.f32 v4, v2  }
0x663: {  	v4 =	vld.idx.msk [tilespmem:v6+s31+$0x0], $0xffff  }
0x664: {  	[tilespmem:s26+$0x90] =	vst v2;
	v2 =	vld [tilespmem:s25+$0x50]  }
0x665: {  	v6 =	vld [tilespmem:s18+$0x110]  }
0x666: {  	v1 =	vld.idx.msk [tilespmem:v1+s31+$0x0], $0xffff  }
0x667: {  	v3 =	vmul.f32 v3, v8;
	v8 =	vld [tilespmem:s20+$0xF0]  }
0x668: {  	v5 =	vld.idx.msk [tilespmem:v5+s31+$0x0], $0xffff  }
0x669: {  	[tilespmem:s26+$0xFFFFFF10] =	vst v3;
	v3 =	vmul.f32 v7, v4;
	v4 =	vld [tilespmem:s25+$0xFFFFFEE0]  }
0x66a: {  	v7 =	vld [tilespmem:s18+$0xFFFFFE10];
	[tilespmem:s29+$0x90] =	vst v6  }
0x66b: {  	[tilespmem:s26+$0xFFFFFF90] =	vst v3;
	v3 =	vld [tilespmem:s18+$0x1A0]  }
0x66c: {  	v6 =	vld [tilespmem:s18+$0xFFFFFF10];
	[tilespmem:s30+$0x50] =	vst v2;
	v1 =	vmul.f32 v8, v1  }
0x66d: {  	v2 =	vld [tilespmem:s25+$0xFFFFFFE0]  }
0x66e: {  	v5 =	vmul.f32 v9, v5;
	v8 =	vld [tilespmem:s25+$0xE0];
	[tilespmem:s12+$0xF0] =	vst v1  }
0x66f: {  	[tilespmem:s29+$0xFFFFFF10] =	vst v7;
	v1 =	vld [tilespmem:s25+$0x170]  }
0x670: {  	v7 =	vld [tilespmem:s18+$0xFFFFFEA0];
	[tilespmem:s26+$0x10] =	vst v5  }
0x671: {  	[tilespmem:s29+$0xFFFFFF90] =	vst v6;
	v5 =	vld [tilespmem:s18+$0x10]  }
0x672: {  	v6 =	vld [tilespmem:s18+$0xFFFFFFA0]  }
0x673: {  	v3 =	vld.idx.msk [tilespmem:v3+s31+$0x0], $0xffff  }
0x674: {  	v9 =	vld [tilespmem:s28+$0xA0];
	[tilespmem:s30+$0xF0] =	vst v1  }
0x675: {  	v1 =	vld [tilespmem:s28+$0xFFFFFF20]  }
0x676: {  	v10 =	vld [tilespmem:s28+$0xFFFFFFA0];
	[tilespmem:s29+$0x10] =	vst v5  }
0x677: {  	v5 =	vld [tilespmem:s18+$0xA0]  }
0x678: {  	v7 =	vld.idx.msk [tilespmem:v7+s31+$0x0], $0xffff  }
0x679: {  	v11 =	vld [tilespmem:s28+$0x20];
	v3 =	vmul.f32 v9, v3  }
0x67a: {  	v6 =	vld.idx.msk [tilespmem:v6+s31+$0x0], $0xffff  }
0x67b: {  	[tilespmem:s26+$0xA0] =	vst v3;
	v3 =	vld.idx.msk [tilespmem:v4+s31+$0x0], $0xffff  }
0x67c: {  	v4 =	vld [tilespmem:s18+$0x120]  }
0x67d: {  	v2 =	vld.idx.msk [tilespmem:v2+s31+$0x0], $0xffff  }
0x67e: {  	v1 =	vmul.f32 v1, v7;
	v7 =	vld.idx.msk [tilespmem:v8+s31+$0x0], $0xffff  }
0x67f: {  	v5 =	vld.idx.msk [tilespmem:v5+s31+$0x0], $0xffff  }
0x680: {  	[tilespmem:s26+$0xFFFFFF20] =	vst v1;
	v1 =	vmul.f32 v10, v6;
	v6 =	vld [tilespmem:s20+$0xFFFFFF60]  }
0x681: {  	v8 =	vld [tilespmem:s18+$0xFFFFFE20];
	[tilespmem:s29+$0xA0] =	vst v4  }
0x682: {  	[tilespmem:s26+$0xFFFFFFA0] =	vst v1;
	v1 =	vld [tilespmem:s18+$0x1B0]  }
0x683: {  	v4 =	vld [tilespmem:s18+$0xFFFFFF20]  }
0x684: {  	v9 =	vld [tilespmem:s20+$0xFFFFFFE0]  }
0x685: {  	v5 =	vmul.f32 v11, v5;
	v3 =	vmul.f32 v6, v3;
	v6 =	vld [tilespmem:s20+$0x60]  }
0x686: {  	[tilespmem:s29+$0xFFFFFF20] =	vst v8;
	v8 =	vld [tilespmem:s23+$0xFFFFFE70]  }
0x687: {  	v10 =	vld [tilespmem:s18+$0xFFFFFEB0];
	[tilespmem:s26+$0x20] =	vst v5  }
0x688: {  	[tilespmem:s29+$0xFFFFFFA0] =	vst v4;
	v4 =	vld [tilespmem:s18+$0x20]  }
0x689: {  	v5 =	vld [tilespmem:s18+$0xFFFFFFB0];
	[tilespmem:s12+$0xFFFFFF60] =	vst v3;
	v2 =	vmul.f32 v9, v2  }
0x68a: {  	v1 =	vld.idx.msk [tilespmem:v1+s31+$0x0], $0xffff;
	v3 =	vmul.f32 v6, v7  }
0x68b: {  	v6 =	vld [tilespmem:s28+$0xB0];
	[tilespmem:s12+$0xFFFFFFE0] =	vst v2  }
0x68c: {  	v2 =	vld [tilespmem:s28+$0xFFFFFF30];
	[tilespmem:s12+$0x60] =	vst v3  }
0x68d: {  	v3 =	vld [tilespmem:s28+$0xFFFFFFB0];
	[tilespmem:s29+$0x20] =	vst v4  }
0x68e: {  	v4 =	vld [tilespmem:s18+$0xB0];
	[tilespmem:s24+$0xFFFFFF70] =	vst v8  }
0x68f: {  	v7 =	vld.idx.msk [tilespmem:v10+s31+$0x0], $0xffff  }
0x690: {  	v8 =	vld [tilespmem:s28+$0x30];
	v1 =	vmul.f32 v6, v1  }
0x691: {  	v5 =	vld.idx.msk [tilespmem:v5+s31+$0x0], $0xffff  }
0x692: {  	[tilespmem:s26+$0xB0] =	vst v1;
	v1 =	vld [tilespmem:s25+$0xFFFFFE60]  }
0x693: {  	v6 =	vld [tilespmem:s18+$0x130]  }
0x694: {  	v9 =	vld [tilespmem:s25+$0xFFFFFF60]  }
0x695: {  	v2 =	vmul.f32 v2, v7;
	v7 =	vld [tilespmem:s25+$0x60]  }
0x696: {  	v4 =	vld.idx.msk [tilespmem:v4+s31+$0x0], $0xffff  }
0x697: {  	[tilespmem:s26+$0xFFFFFF30] =	vst v2;
	v2 =	vmul.f32 v3, v5;
	v3 =	vld [tilespmem:s23+$0xFFFFFF70]  }
0x698: {  	v5 =	vld [tilespmem:s18+$0xFFFFFE30];
	[tilespmem:s29+$0xB0] =	vst v6  }
0x699: {  	[tilespmem:s26+$0xFFFFFFB0] =	vst v2;
	v2 =	vld [tilespmem:s18+$0x1C0]  }
0x69a: {  	v6 =	vld [tilespmem:s18+$0xFFFFFF30];
	[tilespmem:s30+$0xFFFFFF60] =	vst v1  }
0x69b: {  	v1 =	vld [tilespmem:s25+$0xFFFFFEF0];
	[tilespmem:s30+$0xFFFFFFE0] =	vst v9  }
0x69c: {  	v4 =	vmul.f32 v8, v4;
	v8 =	vld [tilespmem:s25+$0xFFFFFFF0];
	[tilespmem:s30+$0x60] =	vst v7  }
0x69d: {  	[tilespmem:s29+$0xFFFFFF30] =	vst v5;
	v5 =	vld [tilespmem:s25+$0xF0]  }
0x69e: {  	v7 =	vld [tilespmem:s18+$0xFFFFFEC0];
	[tilespmem:s26+$0x30] =	vst v4  }
0x69f: {  	[tilespmem:s29+$0xFFFFFFB0] =	vst v6;
	v4 =	vld [tilespmem:s18+$0x30]  }
0x6a0: {  	v6 =	vld [tilespmem:s18+$0xFFFFFFC0];
	[tilespmem:s24+$0xFFFFFFF0] =	vst v3  }
0x6a1: {  	v2 =	vld.idx.msk [tilespmem:v2+s31+$0x0], $0xffff  }
0x6a2: {  	v3 =	vld [tilespmem:s28+$0xC0]  }
0x6a3: {  	v9 =	vld [tilespmem:s28+$0xFFFFFF40]  }
0x6a4: {  	v10 =	vld [tilespmem:s28+$0xFFFFFFC0];
	[tilespmem:s29+$0x30] =	vst v4  }
0x6a5: {  	v4 =	vld [tilespmem:s18+$0xC0]  }
0x6a6: {  	v7 =	vld.idx.msk [tilespmem:v7+s31+$0x0], $0xffff  }
0x6a7: {  	v11 =	vld [tilespmem:s28+$0x40];
	v2 =	vmul.f32 v3, v2  }
0x6a8: {  	v3 =	vld.idx.msk [tilespmem:v6+s31+$0x0], $0xffff  }
0x6a9: {  	[tilespmem:s26+$0xC0] =	vst v2;
	v1 =	vld.idx.msk [tilespmem:v1+s31+$0x0], $0xffff  }
0x6aa: {  	v2 =	vld [tilespmem:s18+$0x140]  }
0x6ab: {  	v6 =	vld.idx.msk [tilespmem:v8+s31+$0x0], $0xffff  }
0x6ac: {  	v7 =	vmul.f32 v9, v7;
	v8 =	vld.idx.msk [tilespmem:v5+s31+$0x0], $0xffff  }
0x6ad: {  	v4 =	vld.idx.msk [tilespmem:v4+s31+$0x0], $0xffff  }
0x6ae: {  	v3 =	vmul.f32 v10, v3;
	[tilespmem:s26+$0xFFFFFF40] =	vst v7;
	v5 =	vld [tilespmem:s20+$0xFFFFFF70]  }
0x6af: {  	v7 =	vld [tilespmem:s18+$0xFFFFFE40];
	[tilespmem:s29+$0xC0] =	vst v2  }
0x6b0: {  	[tilespmem:s26+$0xFFFFFFC0] =	vst v3;
	v3 =	vld [tilespmem:s18+$0x1D0]  }
0x6b1: {  	v2 =	vld [tilespmem:s18+$0xFFFFFF40]  }
0x6b2: {  	v9 =	vld [tilespmem:s20+$0xFFFFFFF0]  }
0x6b3: {  	v4 =	vmul.f32 v11, v4;
	v5 =	vmul.f32 v5, v1;
	v10 =	vld [tilespmem:s20+$0x70];
	s20 =	smov.u32 s28  }
0x6b4: {  	[tilespmem:s29+$0xFFFFFF40] =	vst v7;
	v11 =	vld [tilespmem:s23+$0x70];
	s23 =	smov.u32 s25;
	s25 =	smov.u32 s18  }
0x6b5: {  	v1 =	vld [tilespmem:s18+$0xFFFFFED0];
	[tilespmem:s26+$0x40] =	vst v4  }
0x6b6: {  	[tilespmem:s29+$0xFFFFFFC0] =	vst v2;
	v7 =	vld [tilespmem:s18+$0x40]  }
0x6b7: {  	v2 =	vld [tilespmem:s18+$0xFFFFFFD0];
	[tilespmem:s12+$0xFFFFFF70] =	vst v5;
	v4 =	vmul.f32 v9, v6  }
.Ltmp4:
0x6b8: {  	v5 =	vld.idx.msk [tilespmem:v3+s31+$0x0], $0xffff;
	v8 =	vmul.f32 v10, v8;
	(pc) =	sbr.rel @p1 .LBB2_11-.Ltmp4, $4  }
0x6b9: {  	v6 =	vld [tilespmem:s28+$0xD0];
	[tilespmem:s12+$0xFFFFFFF0] =	vst v4  }
0x6ba: {  	v3 =	vld [tilespmem:s28+$0xFFFFFF50];
	[tilespmem:s12+$0x70] =	vst v8;
	s12 =	smov.u32 s26  }
0x6bb: {  	v4 =	vld [tilespmem:s28+$0xFFFFFFD0];
	[tilespmem:s29+$0x40] =	vst v7  }
0x6bc: {  	s18 =	sadd.s32 $0x400, s18;
	v7 =	vld [tilespmem:s25+$0xD0];
	[tilespmem:s24+$0x70] =	vst v11;
	s24 =	smov.u32 s30;
	s30 =	smov.u32 s29  }
0x6bd: {  	_ =	sdelay $0x4  }
0x6be: {  	v1 =	vld.idx.msk [tilespmem:v1+s31+$0x0], $0xffff  }
0x6bf: {  	v2 =	vld.idx.msk [tilespmem:v2+s31+$0x0], $0xffff  }
0x6c0: {  	v51 =	vld [tilespmem:s20+$0x50]  }
0x6c1: {  	v50 =	vld.idx.msk [tilespmem:v7+s31+$0x0], $0xffff  }
0x6c2: {  	v5 =	vmul.f32 v6, v5;
	_ =	sdelay $0x1  }
0x6c3: {  	[tilespmem:s26+$0xD0] =	vst v5;
	v1 =	vmul.f32 v3, v1  }
0x6c4: {  	v5 =	vld [tilespmem:s25+$0x150];
	v2 =	vmul.f32 v4, v2  }
0x6c5: {  	[tilespmem:s26+$0xFFFFFF50] =	vst v1;
	v1 =	vmul.f32 v51, v50  }
0x6c6: {  	[tilespmem:s26+$0xFFFFFFD0] =	vst v2;
	v2 =	vld [tilespmem:s25+$0xFFFFFE50]  }
0x6c7: {  	v3 =	vld [tilespmem:s25+$0xFFFFFF50];
	[tilespmem:s12+$0x50] =	vst v1  }
0x6c8: {  	v1 =	vld [tilespmem:s25+$0x50]  }
0x6c9: {  	[tilespmem:s29+$0xD0] =	vst v5  }
0x6ca: {  	v5 =	vld [tilespmem:s25+$0x1E0]  }
0x6cb: {  	[tilespmem:s30+$0xFFFFFF50] =	vst v2  }
0x6cc: {  	[tilespmem:s30+$0xFFFFFFD0] =	vst v3;
	v2 =	vld [tilespmem:s25+$0xFFFFFEE0]  }
0x6cd: {  	[tilespmem:s30+$0x50] =	vst v1;
	v1 =	vld [tilespmem:s25+$0xFFFFFFE0]  }
0x6ce: {  	v3 =	vld [tilespmem:s25+$0xE0]  }
0x6cf: {  	v53 =	vld [tilespmem:s20+$0xE0]  }
0x6d0: {  	v54 =	vld [tilespmem:s20+$0xFFFFFF60]  }
0x6d1: {  	v55 =	vld [tilespmem:s20+$0xFFFFFFE0]  }
0x6d2: {  	v52 =	vld.idx.msk [tilespmem:v5+s31+$0x0], $0xffff  }
0x6d3: {  	v56 =	vld [tilespmem:s20+$0x60]  }
0x6d4: {  	v2 =	vld.idx.msk [tilespmem:v2+s31+$0x0], $0xffff  }
0x6d5: {  	v1 =	vld.idx.msk [tilespmem:v1+s31+$0x0], $0xffff  }
0x6d6: {  	v3 =	vld.idx.msk [tilespmem:v3+s31+$0x0], $0xffff  }
0x6d7: {  	v4 =	vmul.f32 v53, v52;
	_ =	sdelay $0x1  }
0x6d8: {  	[tilespmem:s12+$0xE0] =	vst v4;
	v2 =	vmul.f32 v54, v2  }
0x6d9: {  	v4 =	vld [tilespmem:s25+$0x160];
	v1 =	vmul.f32 v55, v1  }
0x6da: {  	[tilespmem:s12+$0xFFFFFF60] =	vst v2;
	v2 =	vmul.f32 v56, v3  }
0x6db: {  	[tilespmem:s12+$0xFFFFFFE0] =	vst v1;
	v1 =	vld [tilespmem:s25+$0xFFFFFE60]  }
0x6dc: {  	[tilespmem:s12+$0x60] =	vst v2;
	v2 =	vld [tilespmem:s25+$0xFFFFFF60]  }
0x6dd: {  	v3 =	vld [tilespmem:s25+$0x60]  }
0x6de: {  	[tilespmem:s30+$0xE0] =	vst v4  }
0x6df: {  	v4 =	vld [tilespmem:s25+$0x1F0]  }
0x6e0: {  	v61 =	vld [tilespmem:s23+$0xFFFFFE70];
	[tilespmem:s30+$0xFFFFFF60] =	vst v1  }
0x6e1: {  	v1 =	vld [tilespmem:s25+$0xFFFFFEF0];
	[tilespmem:s30+$0xFFFFFFE0] =	vst v2  }
0x6e2: {  	v2 =	vld [tilespmem:s25+$0xFFFFFFF0];
	[tilespmem:s30+$0x60] =	vst v3  }
0x6e3: {  	v3 =	vld [tilespmem:s25+$0xF0]  }
0x6e4: {  	v57 =	vld [tilespmem:s20+$0xF0]  }
0x6e5: {  	v58 =	vld [tilespmem:s20+$0xFFFFFF70]  }
0x6e6: {  	v59 =	vld [tilespmem:s20+$0xFFFFFFF0]  }
0x6e7: {  	v4 =	vld.idx.msk [tilespmem:v4+s31+$0x0], $0xffff  }
0x6e8: {  	v60 =	vld [tilespmem:s20+$0x70]  }
0x6e9: {  	v1 =	vld.idx.msk [tilespmem:v1+s31+$0x0], $0xffff  }
0x6ea: {  	v2 =	vld.idx.msk [tilespmem:v2+s31+$0x0], $0xffff  }
0x6eb: {  	v3 =	vld.idx.msk [tilespmem:v3+s31+$0x0], $0xffff;
	_ =	sdelay $0x1  }
0x6ec: {  	v4 =	vmul.f32 v57, v4  }
0x6ed: {  	v62 =	vld [tilespmem:s23+$0xFFFFFF70];
	[tilespmem:s24+$0xFFFFFF70] =	vst v61;
	v1 =	vmul.f32 v58, v1  }
0x6ee: {  	v63 =	vld [tilespmem:s23+$0x70];
	[tilespmem:s12+$0xF0] =	vst v4;
	v2 =	vmul.f32 v59, v2  }
0x6ef: {  	v4 =	vld [tilespmem:s25+$0x170];
	[tilespmem:s12+$0xFFFFFF70] =	vst v1;
	v1 =	vmul.f32 v60, v3  }
0x6f0: {  	[tilespmem:s12+$0xFFFFFFF0] =	vst v2;
	v2 =	vld [tilespmem:s25+$0xFFFFFE70]  }
0x6f1: {  	[tilespmem:s12+$0x70] =	vst v1;
	v1 =	vld [tilespmem:s25+$0xFFFFFF70]  }
0x6f2: {  	[tilespmem:s24+$0xFFFFFFF0] =	vst v62;
	v3 =	vld [tilespmem:s25+$0x70]  }
0x6f3: {  	[tilespmem:s24+$0x70] =	vst v63  }
0x6f4: {  	[tilespmem:s30+$0xF0] =	vst v4  }
0x6f5: {  	s29 =	smin.u32 s22, $0x2C;
	[tilespmem:s30+$0xFFFFFF70] =	vst v2  }
0x6f6: {  	s28 =	simm.s32 $0x4800;
	s21 =	sadd.s32 $0x1, s21;
	s12 =	sshll.u32 s29, $0x10;
	[tilespmem:s30+$0xFFFFFFF0] =	vst v1  }
0x6f7: {  	s17 =	simm.s32 $0x3800;
	p1 =	sne.s32 s21, $0x18;
	s12 =	sadd.s32 s14, s12;
	[tilespmem:s30+$0x70] =	vst v3  }
0x6f8: {  	[spmem:s5] =	stream.indirect.scatter.add.f32 [tilespmem:s17], [sflag:$0x4], $0x1, s28, s13, $0xb8;
	[tilespmem:$0x1EF70] =	vst v63  }
.Ltmp5:
0x6f9: {  	s30 =	sshrl.u32 s12, $0x2;
	(pc) =	sbr.rel @p1 .LBB2_8-.Ltmp5, $4  }
0x6fa: {  	s12 =	sshrl.u32 s12, $0x3;
	s17 =	sadd.s32 s2, s30  }
0x6fb: {  	[tilespmem:s0], [sflag:$0x2] =	stream.linear.gather [hbm4b:s17+s6], $0x1000, $0x38;
	[tilespmem:$0x1EF70] =	vst v63  }
0x6fc: {  	s12 =	sadd.s32 s4, s12  }
0x6fd: {  	[tilespmem:s1], [sflag:$0x2] =	stream.linear.gather [hbm4b:s12+s6], $0x800, $0x38;
	[tilespmem:$0x1EF70] =	vst v63  }
0x6fe: {  	_ =	swait.ge [sflag:s11], $0x1000  }
0x6ff: {  	[sflag:s11] =	ssyncset.done $0x0  }
0x700: {  	[sflag:s11] =	ssyncadd.s32 $0xFFFFF000  }
0x701: {  	_ =	swait.ge [sflag:s11], $0x800  }
0x702: {  	[sflag:s11] =	ssyncset.done $0x0  }
0x703: {  	[sflag:s11] =	ssyncadd.s32 $0xFFFFF800  }
0x704: {  	_ =	swait.ge [sflag:s10], $0x800  }
0x705: {  	[sflag:s10] =	ssyncset.done $0x0  }
0x706: {  	[sflag:s10] =	ssyncadd.s32 $0xFFFFF800  }
0x707: {  	_ =	swait.ge [sflag:s16], $0x1000  }
0x708: {  	[sflag:s16] =	ssyncset.done $0x0  }
0x709: {  	[sflag:s16] =	ssyncadd.s32 $0xFFFFF000  }
0x70a: {  	_ =	swait.ge [sflag:s16], $0x800  }
0x70b: {  	[sflag:s16] =	ssyncset.done $0x0  }
0x70c: {  	[sflag:s16] =	ssyncadd.s32 $0xFFFFF800  }
0x70d: {  	_ =	swait.ge [sflag:s19], $0x800  }
0x70e: {  	[sflag:s19] =	ssyncset.done $0x0  }
0x70f: {  	s12 =	rddreg [dreg:$0xe];
	[sflag:s19] =	ssyncadd.s32 $0xFFFFF800  }
0x710: {  	[tilespmem:s6], [sflag:$0x5] =	stream.linear.gather [hbm4b:s12+s6], $0xD00, $0x38;
	[tilespmem:$0x1EF70] =	vst v63  }
0x711: {  	_ =	swait.ge [sflag:s8], $0xD00  }
0x712: {  	[sflag:s8] =	ssyncset.done $0x0  }
0x713: {  	s23 =	rddreg [dreg:$0xf];
	[sflag:s8] =	ssyncadd.s32 $0xFFFFF300  }
0x714: {  	[tilespmem:s3], [sflag:$0x5] =	stream.linear.gather [hbm4b:s23+s6], $0x680, $0x38;
	[tilespmem:$0x1EF70] =	vst v63  }
0x715: {  	_ =	swait.ge [sflag:s8], $0x680  }
0x716: {  	[sflag:s8] =	ssyncset.done $0x0  }
0x717: {  	s17 =	simm.s32 $0xD00;
	s24 =	rddreg [dreg:$0x10];
	[sflag:s8] =	ssyncadd.s32 $0xFFFFF980  }
0x718: {  	[tilespmem:s17], [sflag:$0x5] =	stream.linear.gather [hbm4b:s24+s6], $0x100, $0x38;
	[tilespmem:$0x1EF70] =	vst v63  }
0x719: {  	_ =	swait.ge [sflag:s8], $0x100  }
0x71a: {  	[sflag:s8] =	ssyncset.done $0x0  }
0x71b: {  	s26 =	simm.s32 $0x2680;
	s25 =	rddreg [dreg:$0x11];
	[sflag:s8] =	ssyncadd.s32 $0xFFFFFF00  }
0x71c: {  	[tilespmem:s26], [sflag:$0x5] =	stream.linear.gather [hbm4b:s25+s6], $0x80, $0x38;
	[tilespmem:$0x1EF70] =	vst v63  }
0x71d: {  	_ =	swait.ge [sflag:s8], $0x80  }
0x71e: {  	[sflag:s8] =	ssyncset.done $0x0  }
0x71f: {  	s21 =	simm.s32 $0x200;
	[sflag:s8] =	ssyncadd.s32 $0xFFFFFF80  }
0x720: {  	v1 =	vld [tilespmem:s21+$0x180];
	_ =	sdelay $0x3  }
0x721: {  	s29 =	simm.s32 $0x2100;
	v2 =	vld [tilespmem:s21+$0xFFFFFE80]  }
0x722: {  	v3 =	vld [tilespmem:s29+$0x80]  }
0x723: {  	v4 =	vld [tilespmem:s21+$0xFFFFFF80]  }
0x724: {  	v5 =	vld [tilespmem:s21+$0x80]  }
0x725: {  	v1 =	vld.idx.msk [tilespmem:v1+s31+$0x0], $0xffff;
	_ =	sdelay $0x2  }
0x726: {  	v6 =	vld [tilespmem:s29+$0xFFFFFF00]  }
0x727: {  	v2 =	vld.idx.msk [tilespmem:v2+s31+$0x0], $0xffff  }
0x728: {  	v1 =	vmul.f32 v3, v1  }
0x729: {  	s30 =	simm.s32 $0x3100;
	v3 =	vld.idx.msk [tilespmem:v4+s31+$0x0], $0xffff  }
0x72a: {  	v4 =	vld.idx.msk [tilespmem:v5+s31+$0x0], $0xffff;
	[tilespmem:s30+$0x80] =	vst v1  }
0x72b: {  	v1 =	vld [tilespmem:s21+$0x100]  }
0x72c: {  	v2 =	vmul.f32 v6, v2;
	v5 =	vld [tilespmem:s29+$0xFFFFFF80];
	_ =	sdelay $0x1  }
0x72d: {  	v6 =	vld [tilespmem:s29+$0x0];
	[tilespmem:s30+$0xFFFFFF00] =	vst v2  }
0x72e: {  	s22 =	simm.s32 $0x4100;
	v2 =	vld [tilespmem:s21+$0xFFFFFE00]  }
0x72f: {  	[tilespmem:s22+$0x80] =	vst v1  }
0x730: {  	v3 =	vmul.f32 v5, v3;
	v1 =	vld [tilespmem:s21+$0x190];
	_ =	sdelay $0x1  }
0x731: {  	v4 =	vmul.f32 v6, v4;
	[tilespmem:s30+$0xFFFFFF80] =	vst v3  }
0x732: {  	v3 =	vld [tilespmem:s21+$0xFFFFFF00];
	[tilespmem:s22+$0xFFFFFF00] =	vst v2  }
0x733: {  	[tilespmem:s30+$0x0] =	vst v4;
	v2 =	vld [tilespmem:s21+$0xFFFFFE90]  }
0x734: {  	v4 =	vld [tilespmem:s21+$0x0];
	_ =	sdelay $0x1  }
0x735: {  	v5 =	vld [tilespmem:s29+$0x90]  }
0x736: {  	[tilespmem:s22+$0xFFFFFF80] =	vst v3;
	v1 =	vld.idx.msk [tilespmem:v1+s31+$0x0], $0xffff  }
0x737: {  	v3 =	vld [tilespmem:s21+$0xFFFFFF90]  }
0x738: {  	v6 =	vld [tilespmem:s29+$0xFFFFFF10];
	[tilespmem:s22+$0x0] =	vst v4  }
0x739: {  	v4 =	vld [tilespmem:s21+$0x90]  }
0x73a: {  	v2 =	vld.idx.msk [tilespmem:v2+s31+$0x0], $0xffff  }
0x73b: {  	v1 =	vmul.f32 v5, v1;
	_ =	sdelay $0x1  }
0x73c: {  	v5 =	vld [tilespmem:s29+$0xFFFFFF90];
	[tilespmem:s30+$0x90] =	vst v1  }
0x73d: {  	v1 =	vld [tilespmem:s21+$0x110]  }
0x73e: {  	v2 =	vmul.f32 v6, v2;
	v3 =	vld.idx.msk [tilespmem:v3+s31+$0x0], $0xffff  }
0x73f: {  	v7 =	vld [tilespmem:s29+$0x10]  }
0x740: {  	v4 =	vld.idx.msk [tilespmem:v4+s31+$0x0], $0xffff;
	[tilespmem:s30+$0xFFFFFF10] =	vst v2  }
0x741: {  	v2 =	vld [tilespmem:s21+$0xFFFFFE10]  }
0x742: {  	[tilespmem:s22+$0x90] =	vst v1  }
0x743: {  	v3 =	vmul.f32 v5, v3;
	v1 =	vld [tilespmem:s21+$0x1A0];
	_ =	sdelay $0x1  }
0x744: {  	[tilespmem:s30+$0xFFFFFF90] =	vst v3;
	v3 =	vmul.f32 v7, v4  }
0x745: {  	[tilespmem:s22+$0xFFFFFF10] =	vst v2  }
0x746: {  	v2 =	vld [tilespmem:s21+$0xFFFFFEA0];
	[tilespmem:s30+$0x10] =	vst v3  }
0x747: {  	v3 =	vld [tilespmem:s21+$0x10];
	_ =	sdelay $0x1  }
0x748: {  	v5 =	vld [tilespmem:s29+$0xA0]  }
0x749: {  	v1 =	vld.idx.msk [tilespmem:v1+s31+$0x0], $0xffff  }
0x74a: {  	v4 =	vld [tilespmem:s21+$0xFFFFFF10]  }
0x74b: {  	v6 =	vld [tilespmem:s29+$0xFFFFFF20];
	[tilespmem:s22+$0x10] =	vst v3  }
0x74c: {  	v3 =	vld [tilespmem:s21+$0xA0]  }
0x74d: {  	v2 =	vld.idx.msk [tilespmem:v2+s31+$0x0], $0xffff  }
0x74e: {  	v1 =	vmul.f32 v5, v1  }
0x74f: {  	[tilespmem:s22+$0xFFFFFF90] =	vst v4  }
0x750: {  	v4 =	vld [tilespmem:s21+$0xFFFFFFA0];
	[tilespmem:s30+$0xA0] =	vst v1  }
0x751: {  	v1 =	vld [tilespmem:s21+$0x120]  }
0x752: {  	v2 =	vmul.f32 v6, v2  }
0x753: {  	v7 =	vld [tilespmem:s29+$0x20]  }
0x754: {  	v3 =	vld.idx.msk [tilespmem:v3+s31+$0x0], $0xffff;
	[tilespmem:s30+$0xFFFFFF20] =	vst v2  }
0x755: {  	v2 =	vld [tilespmem:s21+$0xFFFFFE20]  }
0x756: {  	v5 =	vld [tilespmem:s29+$0xFFFFFFA0];
	[tilespmem:s22+$0xA0] =	vst v1  }
0x757: {  	v1 =	vld [tilespmem:s21+$0x1B0]  }
0x758: {  	v4 =	vld.idx.msk [tilespmem:v4+s31+$0x0], $0xffff  }
0x759: {  	v3 =	vmul.f32 v7, v3  }
0x75a: {  	[tilespmem:s22+$0xFFFFFF20] =	vst v2  }
0x75b: {  	v2 =	vld [tilespmem:s21+$0xFFFFFEB0];
	[tilespmem:s30+$0x20] =	vst v3  }
0x75c: {  	v3 =	vld [tilespmem:s21+$0x20]  }
0x75d: {  	v4 =	vmul.f32 v5, v4  }
0x75e: {  	v5 =	vld [tilespmem:s29+$0xB0]  }
0x75f: {  	[tilespmem:s30+$0xFFFFFFA0] =	vst v4;
	v1 =	vld.idx.msk [tilespmem:v1+s31+$0x0], $0xffff  }
0x760: {  	v4 =	vld [tilespmem:s21+$0xFFFFFF20]  }
0x761: {  	v6 =	vld [tilespmem:s29+$0xFFFFFF30];
	[tilespmem:s22+$0x20] =	vst v3  }
0x762: {  	v3 =	vld [tilespmem:s21+$0xB0]  }
0x763: {  	v2 =	vld.idx.msk [tilespmem:v2+s31+$0x0], $0xffff  }
0x764: {  	v1 =	vmul.f32 v5, v1  }
0x765: {  	[tilespmem:s22+$0xFFFFFFA0] =	vst v4  }
0x766: {  	v4 =	vld [tilespmem:s21+$0xFFFFFFB0];
	[tilespmem:s30+$0xB0] =	vst v1  }
0x767: {  	s23 =	simm.s32 $0x600;
	v1 =	vld [tilespmem:s21+$0x130]  }
0x768: {  	v9 =	vld [tilespmem:s23+$0xFFFFFE80];
	v2 =	vmul.f32 v6, v2  }
0x769: {  	v7 =	vld [tilespmem:s29+$0x30]  }
0x76a: {  	v3 =	vld.idx.msk [tilespmem:v3+s31+$0x0], $0xffff;
	[tilespmem:s30+$0xFFFFFF30] =	vst v2  }
0x76b: {  	v2 =	vld [tilespmem:s21+$0xFFFFFE30]  }
0x76c: {  	v5 =	vld [tilespmem:s29+$0xFFFFFFB0];
	[tilespmem:s22+$0xB0] =	vst v1  }
0x76d: {  	v1 =	vld [tilespmem:s21+$0x1C0]  }
0x76e: {  	v4 =	vld.idx.msk [tilespmem:v4+s31+$0x0], $0xffff  }
0x76f: {  	s25 =	simm.s32 $0x2300;
	v3 =	vmul.f32 v7, v3  }
0x770: {  	v12 =	vld [tilespmem:s25+$0xFFFFFF00];
	[tilespmem:s22+$0xFFFFFF30] =	vst v2  }
0x771: {  	v2 =	vld [tilespmem:s21+$0xFFFFFEC0];
	[tilespmem:s30+$0x30] =	vst v3  }
0x772: {  	v3 =	vld [tilespmem:s21+$0x30]  }
0x773: {  	v9 =	vld.idx.msk [tilespmem:v9+s31+$0x0], $0xffff;
	v4 =	vmul.f32 v5, v4  }
0x774: {  	v5 =	vld [tilespmem:s29+$0xC0]  }
0x775: {  	[tilespmem:s30+$0xFFFFFFB0] =	vst v4;
	v1 =	vld.idx.msk [tilespmem:v1+s31+$0x0], $0xffff  }
0x776: {  	v4 =	vld [tilespmem:s21+$0xFFFFFF30]  }
0x777: {  	v6 =	vld [tilespmem:s29+$0xFFFFFF40];
	[tilespmem:s22+$0x30] =	vst v3  }
0x778: {  	v3 =	vld [tilespmem:s21+$0xC0]  }
0x779: {  	v9 =	vmul.f32 v12, v9;
	v2 =	vld.idx.msk [tilespmem:v2+s31+$0x0], $0xffff  }
0x77a: {  	s24 =	simm.s32 $0x3300;
	v1 =	vmul.f32 v5, v1  }
0x77b: {  	[tilespmem:s24+$0xFFFFFF00] =	vst v9  }
0x77c: {  	v9 =	vld [tilespmem:s23+$0xFFFFFE00];
	[tilespmem:s30+$0xC0] =	vst v1  }
0x77d: {  	[tilespmem:s22+$0xFFFFFFB0] =	vst v4;
	v1 =	vld [tilespmem:s21+$0x140]  }
0x77e: {  	v4 =	vld [tilespmem:s21+$0xFFFFFFC0];
	v2 =	vmul.f32 v6, v2  }
0x77f: {  	v6 =	vld [tilespmem:s29+$0x40]  }
0x780: {  	[tilespmem:s30+$0xFFFFFF40] =	vst v2;
	v3 =	vld.idx.msk [tilespmem:v3+s31+$0x0], $0xffff  }
0x781: {  	v2 =	vld [tilespmem:s21+$0xFFFFFE40]  }
0x782: {  	v10 =	vld [tilespmem:s23+$0x80];
	[tilespmem:s22+$0xC0] =	vst v1  }
0x783: {  	v1 =	vld [tilespmem:s21+$0x1D0]  }
0x784: {  	s26 =	simm.s32 $0x4300;
	v11 =	vld [tilespmem:s25+$0x80]  }
0x785: {  	v41 =	vld [tilespmem:s25+$0xFFFFFF80];
	[tilespmem:s26+$0xFFFFFF00] =	vst v9  }
0x786: {  	[tilespmem:s22+$0xFFFFFF40] =	vst v2;
	v2 =	vmul.f32 v6, v3;
	v6 =	vld [tilespmem:s23+$0x180]  }
0x787: {  	v9 =	vld [tilespmem:s23+$0xFFFFFE90]  }
0x788: {  	v5 =	vld [tilespmem:s29+$0xFFFFFFC0]  }
0x789: {  	v4 =	vld.idx.msk [tilespmem:v4+s31+$0x0], $0xffff  }
0x78a: {  	[tilespmem:s30+$0x40] =	vst v2;
	v2 =	vld [tilespmem:s29+$0xD0]  }
0x78b: {  	v1 =	vld.idx.msk [tilespmem:v1+s31+$0x0], $0xffff  }
0x78c: {  	v13 =	vld [tilespmem:s25+$0x0]  }
0x78d: {  	v10 =	vld.idx.msk [tilespmem:v10+s31+$0x0], $0xffff  }
0x78e: {  	v6 =	vld.idx.msk [tilespmem:v6+s31+$0x0], $0xffff  }
0x78f: {  	v46 =	vld [tilespmem:s25+$0xFFFFFF10];
	v4 =	vmul.f32 v5, v4  }
0x790: {  	v1 =	vmul.f32 v2, v1;
	v2 =	vld [tilespmem:s23+$0xFFFFFF80]  }
0x791: {  	v9 =	vld.idx.msk [tilespmem:v9+s31+$0x0], $0xffff;
	[tilespmem:s30+$0xFFFFFFC0] =	vst v4  }
0x792: {  	v4 =	vld [tilespmem:s21+$0xFFFFFF40];
	[tilespmem:s30+$0xD0] =	vst v1  }
0x793: {  	v6 =	vmul.f32 v11, v6;
	v1 =	vld [tilespmem:s21+$0x150]  }
0x794: {  	v3 =	vld [tilespmem:s21+$0xFFFFFED0]  }
0x795: {  	v7 =	vld [tilespmem:s29+$0xFFFFFF50];
	[tilespmem:s24+$0x80] =	vst v6  }
0x796: {  	v6 =	vld [tilespmem:s23+$0x100]  }
0x797: {  	[tilespmem:s22+$0xFFFFFFC0] =	vst v4;
	v4 =	vld [tilespmem:s21+$0x40]  }
0x798: {  	[tilespmem:s22+$0xD0] =	vst v1;
	v2 =	vld.idx.msk [tilespmem:v2+s31+$0x0], $0xffff  }
0x799: {  	v1 =	vld [tilespmem:s21+$0x1E0]  }
0x79a: {  	v5 =	vld [tilespmem:s21+$0xFFFFFFD0]  }
0x79b: {  	v8 =	vld [tilespmem:s29+$0xFFFFFFD0];
	[tilespmem:s26+$0x80] =	vst v6;
	v6 =	vmul.f32 v13, v10  }
0x79c: {  	v3 =	vld.idx.msk [tilespmem:v3+s31+$0x0], $0xffff  }
0x79d: {  	v42 =	vld [tilespmem:s29+$0xE0];
	[tilespmem:s24+$0x0] =	vst v6;
	v2 =	vmul.f32 v41, v2  }
0x79e: {  	v6 =	vld [tilespmem:s23+$0x0]  }
0x79f: {  	[tilespmem:s24+$0xFFFFFF80] =	vst v2;
	v2 =	vld [tilespmem:s23+$0x190]  }
0x7a0: {  	v43 =	vld [tilespmem:s23+$0xFFFFFF00]  }
0x7a1: {  	[tilespmem:s22+$0x40] =	vst v4;
	v1 =	vld.idx.msk [tilespmem:v1+s31+$0x0], $0xffff  }
0x7a2: {  	v4 =	vld [tilespmem:s21+$0xD0]  }
0x7a3: {  	v44 =	vld [tilespmem:s29+$0x50];
	[tilespmem:s26+$0x0] =	vst v6  }
0x7a4: {  	v6 =	vld [tilespmem:s23+$0x90]  }
0x7a5: {  	v5 =	vld.idx.msk [tilespmem:v5+s31+$0x0], $0xffff;
	v3 =	vmul.f32 v7, v3;
	[tilespmem:s26+$0xFFFFFF80] =	vst v43  }
0x7a6: {  	v1 =	vmul.f32 v42, v1;
	v7 =	vld [tilespmem:s23+$0xFFFFFF90]  }
0x7a7: {  	[tilespmem:s30+$0xFFFFFF50] =	vst v3;
	v3 =	vld [tilespmem:s25+$0x90]  }
0x7a8: {  	v2 =	vld.idx.msk [tilespmem:v2+s31+$0x0], $0xffff;
	[tilespmem:s30+$0xE0] =	vst v1  }
0x7a9: {  	v1 =	vld [tilespmem:s21+$0x160]  }
0x7aa: {  	v45 =	vld [tilespmem:s21+$0xFFFFFE50]  }
0x7ab: {  	v4 =	vld.idx.msk [tilespmem:v4+s31+$0x0], $0xffff  }
0x7ac: {  	v6 =	vld.idx.msk [tilespmem:v6+s31+$0x0], $0xffff  }
0x7ad: {  	v2 =	vmul.f32 v3, v2;
	v3 =	vmul.f32 v8, v5;
	v5 =	vld [tilespmem:s25+$0xFFFFFF90]  }
0x7ae: {  	[tilespmem:s22+$0xE0] =	vst v1;
	v7 =	vld.idx.msk [tilespmem:v7+s31+$0x0], $0xffff  }
0x7af: {  	[tilespmem:s24+$0x90] =	vst v2;
	v1 =	vld [tilespmem:s21+$0x1F0]  }
0x7b0: {  	v8 =	vmul.f32 v46, v9;
	[tilespmem:s30+$0xFFFFFFD0] =	vst v3;
	v3 =	vld [tilespmem:s23+$0x110]  }
0x7b1: {  	v2 =	vmul.f32 v44, v4;
	v4 =	vld [tilespmem:s21+$0xFFFFFF50]  }
0x7b2: {  	[tilespmem:s24+$0xFFFFFF10] =	vst v8;
	v8 =	vld [tilespmem:s29+$0xF0]  }
0x7b3: {  	[tilespmem:s30+$0x50] =	vst v2;
	v2 =	vld [tilespmem:s25+$0x10]  }
0x7b4: {  	v47 =	vld [tilespmem:s21+$0x50];
	v5 =	vmul.f32 v5, v7  }
0x7b5: {  	v7 =	vld [tilespmem:s23+$0xFFFFFE10];
	[tilespmem:s26+$0x90] =	vst v3  }
0x7b6: {  	[tilespmem:s24+$0xFFFFFF90] =	vst v5;
	v3 =	vld [tilespmem:s23+$0x1A0]  }
0x7b7: {  	[tilespmem:s22+$0xFFFFFF50] =	vst v45;
	v5 =	vld [tilespmem:s23+$0xFFFFFF10]  }
0x7b8: {  	v2 =	vmul.f32 v2, v6;
	v6 =	vld [tilespmem:s21+$0xFFFFFEE0]  }
0x7b9: {  	[tilespmem:s22+$0xFFFFFFD0] =	vst v4;
	v4 =	vld [tilespmem:s25+$0xA0]  }
0x7ba: {  	v48 =	vld [tilespmem:s21+$0xFFFFFFE0];
	[tilespmem:s26+$0xFFFFFF10] =	vst v7  }
0x7bb: {  	[tilespmem:s24+$0x10] =	vst v2;
	v7 =	vld [tilespmem:s23+$0xFFFFFEA0]  }
0x7bc: {  	v2 =	vld [tilespmem:s23+$0x10];
	[tilespmem:s26+$0xFFFFFF90] =	vst v5  }
0x7bd: {  	v5 =	vld [tilespmem:s23+$0xFFFFFFA0]  }
0x7be: {  	v3 =	vld.idx.msk [tilespmem:v3+s31+$0x0], $0xffff  }
0x7bf: {  	v1 =	vld.idx.msk [tilespmem:v1+s31+$0x0], $0xffff  }
0x7c0: {  	v53 =	vld [tilespmem:s29+$0xFFFFFFE0]  }
0x7c1: {  	v50 =	vld [tilespmem:s25+$0xFFFFFF20];
	[tilespmem:s26+$0x10] =	vst v2  }
0x7c2: {  	v2 =	vld [tilespmem:s23+$0xA0]  }
0x7c3: {  	v7 =	vld.idx.msk [tilespmem:v7+s31+$0x0], $0xffff;
	v3 =	vmul.f32 v4, v3  }
0x7c4: {  	[tilespmem:s22+$0x50] =	vst v47;
	v1 =	vmul.f32 v8, v1;
	v4 =	vld [tilespmem:s25+$0xFFFFFFA0]  }
0x7c5: {  	v5 =	vld.idx.msk [tilespmem:v5+s31+$0x0], $0xffff;
	[tilespmem:s24+$0xA0] =	vst v3  }
0x7c6: {  	[tilespmem:s30+$0xF0] =	vst v1;
	v1 =	vld [tilespmem:s23+$0x120]  }
0x7c7: {  	v49 =	vld [tilespmem:s21+$0xE0]  }
0x7c8: {  	v54 =	vld [tilespmem:s29+$0x60];
	v7 =	vmul.f32 v50, v7  }
0x7c9: {  	v8 =	vld [tilespmem:s25+$0x20]  }
0x7ca: {  	v2 =	vld.idx.msk [tilespmem:v2+s31+$0x0], $0xffff;
	[tilespmem:s24+$0xFFFFFF20] =	vst v7;
	v4 =	vmul.f32 v4, v5  }
0x7cb: {  	v5 =	vld [tilespmem:s23+$0xFFFFFE20];
	[tilespmem:s26+$0xA0] =	vst v1  }
0x7cc: {  	[tilespmem:s24+$0xFFFFFFA0] =	vst v4;
	v1 =	vld [tilespmem:s23+$0x1B0]  }
0x7cd: {  	v4 =	vld [tilespmem:s23+$0xFFFFFF20]  }
0x7ce: {  	v6 =	vld.idx.msk [tilespmem:v6+s31+$0x0], $0xffff  }
0x7cf: {  	v51 =	vld.idx.msk [tilespmem:v49+s31+$0x0], $0xffff;
	v2 =	vmul.f32 v8, v2  }
0x7d0: {  	v52 =	vld [tilespmem:s25+$0xB0];
	[tilespmem:s26+$0xFFFFFF20] =	vst v5  }
0x7d1: {  	[tilespmem:s24+$0x20] =	vst v2;
	v5 =	vld [tilespmem:s23+$0xFFFFFEB0]  }
0x7d2: {  	v2 =	vld [tilespmem:s23+$0x20];
	[tilespmem:s26+$0xFFFFFFA0] =	vst v4  }
0x7d3: {  	v4 =	vld [tilespmem:s23+$0xFFFFFFB0]  }
0x7d4: {  	v1 =	vld.idx.msk [tilespmem:v1+s31+$0x0], $0xffff  }
0x7d5: {  	v7 =	vld.idx.msk [tilespmem:v48+s31+$0x0], $0xffff  }
0x7d6: {  	v8 =	vld [tilespmem:s29+$0xFFFFFF60]  }
0x7d7: {  	v55 =	vld [tilespmem:s25+$0xFFFFFF30];
	[tilespmem:s26+$0x20] =	vst v2  }
0x7d8: {  	v2 =	vld [tilespmem:s23+$0xB0]  }
0x7d9: {  	v5 =	vld.idx.msk [tilespmem:v5+s31+$0x0], $0xffff;
	v1 =	vmul.f32 v52, v1  }
0x7da: {  	v56 =	vld [tilespmem:s25+$0xFFFFFFB0]  }
0x7db: {  	[tilespmem:s24+$0xB0] =	vst v1;
	v1 =	vld.idx.msk [tilespmem:v4+s31+$0x0], $0xffff  }
0x7dc: {  	v6 =	vmul.f32 v8, v6;
	v4 =	vmul.f32 v53, v7;
	v7 =	vld [tilespmem:s23+$0x130]  }
0x7dd: {  	v3 =	vld [tilespmem:s21+$0x170]  }
0x7de: {  	[tilespmem:s30+$0xFFFFFF60] =	vst v6;
	v6 =	vld [tilespmem:s25+$0x30];
	v5 =	vmul.f32 v55, v5  }
0x7df: {  	[tilespmem:s30+$0xFFFFFFE0] =	vst v4;
	v4 =	vld [tilespmem:s21+$0xFFFFFE60]  }
0x7e0: {  	v2 =	vld.idx.msk [tilespmem:v2+s31+$0x0], $0xffff;
	[tilespmem:s24+$0xFFFFFF30] =	vst v5;
	v5 =	vmul.f32 v54, v51  }
0x7e1: {  	v8 =	vld [tilespmem:s21+$0xFFFFFF60];
	v1 =	vmul.f32 v56, v1;
	[tilespmem:s26+$0xB0] =	vst v7  }
0x7e2: {  	v57 =	vld [tilespmem:s23+$0xFFFFFE30];
	[tilespmem:s30+$0x60] =	vst v5  }
0x7e3: {  	[tilespmem:s24+$0xFFFFFFB0] =	vst v1;
	v1 =	vld [tilespmem:s23+$0x1C0]  }
0x7e4: {  	v7 =	vld [tilespmem:s21+$0x60]  }
0x7e5: {  	[tilespmem:s22+$0xFFFFFF60] =	vst v4;
	v5 =	vld [tilespmem:s23+$0xFFFFFF30]  }
0x7e6: {  	v2 =	vmul.f32 v6, v2;
	v4 =	vld [tilespmem:s21+$0xFFFFFEF0]  }
0x7e7: {  	[tilespmem:s22+$0xFFFFFFE0] =	vst v8;
	v62 =	vld [tilespmem:s29+$0xFFFFFF70]  }
0x7e8: {  	v6 =	vld [tilespmem:s21+$0xFFFFFFF0];
	[tilespmem:s24+$0x30] =	vst v2  }
0x7e9: {  	[tilespmem:s26+$0xFFFFFF30] =	vst v57;
	v2 =	vld [tilespmem:s23+$0x30]  }
0x7ea: {  	v8 =	vld [tilespmem:s23+$0xFFFFFEC0];
	[tilespmem:s22+$0x60] =	vst v7  }
0x7eb: {  	v7 =	vld [tilespmem:s25+$0xC0];
	[tilespmem:s26+$0xFFFFFFB0] =	vst v5  }
0x7ec: {  	v5 =	vld [tilespmem:s23+$0xFFFFFFC0]  }
0x7ed: {  	v1 =	vld.idx.msk [tilespmem:v1+s31+$0x0], $0xffff  }
0x7ee: {  	v63 =	vld [tilespmem:s29+$0xFFFFFFF0]  }
0x7ef: {  	v59 =	vld [tilespmem:s25+$0xFFFFFF40];
	[tilespmem:s26+$0x30] =	vst v2  }
0x7f0: {  	v2 =	vld [tilespmem:s23+$0xC0]  }
0x7f1: {  	v58 =	vld [tilespmem:s21+$0xF0]  }
0x7f2: {  	v8 =	vld.idx.msk [tilespmem:v8+s31+$0x0], $0xffff;
	v1 =	vmul.f32 v7, v1  }
0x7f3: {  	v60 =	vld [tilespmem:s25+$0xFFFFFFC0]  }
0x7f4: {  	v5 =	vld.idx.msk [tilespmem:v5+s31+$0x0], $0xffff;
	[tilespmem:s24+$0xC0] =	vst v1  }
0x7f5: {  	v1 =	vld [tilespmem:s23+$0x140]  }
0x7f6: {  	v4 =	vld.idx.msk [tilespmem:v4+s31+$0x0], $0xffff  }
0x7f7: {  	v7 =	vld [tilespmem:s25+$0x40];
	v8 =	vmul.f32 v59, v8  }
0x7f8: {  	v2 =	vld.idx.msk [tilespmem:v2+s31+$0x0], $0xffff  }
0x7f9: {  	v6 =	vld.idx.msk [tilespmem:v6+s31+$0x0], $0xffff;
	[tilespmem:s24+$0xFFFFFF40] =	vst v8;
	v5 =	vmul.f32 v60, v5  }
0x7fa: {  	v8 =	vld [tilespmem:s23+$0xFFFFFE40];
	[tilespmem:s26+$0xC0] =	vst v1  }
0x7fb: {  	[tilespmem:s24+$0xFFFFFFC0] =	vst v5;
	v5 =	vld [tilespmem:s23+$0x1D0]  }
0x7fc: {  	v9 =	vld.idx.msk [tilespmem:v58+s31+$0x0], $0xffff  }
0x7fd: {  	v2 =	vmul.f32 v7, v2;
	v7 =	vld [tilespmem:s29+$0x70]  }
0x7fe: {  	[tilespmem:s22+$0xF0] =	vst v3;
	v61 =	vld [tilespmem:s23+$0xFFFFFF40]  }
0x7ff: {  	v3 =	vmul.f32 v63, v6;
	v6 =	vld [tilespmem:s25+$0xD0];
	[tilespmem:s24+$0x40] =	vst v2  }
0x800: {  	[tilespmem:s26+$0xFFFFFF40] =	vst v8;
	v8 =	vld [tilespmem:s23+$0x40]  }
0x801: {  	v1 =	vld [tilespmem:s23+$0xFFFFFED0]  }
0x802: {  	v4 =	vmul.f32 v62, v4;
	[tilespmem:s30+$0xFFFFFFF0] =	vst v3;
	v3 =	vld [tilespmem:s25+$0xFFFFFF50]  }
0x803: {  	[tilespmem:s26+$0xFFFFFFC0] =	vst v61;
	v5 =	vld.idx.msk [tilespmem:v5+s31+$0x0], $0xffff  }
0x804: {  	[tilespmem:s30+$0xFFFFFF70] =	vst v4;
	v7 =	vmul.f32 v7, v9;
	v2 =	vld [tilespmem:s23+$0xFFFFFFD0]  }
0x805: {  	s18 =	simm.s32 $0xA00;
	s20 =	simm.s32 $0x2300;
	v4 =	vld [tilespmem:s25+$0xFFFFFFD0];
	[tilespmem:s26+$0x40] =	vst v8  }
0x806: {  	s28 =	simm.s32 $0x4300;
	s12 =	simm.s32 $0x3300;
	s17 =	simm.s32 $0x4;
	[tilespmem:s30+$0x70] =	vst v7;
	v7 =	vld [tilespmem:s23+$0xD0]  }
.LBB2_14:
0x807: {  	v8 =	vld [tilespmem:s18+$0x180];
	s17 =	sadd.s32 $0x4, s17  }
0x808: {  	v9 =	vld [tilespmem:s18+$0xFFFFFF80];
	p1 =	slt.u32 s17, $0x8;
	v5 =	vmul.f32 v6, v5  }
0x809: {  	v6 =	vld [tilespmem:s18+$0x80]  }
0x80a: {  	v10 =	vld [tilespmem:s18+$0xFFFFFE80];
	[tilespmem:s24+$0xD0] =	vst v5  }
0x80b: {  	v5 =	vld [tilespmem:s23+$0x150]  }
0x80c: {  	v1 =	vld.idx.msk [tilespmem:v1+s31+$0x0], $0xffff  }
0x80d: {  	v2 =	vld.idx.msk [tilespmem:v2+s31+$0x0], $0xffff  }
0x80e: {  	v7 =	vld.idx.msk [tilespmem:v7+s31+$0x0], $0xffff  }
0x80f: {  	s25 =	sadd.s32 $0x200, s25;
	v8 =	vld.idx.msk [tilespmem:v8+s31+$0x0], $0xffff  }
0x810: {  	v11 =	vld [tilespmem:s25+$0x80];
	[tilespmem:s26+$0xD0] =	vst v5  }
0x811: {  	v5 =	vld [tilespmem:s23+$0x1E0]  }
0x812: {  	v1 =	vmul.f32 v3, v1;
	v10 =	vld.idx.msk [tilespmem:v10+s31+$0x0], $0xffff  }
0x813: {  	v2 =	vmul.f32 v4, v2;
	v3 =	vld.idx.msk [tilespmem:v9+s31+$0x0], $0xffff  }
0x814: {  	v4 =	vld.idx.msk [tilespmem:v6+s31+$0x0], $0xffff;
	[tilespmem:s24+$0xFFFFFF50] =	vst v1  }
0x815: {  	v1 =	vld [tilespmem:s25+$0xFFFFFF00];
	v6 =	vmul.f32 v11, v8;
	[tilespmem:s24+$0xFFFFFFD0] =	vst v2  }
0x816: {  	s24 =	sadd.s32 $0x200, s24;
	v2 =	vld [tilespmem:s25+$0xFFFFFF80]  }
0x817: {  	v8 =	vld [tilespmem:s25+$0x0];
	[tilespmem:s24+$0x80] =	vst v6  }
0x818: {  	v6 =	vld [tilespmem:s18+$0x100]  }
0x819: {  	v5 =	vld.idx.msk [tilespmem:v5+s31+$0x0], $0xffff  }
0x81a: {  	v1 =	vmul.f32 v1, v10;
	v9 =	vld [tilespmem:s20+$0xE0]  }
0x81b: {  	v2 =	vmul.f32 v2, v3;
	v3 =	vld [tilespmem:s20+$0x50]  }
0x81c: {  	s26 =	sadd.s32 $0x200, s26;
	[tilespmem:s24+$0xFFFFFF00] =	vst v1;
	v1 =	vmul.f32 v8, v4;
	v4 =	vld [tilespmem:s23+$0xFFFFFE50]  }
0x81d: {  	v8 =	vld [tilespmem:s18+$0xFFFFFE00];
	[tilespmem:s26+$0x80] =	vst v6  }
0x81e: {  	[tilespmem:s24+$0xFFFFFF80] =	vst v2;
	v2 =	vld [tilespmem:s18+$0x190]  }
0x81f: {  	v6 =	vld [tilespmem:s18+$0xFFFFFF00];
	[tilespmem:s24+$0x0] =	vst v1;
	v1 =	vmul.f32 v9, v5  }
0x820: {  	v5 =	vld [tilespmem:s18+$0x0];
	v3 =	vmul.f32 v3, v7  }
0x821: {  	v7 =	vld [tilespmem:s23+$0xFFFFFF50];
	[tilespmem:s12+$0xE0] =	vst v1  }
0x822: {  	[tilespmem:s26+$0xFFFFFF00] =	vst v8;
	v1 =	vld [tilespmem:s23+$0x160]  }
0x823: {  	v8 =	vld [tilespmem:s18+$0xFFFFFE90];
	[tilespmem:s12+$0x50] =	vst v3  }
0x824: {  	v3 =	vld [tilespmem:s25+$0xFFFFFF10];
	[tilespmem:s26+$0xFFFFFF80] =	vst v6  }
0x825: {  	v6 =	vld [tilespmem:s18+$0xFFFFFF90];
	[tilespmem:s26+$0x0] =	vst v5  }
0x826: {  	v2 =	vld.idx.msk [tilespmem:v2+s31+$0x0], $0xffff;
	[tilespmem:s28+$0xFFFFFF50] =	vst v4  }
0x827: {  	v4 =	vld [tilespmem:s25+$0x90];
	[tilespmem:s28+$0xE0] =	vst v1  }
0x828: {  	[tilespmem:s28+$0xFFFFFFD0] =	vst v7;
	v1 =	vld [tilespmem:s23+$0x1F0]  }
0x829: {  	v5 =	vld [tilespmem:s18+$0x90]  }
0x82a: {  	v7 =	vld [tilespmem:s25+$0xFFFFFF90]  }
0x82b: {  	v8 =	vld.idx.msk [tilespmem:v8+s31+$0x0], $0xffff  }
0x82c: {  	v9 =	vld [tilespmem:s25+$0x10];
	v2 =	vmul.f32 v4, v2  }
0x82d: {  	v4 =	vld.idx.msk [tilespmem:v6+s31+$0x0], $0xffff  }
0x82e: {  	[tilespmem:s24+$0x90] =	vst v2;
	v2 =	vld [tilespmem:s23+$0x50]  }
0x82f: {  	v6 =	vld [tilespmem:s18+$0x110]  }
0x830: {  	v1 =	vld.idx.msk [tilespmem:v1+s31+$0x0], $0xffff  }
0x831: {  	v3 =	vmul.f32 v3, v8;
	v8 =	vld [tilespmem:s20+$0xF0]  }
0x832: {  	v5 =	vld.idx.msk [tilespmem:v5+s31+$0x0], $0xffff  }
0x833: {  	[tilespmem:s24+$0xFFFFFF10] =	vst v3;
	v3 =	vmul.f32 v7, v4;
	v4 =	vld [tilespmem:s23+$0xFFFFFEE0]  }
0x834: {  	v7 =	vld [tilespmem:s18+$0xFFFFFE10];
	[tilespmem:s26+$0x90] =	vst v6  }
0x835: {  	[tilespmem:s24+$0xFFFFFF90] =	vst v3;
	v3 =	vld [tilespmem:s18+$0x1A0]  }
0x836: {  	v6 =	vld [tilespmem:s18+$0xFFFFFF10];
	[tilespmem:s28+$0x50] =	vst v2;
	v1 =	vmul.f32 v8, v1  }
0x837: {  	v2 =	vld [tilespmem:s23+$0xFFFFFFE0]  }
0x838: {  	v5 =	vmul.f32 v9, v5;
	v8 =	vld [tilespmem:s23+$0xE0];
	[tilespmem:s12+$0xF0] =	vst v1  }
0x839: {  	[tilespmem:s26+$0xFFFFFF10] =	vst v7;
	v1 =	vld [tilespmem:s23+$0x170]  }
0x83a: {  	v7 =	vld [tilespmem:s18+$0xFFFFFEA0];
	[tilespmem:s24+$0x10] =	vst v5  }
0x83b: {  	[tilespmem:s26+$0xFFFFFF90] =	vst v6;
	v5 =	vld [tilespmem:s18+$0x10]  }
0x83c: {  	v6 =	vld [tilespmem:s18+$0xFFFFFFA0]  }
0x83d: {  	v3 =	vld.idx.msk [tilespmem:v3+s31+$0x0], $0xffff  }
0x83e: {  	v9 =	vld [tilespmem:s25+$0xA0];
	[tilespmem:s28+$0xF0] =	vst v1  }
0x83f: {  	v1 =	vld [tilespmem:s25+$0xFFFFFF20]  }
0x840: {  	v10 =	vld [tilespmem:s25+$0xFFFFFFA0];
	[tilespmem:s26+$0x10] =	vst v5  }
0x841: {  	v5 =	vld [tilespmem:s18+$0xA0]  }
0x842: {  	v7 =	vld.idx.msk [tilespmem:v7+s31+$0x0], $0xffff  }
0x843: {  	v11 =	vld [tilespmem:s25+$0x20];
	v3 =	vmul.f32 v9, v3  }
0x844: {  	v6 =	vld.idx.msk [tilespmem:v6+s31+$0x0], $0xffff  }
0x845: {  	[tilespmem:s24+$0xA0] =	vst v3;
	v3 =	vld.idx.msk [tilespmem:v4+s31+$0x0], $0xffff  }
0x846: {  	v4 =	vld [tilespmem:s18+$0x120]  }
0x847: {  	v2 =	vld.idx.msk [tilespmem:v2+s31+$0x0], $0xffff  }
0x848: {  	v1 =	vmul.f32 v1, v7;
	v7 =	vld.idx.msk [tilespmem:v8+s31+$0x0], $0xffff  }
0x849: {  	v5 =	vld.idx.msk [tilespmem:v5+s31+$0x0], $0xffff  }
0x84a: {  	[tilespmem:s24+$0xFFFFFF20] =	vst v1;
	v1 =	vmul.f32 v10, v6;
	v6 =	vld [tilespmem:s20+$0xFFFFFF60]  }
0x84b: {  	v8 =	vld [tilespmem:s18+$0xFFFFFE20];
	[tilespmem:s26+$0xA0] =	vst v4  }
0x84c: {  	[tilespmem:s24+$0xFFFFFFA0] =	vst v1;
	v1 =	vld [tilespmem:s18+$0x1B0]  }
0x84d: {  	v4 =	vld [tilespmem:s18+$0xFFFFFF20]  }
0x84e: {  	v9 =	vld [tilespmem:s20+$0xFFFFFFE0]  }
0x84f: {  	v5 =	vmul.f32 v11, v5;
	v3 =	vmul.f32 v6, v3;
	v6 =	vld [tilespmem:s20+$0x60]  }
0x850: {  	[tilespmem:s26+$0xFFFFFF20] =	vst v8;
	v8 =	vld [tilespmem:s21+$0xFFFFFE70]  }
0x851: {  	v10 =	vld [tilespmem:s18+$0xFFFFFEB0];
	[tilespmem:s24+$0x20] =	vst v5  }
0x852: {  	[tilespmem:s26+$0xFFFFFFA0] =	vst v4;
	v4 =	vld [tilespmem:s18+$0x20]  }
0x853: {  	v5 =	vld [tilespmem:s18+$0xFFFFFFB0];
	[tilespmem:s12+$0xFFFFFF60] =	vst v3;
	v2 =	vmul.f32 v9, v2  }
0x854: {  	v1 =	vld.idx.msk [tilespmem:v1+s31+$0x0], $0xffff;
	v3 =	vmul.f32 v6, v7  }
0x855: {  	v6 =	vld [tilespmem:s25+$0xB0];
	[tilespmem:s12+$0xFFFFFFE0] =	vst v2  }
0x856: {  	v2 =	vld [tilespmem:s25+$0xFFFFFF30];
	[tilespmem:s12+$0x60] =	vst v3  }
0x857: {  	v3 =	vld [tilespmem:s25+$0xFFFFFFB0];
	[tilespmem:s26+$0x20] =	vst v4  }
0x858: {  	v4 =	vld [tilespmem:s18+$0xB0];
	[tilespmem:s22+$0xFFFFFF70] =	vst v8  }
0x859: {  	v7 =	vld.idx.msk [tilespmem:v10+s31+$0x0], $0xffff  }
0x85a: {  	v8 =	vld [tilespmem:s25+$0x30];
	v1 =	vmul.f32 v6, v1  }
0x85b: {  	v5 =	vld.idx.msk [tilespmem:v5+s31+$0x0], $0xffff  }
0x85c: {  	[tilespmem:s24+$0xB0] =	vst v1;
	v1 =	vld [tilespmem:s23+$0xFFFFFE60]  }
0x85d: {  	v6 =	vld [tilespmem:s18+$0x130]  }
0x85e: {  	v9 =	vld [tilespmem:s23+$0xFFFFFF60]  }
0x85f: {  	v2 =	vmul.f32 v2, v7;
	v7 =	vld [tilespmem:s23+$0x60]  }
0x860: {  	v4 =	vld.idx.msk [tilespmem:v4+s31+$0x0], $0xffff  }
0x861: {  	[tilespmem:s24+$0xFFFFFF30] =	vst v2;
	v2 =	vmul.f32 v3, v5;
	v3 =	vld [tilespmem:s21+$0xFFFFFF70]  }
0x862: {  	v5 =	vld [tilespmem:s18+$0xFFFFFE30];
	[tilespmem:s26+$0xB0] =	vst v6  }
0x863: {  	[tilespmem:s24+$0xFFFFFFB0] =	vst v2;
	v2 =	vld [tilespmem:s18+$0x1C0]  }
0x864: {  	v6 =	vld [tilespmem:s18+$0xFFFFFF30];
	[tilespmem:s28+$0xFFFFFF60] =	vst v1  }
0x865: {  	v1 =	vld [tilespmem:s23+$0xFFFFFEF0];
	[tilespmem:s28+$0xFFFFFFE0] =	vst v9  }
0x866: {  	v4 =	vmul.f32 v8, v4;
	v8 =	vld [tilespmem:s23+$0xFFFFFFF0];
	[tilespmem:s28+$0x60] =	vst v7  }
0x867: {  	[tilespmem:s26+$0xFFFFFF30] =	vst v5;
	v5 =	vld [tilespmem:s23+$0xF0]  }
0x868: {  	v7 =	vld [tilespmem:s18+$0xFFFFFEC0];
	[tilespmem:s24+$0x30] =	vst v4  }
0x869: {  	[tilespmem:s26+$0xFFFFFFB0] =	vst v6;
	v4 =	vld [tilespmem:s18+$0x30]  }
0x86a: {  	v6 =	vld [tilespmem:s18+$0xFFFFFFC0];
	[tilespmem:s22+$0xFFFFFFF0] =	vst v3  }
0x86b: {  	v2 =	vld.idx.msk [tilespmem:v2+s31+$0x0], $0xffff  }
0x86c: {  	v3 =	vld [tilespmem:s25+$0xC0]  }
0x86d: {  	v9 =	vld [tilespmem:s25+$0xFFFFFF40]  }
0x86e: {  	v10 =	vld [tilespmem:s25+$0xFFFFFFC0];
	[tilespmem:s26+$0x30] =	vst v4  }
0x86f: {  	v4 =	vld [tilespmem:s18+$0xC0]  }
0x870: {  	v7 =	vld.idx.msk [tilespmem:v7+s31+$0x0], $0xffff  }
0x871: {  	v11 =	vld [tilespmem:s25+$0x40];
	v2 =	vmul.f32 v3, v2  }
0x872: {  	v3 =	vld.idx.msk [tilespmem:v6+s31+$0x0], $0xffff  }
0x873: {  	[tilespmem:s24+$0xC0] =	vst v2;
	v1 =	vld.idx.msk [tilespmem:v1+s31+$0x0], $0xffff  }
0x874: {  	v2 =	vld [tilespmem:s18+$0x140]  }
0x875: {  	v6 =	vld.idx.msk [tilespmem:v8+s31+$0x0], $0xffff  }
0x876: {  	v7 =	vmul.f32 v9, v7;
	v8 =	vld.idx.msk [tilespmem:v5+s31+$0x0], $0xffff  }
0x877: {  	v4 =	vld.idx.msk [tilespmem:v4+s31+$0x0], $0xffff  }
0x878: {  	v3 =	vmul.f32 v10, v3;
	[tilespmem:s24+$0xFFFFFF40] =	vst v7;
	v5 =	vld [tilespmem:s20+$0xFFFFFF70]  }
0x879: {  	v7 =	vld [tilespmem:s18+$0xFFFFFE40];
	[tilespmem:s26+$0xC0] =	vst v2  }
0x87a: {  	[tilespmem:s24+$0xFFFFFFC0] =	vst v3;
	v3 =	vld [tilespmem:s18+$0x1D0]  }
0x87b: {  	v2 =	vld [tilespmem:s18+$0xFFFFFF40]  }
0x87c: {  	v9 =	vld [tilespmem:s20+$0xFFFFFFF0]  }
0x87d: {  	v4 =	vmul.f32 v11, v4;
	v5 =	vmul.f32 v5, v1;
	v10 =	vld [tilespmem:s20+$0x70];
	s20 =	smov.u32 s25  }
0x87e: {  	[tilespmem:s26+$0xFFFFFF40] =	vst v7;
	v11 =	vld [tilespmem:s21+$0x70];
	s21 =	smov.u32 s23;
	s23 =	smov.u32 s18  }
0x87f: {  	v1 =	vld [tilespmem:s18+$0xFFFFFED0];
	[tilespmem:s24+$0x40] =	vst v4  }
0x880: {  	[tilespmem:s26+$0xFFFFFFC0] =	vst v2;
	v7 =	vld [tilespmem:s18+$0x40]  }
0x881: {  	v2 =	vld [tilespmem:s18+$0xFFFFFFD0];
	[tilespmem:s12+$0xFFFFFF70] =	vst v5;
	v4 =	vmul.f32 v9, v6  }
.Ltmp6:
0x882: {  	v5 =	vld.idx.msk [tilespmem:v3+s31+$0x0], $0xffff;
	v8 =	vmul.f32 v10, v8;
	(pc) =	sbr.rel @p1 .LBB2_14-.Ltmp6, $4  }
0x883: {  	v6 =	vld [tilespmem:s25+$0xD0];
	[tilespmem:s12+$0xFFFFFFF0] =	vst v4  }
0x884: {  	v3 =	vld [tilespmem:s25+$0xFFFFFF50];
	[tilespmem:s12+$0x70] =	vst v8;
	s12 =	smov.u32 s24  }
0x885: {  	v4 =	vld [tilespmem:s25+$0xFFFFFFD0];
	[tilespmem:s26+$0x40] =	vst v7  }
0x886: {  	s18 =	sadd.s32 $0x400, s18;
	v7 =	vld [tilespmem:s23+$0xD0];
	[tilespmem:s22+$0x70] =	vst v11;
	s22 =	smov.u32 s28;
	s28 =	smov.u32 s26  }
0x887: {  	_ =	sdelay $0x4  }
0x888: {  	v1 =	vld.idx.msk [tilespmem:v1+s31+$0x0], $0xffff  }
0x889: {  	v2 =	vld.idx.msk [tilespmem:v2+s31+$0x0], $0xffff  }
0x88a: {  	v51 =	vld [tilespmem:s20+$0x50]  }
0x88b: {  	v50 =	vld.idx.msk [tilespmem:v7+s31+$0x0], $0xffff  }
0x88c: {  	v5 =	vmul.f32 v6, v5;
	_ =	sdelay $0x1  }
0x88d: {  	[tilespmem:s24+$0xD0] =	vst v5;
	v1 =	vmul.f32 v3, v1  }
0x88e: {  	v5 =	vld [tilespmem:s23+$0x150];
	v2 =	vmul.f32 v4, v2  }
0x88f: {  	[tilespmem:s24+$0xFFFFFF50] =	vst v1;
	v1 =	vmul.f32 v51, v50  }
0x890: {  	[tilespmem:s24+$0xFFFFFFD0] =	vst v2;
	v2 =	vld [tilespmem:s23+$0xFFFFFE50]  }
0x891: {  	v3 =	vld [tilespmem:s23+$0xFFFFFF50];
	[tilespmem:s12+$0x50] =	vst v1  }
0x892: {  	v1 =	vld [tilespmem:s23+$0x50]  }
0x893: {  	[tilespmem:s26+$0xD0] =	vst v5  }
0x894: {  	v5 =	vld [tilespmem:s23+$0x1E0]  }
0x895: {  	[tilespmem:s28+$0xFFFFFF50] =	vst v2  }
0x896: {  	[tilespmem:s28+$0xFFFFFFD0] =	vst v3;
	v2 =	vld [tilespmem:s23+$0xFFFFFEE0]  }
0x897: {  	[tilespmem:s28+$0x50] =	vst v1;
	v1 =	vld [tilespmem:s23+$0xFFFFFFE0]  }
0x898: {  	v3 =	vld [tilespmem:s23+$0xE0]  }
0x899: {  	v53 =	vld [tilespmem:s20+$0xE0]  }
0x89a: {  	v54 =	vld [tilespmem:s20+$0xFFFFFF60]  }
0x89b: {  	v55 =	vld [tilespmem:s20+$0xFFFFFFE0]  }
0x89c: {  	v52 =	vld.idx.msk [tilespmem:v5+s31+$0x0], $0xffff  }
0x89d: {  	v56 =	vld [tilespmem:s20+$0x60]  }
0x89e: {  	v2 =	vld.idx.msk [tilespmem:v2+s31+$0x0], $0xffff  }
0x89f: {  	v1 =	vld.idx.msk [tilespmem:v1+s31+$0x0], $0xffff  }
0x8a0: {  	v3 =	vld.idx.msk [tilespmem:v3+s31+$0x0], $0xffff  }
0x8a1: {  	v4 =	vmul.f32 v53, v52;
	_ =	sdelay $0x1  }
0x8a2: {  	[tilespmem:s12+$0xE0] =	vst v4;
	v2 =	vmul.f32 v54, v2  }
0x8a3: {  	v4 =	vld [tilespmem:s23+$0x160];
	v1 =	vmul.f32 v55, v1  }
0x8a4: {  	[tilespmem:s12+$0xFFFFFF60] =	vst v2;
	v2 =	vmul.f32 v56, v3  }
0x8a5: {  	[tilespmem:s12+$0xFFFFFFE0] =	vst v1;
	v1 =	vld [tilespmem:s23+$0xFFFFFE60]  }
0x8a6: {  	[tilespmem:s12+$0x60] =	vst v2;
	v2 =	vld [tilespmem:s23+$0xFFFFFF60]  }
0x8a7: {  	v3 =	vld [tilespmem:s23+$0x60]  }
0x8a8: {  	[tilespmem:s28+$0xE0] =	vst v4  }
0x8a9: {  	v4 =	vld [tilespmem:s23+$0x1F0]  }
0x8aa: {  	v61 =	vld [tilespmem:s21+$0xFFFFFE70];
	[tilespmem:s28+$0xFFFFFF60] =	vst v1  }
0x8ab: {  	v1 =	vld [tilespmem:s23+$0xFFFFFEF0];
	[tilespmem:s28+$0xFFFFFFE0] =	vst v2  }
0x8ac: {  	v2 =	vld [tilespmem:s23+$0xFFFFFFF0];
	[tilespmem:s28+$0x60] =	vst v3  }
0x8ad: {  	v3 =	vld [tilespmem:s23+$0xF0]  }
0x8ae: {  	v57 =	vld [tilespmem:s20+$0xF0]  }
0x8af: {  	v58 =	vld [tilespmem:s20+$0xFFFFFF70]  }
0x8b0: {  	v59 =	vld [tilespmem:s20+$0xFFFFFFF0]  }
0x8b1: {  	v4 =	vld.idx.msk [tilespmem:v4+s31+$0x0], $0xffff  }
0x8b2: {  	v60 =	vld [tilespmem:s20+$0x70]  }
0x8b3: {  	v1 =	vld.idx.msk [tilespmem:v1+s31+$0x0], $0xffff  }
0x8b4: {  	v2 =	vld.idx.msk [tilespmem:v2+s31+$0x0], $0xffff  }
0x8b5: {  	v3 =	vld.idx.msk [tilespmem:v3+s31+$0x0], $0xffff;
	_ =	sdelay $0x1  }
0x8b6: {  	v4 =	vmul.f32 v57, v4  }
0x8b7: {  	v62 =	vld [tilespmem:s21+$0xFFFFFF70];
	[tilespmem:s22+$0xFFFFFF70] =	vst v61;
	v1 =	vmul.f32 v58, v1  }
0x8b8: {  	v63 =	vld [tilespmem:s21+$0x70];
	[tilespmem:s12+$0xF0] =	vst v4;
	v2 =	vmul.f32 v59, v2  }
0x8b9: {  	v4 =	vld [tilespmem:s23+$0x170];
	[tilespmem:s12+$0xFFFFFF70] =	vst v1;
	v1 =	vmul.f32 v60, v3  }
0x8ba: {  	[tilespmem:s12+$0xFFFFFFF0] =	vst v2;
	v2 =	vld [tilespmem:s23+$0xFFFFFE70]  }
0x8bb: {  	[tilespmem:s12+$0x70] =	vst v1;
	v1 =	vld [tilespmem:s23+$0xFFFFFF70]  }
0x8bc: {  	[tilespmem:s22+$0xFFFFFFF0] =	vst v62;
	v3 =	vld [tilespmem:s23+$0x70]  }
0x8bd: {  	[tilespmem:s22+$0x70] =	vst v63  }
0x8be: {  	[tilespmem:s28+$0xF0] =	vst v4  }
0x8bf: {  	[tilespmem:s28+$0xFFFFFF70] =	vst v2  }
0x8c0: {  	[tilespmem:s28+$0xFFFFFFF0] =	vst v1  }
0x8c1: {  	s17 =	simm.s32 $0xCF0;
	s12 =	simm.s32 $0x0;
	[tilespmem:s28+$0x70] =	vst v3  }
.LBB2_16:
0x8c2: {  	v1 =	vld [tilespmem:s17+$0xFFFFFF90];
	_ =	sdelay $0x5  }
0x8c3: {  	s18 =	sshra.s32 s12, $0x2  }
0x8c4: {  	v2 =	vld [tilespmem:s18+$0x2600]  }
0x8c5: {  	v1 =	vld.idx.msk [tilespmem:v1+s31+$0x0], $0xffff;
	_ =	sdelay $0x4  }
0x8c6: {  	v1 =	vmul.f32 v2, v1;
	_ =	sdelay $0x1  }
0x8c7: {  	[tilespmem:s18+$0x3600] =	vst v1  }
0x8c8: {  	v1 =	vld [tilespmem:s17+$0xFFFFFF10];
	_ =	sdelay $0x4  }
0x8c9: {  	[tilespmem:s18+$0x4600] =	vst v1  }
0x8ca: {  	v1 =	vld [tilespmem:s17+$0xFFFFFFA0];
	_ =	sdelay $0x6  }
0x8cb: {  	v2 =	vld [tilespmem:s18+$0x2610]  }
0x8cc: {  	v1 =	vld.idx.msk [tilespmem:v1+s31+$0x0], $0xffff;
	_ =	sdelay $0x4  }
0x8cd: {  	v1 =	vmul.f32 v2, v1;
	_ =	sdelay $0x1  }
0x8ce: {  	[tilespmem:s18+$0x3610] =	vst v1  }
0x8cf: {  	v1 =	vld [tilespmem:s17+$0xFFFFFF20];
	_ =	sdelay $0x4  }
0x8d0: {  	[tilespmem:s18+$0x4610] =	vst v1  }
0x8d1: {  	v1 =	vld [tilespmem:s17+$0xFFFFFFB0];
	_ =	sdelay $0x6  }
0x8d2: {  	v2 =	vld [tilespmem:s18+$0x2620]  }
0x8d3: {  	v1 =	vld.idx.msk [tilespmem:v1+s31+$0x0], $0xffff;
	_ =	sdelay $0x4  }
0x8d4: {  	v1 =	vmul.f32 v2, v1;
	_ =	sdelay $0x1  }
0x8d5: {  	[tilespmem:s18+$0x3620] =	vst v1  }
0x8d6: {  	v1 =	vld [tilespmem:s17+$0xFFFFFF30];
	_ =	sdelay $0x4  }
0x8d7: {  	[tilespmem:s18+$0x4620] =	vst v1  }
0x8d8: {  	v1 =	vld [tilespmem:s17+$0xFFFFFFC0];
	_ =	sdelay $0x6  }
0x8d9: {  	v2 =	vld [tilespmem:s18+$0x2630]  }
0x8da: {  	v1 =	vld.idx.msk [tilespmem:v1+s31+$0x0], $0xffff;
	_ =	sdelay $0x4  }
0x8db: {  	v1 =	vmul.f32 v2, v1;
	_ =	sdelay $0x1  }
0x8dc: {  	[tilespmem:s18+$0x3630] =	vst v1  }
0x8dd: {  	v1 =	vld [tilespmem:s17+$0xFFFFFF40];
	_ =	sdelay $0x4  }
0x8de: {  	[tilespmem:s18+$0x4630] =	vst v1  }
0x8df: {  	v1 =	vld [tilespmem:s17+$0xFFFFFFD0];
	_ =	sdelay $0x6  }
0x8e0: {  	v2 =	vld [tilespmem:s18+$0x2640]  }
0x8e1: {  	v1 =	vld.idx.msk [tilespmem:v1+s31+$0x0], $0xffff;
	_ =	sdelay $0x4  }
0x8e2: {  	v1 =	vmul.f32 v2, v1;
	_ =	sdelay $0x1  }
0x8e3: {  	[tilespmem:s18+$0x3640] =	vst v1  }
0x8e4: {  	v1 =	vld [tilespmem:s17+$0xFFFFFF50];
	_ =	sdelay $0x4  }
0x8e5: {  	[tilespmem:s18+$0x4640] =	vst v1  }
0x8e6: {  	v1 =	vld [tilespmem:s17+$0xFFFFFFE0];
	_ =	sdelay $0x6  }
0x8e7: {  	v2 =	vld [tilespmem:s18+$0x2650]  }
0x8e8: {  	v1 =	vld.idx.msk [tilespmem:v1+s31+$0x0], $0xffff;
	_ =	sdelay $0x4  }
0x8e9: {  	v1 =	vmul.f32 v2, v1;
	_ =	sdelay $0x1  }
0x8ea: {  	[tilespmem:s18+$0x3650] =	vst v1  }
0x8eb: {  	v1 =	vld [tilespmem:s17+$0xFFFFFF60];
	_ =	sdelay $0x4  }
0x8ec: {  	[tilespmem:s18+$0x4650] =	vst v1  }
0x8ed: {  	v1 =	vld [tilespmem:s17+$0xFFFFFFF0];
	_ =	sdelay $0x6  }
0x8ee: {  	v2 =	vld [tilespmem:s18+$0x2660]  }
0x8ef: {  	v1 =	vld.idx.msk [tilespmem:v1+s31+$0x0], $0xffff;
	_ =	sdelay $0x4  }
0x8f0: {  	v1 =	vmul.f32 v2, v1;
	_ =	sdelay $0x1  }
0x8f1: {  	[tilespmem:s18+$0x3660] =	vst v1  }
0x8f2: {  	v1 =	vld [tilespmem:s17+$0xFFFFFF70];
	_ =	sdelay $0x4  }
0x8f3: {  	[tilespmem:s18+$0x4660] =	vst v1  }
0x8f4: {  	v1 =	vld [tilespmem:s17+$0x0];
	_ =	sdelay $0x6  }
0x8f5: {  	v2 =	vld [tilespmem:s18+$0x2670]  }
0x8f6: {  	v1 =	vld.idx.msk [tilespmem:v1+s31+$0x0], $0xffff;
	_ =	sdelay $0x4  }
0x8f7: {  	v1 =	vmul.f32 v2, v1;
	_ =	sdelay $0x1  }
0x8f8: {  	[tilespmem:s18+$0x3670] =	vst v1  }
0x8f9: {  	p1 =	sne.s32 s12, $0x200;
	v1 =	vld [tilespmem:s17+$0xFFFFFF80]  }
.Ltmp7:
0x8fa: {  	_ = 	snop;
	(pc) =	sbr.rel @p1 .LBB2_16-.Ltmp7, $2  }
0x8fb: {  	_ =	sdelay $0x2  }
0x8fc: {  	s12 =	sadd.s32 $0x200, s12;
	s17 =	sadd.s32 $0x100, s17;
	[tilespmem:s18+$0x4670] =	vst v1  }
0x8fd: {  	[tilespmem:$0x3700] =	vst v0  }
0x8fe: {  	[tilespmem:$0x3710] =	vst v0  }
0x8ff: {  	[tilespmem:$0x3720] =	vst v0  }
0x900: {  	[tilespmem:$0x3730] =	vst v0  }
0x901: {  	[tilespmem:$0x3740] =	vst v0  }
0x902: {  	[tilespmem:$0x3750] =	vst v0  }
0x903: {  	[tilespmem:$0x3760] =	vst v0  }
0x904: {  	[tilespmem:$0x3770] =	vst v0  }
0x905: {  	[tilespmem:$0x3780] =	vst v0  }
0x906: {  	[tilespmem:$0x3790] =	vst v0  }
0x907: {  	[tilespmem:$0x37A0] =	vst v0  }
0x908: {  	[tilespmem:$0x37B0] =	vst v0  }
0x909: {  	[tilespmem:$0x37C0] =	vst v0  }
0x90a: {  	[tilespmem:$0x37D0] =	vst v0  }
0x90b: {  	[tilespmem:$0x37E0] =	vst v0  }
0x90c: {  	v1 =	vimm.f32 @!p0 $0.0e+00;
	[tilespmem:$0x37F0] =	vst v0  }
0x90d: {  	[tilespmem:$0x3680] =	vst @!p0 v1  }
0x90e: {  	[tilespmem:$0x3690] =	vst @!p0 v1  }
0x90f: {  	[tilespmem:$0x36A0] =	vst @!p0 v1  }
0x910: {  	[tilespmem:$0x36B0] =	vst @!p0 v1  }
0x911: {  	[tilespmem:$0x36C0] =	vst @!p0 v1  }
0x912: {  	[tilespmem:$0x36D0] =	vst @!p0 v1  }
0x913: {  	[tilespmem:$0x36E0] =	vst @!p0 v1  }
0x914: {  	[tilespmem:$0x36F0] =	vst @!p0 v1  }
0x915: {  	[spmem:s5] =	stream.indirect.scatter.add.f32 [tilespmem:s7], [sflag:$0x5], $0x1, s15, s13, $0xb8;
	[tilespmem:$0x1EF70] =	vst v63  }
0x916: {  	_ =	swait.ge [sflag:s8], $0x800  }
0x917: {  	[sflag:s8] =	ssyncset.done $0x0  }
0x918: {  	[sflag:s8] =	ssyncadd.s32 $0xFFFFF800  }
0x919: {  	[bflag:$0x0] =	sbarrier.arrive $0xFFFF  }
0x91a: {  	s18 =	rddreg [dreg:$0x9]  }
0x91b: {  	[tilespmem:s7], [sflag:$0x5] =	stream.linear.gather [spmem:s18], $0x800, $0x38;
	[tilespmem:$0x1EF70] =	vst v63  }
0x91c: {  	_ =	swait.ge [sflag:s8], $0x800  }
0x91d: {  	[sflag:s8] =	ssyncset.done $0x0  }
0x91e: {  	s12 =	rddreg [dreg:$0x12];
	[sflag:s8] =	ssyncadd.s32 $0xFFFFF800  }
0x91f: {  	[hbm4b:s12+s6] =	stream.linear.scatter [tilespmem:s7], [sflag:$0x5], $0x800, $0x38;
	[tilespmem:$0x1EF70] =	vst v63  }
0x920: {  	_ =	swait.ge [sflag:s8], $0x800  }
0x921: {  	[sflag:s8] =	ssyncset.done $0x0  }
0x922: {  	s20 =	rddreg [dreg:$0x17];
	[sflag:s8] =	ssyncadd.s32 $0xFFFFF800  }
0x923: {  	[tilespmem:s7], [sflag:$0x5] =	stream.linear.gather [spmem:s20], $0x800, $0x38;
	[tilespmem:$0x1EF70] =	vst v63  }
0x924: {  	_ =	swait.ge [sflag:s8], $0x800  }
0x925: {  	[sflag:s8] =	ssyncset.done $0x0  }
0x926: {  	s26 =	rddreg [dreg:$0x13];
	[sflag:s8] =	ssyncadd.s32 $0xFFFFF800  }
0x927: {  	[hbm4b:s26+s6] =	stream.linear.scatter [tilespmem:s7], [sflag:$0x5], $0x800, $0x38;
	[tilespmem:$0x1EF70] =	vst v63  }
0x928: {  	_ =	swait.ge [sflag:s8], $0x800  }
0x929: {  	[sflag:s8] =	ssyncset.done $0x0  }
0x92a: {  	s21 =	rddreg [dreg:$0x18];
	[sflag:s8] =	ssyncadd.s32 $0xFFFFF800  }
0x92b: {  	[tilespmem:s7], [sflag:$0x5] =	stream.linear.gather [spmem:s21], $0x800, $0x38;
	[tilespmem:$0x1EF70] =	vst v63  }
0x92c: {  	_ =	swait.ge [sflag:s8], $0x800  }
0x92d: {  	[sflag:s8] =	ssyncset.done $0x0  }
0x92e: {  	s28 =	rddreg [dreg:$0x14];
	[sflag:s8] =	ssyncadd.s32 $0xFFFFF800  }
0x92f: {  	[hbm4b:s28+s6] =	stream.linear.scatter [tilespmem:s7], [sflag:$0x5], $0x800, $0x38;
	[tilespmem:$0x1EF70] =	vst v63  }
0x930: {  	_ =	swait.ge [sflag:s8], $0x800  }
0x931: {  	[sflag:s8] =	ssyncset.done $0x0  }
0x932: {  	s22 =	rddreg [dreg:$0x19];
	[sflag:s8] =	ssyncadd.s32 $0xFFFFF800  }
0x933: {  	[tilespmem:s7], [sflag:$0x5] =	stream.linear.gather [spmem:s22], $0x70, $0x38;
	[tilespmem:$0x1EF70] =	vst v63  }
0x934: {  	_ =	swait.ge [sflag:s8], $0x70  }
0x935: {  	[sflag:s8] =	ssyncset.done $0x0  }
0x936: {  	s29 =	rddreg [dreg:$0x15];
	[sflag:s8] =	ssyncadd.s32 $0xFFFFFF90  }
0x937: {  	[hbm4b:s29+s6] =	stream.linear.scatter [tilespmem:s7], [sflag:$0x5], $0x70, $0x38;
	[tilespmem:$0x1EF70] =	vst v63  }
0x938: {  	_ =	swait.ge [sflag:s8], $0x70  }
0x939: {  	s17 =	rddreg [dreg:$0x1a]  }
0x93a: {  	s30 =	rddreg [dreg:$0x16];
	s17 =	sadd.s32 $0x1, s17  }
0x93b: {  	p1 =	sne.s32 s17, s30  }
.Ltmp8:
0x93c: {  	_ = 	snop;
	(pc) =	sbr.rel @p1 .LBB2_1-.Ltmp8, $3  }
0x93d: {  	_ =	sdelay $0x1  }
0x93e: {  	[sflag:s8] =	ssyncset.done $0x0  }
0x93f: {  	[sflag:s8] =	ssyncadd.s32 $0xFFFFFF90  }
0x940: {  	_ =	sfence.sel $0x180000  }
0x941: {  	[bflag:$0x0] =	sbarrier.arrive $0xFFFF  }
0x942: {  	_ =	strace $0x90000047  }
0x943: {  	s0 =	stileid.u32;
	[bflag:$0x2] =	sbarrier.arrive $0xFFFF  }
0x944: {  	p0 =	sne.s32 s0, $0x0;
	s0 =	rddreg [dreg:$0x4]  }
0x945: {  	s0 =	sadd.s32 @!p0 $0x100000, s0  }
0x946: {  	[sflag:s0] =	ssyncadd.tile.s32 @!p0 $0x1;
	_ =	shalt  }
.Lfunc_end2:
_tile_overlayer_lowered:
.L_overlay_start_2:
0x947: {  	(tag) =	ssettag $0x2  }
0x948: {  	s0 =	rddreg [dreg:$0x0];
	s2 =	stileid.u32  }
0x949: {  	s1 =	rddreg [dreg:$0x1];
	p0 =	sne.s32 s2, $0x0  }
0x94a: {  	s3 =	rddreg [dreg:$0x2];
	[bflag:$0x3] =	sbarrier.arrive $0xFFFF;
	s2 =	simm.s32 @!p0 $0x1C05  }
0x94b: {  	[timem:s3], [sflag:s2] =	dma.local @!p0 [hbm:s0], s1  }
0x94c: {  	s0 =	simm.s32 @!p0 $0x5  }
0x94d: {  	_ =	swait.ge @!p0 [sflag:s0], s1  }
0x94e: {  	s1 =	ssub.s32 @!p0 $0x0, s1;
	[sflag:s0] =	ssyncset.done @!p0 $0x0  }
0x94f: {  	[sflag:s0] =	ssyncadd.s32 @!p0 s1  }
0x950: {  	[bflag:$0x3] =	sbarrier.arrive $0xFFFF  }
0x951: {  	_ =	shalt  }

</sc_bundles>
